<compile_context>
chip_gen: v7x
topology: tpu7x:2x2x1
jax: 0.10.2.dev20260603
libtpu: 0.0.44.dev20260713+nightly
codegen_flags: <defaults>
</compile_context>

<pallas_src>
import functools

import jax
import jax.numpy as jnp
from jax import lax
from jax.experimental import pallas as pl
from jax.experimental.pallas import tpu as pltpu
from jax.experimental.pallas import tpu_sc as plsc

_BATCH = 16384
_L = 16

_LOG1P_COEFS = (
    0.9999998102178485, -0.4999744938483586, 0.3327617657151469,
    -0.24499611724550963, 0.17757023992299661, -0.10785367917171329,
    0.04421419233802388, -0.008574676204766396,
)


def _log1p_poly(u):
    acc = jnp.float32(_LOG1P_COEFS[-1])
    for c in _LOG1P_COEFS[-2::-1]:
        acc = acc * u + jnp.float32(c)
    return u * acc


def _softplus(x):
    return jnp.maximum(x, 0.0) + _log1p_poly(jnp.exp(-jnp.abs(x)))


def _flatten_padded(w, multiple=1024):
    n = w.shape[0]
    n_pad = -n % multiple
    if n_pad:
        w = jnp.pad(w, ((0, n_pad), (0, 0)))
    return w.reshape(-1)


def _make_item_kernel(num_cores, b_per_w):
    mesh = plsc.VectorSubcoreMesh(core_axis_name="c", subcore_axis_name="s")
    out = jax.ShapeDtypeStruct((_BATCH,), jnp.float32)

    @functools.partial(
        pl.kernel,
        mesh=mesh,
        out_type=(out, out, out),
        scratch_types=[
            pltpu.VMEM((b_per_w,), jnp.int32),
            pltpu.VMEM((b_per_w,), jnp.float32),
            pltpu.VMEM((b_per_w,), jnp.float32),
            pltpu.VMEM((b_per_w,), jnp.float32),
            pltpu.VMEM((b_per_w,), jnp.float32),
            pltpu.VMEM((b_per_w,), jnp.float32),
            pltpu.VMEM((b_per_w,), jnp.float32),
            pltpu.SemaphoreType.DMA,
        ],
    )
    def k(item_hbm, a_hbm, b_hbm, c_hbm, p_hbm, q_hbm, cs_hbm,
          i_idx, a_v, b_v, c_v, p_v, q_v, cs_v, sem):
        wid = lax.axis_index("s") * num_cores + lax.axis_index("c")
        base = wid * b_per_w
        sl_out = pl.ds(base, b_per_w)

        pltpu.sync_copy(item_hbm.at[sl_out], i_idx)
        g_a = pltpu.make_async_copy(a_hbm.at[i_idx], a_v, sem)
        g_b = pltpu.make_async_copy(b_hbm.at[i_idx], b_v, sem)
        g_c = pltpu.make_async_copy(c_hbm.at[i_idx], c_v, sem)
        g_a.start()
        g_b.start()
        g_c.start()
        g_a.wait()
        g_b.wait()
        g_c.wait()

        for i in range(b_per_w // _L):
            sl = pl.ds(i * _L, _L)
            p = -1.73 * _softplus(a_v[sl])
            p_v[sl] = p
            q_v[sl] = 1e-08 - p * b_v[sl]
            cs_v[sl] = 1.0 / (1.0 + jnp.exp(-c_v[sl]))

        cp_p = pltpu.make_async_copy(p_v, p_hbm.at[sl_out], sem)
        cp_q = pltpu.make_async_copy(q_v, q_hbm.at[sl_out], sem)
        cp_c = pltpu.make_async_copy(cs_v, cs_hbm.at[sl_out], sem)
        cp_p.start()
        cp_q.start()
        cp_c.start()
        cp_p.wait()
        cp_q.wait()
        cp_c.wait()

    return k


def _make_theta_kernel(num_cores, b_per_w):
    mesh = plsc.VectorSubcoreMesh(core_axis_name="c", subcore_axis_name="s")

    @functools.partial(
        pl.kernel,
        mesh=mesh,
        out_type=jax.ShapeDtypeStruct((_BATCH,), jnp.float32),
        scratch_types=[
            pltpu.VMEM((b_per_w,), jnp.int32),
            pltpu.VMEM((b_per_w,), jnp.float32),
            pltpu.VMEM((b_per_w,), jnp.float32),
            pltpu.VMEM((b_per_w,), jnp.float32),
            pltpu.VMEM((b_per_w,), jnp.float32),
            pltpu.VMEM((b_per_w,), jnp.float32),
            pltpu.SemaphoreType.DMA,
        ],
    )
    def k(user_hbm, theta_hbm, p_hbm, q_hbm, cs_hbm, out_hbm,
          u_idx, th_v, p_v, q_v, cs_v, o_v, sem):
        wid = lax.axis_index("s") * num_cores + lax.axis_index("c")
        base = wid * b_per_w
        sl_out = pl.ds(base, b_per_w)

        cp_u = pltpu.make_async_copy(user_hbm.at[sl_out], u_idx, sem)
        cp_p = pltpu.make_async_copy(p_hbm.at[sl_out], p_v, sem)
        cp_q = pltpu.make_async_copy(q_hbm.at[sl_out], q_v, sem)
        cp_c = pltpu.make_async_copy(cs_hbm.at[sl_out], cs_v, sem)
        cp_u.start()
        cp_p.start()
        cp_q.start()
        cp_c.start()
        cp_u.wait()
        g_th = pltpu.make_async_copy(theta_hbm.at[u_idx], th_v, sem)
        g_th.start()
        cp_p.wait()
        cp_q.wait()
        cp_c.wait()
        g_th.wait()

        for i in range(b_per_w // _L):
            sl = pl.ds(i * _L, _L)
            cs = cs_v[sl]
            z = p_v[sl] * th_v[sl] + q_v[sl]
            o_v[sl] = cs + (1.0 - cs) / (1.0 + jnp.exp(z))

        pltpu.sync_copy(o_v, out_hbm.at[sl_out])

    return k


def kernel(user, item, theta_w, a_w, b_w, c_w):
    info = plsc.get_sparse_core_info()
    num_workers = info.num_cores * info.num_subcores
    b_per_w = _BATCH // num_workers
    k_item = _make_item_kernel(info.num_cores, b_per_w)
    k_theta = _make_theta_kernel(info.num_cores, b_per_w)
    p, q, cs = k_item(
        item.astype(jnp.int32),
        _flatten_padded(a_w),
        _flatten_padded(b_w),
        _flatten_padded(c_w),
    )
    return k_theta(
        user.astype(jnp.int32),
        _flatten_padded(theta_w),
        p, q, cs,
    )

# --- scband reference (transcript-rebuilt; emitter-appended) ---
"""Pipeline reference for scband-irtnet-8272107012863 (READ-ONLY COPY).

The authoritative reference and input builder live on the scoring server;
editing this copy changes nothing except your own understanding.
"""

import jax, jax.numpy as jnp
import numpy as np

USER_NUM = 1000000
ITEM_NUM = 100000
BATCH = 16384

def _xavier(key, shape):
    fan_in, fan_out = shape[0], shape[1]
    limit = float(np.sqrt(6.0 / (fan_in + fan_out)))
    return jax.random.uniform(key, shape, dtype=jnp.float32, minval=-limit, maxval=limit)

def setup_inputs(seed: int = 0) -> dict:
    key = jax.random.key(seed)
    k_user, k_item, k_theta, k_a, k_b, k_c = jax.random.split(key, 6)
    user = jax.random.randint(k_user, (BATCH,), 0, USER_NUM, dtype=jnp.int64 if jax.config.jax_enable_x64 else jnp.int32)
    item = jax.random.randint(k_item, (BATCH,), 0, ITEM_NUM, dtype=jnp.int64 if jax.config.jax_enable_x64 else jnp.int32)
    theta_w = _xavier(k_theta, (USER_NUM, 1))
    a_w = _xavier(k_a, (ITEM_NUM, 1))
    b_w = _xavier(k_b, (ITEM_NUM, 1))
    c_w = _xavier(k_c, (ITEM_NUM, 1))
    return {"user": user, "item": item, "theta_w": theta_w, "a_w": a_w, "b_w": b_w, "c_w": c_w}

def reference(user, item, theta_w, a_w, b_w, c_w):
    theta = jnp.squeeze(jnp.take(theta_w, user, axis=0), axis=-1)
    a = jnp.squeeze(jnp.take(a_w, item, axis=0), axis=-1)
    b = jnp.squeeze(jnp.take(b_w, item, axis=0), axis=-1)
    c = jnp.squeeze(jnp.take(c_w, item, axis=0), axis=-1)
    c = jax.nn.sigmoid(c)
    a = jax.nn.softplus(a)
    return c + (1.0 - c) / (1.0 + jnp.exp(-1.73 * a * (theta - b) + 1e-08))

if __name__ == "__main__":
    import jax
    _d = setup_inputs()
    print(jax.jit(kernel)(*tuple(_d.values())))

</pallas_src>

<mosaic_0001>
#map = affine_map<(d0, d1) -> (0)>
module attributes {stable_mosaic.version = 14 : i64} {
  func.func @k(%arg0: i32, %arg1: i32, %arg2: memref<16384xi32, #tpu.memory_space<hbm>>, %arg3: memref<1000448xf32, #tpu.memory_space<hbm>>, %arg4: memref<16384xf32, #tpu.memory_space<hbm>>, %arg5: memref<16384xf32, #tpu.memory_space<hbm>>, %arg6: memref<16384xf32, #tpu.memory_space<hbm>>, %arg7: memref<16384xf32, #tpu.memory_space<hbm>>, %arg8: memref<512xi32, #tpu.memory_space<vmem>>, %arg9: memref<512xf32, #tpu.memory_space<vmem>>, %arg10: memref<512xf32, #tpu.memory_space<vmem>>, %arg11: memref<512xf32, #tpu.memory_space<vmem>>, %arg12: memref<512xf32, #tpu.memory_space<vmem>>, %arg13: memref<512xf32, #tpu.memory_space<vmem>>, %arg14: memref<!tpu.dma_semaphore, #tpu.memory_space<semaphore_mem>>) attributes {dimension_semantics = [#tpu.dimension_semantics<core_parallel>, #tpu.dimension_semantics<subcore_parallel>], iteration_bounds = array<i64: 2, 16>, scalar_prefetch = 0 : i64, scratch_operands = 7 : i64, tpu.core_type = #tpu.core_type<sc_vector_subcore>, window_params = [{transform_indices = #map}, {transform_indices = #map}, {transform_indices = #map}, {transform_indices = #map}, {transform_indices = #map}, {transform_indices = #map}]} {
    %mul3A = arith.constant 2 : i32
    %mul3A_0 = arith.muli %arg1, %mul3A : i32
    %add3A = arith.addi %mul3A_0, %arg0 : i32
    %mul3A_1 = arith.constant 512 : i32
    %mul3A_2 = arith.muli %add3A, %mul3A_1 : i32
    %dma_start3A = tpu.memref_slice %arg2[%mul3A_2] : memref<16384xi32, #tpu.memory_space<hbm>> -> memref<512xi32, #tpu.memory_space<hbm>>
    %dma_start3A_3 = tpu.memref_slice %arg2[%mul3A_2] : memref<16384xi32, #tpu.memory_space<hbm>> -> memref<512xi32, #tpu.memory_space<hbm>>
    tpu.enqueue_dma source(%dma_start3A_3 : memref<512xi32, #tpu.memory_space<hbm>>) target(%arg8 : memref<512xi32, #tpu.memory_space<vmem>>) target_semaphore(%arg14 : memref<!tpu.dma_semaphore, #tpu.memory_space<semaphore_mem>>)
    %dma_start3A_4 = tpu.memref_slice %arg4[%mul3A_2] : memref<16384xf32, #tpu.memory_space<hbm>> -> memref<512xf32, #tpu.memory_space<hbm>>
    %dma_start3A_5 = tpu.memref_slice %arg4[%mul3A_2] : memref<16384xf32, #tpu.memory_space<hbm>> -> memref<512xf32, #tpu.memory_space<hbm>>
    tpu.enqueue_dma source(%dma_start3A_5 : memref<512xf32, #tpu.memory_space<hbm>>) target(%arg10 : memref<512xf32, #tpu.memory_space<vmem>>) target_semaphore(%arg14 : memref<!tpu.dma_semaphore, #tpu.memory_space<semaphore_mem>>)
    %dma_start3A_6 = tpu.memref_slice %arg5[%mul3A_2] : memref<16384xf32, #tpu.memory_space<hbm>> -> memref<512xf32, #tpu.memory_space<hbm>>
    %dma_start3A_7 = tpu.memref_slice %arg5[%mul3A_2] : memref<16384xf32, #tpu.memory_space<hbm>> -> memref<512xf32, #tpu.memory_space<hbm>>
    tpu.enqueue_dma source(%dma_start3A_7 : memref<512xf32, #tpu.memory_space<hbm>>) target(%arg11 : memref<512xf32, #tpu.memory_space<vmem>>) target_semaphore(%arg14 : memref<!tpu.dma_semaphore, #tpu.memory_space<semaphore_mem>>)
    %dma_start3A_8 = tpu.memref_slice %arg6[%mul3A_2] : memref<16384xf32, #tpu.memory_space<hbm>> -> memref<512xf32, #tpu.memory_space<hbm>>
    %dma_start3A_9 = tpu.memref_slice %arg6[%mul3A_2] : memref<16384xf32, #tpu.memory_space<hbm>> -> memref<512xf32, #tpu.memory_space<hbm>>
    tpu.enqueue_dma source(%dma_start3A_9 : memref<512xf32, #tpu.memory_space<hbm>>) target(%arg12 : memref<512xf32, #tpu.memory_space<vmem>>) target_semaphore(%arg14 : memref<!tpu.dma_semaphore, #tpu.memory_space<semaphore_mem>>)
    %dma_wait3A = tpu.memref_slice %arg2[%mul3A_2] : memref<16384xi32, #tpu.memory_space<hbm>> -> memref<512xi32, #tpu.memory_space<hbm>>
    %dma_wait3A_10 = tpu.memref_slice %arg2[%mul3A_2] : memref<16384xi32, #tpu.memory_space<hbm>> -> memref<512xi32, #tpu.memory_space<hbm>>
    tpu.wait_dma2 semaphore(%arg14 : memref<!tpu.dma_semaphore, #tpu.memory_space<semaphore_mem>>) src(%dma_wait3A_10 : memref<512xi32, #tpu.memory_space<hbm>>) dst(%arg8 : memref<512xi32, #tpu.memory_space<vmem>>)
    %dma_start3A_11 = arith.constant 0 : i32
    %dma_start3A_12 = tpu.memref_slice %arg3[%dma_start3A_11] : memref<1000448xf32, #tpu.memory_space<hbm>> -> memref<1000448xf32, #tpu.memory_space<hbm>>
    tpu.enqueue_indirect_dma source(%dma_start3A_12 : memref<1000448xf32, #tpu.memory_space<hbm>>) target(%arg9 : memref<512xf32, #tpu.memory_space<vmem>>) offsets(%arg8 : memref<512xi32, #tpu.memory_space<vmem>>) semaphore(%arg14 : memref<!tpu.dma_semaphore, #tpu.memory_space<semaphore_mem>>)
    %dma_wait3A_13 = tpu.memref_slice %arg4[%mul3A_2] : memref<16384xf32, #tpu.memory_space<hbm>> -> memref<512xf32, #tpu.memory_space<hbm>>
    %dma_wait3A_14 = tpu.memref_slice %arg4[%mul3A_2] : memref<16384xf32, #tpu.memory_space<hbm>> -> memref<512xf32, #tpu.memory_space<hbm>>
    tpu.wait_dma2 semaphore(%arg14 : memref<!tpu.dma_semaphore, #tpu.memory_space<semaphore_mem>>) src(%dma_wait3A_14 : memref<512xf32, #tpu.memory_space<hbm>>) dst(%arg10 : memref<512xf32, #tpu.memory_space<vmem>>)
    %dma_wait3A_15 = tpu.memref_slice %arg5[%mul3A_2] : memref<16384xf32, #tpu.memory_space<hbm>> -> memref<512xf32, #tpu.memory_space<hbm>>
    %dma_wait3A_16 = tpu.memref_slice %arg5[%mul3A_2] : memref<16384xf32, #tpu.memory_space<hbm>> -> memref<512xf32, #tpu.memory_space<hbm>>
    tpu.wait_dma2 semaphore(%arg14 : memref<!tpu.dma_semaphore, #tpu.memory_space<semaphore_mem>>) src(%dma_wait3A_16 : memref<512xf32, #tpu.memory_space<hbm>>) dst(%arg11 : memref<512xf32, #tpu.memory_space<vmem>>)
    %dma_wait3A_17 = tpu.memref_slice %arg6[%mul3A_2] : memref<16384xf32, #tpu.memory_space<hbm>> -> memref<512xf32, #tpu.memory_space<hbm>>
    %dma_wait3A_18 = tpu.memref_slice %arg6[%mul3A_2] : memref<16384xf32, #tpu.memory_space<hbm>> -> memref<512xf32, #tpu.memory_space<hbm>>
    tpu.wait_dma2 semaphore(%arg14 : memref<!tpu.dma_semaphore, #tpu.memory_space<semaphore_mem>>) src(%dma_wait3A_18 : memref<512xf32, #tpu.memory_space<hbm>>) dst(%arg12 : memref<512xf32, #tpu.memory_space<vmem>>)
    %dma_wait3A_19 = arith.constant 0 : i32
    %dma_wait3A_20 = tpu.memref_slice %arg3[%dma_wait3A_19] : memref<1000448xf32, #tpu.memory_space<hbm>> -> memref<1000448xf32, #tpu.memory_space<hbm>>
    tpu.wait_indirect_dma semaphore(%arg14 : memref<!tpu.dma_semaphore, #tpu.memory_space<semaphore_mem>>) src(%dma_wait3A_20 : memref<1000448xf32, #tpu.memory_space<hbm>>) dst(%arg9 : memref<512xf32, #tpu.memory_space<vmem>>)
    %get3A = arith.constant 0 : index
    %get3A_21 = tpu.vector_load %arg12[%get3A] {strides = array<i32>} : memref<512xf32, #tpu.memory_space<vmem>>, vector<16xf32>,
    %get3A_22 = vector.shape_cast %get3A_21 : vector<16xf32> to vector<16xf32>
    %get3A_23 = arith.constant 0 : index
    %get3A_24 = tpu.vector_load %arg10[%get3A_23] {strides = array<i32>} : memref<512xf32, #tpu.memory_space<vmem>>, vector<16xf32>,
    %get3A_25 = vector.shape_cast %get3A_24 : vector<16xf32> to vector<16xf32>
    %get3A_26 = arith.constant 0 : index
    %get3A_27 = tpu.vector_load %arg9[%get3A_26] {strides = array<i32>} : memref<512xf32, #tpu.memory_space<vmem>>, vector<16xf32>,
    %get3A_28 = vector.shape_cast %get3A_27 : vector<16xf32> to vector<16xf32>
    %mul3A_29 = arith.mulf %get3A_25, %get3A_28 : vector<16xf32>
    %get3A_30 = arith.constant 0 : index
    %get3A_31 = tpu.vector_load %arg11[%get3A_30] {strides = array<i32>} : memref<512xf32, #tpu.memory_space<vmem>>, vector<16xf32>,
    %get3A_32 = vector.shape_cast %get3A_31 : vector<16xf32> to vector<16xf32>
    %add3A_33 = arith.addf %mul3A_29, %get3A_32 : vector<16xf32>
    %sub3A = arith.constant 1.000000e+00 : f32
    %sub3A_34 = vector.broadcast %sub3A : f32 to vector<16xf32>
    %sub3A_35 = arith.subf %sub3A_34, %get3A_22 : vector<16xf32>
    %exp3A = math.exp %add3A_33 : vector<16xf32>
    %add3A_36 = arith.constant 1.000000e+00 : f32
    %add3A_37 = vector.broadcast %add3A_36 : f32 to vector<16xf32>
    %add3A_38 = arith.addf %add3A_37, %exp3A : vector<16xf32>
    %div3A = arith.divf %sub3A_35, %add3A_38 : vector<16xf32>
    %add3A_39 = arith.addf %get3A_22, %div3A : vector<16xf32>
    %swap3A = arith.constant 0 : index
    %swap3A_40 = tpu.vector_load %arg13[%swap3A] {strides = array<i32>} : memref<512xf32, #tpu.memory_space<vmem>>, vector<16xf32>,
    %swap3A_41 = vector.shape_cast %swap3A_40 : vector<16xf32> to vector<16xf32>
    %swap3A_42 = vector.shape_cast %add3A_39 : vector<16xf32> to vector<16xf32>
    tpu.vector_store %arg13[%swap3A], %swap3A_42 {strides = array<i32>} : memref<512xf32, #tpu.memory_space<vmem>>, vector<16xf32>,
    %get3A_43 = arith.constant 16 : index
    %get3A_44 = tpu.vector_load %arg12[%get3A_43] {strides = array<i32>} : memref<512xf32, #tpu.memory_space<vmem>>, vector<16xf32>,
    %get3A_45 = vector.shape_cast %get3A_44 : vector<16xf32> to vector<16xf32>
    %get3A_46 = arith.constant 16 : index
    %get3A_47 = tpu.vector_load %arg10[%get3A_46] {strides = array<i32>} : memref<512xf32, #tpu.memory_space<vmem>>, vector<16xf32>,
    %get3A_48 = vector.shape_cast %get3A_47 : vector<16xf32> to vector<16xf32>
    %get3A_49 = arith.constant 16 : index
    %get3A_50 = tpu.vector_load %arg9[%get3A_49] {strides = array<i32>} : memref<512xf32, #tpu.memory_space<vmem>>, vector<16xf32>,
    %get3A_51 = vector.shape_cast %get3A_50 : vector<16xf32> to vector<16xf32>
    %mul3A_52 = arith.mulf %get3A_48, %get3A_51 : vector<16xf32>
    %get3A_53 = arith.constant 16 : index
    %get3A_54 = tpu.vector_load %arg11[%get3A_53] {strides = array<i32>} : memref<512xf32, #tpu.memory_space<vmem>>, vector<16xf32>,
    %get3A_55 = vector.shape_cast %get3A_54 : vector<16xf32> to vector<16xf32>
    %add3A_56 = arith.addf %mul3A_52, %get3A_55 : vector<16xf32>
    %sub3A_57 = arith.constant 1.000000e+00 : f32
    %sub3A_58 = vector.broadcast %sub3A_57 : f32 to vector<16xf32>
    %sub3A_59 = arith.subf %sub3A_58, %get3A_45 : vector<16xf32>
    %exp3A_60 = math.exp %add3A_56 : vector<16xf32>
    %add3A_61 = arith.constant 1.000000e+00 : f32
    %add3A_62 = vector.broadcast %add3A_61 : f32 to vector<16xf32>
    %add3A_63 = arith.addf %add3A_62, %exp3A_60 : vector<16xf32>
    %div3A_64 = arith.divf %sub3A_59, %add3A_63 : vector<16xf32>
    %add3A_65 = arith.addf %get3A_45, %div3A_64 : vector<16xf32>
    %swap3A_66 = arith.constant 16 : index
    %swap3A_67 = tpu.vector_load %arg13[%swap3A_66] {strides = array<i32>} : memref<512xf32, #tpu.memory_space<vmem>>, vector<16xf32>,
    %swap3A_68 = vector.shape_cast %swap3A_67 : vector<16xf32> to vector<16xf32>
    %swap3A_69 = vector.shape_cast %add3A_65 : vector<16xf32> to vector<16xf32>
    tpu.vector_store %arg13[%swap3A_66], %swap3A_69 {strides = array<i32>} : memref<512xf32, #tpu.memory_space<vmem>>, vector<16xf32>,
    %get3A_70 = arith.constant 32 : index
    %get3A_71 = tpu.vector_load %arg12[%get3A_70] {strides = array<i32>} : memref<512xf32, #tpu.memory_space<vmem>>, vector<16xf32>,
    %get3A_72 = vector.shape_cast %get3A_71 : vector<16xf32> to vector<16xf32>
    %get3A_73 = arith.constant 32 : index
    %get3A_74 = tpu.vector_load %arg10[%get3A_73] {strides = array<i32>} : memref<512xf32, #tpu.memory_space<vmem>>, vector<16xf32>,
    %get3A_75 = vector.shape_cast %get3A_74 : vector<16xf32> to vector<16xf32>
    %get3A_76 = arith.constant 32 : index
    %get3A_77 = tpu.vector_load %arg9[%get3A_76] {strides = array<i32>} : memref<512xf32, #tpu.memory_space<vmem>>, vector<16xf32>,
    %get3A_78 = vector.shape_cast %get3A_77 : vector<16xf32> to vector<16xf32>
    %mul3A_79 = arith.mulf %get3A_75, %get3A_78 : vector<16xf32>
    %get3A_80 = arith.constant 32 : index
    %get3A_81 = tpu.vector_load %arg11[%get3A_80] {strides = array<i32>} : memref<512xf32, #tpu.memory_space<vmem>>, vector<16xf32>,
    %get3A_82 = vector.shape_cast %get3A_81 : vector<16xf32> to vector<16xf32>
    %add3A_83 = arith.addf %mul3A_79, %get3A_82 : vector<16xf32>
    %sub3A_84 = arith.constant 1.000000e+00 : f32
    %sub3A_85 = vector.broadcast %sub3A_84 : f32 to vector<16xf32>
    %sub3A_86 = arith.subf %sub3A_85, %get3A_72 : vector<16xf32>
    %exp3A_87 = math.exp %add3A_83 : vector<16xf32>
    %add3A_88 = arith.constant 1.000000e+00 : f32
    %add3A_89 = vector.broadcast %add3A_88 : f32 to vector<16xf32>
    %add3A_90 = arith.addf %add3A_89, %exp3A_87 : vector<16xf32>
    %div3A_91 = arith.divf %sub3A_86, %add3A_90 : vector<16xf32>
    %add3A_92 = arith.addf %get3A_72, %div3A_91 : vector<16xf32>
    %swap3A_93 = arith.constant 32 : index
    %swap3A_94 = tpu.vector_load %arg13[%swap3A_93] {strides = array<i32>} : memref<512xf32, #tpu.memory_space<vmem>>, vector<16xf32>,
    %swap3A_95 = vector.shape_cast %swap3A_94 : vector<16xf32> to vector<16xf32>
    %swap3A_96 = vector.shape_cast %add3A_92 : vector<16xf32> to vector<16xf32>
    tpu.vector_store %arg13[%swap3A_93], %swap3A_96 {strides = array<i32>} : memref<512xf32, #tpu.memory_space<vmem>>, vector<16xf32>,
    %get3A_97 = arith.constant 48 : index
    %get3A_98 = tpu.vector_load %arg12[%get3A_97] {strides = array<i32>} : memref<512xf32, #tpu.memory_space<vmem>>, vector<16xf32>,
    %get3A_99 = vector.shape_cast %get3A_98 : vector<16xf32> to vector<16xf32>
    %get3A_100 = arith.constant 48 : index
    %get3A_101 = tpu.vector_load %arg10[%get3A_100] {strides = array<i32>} : memref<512xf32, #tpu.memory_space<vmem>>, vector<16xf32>,
    %get3A_102 = vector.shape_cast %get3A_101 : vector<16xf32> to vector<16xf32>
    %get3A_103 = arith.constant 48 : index
    %get3A_104 = tpu.vector_load %arg9[%get3A_103] {strides = array<i32>} : memref<512xf32, #tpu.memory_space<vmem>>, vector<16xf32>,
    %get3A_105 = vector.shape_cast %get3A_104 : vector<16xf32> to vector<16xf32>
    %mul3A_106 = arith.mulf %get3A_102, %get3A_105 : vector<16xf32>
    %get3A_107 = arith.constant 48 : index
    %get3A_108 = tpu.vector_load %arg11[%get3A_107] {strides = array<i32>} : memref<512xf32, #tpu.memory_space<vmem>>, vector<16xf32>,
    %get3A_109 = vector.shape_cast %get3A_108 : vector<16xf32> to vector<16xf32>
    %add3A_110 = arith.addf %mul3A_106, %get3A_109 : vector<16xf32>
    %sub3A_111 = arith.constant 1.000000e+00 : f32
    %sub3A_112 = vector.broadcast %sub3A_111 : f32 to vector<16xf32>
    %sub3A_113 = arith.subf %sub3A_112, %get3A_99 : vector<16xf32>
    %exp3A_114 = math.exp %add3A_110 : vector<16xf32>
    %add3A_115 = arith.constant 1.000000e+00 : f32
    %add3A_116 = vector.broadcast %add3A_115 : f32 to vector<16xf32>
    %add3A_117 = arith.addf %add3A_116, %exp3A_114 : vector<16xf32>
    %div3A_118 = arith.divf %sub3A_113, %add3A_117 : vector<16xf32>
    %add3A_119 = arith.addf %get3A_99, %div3A_118 : vector<16xf32>
    %swap3A_120 = arith.constant 48 : index
    %swap3A_121 = tpu.vector_load %arg13[%swap3A_120] {strides = array<i32>} : memref<512xf32, #tpu.memory_space<vmem>>, vector<16xf32>,
    %swap3A_122 = vector.shape_cast %swap3A_121 : vector<16xf32> to vector<16xf32>
    %swap3A_123 = vector.shape_cast %add3A_119 : vector<16xf32> to vector<16xf32>
    tpu.vector_store %arg13[%swap3A_120], %swap3A_123 {strides = array<i32>} : memref<512xf32, #tpu.memory_space<vmem>>, vector<16xf32>,
    %get3A_124 = arith.constant 64 : index
    %get3A_125 = tpu.vector_load %arg12[%get3A_124] {strides = array<i32>} : memref<512xf32, #tpu.memory_space<vmem>>, vector<16xf32>,
    %get3A_126 = vector.shape_cast %get3A_125 : vector<16xf32> to vector<16xf32>
    %get3A_127 = arith.constant 64 : index
    %get3A_128 = tpu.vector_load %arg10[%get3A_127] {strides = array<i32>} : memref<512xf32, #tpu.memory_space<vmem>>, vector<16xf32>,
    %get3A_129 = vector.shape_cast %get3A_128 : vector<16xf32> to vector<16xf32>
    %get3A_130 = arith.constant 64 : index
    %get3A_131 = tpu.vector_load %arg9[%get3A_130] {strides = array<i32>} : memref<512xf32, #tpu.memory_space<vmem>>, vector<16xf32>,
    %get3A_132 = vector.shape_cast %get3A_131 : vector<16xf32> to vector<16xf32>
    %mul3A_133 = arith.mulf %get3A_129, %get3A_132 : vector<16xf32>
    %get3A_134 = arith.constant 64 : index
    %get3A_135 = tpu.vector_load %arg11[%get3A_134] {strides = array<i32>} : memref<512xf32, #tpu.memory_space<vmem>>, vector<16xf32>,
    %get3A_136 = vector.shape_cast %get3A_135 : vector<16xf32> to vector<16xf32>
    %add3A_137 = arith.addf %mul3A_133, %get3A_136 : vector<16xf32>
    %sub3A_138 = arith.constant 1.000000e+00 : f32
    %sub3A_139 = vector.broadcast %sub3A_138 : f32 to vector<16xf32>
    %sub3A_140 = arith.subf %sub3A_139, %get3A_126 : vector<16xf32>
    %exp3A_141 = math.exp %add3A_137 : vector<16xf32>
    %add3A_142 = arith.constant 1.000000e+00 : f32
    %add3A_143 = vector.broadcast %add3A_142 : f32 to vector<16xf32>
    %add3A_144 = arith.addf %add3A_143, %exp3A_141 : vector<16xf32>
    %div3A_145 = arith.divf %sub3A_140, %add3A_144 : vector<16xf32>
    %add3A_146 = arith.addf %get3A_126, %div3A_145 : vector<16xf32>
    %swap3A_147 = arith.constant 64 : index
    %swap3A_148 = tpu.vector_load %arg13[%swap3A_147] {strides = array<i32>} : memref<512xf32, #tpu.memory_space<vmem>>, vector<16xf32>,
    %swap3A_149 = vector.shape_cast %swap3A_148 : vector<16xf32> to vector<16xf32>
    %swap3A_150 = vector.shape_cast %add3A_146 : vector<16xf32> to vector<16xf32>
    tpu.vector_store %arg13[%swap3A_147], %swap3A_150 {strides = array<i32>} : memref<512xf32, #tpu.memory_space<vmem>>, vector<16xf32>,
    %get3A_151 = arith.constant 80 : index
    %get3A_152 = tpu.vector_load %arg12[%get3A_151] {strides = array<i32>} : memref<512xf32, #tpu.memory_space<vmem>>, vector<16xf32>,
    %get3A_153 = vector.shape_cast %get3A_152 : vector<16xf32> to vector<16xf32>
    %get3A_154 = arith.constant 80 : index
    %get3A_155 = tpu.vector_load %arg10[%get3A_154] {strides = array<i32>} : memref<512xf32, #tpu.memory_space<vmem>>, vector<16xf32>,
    %get3A_156 = vector.shape_cast %get3A_155 : vector<16xf32> to vector<16xf32>
    %get3A_157 = arith.constant 80 : index
    %get3A_158 = tpu.vector_load %arg9[%get3A_157] {strides = array<i32>} : memref<512xf32, #tpu.memory_space<vmem>>, vector<16xf32>,
    %get3A_159 = vector.shape_cast %get3A_158 : vector<16xf32> to vector<16xf32>
    %mul3A_160 = arith.mulf %get3A_156, %get3A_159 : vector<16xf32>
    %get3A_161 = arith.constant 80 : index
    %get3A_162 = tpu.vector_load %arg11[%get3A_161] {strides = array<i32>} : memref<512xf32, #tpu.memory_space<vmem>>, vector<16xf32>,
    %get3A_163 = vector.shape_cast %get3A_162 : vector<16xf32> to vector<16xf32>
    %add3A_164 = arith.addf %mul3A_160, %get3A_163 : vector<16xf32>
    %sub3A_165 = arith.constant 1.000000e+00 : f32
    %sub3A_166 = vector.broadcast %sub3A_165 : f32 to vector<16xf32>
    %sub3A_167 = arith.subf %sub3A_166, %get3A_153 : vector<16xf32>
    %exp3A_168 = math.exp %add3A_164 : vector<16xf32>
    %add3A_169 = arith.constant 1.000000e+00 : f32
    %add3A_170 = vector.broadcast %add3A_169 : f32 to vector<16xf32>
    %add3A_171 = arith.addf %add3A_170, %exp3A_168 : vector<16xf32>
    %div3A_172 = arith.divf %sub3A_167, %add3A_171 : vector<16xf32>
    %add3A_173 = arith.addf %get3A_153, %div3A_172 : vector<16xf32>
    %swap3A_174 = arith.constant 80 : index
    %swap3A_175 = tpu.vector_load %arg13[%swap3A_174] {strides = array<i32>} : memref<512xf32, #tpu.memory_space<vmem>>, vector<16xf32>,
    %swap3A_176 = vector.shape_cast %swap3A_175 : vector<16xf32> to vector<16xf32>
    %swap3A_177 = vector.shape_cast %add3A_173 : vector<16xf32> to vector<16xf32>
    tpu.vector_store %arg13[%swap3A_174], %swap3A_177 {strides = array<i32>} : memref<512xf32, #tpu.memory_space<vmem>>, vector<16xf32>,
    %get3A_178 = arith.constant 96 : index
    %get3A_179 = tpu.vector_load %arg12[%get3A_178] {strides = array<i32>} : memref<512xf32, #tpu.memory_space<vmem>>, vector<16xf32>,
    %get3A_180 = vector.shape_cast %get3A_179 : vector<16xf32> to vector<16xf32>
    %get3A_181 = arith.constant 96 : index
    %get3A_182 = tpu.vector_load %arg10[%get3A_181] {strides = array<i32>} : memref<512xf32, #tpu.memory_space<vmem>>, vector<16xf32>,
    %get3A_183 = vector.shape_cast %get3A_182 : vector<16xf32> to vector<16xf32>
    %get3A_184 = arith.constant 96 : index
    %get3A_185 = tpu.vector_load %arg9[%get3A_184] {strides = array<i32>} : memref<512xf32, #tpu.memory_space<vmem>>, vector<16xf32>,
    %get3A_186 = vector.shape_cast %get3A_185 : vector<16xf32> to vector<16xf32>
    %mul3A_187 = arith.mulf %get3A_183, %get3A_186 : vector<16xf32>
    %get3A_188 = arith.constant 96 : index
    %get3A_189 = tpu.vector_load %arg11[%get3A_188] {strides = array<i32>} : memref<512xf32, #tpu.memory_space<vmem>>, vector<16xf32>,
    %get3A_190 = vector.shape_cast %get3A_189 : vector<16xf32> to vector<16xf32>
    %add3A_191 = arith.addf %mul3A_187, %get3A_190 : vector<16xf32>
    %sub3A_192 = arith.constant 1.000000e+00 : f32
    %sub3A_193 = vector.broadcast %sub3A_192 : f32 to vector<16xf32>
    %sub3A_194 = arith.subf %sub3A_193, %get3A_180 : vector<16xf32>
    %exp3A_195 = math.exp %add3A_191 : vector<16xf32>
    %add3A_196 = arith.constant 1.000000e+00 : f32
    %add3A_197 = vector.broadcast %add3A_196 : f32 to vector<16xf32>
    %add3A_198 = arith.addf %add3A_197, %exp3A_195 : vector<16xf32>
    %div3A_199 = arith.divf %sub3A_194, %add3A_198 : vector<16xf32>
    %add3A_200 = arith.addf %get3A_180, %div3A_199 : vector<16xf32>
    %swap3A_201 = arith.constant 96 : index
    %swap3A_202 = tpu.vector_load %arg13[%swap3A_201] {strides = array<i32>} : memref<512xf32, #tpu.memory_space<vmem>>, vector<16xf32>,
    %swap3A_203 = vector.shape_cast %swap3A_202 : vector<16xf32> to vector<16xf32>
    %swap3A_204 = vector.shape_cast %add3A_200 : vector<16xf32> to vector<16xf32>
    tpu.vector_store %arg13[%swap3A_201], %swap3A_204 {strides = array<i32>} : memref<512xf32, #tpu.memory_space<vmem>>, vector<16xf32>,
    %get3A_205 = arith.constant 112 : index
    %get3A_206 = tpu.vector_load %arg12[%get3A_205] {strides = array<i32>} : memref<512xf32, #tpu.memory_space<vmem>>, vector<16xf32>,
    %get3A_207 = vector.shape_cast %get3A_206 : vector<16xf32> to vector<16xf32>
    %get3A_208 = arith.constant 112 : index
    %get3A_209 = tpu.vector_load %arg10[%get3A_208] {strides = array<i32>} : memref<512xf32, #tpu.memory_space<vmem>>, vector<16xf32>,
    %get3A_210 = vector.shape_cast %get3A_209 : vector<16xf32> to vector<16xf32>
    %get3A_211 = arith.constant 112 : index
    %get3A_212 = tpu.vector_load %arg9[%get3A_211] {strides = array<i32>} : memref<512xf32, #tpu.memory_space<vmem>>, vector<16xf32>,
    %get3A_213 = vector.shape_cast %get3A_212 : vector<16xf32> to vector<16xf32>
    %mul3A_214 = arith.mulf %get3A_210, %get3A_213 : vector<16xf32>
    %get3A_215 = arith.constant 112 : index
    %get3A_216 = tpu.vector_load %arg11[%get3A_215] {strides = array<i32>} : memref<512xf32, #tpu.memory_space<vmem>>, vector<16xf32>,
    %get3A_217 = vector.shape_cast %get3A_216 : vector<16xf32> to vector<16xf32>
    %add3A_218 = arith.addf %mul3A_214, %get3A_217 : vector<16xf32>
    %sub3A_219 = arith.constant 1.000000e+00 : f32
    %sub3A_220 = vector.broadcast %sub3A_219 : f32 to vector<16xf32>
    %sub3A_221 = arith.subf %sub3A_220, %get3A_207 : vector<16xf32>
    %exp3A_222 = math.exp %add3A_218 : vector<16xf32>
    %add3A_223 = arith.constant 1.000000e+00 : f32
    %add3A_224 = vector.broadcast %add3A_223 : f32 to vector<16xf32>
    %add3A_225 = arith.addf %add3A_224, %exp3A_222 : vector<16xf32>
    %div3A_226 = arith.divf %sub3A_221, %add3A_225 : vector<16xf32>
    %add3A_227 = arith.addf %get3A_207, %div3A_226 : vector<16xf32>
    %swap3A_228 = arith.constant 112 : index
    %swap3A_229 = tpu.vector_load %arg13[%swap3A_228] {strides = array<i32>} : memref<512xf32, #tpu.memory_space<vmem>>, vector<16xf32>,
    %swap3A_230 = vector.shape_cast %swap3A_229 : vector<16xf32> to vector<16xf32>
    %swap3A_231 = vector.shape_cast %add3A_227 : vector<16xf32> to vector<16xf32>
    tpu.vector_store %arg13[%swap3A_228], %swap3A_231 {strides = array<i32>} : memref<512xf32, #tpu.memory_space<vmem>>, vector<16xf32>,
    %get3A_232 = arith.constant 128 : index
    %get3A_233 = tpu.vector_load %arg12[%get3A_232] {strides = array<i32>} : memref<512xf32, #tpu.memory_space<vmem>>, vector<16xf32>,
    %get3A_234 = vector.shape_cast %get3A_233 : vector<16xf32> to vector<16xf32>
    %get3A_235 = arith.constant 128 : index
    %get3A_236 = tpu.vector_load %arg10[%get3A_235] {strides = array<i32>} : memref<512xf32, #tpu.memory_space<vmem>>, vector<16xf32>,
    %get3A_237 = vector.shape_cast %get3A_236 : vector<16xf32> to vector<16xf32>
    %get3A_238 = arith.constant 128 : index
    %get3A_239 = tpu.vector_load %arg9[%get3A_238] {strides = array<i32>} : memref<512xf32, #tpu.memory_space<vmem>>, vector<16xf32>,
    %get3A_240 = vector.shape_cast %get3A_239 : vector<16xf32> to vector<16xf32>
    %mul3A_241 = arith.mulf %get3A_237, %get3A_240 : vector<16xf32>
    %get3A_242 = arith.constant 128 : index
    %get3A_243 = tpu.vector_load %arg11[%get3A_242] {strides = array<i32>} : memref<512xf32, #tpu.memory_space<vmem>>, vector<16xf32>,
    %get3A_244 = vector.shape_cast %get3A_243 : vector<16xf32> to vector<16xf32>
    %add3A_245 = arith.addf %mul3A_241, %get3A_244 : vector<16xf32>
    %sub3A_246 = arith.constant 1.000000e+00 : f32
    %sub3A_247 = vector.broadcast %sub3A_246 : f32 to vector<16xf32>
    %sub3A_248 = arith.subf %sub3A_247, %get3A_234 : vector<16xf32>
    %exp3A_249 = math.exp %add3A_245 : vector<16xf32>
    %add3A_250 = arith.constant 1.000000e+00 : f32
    %add3A_251 = vector.broadcast %add3A_250 : f32 to vector<16xf32>
    %add3A_252 = arith.addf %add3A_251, %exp3A_249 : vector<16xf32>
    %div3A_253 = arith.divf %sub3A_248, %add3A_252 : vector<16xf32>
    %add3A_254 = arith.addf %get3A_234, %div3A_253 : vector<16xf32>
    %swap3A_255 = arith.constant 128 : index
    %swap3A_256 = tpu.vector_load %arg13[%swap3A_255] {strides = array<i32>} : memref<512xf32, #tpu.memory_space<vmem>>, vector<16xf32>,
    %swap3A_257 = vector.shape_cast %swap3A_256 : vector<16xf32> to vector<16xf32>
    %swap3A_258 = vector.shape_cast %add3A_254 : vector<16xf32> to vector<16xf32>
    tpu.vector_store %arg13[%swap3A_255], %swap3A_258 {strides = array<i32>} : memref<512xf32, #tpu.memory_space<vmem>>, vector<16xf32>,
    %get3A_259 = arith.constant 144 : index
    %get3A_260 = tpu.vector_load %arg12[%get3A_259] {strides = array<i32>} : memref<512xf32, #tpu.memory_space<vmem>>, vector<16xf32>,
    %get3A_261 = vector.shape_cast %get3A_260 : vector<16xf32> to vector<16xf32>
    %get3A_262 = arith.constant 144 : index
    %get3A_263 = tpu.vector_load %arg10[%get3A_262] {strides = array<i32>} : memref<512xf32, #tpu.memory_space<vmem>>, vector<16xf32>,
    %get3A_264 = vector.shape_cast %get3A_263 : vector<16xf32> to vector<16xf32>
    %get3A_265 = arith.constant 144 : index
    %get3A_266 = tpu.vector_load %arg9[%get3A_265] {strides = array<i32>} : memref<512xf32, #tpu.memory_space<vmem>>, vector<16xf32>,
    %get3A_267 = vector.shape_cast %get3A_266 : vector<16xf32> to vector<16xf32>
    %mul3A_268 = arith.mulf %get3A_264, %get3A_267 : vector<16xf32>
    %get3A_269 = arith.constant 144 : index
    %get3A_270 = tpu.vector_load %arg11[%get3A_269] {strides = array<i32>} : memref<512xf32, #tpu.memory_space<vmem>>, vector<16xf32>,
    %get3A_271 = vector.shape_cast %get3A_270 : vector<16xf32> to vector<16xf32>
    %add3A_272 = arith.addf %mul3A_268, %get3A_271 : vector<16xf32>
    %sub3A_273 = arith.constant 1.000000e+00 : f32
    %sub3A_274 = vector.broadcast %sub3A_273 : f32 to vector<16xf32>
    %sub3A_275 = arith.subf %sub3A_274, %get3A_261 : vector<16xf32>
    %exp3A_276 = math.exp %add3A_272 : vector<16xf32>
    %add3A_277 = arith.constant 1.000000e+00 : f32
    %add3A_278 = vector.broadcast %add3A_277 : f32 to vector<16xf32>
    %add3A_279 = arith.addf %add3A_278, %exp3A_276 : vector<16xf32>
    %div3A_280 = arith.divf %sub3A_275, %add3A_279 : vector<16xf32>
    %add3A_281 = arith.addf %get3A_261, %div3A_280 : vector<16xf32>
    %swap3A_282 = arith.constant 144 : index
    %swap3A_283 = tpu.vector_load %arg13[%swap3A_282] {strides = array<i32>} : memref<512xf32, #tpu.memory_space<vmem>>, vector<16xf32>,
    %swap3A_284 = vector.shape_cast %swap3A_283 : vector<16xf32> to vector<16xf32>
    %swap3A_285 = vector.shape_cast %add3A_281 : vector<16xf32> to vector<16xf32>
    tpu.vector_store %arg13[%swap3A_282], %swap3A_285 {strides = array<i32>} : memref<512xf32, #tpu.memory_space<vmem>>, vector<16xf32>,
    %get3A_286 = arith.constant 160 : index
    %get3A_287 = tpu.vector_load %arg12[%get3A_286] {strides = array<i32>} : memref<512xf32, #tpu.memory_space<vmem>>, vector<16xf32>,
    %get3A_288 = vector.shape_cast %get3A_287 : vector<16xf32> to vector<16xf32>
    %get3A_289 = arith.constant 160 : index
    %get3A_290 = tpu.vector_load %arg10[%get3A_289] {strides = array<i32>} : memref<512xf32, #tpu.memory_space<vmem>>, vector<16xf32>,
    %get3A_291 = vector.shape_cast %get3A_290 : vector<16xf32> to vector<16xf32>
    %get3A_292 = arith.constant 160 : index
    %get3A_293 = tpu.vector_load %arg9[%get3A_292] {strides = array<i32>} : memref<512xf32, #tpu.memory_space<vmem>>, vector<16xf32>,
    %get3A_294 = vector.shape_cast %get3A_293 : vector<16xf32> to vector<16xf32>
    %mul3A_295 = arith.mulf %get3A_291, %get3A_294 : vector<16xf32>
    %get3A_296 = arith.constant 160 : index
    %get3A_297 = tpu.vector_load %arg11[%get3A_296] {strides = array<i32>} : memref<512xf32, #tpu.memory_space<vmem>>, vector<16xf32>,
    %get3A_298 = vector.shape_cast %get3A_297 : vector<16xf32> to vector<16xf32>
    %add3A_299 = arith.addf %mul3A_295, %get3A_298 : vector<16xf32>
    %sub3A_300 = arith.constant 1.000000e+00 : f32
    %sub3A_301 = vector.broadcast %sub3A_300 : f32 to vector<16xf32>
    %sub3A_302 = arith.subf %sub3A_301, %get3A_288 : vector<16xf32>
    %exp3A_303 = math.exp %add3A_299 : vector<16xf32>
    %add3A_304 = arith.constant 1.000000e+00 : f32
    %add3A_305 = vector.broadcast %add3A_304 : f32 to vector<16xf32>
    %add3A_306 = arith.addf %add3A_305, %exp3A_303 : vector<16xf32>
    %div3A_307 = arith.divf %sub3A_302, %add3A_306 : vector<16xf32>
    %add3A_308 = arith.addf %get3A_288, %div3A_307 : vector<16xf32>
    %swap3A_309 = arith.constant 160 : index
    %swap3A_310 = tpu.vector_load %arg13[%swap3A_309] {strides = array<i32>} : memref<512xf32, #tpu.memory_space<vmem>>, vector<16xf32>,
    %swap3A_311 = vector.shape_cast %swap3A_310 : vector<16xf32> to vector<16xf32>
    %swap3A_312 = vector.shape_cast %add3A_308 : vector<16xf32> to vector<16xf32>
    tpu.vector_store %arg13[%swap3A_309], %swap3A_312 {strides = array<i32>} : memref<512xf32, #tpu.memory_space<vmem>>, vector<16xf32>,
    %get3A_313 = arith.constant 176 : index
    %get3A_314 = tpu.vector_load %arg12[%get3A_313] {strides = array<i32>} : memref<512xf32, #tpu.memory_space<vmem>>, vector<16xf32>,
    %get3A_315 = vector.shape_cast %get3A_314 : vector<16xf32> to vector<16xf32>
    %get3A_316 = arith.constant 176 : index
    %get3A_317 = tpu.vector_load %arg10[%get3A_316] {strides = array<i32>} : memref<512xf32, #tpu.memory_space<vmem>>, vector<16xf32>,
    %get3A_318 = vector.shape_cast %get3A_317 : vector<16xf32> to vector<16xf32>
    %get3A_319 = arith.constant 176 : index
    %get3A_320 = tpu.vector_load %arg9[%get3A_319] {strides = array<i32>} : memref<512xf32, #tpu.memory_space<vmem>>, vector<16xf32>,
    %get3A_321 = vector.shape_cast %get3A_320 : vector<16xf32> to vector<16xf32>
    %mul3A_322 = arith.mulf %get3A_318, %get3A_321 : vector<16xf32>
    %get3A_323 = arith.constant 176 : index
    %get3A_324 = tpu.vector_load %arg11[%get3A_323] {strides = array<i32>} : memref<512xf32, #tpu.memory_space<vmem>>, vector<16xf32>,
    %get3A_325 = vector.shape_cast %get3A_324 : vector<16xf32> to vector<16xf32>
    %add3A_326 = arith.addf %mul3A_322, %get3A_325 : vector<16xf32>
    %sub3A_327 = arith.constant 1.000000e+00 : f32
    %sub3A_328 = vector.broadcast %sub3A_327 : f32 to vector<16xf32>
    %sub3A_329 = arith.subf %sub3A_328, %get3A_315 : vector<16xf32>
    %exp3A_330 = math.exp %add3A_326 : vector<16xf32>
    %add3A_331 = arith.constant 1.000000e+00 : f32
    %add3A_332 = vector.broadcast %add3A_331 : f32 to vector<16xf32>
    %add3A_333 = arith.addf %add3A_332, %exp3A_330 : vector<16xf32>
    %div3A_334 = arith.divf %sub3A_329, %add3A_333 : vector<16xf32>
    %add3A_335 = arith.addf %get3A_315, %div3A_334 : vector<16xf32>
    %swap3A_336 = arith.constant 176 : index
    %swap3A_337 = tpu.vector_load %arg13[%swap3A_336] {strides = array<i32>} : memref<512xf32, #tpu.memory_space<vmem>>, vector<16xf32>,
    %swap3A_338 = vector.shape_cast %swap3A_337 : vector<16xf32> to vector<16xf32>
    %swap3A_339 = vector.shape_cast %add3A_335 : vector<16xf32> to vector<16xf32>
    tpu.vector_store %arg13[%swap3A_336], %swap3A_339 {strides = array<i32>} : memref<512xf32, #tpu.memory_space<vmem>>, vector<16xf32>,
    %get3A_340 = arith.constant 192 : index
    %get3A_341 = tpu.vector_load %arg12[%get3A_340] {strides = array<i32>} : memref<512xf32, #tpu.memory_space<vmem>>, vector<16xf32>,
    %get3A_342 = vector.shape_cast %get3A_341 : vector<16xf32> to vector<16xf32>
    %get3A_343 = arith.constant 192 : index
    %get3A_344 = tpu.vector_load %arg10[%get3A_343] {strides = array<i32>} : memref<512xf32, #tpu.memory_space<vmem>>, vector<16xf32>,
    %get3A_345 = vector.shape_cast %get3A_344 : vector<16xf32> to vector<16xf32>
    %get3A_346 = arith.constant 192 : index
    %get3A_347 = tpu.vector_load %arg9[%get3A_346] {strides = array<i32>} : memref<512xf32, #tpu.memory_space<vmem>>, vector<16xf32>,
    %get3A_348 = vector.shape_cast %get3A_347 : vector<16xf32> to vector<16xf32>
    %mul3A_349 = arith.mulf %get3A_345, %get3A_348 : vector<16xf32>
    %get3A_350 = arith.constant 192 : index
    %get3A_351 = tpu.vector_load %arg11[%get3A_350] {strides = array<i32>} : memref<512xf32, #tpu.memory_space<vmem>>, vector<16xf32>,
    %get3A_352 = vector.shape_cast %get3A_351 : vector<16xf32> to vector<16xf32>
    %add3A_353 = arith.addf %mul3A_349, %get3A_352 : vector<16xf32>
    %sub3A_354 = arith.constant 1.000000e+00 : f32
    %sub3A_355 = vector.broadcast %sub3A_354 : f32 to vector<16xf32>
    %sub3A_356 = arith.subf %sub3A_355, %get3A_342 : vector<16xf32>
    %exp3A_357 = math.exp %add3A_353 : vector<16xf32>
    %add3A_358 = arith.constant 1.000000e+00 : f32
    %add3A_359 = vector.broadcast %add3A_358 : f32 to vector<16xf32>
    %add3A_360 = arith.addf %add3A_359, %exp3A_357 : vector<16xf32>
    %div3A_361 = arith.divf %sub3A_356, %add3A_360 : vector<16xf32>
    %add3A_362 = arith.addf %get3A_342, %div3A_361 : vector<16xf32>
    %swap3A_363 = arith.constant 192 : index
    %swap3A_364 = tpu.vector_load %arg13[%swap3A_363] {strides = array<i32>} : memref<512xf32, #tpu.memory_space<vmem>>, vector<16xf32>,
    %swap3A_365 = vector.shape_cast %swap3A_364 : vector<16xf32> to vector<16xf32>
    %swap3A_366 = vector.shape_cast %add3A_362 : vector<16xf32> to vector<16xf32>
    tpu.vector_store %arg13[%swap3A_363], %swap3A_366 {strides = array<i32>} : memref<512xf32, #tpu.memory_space<vmem>>, vector<16xf32>,
    %get3A_367 = arith.constant 208 : index
    %get3A_368 = tpu.vector_load %arg12[%get3A_367] {strides = array<i32>} : memref<512xf32, #tpu.memory_space<vmem>>, vector<16xf32>,
    %get3A_369 = vector.shape_cast %get3A_368 : vector<16xf32> to vector<16xf32>
    %get3A_370 = arith.constant 208 : index
    %get3A_371 = tpu.vector_load %arg10[%get3A_370] {strides = array<i32>} : memref<512xf32, #tpu.memory_space<vmem>>, vector<16xf32>,
    %get3A_372 = vector.shape_cast %get3A_371 : vector<16xf32> to vector<16xf32>
    %get3A_373 = arith.constant 208 : index
    %get3A_374 = tpu.vector_load %arg9[%get3A_373] {strides = array<i32>} : memref<512xf32, #tpu.memory_space<vmem>>, vector<16xf32>,
    %get3A_375 = vector.shape_cast %get3A_374 : vector<16xf32> to vector<16xf32>
    %mul3A_376 = arith.mulf %get3A_372, %get3A_375 : vector<16xf32>
    %get3A_377 = arith.constant 208 : index
    %get3A_378 = tpu.vector_load %arg11[%get3A_377] {strides = array<i32>} : memref<512xf32, #tpu.memory_space<vmem>>, vector<16xf32>,
    %get3A_379 = vector.shape_cast %get3A_378 : vector<16xf32> to vector<16xf32>
    %add3A_380 = arith.addf %mul3A_376, %get3A_379 : vector<16xf32>
    %sub3A_381 = arith.constant 1.000000e+00 : f32
    %sub3A_382 = vector.broadcast %sub3A_381 : f32 to vector<16xf32>
    %sub3A_383 = arith.subf %sub3A_382, %get3A_369 : vector<16xf32>
    %exp3A_384 = math.exp %add3A_380 : vector<16xf32>
    %add3A_385 = arith.constant 1.000000e+00 : f32
    %add3A_386 = vector.broadcast %add3A_385 : f32 to vector<16xf32>
    %add3A_387 = arith.addf %add3A_386, %exp3A_384 : vector<16xf32>
    %div3A_388 = arith.divf %sub3A_383, %add3A_387 : vector<16xf32>
    %add3A_389 = arith.addf %get3A_369, %div3A_388 : vector<16xf32>
    %swap3A_390 = arith.constant 208 : index
    %swap3A_391 = tpu.vector_load %arg13[%swap3A_390] {strides = array<i32>} : memref<512xf32, #tpu.memory_space<vmem>>, vector<16xf32>,
    %swap3A_392 = vector.shape_cast %swap3A_391 : vector<16xf32> to vector<16xf32>
    %swap3A_393 = vector.shape_cast %add3A_389 : vector<16xf32> to vector<16xf32>
    tpu.vector_store %arg13[%swap3A_390], %swap3A_393 {strides = array<i32>} : memref<512xf32, #tpu.memory_space<vmem>>, vector<16xf32>,
    %get3A_394 = arith.constant 224 : index
    %get3A_395 = tpu.vector_load %arg12[%get3A_394] {strides = array<i32>} : memref<512xf32, #tpu.memory_space<vmem>>, vector<16xf32>,
    %get3A_396 = vector.shape_cast %get3A_395 : vector<16xf32> to vector<16xf32>
    %get3A_397 = arith.constant 224 : index
    %get3A_398 = tpu.vector_load %arg10[%get3A_397] {strides = array<i32>} : memref<512xf32, #tpu.memory_space<vmem>>, vector<16xf32>,
    %get3A_399 = vector.shape_cast %get3A_398 : vector<16xf32> to vector<16xf32>
    %get3A_400 = arith.constant 224 : index
    %get3A_401 = tpu.vector_load %arg9[%get3A_400] {strides = array<i32>} : memref<512xf32, #tpu.memory_space<vmem>>, vector<16xf32>,
    %get3A_402 = vector.shape_cast %get3A_401 : vector<16xf32> to vector<16xf32>
    %mul3A_403 = arith.mulf %get3A_399, %get3A_402 : vector<16xf32>
    %get3A_404 = arith.constant 224 : index
    %get3A_405 = tpu.vector_load %arg11[%get3A_404] {strides = array<i32>} : memref<512xf32, #tpu.memory_space<vmem>>, vector<16xf32>,
    %get3A_406 = vector.shape_cast %get3A_405 : vector<16xf32> to vector<16xf32>
    %add3A_407 = arith.addf %mul3A_403, %get3A_406 : vector<16xf32>
    %sub3A_408 = arith.constant 1.000000e+00 : f32
    %sub3A_409 = vector.broadcast %sub3A_408 : f32 to vector<16xf32>
    %sub3A_410 = arith.subf %sub3A_409, %get3A_396 : vector<16xf32>
    %exp3A_411 = math.exp %add3A_407 : vector<16xf32>
    %add3A_412 = arith.constant 1.000000e+00 : f32
    %add3A_413 = vector.broadcast %add3A_412 : f32 to vector<16xf32>
    %add3A_414 = arith.addf %add3A_413, %exp3A_411 : vector<16xf32>
    %div3A_415 = arith.divf %sub3A_410, %add3A_414 : vector<16xf32>
    %add3A_416 = arith.addf %get3A_396, %div3A_415 : vector<16xf32>
    %swap3A_417 = arith.constant 224 : index
    %swap3A_418 = tpu.vector_load %arg13[%swap3A_417] {strides = array<i32>} : memref<512xf32, #tpu.memory_space<vmem>>, vector<16xf32>,
    %swap3A_419 = vector.shape_cast %swap3A_418 : vector<16xf32> to vector<16xf32>
    %swap3A_420 = vector.shape_cast %add3A_416 : vector<16xf32> to vector<16xf32>
    tpu.vector_store %arg13[%swap3A_417], %swap3A_420 {strides = array<i32>} : memref<512xf32, #tpu.memory_space<vmem>>, vector<16xf32>,
    %get3A_421 = arith.constant 240 : index
    %get3A_422 = tpu.vector_load %arg12[%get3A_421] {strides = array<i32>} : memref<512xf32, #tpu.memory_space<vmem>>, vector<16xf32>,
    %get3A_423 = vector.shape_cast %get3A_422 : vector<16xf32> to vector<16xf32>
    %get3A_424 = arith.constant 240 : index
    %get3A_425 = tpu.vector_load %arg10[%get3A_424] {strides = array<i32>} : memref<512xf32, #tpu.memory_space<vmem>>, vector<16xf32>,
    %get3A_426 = vector.shape_cast %get3A_425 : vector<16xf32> to vector<16xf32>
    %get3A_427 = arith.constant 240 : index
    %get3A_428 = tpu.vector_load %arg9[%get3A_427] {strides = array<i32>} : memref<512xf32, #tpu.memory_space<vmem>>, vector<16xf32>,
    %get3A_429 = vector.shape_cast %get3A_428 : vector<16xf32> to vector<16xf32>
    %mul3A_430 = arith.mulf %get3A_426, %get3A_429 : vector<16xf32>
    %get3A_431 = arith.constant 240 : index
    %get3A_432 = tpu.vector_load %arg11[%get3A_431] {strides = array<i32>} : memref<512xf32, #tpu.memory_space<vmem>>, vector<16xf32>,
    %get3A_433 = vector.shape_cast %get3A_432 : vector<16xf32> to vector<16xf32>
    %add3A_434 = arith.addf %mul3A_430, %get3A_433 : vector<16xf32>
    %sub3A_435 = arith.constant 1.000000e+00 : f32
    %sub3A_436 = vector.broadcast %sub3A_435 : f32 to vector<16xf32>
    %sub3A_437 = arith.subf %sub3A_436, %get3A_423 : vector<16xf32>
    %exp3A_438 = math.exp %add3A_434 : vector<16xf32>
    %add3A_439 = arith.constant 1.000000e+00 : f32
    %add3A_440 = vector.broadcast %add3A_439 : f32 to vector<16xf32>
    %add3A_441 = arith.addf %add3A_440, %exp3A_438 : vector<16xf32>
    %div3A_442 = arith.divf %sub3A_437, %add3A_441 : vector<16xf32>
    %add3A_443 = arith.addf %get3A_423, %div3A_442 : vector<16xf32>
    %swap3A_444 = arith.constant 240 : index
    %swap3A_445 = tpu.vector_load %arg13[%swap3A_444] {strides = array<i32>} : memref<512xf32, #tpu.memory_space<vmem>>, vector<16xf32>,
    %swap3A_446 = vector.shape_cast %swap3A_445 : vector<16xf32> to vector<16xf32>
    %swap3A_447 = vector.shape_cast %add3A_443 : vector<16xf32> to vector<16xf32>
    tpu.vector_store %arg13[%swap3A_444], %swap3A_447 {strides = array<i32>} : memref<512xf32, #tpu.memory_space<vmem>>, vector<16xf32>,
    %get3A_448 = arith.constant 256 : index
    %get3A_449 = tpu.vector_load %arg12[%get3A_448] {strides = array<i32>} : memref<512xf32, #tpu.memory_space<vmem>>, vector<16xf32>,
    %get3A_450 = vector.shape_cast %get3A_449 : vector<16xf32> to vector<16xf32>
    %get3A_451 = arith.constant 256 : index
    %get3A_452 = tpu.vector_load %arg10[%get3A_451] {strides = array<i32>} : memref<512xf32, #tpu.memory_space<vmem>>, vector<16xf32>,
    %get3A_453 = vector.shape_cast %get3A_452 : vector<16xf32> to vector<16xf32>
    %get3A_454 = arith.constant 256 : index
    %get3A_455 = tpu.vector_load %arg9[%get3A_454] {strides = array<i32>} : memref<512xf32, #tpu.memory_space<vmem>>, vector<16xf32>,
    %get3A_456 = vector.shape_cast %get3A_455 : vector<16xf32> to vector<16xf32>
    %mul3A_457 = arith.mulf %get3A_453, %get3A_456 : vector<16xf32>
    %get3A_458 = arith.constant 256 : index
    %get3A_459 = tpu.vector_load %arg11[%get3A_458] {strides = array<i32>} : memref<512xf32, #tpu.memory_space<vmem>>, vector<16xf32>,
    %get3A_460 = vector.shape_cast %get3A_459 : vector<16xf32> to vector<16xf32>
    %add3A_461 = arith.addf %mul3A_457, %get3A_460 : vector<16xf32>
    %sub3A_462 = arith.constant 1.000000e+00 : f32
    %sub3A_463 = vector.broadcast %sub3A_462 : f32 to vector<16xf32>
    %sub3A_464 = arith.subf %sub3A_463, %get3A_450 : vector<16xf32>
    %exp3A_465 = math.exp %add3A_461 : vector<16xf32>
    %add3A_466 = arith.constant 1.000000e+00 : f32
    %add3A_467 = vector.broadcast %add3A_466 : f32 to vector<16xf32>
    %add3A_468 = arith.addf %add3A_467, %exp3A_465 : vector<16xf32>
    %div3A_469 = arith.divf %sub3A_464, %add3A_468 : vector<16xf32>
    %add3A_470 = arith.addf %get3A_450, %div3A_469 : vector<16xf32>
    %swap3A_471 = arith.constant 256 : index
    %swap3A_472 = tpu.vector_load %arg13[%swap3A_471] {strides = array<i32>} : memref<512xf32, #tpu.memory_space<vmem>>, vector<16xf32>,
    %swap3A_473 = vector.shape_cast %swap3A_472 : vector<16xf32> to vector<16xf32>
    %swap3A_474 = vector.shape_cast %add3A_470 : vector<16xf32> to vector<16xf32>
    tpu.vector_store %arg13[%swap3A_471], %swap3A_474 {strides = array<i32>} : memref<512xf32, #tpu.memory_space<vmem>>, vector<16xf32>,
    %get3A_475 = arith.constant 272 : index
    %get3A_476 = tpu.vector_load %arg12[%get3A_475] {strides = array<i32>} : memref<512xf32, #tpu.memory_space<vmem>>, vector<16xf32>,
    %get3A_477 = vector.shape_cast %get3A_476 : vector<16xf32> to vector<16xf32>
    %get3A_478 = arith.constant 272 : index
    %get3A_479 = tpu.vector_load %arg10[%get3A_478] {strides = array<i32>} : memref<512xf32, #tpu.memory_space<vmem>>, vector<16xf32>,
    %get3A_480 = vector.shape_cast %get3A_479 : vector<16xf32> to vector<16xf32>
    %get3A_481 = arith.constant 272 : index
    %get3A_482 = tpu.vector_load %arg9[%get3A_481] {strides = array<i32>} : memref<512xf32, #tpu.memory_space<vmem>>, vector<16xf32>,
    %get3A_483 = vector.shape_cast %get3A_482 : vector<16xf32> to vector<16xf32>
    %mul3A_484 = arith.mulf %get3A_480, %get3A_483 : vector<16xf32>
    %get3A_485 = arith.constant 272 : index
    %get3A_486 = tpu.vector_load %arg11[%get3A_485] {strides = array<i32>} : memref<512xf32, #tpu.memory_space<vmem>>, vector<16xf32>,
    %get3A_487 = vector.shape_cast %get3A_486 : vector<16xf32> to vector<16xf32>
    %add3A_488 = arith.addf %mul3A_484, %get3A_487 : vector<16xf32>
    %sub3A_489 = arith.constant 1.000000e+00 : f32
    %sub3A_490 = vector.broadcast %sub3A_489 : f32 to vector<16xf32>
    %sub3A_491 = arith.subf %sub3A_490, %get3A_477 : vector<16xf32>
    %exp3A_492 = math.exp %add3A_488 : vector<16xf32>
    %add3A_493 = arith.constant 1.000000e+00 : f32
    %add3A_494 = vector.broadcast %add3A_493 : f32 to vector<16xf32>
    %add3A_495 = arith.addf %add3A_494, %exp3A_492 : vector<16xf32>
    %div3A_496 = arith.divf %sub3A_491, %add3A_495 : vector<16xf32>
    %add3A_497 = arith.addf %get3A_477, %div3A_496 : vector<16xf32>
    %swap3A_498 = arith.constant 272 : index
    %swap3A_499 = tpu.vector_load %arg13[%swap3A_498] {strides = array<i32>} : memref<512xf32, #tpu.memory_space<vmem>>, vector<16xf32>,
    %swap3A_500 = vector.shape_cast %swap3A_499 : vector<16xf32> to vector<16xf32>
    %swap3A_501 = vector.shape_cast %add3A_497 : vector<16xf32> to vector<16xf32>
    tpu.vector_store %arg13[%swap3A_498], %swap3A_501 {strides = array<i32>} : memref<512xf32, #tpu.memory_space<vmem>>, vector<16xf32>,
    %get3A_502 = arith.constant 288 : index
    %get3A_503 = tpu.vector_load %arg12[%get3A_502] {strides = array<i32>} : memref<512xf32, #tpu.memory_space<vmem>>, vector<16xf32>,
    %get3A_504 = vector.shape_cast %get3A_503 : vector<16xf32> to vector<16xf32>
    %get3A_505 = arith.constant 288 : index
    %get3A_506 = tpu.vector_load %arg10[%get3A_505] {strides = array<i32>} : memref<512xf32, #tpu.memory_space<vmem>>, vector<16xf32>,
    %get3A_507 = vector.shape_cast %get3A_506 : vector<16xf32> to vector<16xf32>
    %get3A_508 = arith.constant 288 : index
    %get3A_509 = tpu.vector_load %arg9[%get3A_508] {strides = array<i32>} : memref<512xf32, #tpu.memory_space<vmem>>, vector<16xf32>,
    %get3A_510 = vector.shape_cast %get3A_509 : vector<16xf32> to vector<16xf32>
    %mul3A_511 = arith.mulf %get3A_507, %get3A_510 : vector<16xf32>
    %get3A_512 = arith.constant 288 : index
    %get3A_513 = tpu.vector_load %arg11[%get3A_512] {strides = array<i32>} : memref<512xf32, #tpu.memory_space<vmem>>, vector<16xf32>,
    %get3A_514 = vector.shape_cast %get3A_513 : vector<16xf32> to vector<16xf32>
    %add3A_515 = arith.addf %mul3A_511, %get3A_514 : vector<16xf32>
    %sub3A_516 = arith.constant 1.000000e+00 : f32
    %sub3A_517 = vector.broadcast %sub3A_516 : f32 to vector<16xf32>
    %sub3A_518 = arith.subf %sub3A_517, %get3A_504 : vector<16xf32>
    %exp3A_519 = math.exp %add3A_515 : vector<16xf32>
    %add3A_520 = arith.constant 1.000000e+00 : f32
    %add3A_521 = vector.broadcast %add3A_520 : f32 to vector<16xf32>
    %add3A_522 = arith.addf %add3A_521, %exp3A_519 : vector<16xf32>
    %div3A_523 = arith.divf %sub3A_518, %add3A_522 : vector<16xf32>
    %add3A_524 = arith.addf %get3A_504, %div3A_523 : vector<16xf32>
    %swap3A_525 = arith.constant 288 : index
    %swap3A_526 = tpu.vector_load %arg13[%swap3A_525] {strides = array<i32>} : memref<512xf32, #tpu.memory_space<vmem>>, vector<16xf32>,
    %swap3A_527 = vector.shape_cast %swap3A_526 : vector<16xf32> to vector<16xf32>
    %swap3A_528 = vector.shape_cast %add3A_524 : vector<16xf32> to vector<16xf32>
    tpu.vector_store %arg13[%swap3A_525], %swap3A_528 {strides = array<i32>} : memref<512xf32, #tpu.memory_space<vmem>>, vector<16xf32>,
    %get3A_529 = arith.constant 304 : index
    %get3A_530 = tpu.vector_load %arg12[%get3A_529] {strides = array<i32>} : memref<512xf32, #tpu.memory_space<vmem>>, vector<16xf32>,
    %get3A_531 = vector.shape_cast %get3A_530 : vector<16xf32> to vector<16xf32>
    %get3A_532 = arith.constant 304 : index
    %get3A_533 = tpu.vector_load %arg10[%get3A_532] {strides = array<i32>} : memref<512xf32, #tpu.memory_space<vmem>>, vector<16xf32>,
    %get3A_534 = vector.shape_cast %get3A_533 : vector<16xf32> to vector<16xf32>
    %get3A_535 = arith.constant 304 : index
    %get3A_536 = tpu.vector_load %arg9[%get3A_535] {strides = array<i32>} : memref<512xf32, #tpu.memory_space<vmem>>, vector<16xf32>,
    %get3A_537 = vector.shape_cast %get3A_536 : vector<16xf32> to vector<16xf32>
    %mul3A_538 = arith.mulf %get3A_534, %get3A_537 : vector<16xf32>
    %get3A_539 = arith.constant 304 : index
    %get3A_540 = tpu.vector_load %arg11[%get3A_539] {strides = array<i32>} : memref<512xf32, #tpu.memory_space<vmem>>, vector<16xf32>,
    %get3A_541 = vector.shape_cast %get3A_540 : vector<16xf32> to vector<16xf32>
    %add3A_542 = arith.addf %mul3A_538, %get3A_541 : vector<16xf32>
    %sub3A_543 = arith.constant 1.000000e+00 : f32
    %sub3A_544 = vector.broadcast %sub3A_543 : f32 to vector<16xf32>
    %sub3A_545 = arith.subf %sub3A_544, %get3A_531 : vector<16xf32>
    %exp3A_546 = math.exp %add3A_542 : vector<16xf32>
    %add3A_547 = arith.constant 1.000000e+00 : f32
    %add3A_548 = vector.broadcast %add3A_547 : f32 to vector<16xf32>
    %add3A_549 = arith.addf %add3A_548, %exp3A_546 : vector<16xf32>
    %div3A_550 = arith.divf %sub3A_545, %add3A_549 : vector<16xf32>
    %add3A_551 = arith.addf %get3A_531, %div3A_550 : vector<16xf32>
    %swap3A_552 = arith.constant 304 : index
    %swap3A_553 = tpu.vector_load %arg13[%swap3A_552] {strides = array<i32>} : memref<512xf32, #tpu.memory_space<vmem>>, vector<16xf32>,
    %swap3A_554 = vector.shape_cast %swap3A_553 : vector<16xf32> to vector<16xf32>
    %swap3A_555 = vector.shape_cast %add3A_551 : vector<16xf32> to vector<16xf32>
    tpu.vector_store %arg13[%swap3A_552], %swap3A_555 {strides = array<i32>} : memref<512xf32, #tpu.memory_space<vmem>>, vector<16xf32>,
    %get3A_556 = arith.constant 320 : index
    %get3A_557 = tpu.vector_load %arg12[%get3A_556] {strides = array<i32>} : memref<512xf32, #tpu.memory_space<vmem>>, vector<16xf32>,
    %get3A_558 = vector.shape_cast %get3A_557 : vector<16xf32> to vector<16xf32>
    %get3A_559 = arith.constant 320 : index
    %get3A_560 = tpu.vector_load %arg10[%get3A_559] {strides = array<i32>} : memref<512xf32, #tpu.memory_space<vmem>>, vector<16xf32>,
    %get3A_561 = vector.shape_cast %get3A_560 : vector<16xf32> to vector<16xf32>
    %get3A_562 = arith.constant 320 : index
    %get3A_563 = tpu.vector_load %arg9[%get3A_562] {strides = array<i32>} : memref<512xf32, #tpu.memory_space<vmem>>, vector<16xf32>,
    %get3A_564 = vector.shape_cast %get3A_563 : vector<16xf32> to vector<16xf32>
    %mul3A_565 = arith.mulf %get3A_561, %get3A_564 : vector<16xf32>
    %get3A_566 = arith.constant 320 : index
    %get3A_567 = tpu.vector_load %arg11[%get3A_566] {strides = array<i32>} : memref<512xf32, #tpu.memory_space<vmem>>, vector<16xf32>,
    %get3A_568 = vector.shape_cast %get3A_567 : vector<16xf32> to vector<16xf32>
    %add3A_569 = arith.addf %mul3A_565, %get3A_568 : vector<16xf32>
    %sub3A_570 = arith.constant 1.000000e+00 : f32
    %sub3A_571 = vector.broadcast %sub3A_570 : f32 to vector<16xf32>
    %sub3A_572 = arith.subf %sub3A_571, %get3A_558 : vector<16xf32>
    %exp3A_573 = math.exp %add3A_569 : vector<16xf32>
    %add3A_574 = arith.constant 1.000000e+00 : f32
    %add3A_575 = vector.broadcast %add3A_574 : f32 to vector<16xf32>
    %add3A_576 = arith.addf %add3A_575, %exp3A_573 : vector<16xf32>
    %div3A_577 = arith.divf %sub3A_572, %add3A_576 : vector<16xf32>
    %add3A_578 = arith.addf %get3A_558, %div3A_577 : vector<16xf32>
    %swap3A_579 = arith.constant 320 : index
    %swap3A_580 = tpu.vector_load %arg13[%swap3A_579] {strides = array<i32>} : memref<512xf32, #tpu.memory_space<vmem>>, vector<16xf32>,
    %swap3A_581 = vector.shape_cast %swap3A_580 : vector<16xf32> to vector<16xf32>
    %swap3A_582 = vector.shape_cast %add3A_578 : vector<16xf32> to vector<16xf32>
    tpu.vector_store %arg13[%swap3A_579], %swap3A_582 {strides = array<i32>} : memref<512xf32, #tpu.memory_space<vmem>>, vector<16xf32>,
    %get3A_583 = arith.constant 336 : index
    %get3A_584 = tpu.vector_load %arg12[%get3A_583] {strides = array<i32>} : memref<512xf32, #tpu.memory_space<vmem>>, vector<16xf32>,
    %get3A_585 = vector.shape_cast %get3A_584 : vector<16xf32> to vector<16xf32>
    %get3A_586 = arith.constant 336 : index
    %get3A_587 = tpu.vector_load %arg10[%get3A_586] {strides = array<i32>} : memref<512xf32, #tpu.memory_space<vmem>>, vector<16xf32>,
    %get3A_588 = vector.shape_cast %get3A_587 : vector<16xf32> to vector<16xf32>
    %get3A_589 = arith.constant 336 : index
    %get3A_590 = tpu.vector_load %arg9[%get3A_589] {strides = array<i32>} : memref<512xf32, #tpu.memory_space<vmem>>, vector<16xf32>,
    %get3A_591 = vector.shape_cast %get3A_590 : vector<16xf32> to vector<16xf32>
    %mul3A_592 = arith.mulf %get3A_588, %get3A_591 : vector<16xf32>
    %get3A_593 = arith.constant 336 : index
    %get3A_594 = tpu.vector_load %arg11[%get3A_593] {strides = array<i32>} : memref<512xf32, #tpu.memory_space<vmem>>, vector<16xf32>,
    %get3A_595 = vector.shape_cast %get3A_594 : vector<16xf32> to vector<16xf32>
    %add3A_596 = arith.addf %mul3A_592, %get3A_595 : vector<16xf32>
    %sub3A_597 = arith.constant 1.000000e+00 : f32
    %sub3A_598 = vector.broadcast %sub3A_597 : f32 to vector<16xf32>
    %sub3A_599 = arith.subf %sub3A_598, %get3A_585 : vector<16xf32>
    %exp3A_600 = math.exp %add3A_596 : vector<16xf32>
    %add3A_601 = arith.constant 1.000000e+00 : f32
    %add3A_602 = vector.broadcast %add3A_601 : f32 to vector<16xf32>
    %add3A_603 = arith.addf %add3A_602, %exp3A_600 : vector<16xf32>
    %div3A_604 = arith.divf %sub3A_599, %add3A_603 : vector<16xf32>
    %add3A_605 = arith.addf %get3A_585, %div3A_604 : vector<16xf32>
    %swap3A_606 = arith.constant 336 : index
    %swap3A_607 = tpu.vector_load %arg13[%swap3A_606] {strides = array<i32>} : memref<512xf32, #tpu.memory_space<vmem>>, vector<16xf32>,
    %swap3A_608 = vector.shape_cast %swap3A_607 : vector<16xf32> to vector<16xf32>
    %swap3A_609 = vector.shape_cast %add3A_605 : vector<16xf32> to vector<16xf32>
    tpu.vector_store %arg13[%swap3A_606], %swap3A_609 {strides = array<i32>} : memref<512xf32, #tpu.memory_space<vmem>>, vector<16xf32>,
    %get3A_610 = arith.constant 352 : index
    %get3A_611 = tpu.vector_load %arg12[%get3A_610] {strides = array<i32>} : memref<512xf32, #tpu.memory_space<vmem>>, vector<16xf32>,
    %get3A_612 = vector.shape_cast %get3A_611 : vector<16xf32> to vector<16xf32>
    %get3A_613 = arith.constant 352 : index
    %get3A_614 = tpu.vector_load %arg10[%get3A_613] {strides = array<i32>} : memref<512xf32, #tpu.memory_space<vmem>>, vector<16xf32>,
    %get3A_615 = vector.shape_cast %get3A_614 : vector<16xf32> to vector<16xf32>
    %get3A_616 = arith.constant 352 : index
    %get3A_617 = tpu.vector_load %arg9[%get3A_616] {strides = array<i32>} : memref<512xf32, #tpu.memory_space<vmem>>, vector<16xf32>,
    %get3A_618 = vector.shape_cast %get3A_617 : vector<16xf32> to vector<16xf32>
    %mul3A_619 = arith.mulf %get3A_615, %get3A_618 : vector<16xf32>
    %get3A_620 = arith.constant 352 : index
    %get3A_621 = tpu.vector_load %arg11[%get3A_620] {strides = array<i32>} : memref<512xf32, #tpu.memory_space<vmem>>, vector<16xf32>,
    %get3A_622 = vector.shape_cast %get3A_621 : vector<16xf32> to vector<16xf32>
    %add3A_623 = arith.addf %mul3A_619, %get3A_622 : vector<16xf32>
    %sub3A_624 = arith.constant 1.000000e+00 : f32
    %sub3A_625 = vector.broadcast %sub3A_624 : f32 to vector<16xf32>
    %sub3A_626 = arith.subf %sub3A_625, %get3A_612 : vector<16xf32>
    %exp3A_627 = math.exp %add3A_623 : vector<16xf32>
    %add3A_628 = arith.constant 1.000000e+00 : f32
    %add3A_629 = vector.broadcast %add3A_628 : f32 to vector<16xf32>
    %add3A_630 = arith.addf %add3A_629, %exp3A_627 : vector<16xf32>
    %div3A_631 = arith.divf %sub3A_626, %add3A_630 : vector<16xf32>
    %add3A_632 = arith.addf %get3A_612, %div3A_631 : vector<16xf32>
    %swap3A_633 = arith.constant 352 : index
    %swap3A_634 = tpu.vector_load %arg13[%swap3A_633] {strides = array<i32>} : memref<512xf32, #tpu.memory_space<vmem>>, vector<16xf32>,
    %swap3A_635 = vector.shape_cast %swap3A_634 : vector<16xf32> to vector<16xf32>
    %swap3A_636 = vector.shape_cast %add3A_632 : vector<16xf32> to vector<16xf32>
    tpu.vector_store %arg13[%swap3A_633], %swap3A_636 {strides = array<i32>} : memref<512xf32, #tpu.memory_space<vmem>>, vector<16xf32>,
    %get3A_637 = arith.constant 368 : index
    %get3A_638 = tpu.vector_load %arg12[%get3A_637] {strides = array<i32>} : memref<512xf32, #tpu.memory_space<vmem>>, vector<16xf32>,
    %get3A_639 = vector.shape_cast %get3A_638 : vector<16xf32> to vector<16xf32>
    %get3A_640 = arith.constant 368 : index
    %get3A_641 = tpu.vector_load %arg10[%get3A_640] {strides = array<i32>} : memref<512xf32, #tpu.memory_space<vmem>>, vector<16xf32>,
    %get3A_642 = vector.shape_cast %get3A_641 : vector<16xf32> to vector<16xf32>
    %get3A_643 = arith.constant 368 : index
    %get3A_644 = tpu.vector_load %arg9[%get3A_643] {strides = array<i32>} : memref<512xf32, #tpu.memory_space<vmem>>, vector<16xf32>,
    %get3A_645 = vector.shape_cast %get3A_644 : vector<16xf32> to vector<16xf32>
    %mul3A_646 = arith.mulf %get3A_642, %get3A_645 : vector<16xf32>
    %get3A_647 = arith.constant 368 : index
    %get3A_648 = tpu.vector_load %arg11[%get3A_647] {strides = array<i32>} : memref<512xf32, #tpu.memory_space<vmem>>, vector<16xf32>,
    %get3A_649 = vector.shape_cast %get3A_648 : vector<16xf32> to vector<16xf32>
    %add3A_650 = arith.addf %mul3A_646, %get3A_649 : vector<16xf32>
    %sub3A_651 = arith.constant 1.000000e+00 : f32
    %sub3A_652 = vector.broadcast %sub3A_651 : f32 to vector<16xf32>
    %sub3A_653 = arith.subf %sub3A_652, %get3A_639 : vector<16xf32>
    %exp3A_654 = math.exp %add3A_650 : vector<16xf32>
    %add3A_655 = arith.constant 1.000000e+00 : f32
    %add3A_656 = vector.broadcast %add3A_655 : f32 to vector<16xf32>
    %add3A_657 = arith.addf %add3A_656, %exp3A_654 : vector<16xf32>
    %div3A_658 = arith.divf %sub3A_653, %add3A_657 : vector<16xf32>
    %add3A_659 = arith.addf %get3A_639, %div3A_658 : vector<16xf32>
    %swap3A_660 = arith.constant 368 : index
    %swap3A_661 = tpu.vector_load %arg13[%swap3A_660] {strides = array<i32>} : memref<512xf32, #tpu.memory_space<vmem>>, vector<16xf32>,
    %swap3A_662 = vector.shape_cast %swap3A_661 : vector<16xf32> to vector<16xf32>
    %swap3A_663 = vector.shape_cast %add3A_659 : vector<16xf32> to vector<16xf32>
    tpu.vector_store %arg13[%swap3A_660], %swap3A_663 {strides = array<i32>} : memref<512xf32, #tpu.memory_space<vmem>>, vector<16xf32>,
    %get3A_664 = arith.constant 384 : index
    %get3A_665 = tpu.vector_load %arg12[%get3A_664] {strides = array<i32>} : memref<512xf32, #tpu.memory_space<vmem>>, vector<16xf32>,
    %get3A_666 = vector.shape_cast %get3A_665 : vector<16xf32> to vector<16xf32>
    %get3A_667 = arith.constant 384 : index
    %get3A_668 = tpu.vector_load %arg10[%get3A_667] {strides = array<i32>} : memref<512xf32, #tpu.memory_space<vmem>>, vector<16xf32>,
    %get3A_669 = vector.shape_cast %get3A_668 : vector<16xf32> to vector<16xf32>
    %get3A_670 = arith.constant 384 : index
    %get3A_671 = tpu.vector_load %arg9[%get3A_670] {strides = array<i32>} : memref<512xf32, #tpu.memory_space<vmem>>, vector<16xf32>,
    %get3A_672 = vector.shape_cast %get3A_671 : vector<16xf32> to vector<16xf32>
    %mul3A_673 = arith.mulf %get3A_669, %get3A_672 : vector<16xf32>
    %get3A_674 = arith.constant 384 : index
    %get3A_675 = tpu.vector_load %arg11[%get3A_674] {strides = array<i32>} : memref<512xf32, #tpu.memory_space<vmem>>, vector<16xf32>,
    %get3A_676 = vector.shape_cast %get3A_675 : vector<16xf32> to vector<16xf32>
    %add3A_677 = arith.addf %mul3A_673, %get3A_676 : vector<16xf32>
    %sub3A_678 = arith.constant 1.000000e+00 : f32
    %sub3A_679 = vector.broadcast %sub3A_678 : f32 to vector<16xf32>
    %sub3A_680 = arith.subf %sub3A_679, %get3A_666 : vector<16xf32>
    %exp3A_681 = math.exp %add3A_677 : vector<16xf32>
    %add3A_682 = arith.constant 1.000000e+00 : f32
    %add3A_683 = vector.broadcast %add3A_682 : f32 to vector<16xf32>
    %add3A_684 = arith.addf %add3A_683, %exp3A_681 : vector<16xf32>
    %div3A_685 = arith.divf %sub3A_680, %add3A_684 : vector<16xf32>
    %add3A_686 = arith.addf %get3A_666, %div3A_685 : vector<16xf32>
    %swap3A_687 = arith.constant 384 : index
    %swap3A_688 = tpu.vector_load %arg13[%swap3A_687] {strides = array<i32>} : memref<512xf32, #tpu.memory_space<vmem>>, vector<16xf32>,
    %swap3A_689 = vector.shape_cast %swap3A_688 : vector<16xf32> to vector<16xf32>
    %swap3A_690 = vector.shape_cast %add3A_686 : vector<16xf32> to vector<16xf32>
    tpu.vector_store %arg13[%swap3A_687], %swap3A_690 {strides = array<i32>} : memref<512xf32, #tpu.memory_space<vmem>>, vector<16xf32>,
    %get3A_691 = arith.constant 400 : index
    %get3A_692 = tpu.vector_load %arg12[%get3A_691] {strides = array<i32>} : memref<512xf32, #tpu.memory_space<vmem>>, vector<16xf32>,
    %get3A_693 = vector.shape_cast %get3A_692 : vector<16xf32> to vector<16xf32>
    %get3A_694 = arith.constant 400 : index
    %get3A_695 = tpu.vector_load %arg10[%get3A_694] {strides = array<i32>} : memref<512xf32, #tpu.memory_space<vmem>>, vector<16xf32>,
    %get3A_696 = vector.shape_cast %get3A_695 : vector<16xf32> to vector<16xf32>
    %get3A_697 = arith.constant 400 : index
    %get3A_698 = tpu.vector_load %arg9[%get3A_697] {strides = array<i32>} : memref<512xf32, #tpu.memory_space<vmem>>, vector<16xf32>,
    %get3A_699 = vector.shape_cast %get3A_698 : vector<16xf32> to vector<16xf32>
    %mul3A_700 = arith.mulf %get3A_696, %get3A_699 : vector<16xf32>
    %get3A_701 = arith.constant 400 : index
    %get3A_702 = tpu.vector_load %arg11[%get3A_701] {strides = array<i32>} : memref<512xf32, #tpu.memory_space<vmem>>, vector<16xf32>,
    %get3A_703 = vector.shape_cast %get3A_702 : vector<16xf32> to vector<16xf32>
    %add3A_704 = arith.addf %mul3A_700, %get3A_703 : vector<16xf32>
    %sub3A_705 = arith.constant 1.000000e+00 : f32
    %sub3A_706 = vector.broadcast %sub3A_705 : f32 to vector<16xf32>
    %sub3A_707 = arith.subf %sub3A_706, %get3A_693 : vector<16xf32>
    %exp3A_708 = math.exp %add3A_704 : vector<16xf32>
    %add3A_709 = arith.constant 1.000000e+00 : f32
    %add3A_710 = vector.broadcast %add3A_709 : f32 to vector<16xf32>
    %add3A_711 = arith.addf %add3A_710, %exp3A_708 : vector<16xf32>
    %div3A_712 = arith.divf %sub3A_707, %add3A_711 : vector<16xf32>
    %add3A_713 = arith.addf %get3A_693, %div3A_712 : vector<16xf32>
    %swap3A_714 = arith.constant 400 : index
    %swap3A_715 = tpu.vector_load %arg13[%swap3A_714] {strides = array<i32>} : memref<512xf32, #tpu.memory_space<vmem>>, vector<16xf32>,
    %swap3A_716 = vector.shape_cast %swap3A_715 : vector<16xf32> to vector<16xf32>
    %swap3A_717 = vector.shape_cast %add3A_713 : vector<16xf32> to vector<16xf32>
    tpu.vector_store %arg13[%swap3A_714], %swap3A_717 {strides = array<i32>} : memref<512xf32, #tpu.memory_space<vmem>>, vector<16xf32>,
    %get3A_718 = arith.constant 416 : index
    %get3A_719 = tpu.vector_load %arg12[%get3A_718] {strides = array<i32>} : memref<512xf32, #tpu.memory_space<vmem>>, vector<16xf32>,
    %get3A_720 = vector.shape_cast %get3A_719 : vector<16xf32> to vector<16xf32>
    %get3A_721 = arith.constant 416 : index
    %get3A_722 = tpu.vector_load %arg10[%get3A_721] {strides = array<i32>} : memref<512xf32, #tpu.memory_space<vmem>>, vector<16xf32>,
    %get3A_723 = vector.shape_cast %get3A_722 : vector<16xf32> to vector<16xf32>
    %get3A_724 = arith.constant 416 : index
    %get3A_725 = tpu.vector_load %arg9[%get3A_724] {strides = array<i32>} : memref<512xf32, #tpu.memory_space<vmem>>, vector<16xf32>,
    %get3A_726 = vector.shape_cast %get3A_725 : vector<16xf32> to vector<16xf32>
    %mul3A_727 = arith.mulf %get3A_723, %get3A_726 : vector<16xf32>
    %get3A_728 = arith.constant 416 : index
    %get3A_729 = tpu.vector_load %arg11[%get3A_728] {strides = array<i32>} : memref<512xf32, #tpu.memory_space<vmem>>, vector<16xf32>,
    %get3A_730 = vector.shape_cast %get3A_729 : vector<16xf32> to vector<16xf32>
    %add3A_731 = arith.addf %mul3A_727, %get3A_730 : vector<16xf32>
    %sub3A_732 = arith.constant 1.000000e+00 : f32
    %sub3A_733 = vector.broadcast %sub3A_732 : f32 to vector<16xf32>
    %sub3A_734 = arith.subf %sub3A_733, %get3A_720 : vector<16xf32>
    %exp3A_735 = math.exp %add3A_731 : vector<16xf32>
    %add3A_736 = arith.constant 1.000000e+00 : f32
    %add3A_737 = vector.broadcast %add3A_736 : f32 to vector<16xf32>
    %add3A_738 = arith.addf %add3A_737, %exp3A_735 : vector<16xf32>
    %div3A_739 = arith.divf %sub3A_734, %add3A_738 : vector<16xf32>
    %add3A_740 = arith.addf %get3A_720, %div3A_739 : vector<16xf32>
    %swap3A_741 = arith.constant 416 : index
    %swap3A_742 = tpu.vector_load %arg13[%swap3A_741] {strides = array<i32>} : memref<512xf32, #tpu.memory_space<vmem>>, vector<16xf32>,
    %swap3A_743 = vector.shape_cast %swap3A_742 : vector<16xf32> to vector<16xf32>
    %swap3A_744 = vector.shape_cast %add3A_740 : vector<16xf32> to vector<16xf32>
    tpu.vector_store %arg13[%swap3A_741], %swap3A_744 {strides = array<i32>} : memref<512xf32, #tpu.memory_space<vmem>>, vector<16xf32>,
    %get3A_745 = arith.constant 432 : index
    %get3A_746 = tpu.vector_load %arg12[%get3A_745] {strides = array<i32>} : memref<512xf32, #tpu.memory_space<vmem>>, vector<16xf32>,
    %get3A_747 = vector.shape_cast %get3A_746 : vector<16xf32> to vector<16xf32>
    %get3A_748 = arith.constant 432 : index
    %get3A_749 = tpu.vector_load %arg10[%get3A_748] {strides = array<i32>} : memref<512xf32, #tpu.memory_space<vmem>>, vector<16xf32>,
    %get3A_750 = vector.shape_cast %get3A_749 : vector<16xf32> to vector<16xf32>
    %get3A_751 = arith.constant 432 : index
    %get3A_752 = tpu.vector_load %arg9[%get3A_751] {strides = array<i32>} : memref<512xf32, #tpu.memory_space<vmem>>, vector<16xf32>,
    %get3A_753 = vector.shape_cast %get3A_752 : vector<16xf32> to vector<16xf32>
    %mul3A_754 = arith.mulf %get3A_750, %get3A_753 : vector<16xf32>
    %get3A_755 = arith.constant 432 : index
    %get3A_756 = tpu.vector_load %arg11[%get3A_755] {strides = array<i32>} : memref<512xf32, #tpu.memory_space<vmem>>, vector<16xf32>,
    %get3A_757 = vector.shape_cast %get3A_756 : vector<16xf32> to vector<16xf32>
    %add3A_758 = arith.addf %mul3A_754, %get3A_757 : vector<16xf32>
    %sub3A_759 = arith.constant 1.000000e+00 : f32
    %sub3A_760 = vector.broadcast %sub3A_759 : f32 to vector<16xf32>
    %sub3A_761 = arith.subf %sub3A_760, %get3A_747 : vector<16xf32>
    %exp3A_762 = math.exp %add3A_758 : vector<16xf32>
    %add3A_763 = arith.constant 1.000000e+00 : f32
    %add3A_764 = vector.broadcast %add3A_763 : f32 to vector<16xf32>
    %add3A_765 = arith.addf %add3A_764, %exp3A_762 : vector<16xf32>
    %div3A_766 = arith.divf %sub3A_761, %add3A_765 : vector<16xf32>
    %add3A_767 = arith.addf %get3A_747, %div3A_766 : vector<16xf32>
    %swap3A_768 = arith.constant 432 : index
    %swap3A_769 = tpu.vector_load %arg13[%swap3A_768] {strides = array<i32>} : memref<512xf32, #tpu.memory_space<vmem>>, vector<16xf32>,
    %swap3A_770 = vector.shape_cast %swap3A_769 : vector<16xf32> to vector<16xf32>
    %swap3A_771 = vector.shape_cast %add3A_767 : vector<16xf32> to vector<16xf32>
    tpu.vector_store %arg13[%swap3A_768], %swap3A_771 {strides = array<i32>} : memref<512xf32, #tpu.memory_space<vmem>>, vector<16xf32>,
    %get3A_772 = arith.constant 448 : index
    %get3A_773 = tpu.vector_load %arg12[%get3A_772] {strides = array<i32>} : memref<512xf32, #tpu.memory_space<vmem>>, vector<16xf32>,
    %get3A_774 = vector.shape_cast %get3A_773 : vector<16xf32> to vector<16xf32>
    %get3A_775 = arith.constant 448 : index
    %get3A_776 = tpu.vector_load %arg10[%get3A_775] {strides = array<i32>} : memref<512xf32, #tpu.memory_space<vmem>>, vector<16xf32>,
    %get3A_777 = vector.shape_cast %get3A_776 : vector<16xf32> to vector<16xf32>
    %get3A_778 = arith.constant 448 : index
    %get3A_779 = tpu.vector_load %arg9[%get3A_778] {strides = array<i32>} : memref<512xf32, #tpu.memory_space<vmem>>, vector<16xf32>,
    %get3A_780 = vector.shape_cast %get3A_779 : vector<16xf32> to vector<16xf32>
    %mul3A_781 = arith.mulf %get3A_777, %get3A_780 : vector<16xf32>
    %get3A_782 = arith.constant 448 : index
    %get3A_783 = tpu.vector_load %arg11[%get3A_782] {strides = array<i32>} : memref<512xf32, #tpu.memory_space<vmem>>, vector<16xf32>,
    %get3A_784 = vector.shape_cast %get3A_783 : vector<16xf32> to vector<16xf32>
    %add3A_785 = arith.addf %mul3A_781, %get3A_784 : vector<16xf32>
    %sub3A_786 = arith.constant 1.000000e+00 : f32
    %sub3A_787 = vector.broadcast %sub3A_786 : f32 to vector<16xf32>
    %sub3A_788 = arith.subf %sub3A_787, %get3A_774 : vector<16xf32>
    %exp3A_789 = math.exp %add3A_785 : vector<16xf32>
    %add3A_790 = arith.constant 1.000000e+00 : f32
    %add3A_791 = vector.broadcast %add3A_790 : f32 to vector<16xf32>
    %add3A_792 = arith.addf %add3A_791, %exp3A_789 : vector<16xf32>
    %div3A_793 = arith.divf %sub3A_788, %add3A_792 : vector<16xf32>
    %add3A_794 = arith.addf %get3A_774, %div3A_793 : vector<16xf32>
    %swap3A_795 = arith.constant 448 : index
    %swap3A_796 = tpu.vector_load %arg13[%swap3A_795] {strides = array<i32>} : memref<512xf32, #tpu.memory_space<vmem>>, vector<16xf32>,
    %swap3A_797 = vector.shape_cast %swap3A_796 : vector<16xf32> to vector<16xf32>
    %swap3A_798 = vector.shape_cast %add3A_794 : vector<16xf32> to vector<16xf32>
    tpu.vector_store %arg13[%swap3A_795], %swap3A_798 {strides = array<i32>} : memref<512xf32, #tpu.memory_space<vmem>>, vector<16xf32>,
    %get3A_799 = arith.constant 464 : index
    %get3A_800 = tpu.vector_load %arg12[%get3A_799] {strides = array<i32>} : memref<512xf32, #tpu.memory_space<vmem>>, vector<16xf32>,
    %get3A_801 = vector.shape_cast %get3A_800 : vector<16xf32> to vector<16xf32>
    %get3A_802 = arith.constant 464 : index
    %get3A_803 = tpu.vector_load %arg10[%get3A_802] {strides = array<i32>} : memref<512xf32, #tpu.memory_space<vmem>>, vector<16xf32>,
    %get3A_804 = vector.shape_cast %get3A_803 : vector<16xf32> to vector<16xf32>
    %get3A_805 = arith.constant 464 : index
    %get3A_806 = tpu.vector_load %arg9[%get3A_805] {strides = array<i32>} : memref<512xf32, #tpu.memory_space<vmem>>, vector<16xf32>,
    %get3A_807 = vector.shape_cast %get3A_806 : vector<16xf32> to vector<16xf32>
    %mul3A_808 = arith.mulf %get3A_804, %get3A_807 : vector<16xf32>
    %get3A_809 = arith.constant 464 : index
    %get3A_810 = tpu.vector_load %arg11[%get3A_809] {strides = array<i32>} : memref<512xf32, #tpu.memory_space<vmem>>, vector<16xf32>,
    %get3A_811 = vector.shape_cast %get3A_810 : vector<16xf32> to vector<16xf32>
    %add3A_812 = arith.addf %mul3A_808, %get3A_811 : vector<16xf32>
    %sub3A_813 = arith.constant 1.000000e+00 : f32
    %sub3A_814 = vector.broadcast %sub3A_813 : f32 to vector<16xf32>
    %sub3A_815 = arith.subf %sub3A_814, %get3A_801 : vector<16xf32>
    %exp3A_816 = math.exp %add3A_812 : vector<16xf32>
    %add3A_817 = arith.constant 1.000000e+00 : f32
    %add3A_818 = vector.broadcast %add3A_817 : f32 to vector<16xf32>
    %add3A_819 = arith.addf %add3A_818, %exp3A_816 : vector<16xf32>
    %div3A_820 = arith.divf %sub3A_815, %add3A_819 : vector<16xf32>
    %add3A_821 = arith.addf %get3A_801, %div3A_820 : vector<16xf32>
    %swap3A_822 = arith.constant 464 : index
    %swap3A_823 = tpu.vector_load %arg13[%swap3A_822] {strides = array<i32>} : memref<512xf32, #tpu.memory_space<vmem>>, vector<16xf32>,
    %swap3A_824 = vector.shape_cast %swap3A_823 : vector<16xf32> to vector<16xf32>
    %swap3A_825 = vector.shape_cast %add3A_821 : vector<16xf32> to vector<16xf32>
    tpu.vector_store %arg13[%swap3A_822], %swap3A_825 {strides = array<i32>} : memref<512xf32, #tpu.memory_space<vmem>>, vector<16xf32>,
    %get3A_826 = arith.constant 480 : index
    %get3A_827 = tpu.vector_load %arg12[%get3A_826] {strides = array<i32>} : memref<512xf32, #tpu.memory_space<vmem>>, vector<16xf32>,
    %get3A_828 = vector.shape_cast %get3A_827 : vector<16xf32> to vector<16xf32>
    %get3A_829 = arith.constant 480 : index
    %get3A_830 = tpu.vector_load %arg10[%get3A_829] {strides = array<i32>} : memref<512xf32, #tpu.memory_space<vmem>>, vector<16xf32>,
    %get3A_831 = vector.shape_cast %get3A_830 : vector<16xf32> to vector<16xf32>
    %get3A_832 = arith.constant 480 : index
    %get3A_833 = tpu.vector_load %arg9[%get3A_832] {strides = array<i32>} : memref<512xf32, #tpu.memory_space<vmem>>, vector<16xf32>,
    %get3A_834 = vector.shape_cast %get3A_833 : vector<16xf32> to vector<16xf32>
    %mul3A_835 = arith.mulf %get3A_831, %get3A_834 : vector<16xf32>
    %get3A_836 = arith.constant 480 : index
    %get3A_837 = tpu.vector_load %arg11[%get3A_836] {strides = array<i32>} : memref<512xf32, #tpu.memory_space<vmem>>, vector<16xf32>,
    %get3A_838 = vector.shape_cast %get3A_837 : vector<16xf32> to vector<16xf32>
    %add3A_839 = arith.addf %mul3A_835, %get3A_838 : vector<16xf32>
    %sub3A_840 = arith.constant 1.000000e+00 : f32
    %sub3A_841 = vector.broadcast %sub3A_840 : f32 to vector<16xf32>
    %sub3A_842 = arith.subf %sub3A_841, %get3A_828 : vector<16xf32>
    %exp3A_843 = math.exp %add3A_839 : vector<16xf32>
    %add3A_844 = arith.constant 1.000000e+00 : f32
    %add3A_845 = vector.broadcast %add3A_844 : f32 to vector<16xf32>
    %add3A_846 = arith.addf %add3A_845, %exp3A_843 : vector<16xf32>
    %div3A_847 = arith.divf %sub3A_842, %add3A_846 : vector<16xf32>
    %add3A_848 = arith.addf %get3A_828, %div3A_847 : vector<16xf32>
    %swap3A_849 = arith.constant 480 : index
    %swap3A_850 = tpu.vector_load %arg13[%swap3A_849] {strides = array<i32>} : memref<512xf32, #tpu.memory_space<vmem>>, vector<16xf32>,
    %swap3A_851 = vector.shape_cast %swap3A_850 : vector<16xf32> to vector<16xf32>
    %swap3A_852 = vector.shape_cast %add3A_848 : vector<16xf32> to vector<16xf32>
    tpu.vector_store %arg13[%swap3A_849], %swap3A_852 {strides = array<i32>} : memref<512xf32, #tpu.memory_space<vmem>>, vector<16xf32>,
    %get3A_853 = arith.constant 496 : index
    %get3A_854 = tpu.vector_load %arg12[%get3A_853] {strides = array<i32>} : memref<512xf32, #tpu.memory_space<vmem>>, vector<16xf32>,
    %get3A_855 = vector.shape_cast %get3A_854 : vector<16xf32> to vector<16xf32>
    %get3A_856 = arith.constant 496 : index
    %get3A_857 = tpu.vector_load %arg10[%get3A_856] {strides = array<i32>} : memref<512xf32, #tpu.memory_space<vmem>>, vector<16xf32>,
    %get3A_858 = vector.shape_cast %get3A_857 : vector<16xf32> to vector<16xf32>
    %get3A_859 = arith.constant 496 : index
    %get3A_860 = tpu.vector_load %arg9[%get3A_859] {strides = array<i32>} : memref<512xf32, #tpu.memory_space<vmem>>, vector<16xf32>,
    %get3A_861 = vector.shape_cast %get3A_860 : vector<16xf32> to vector<16xf32>
    %mul3A_862 = arith.mulf %get3A_858, %get3A_861 : vector<16xf32>
    %get3A_863 = arith.constant 496 : index
    %get3A_864 = tpu.vector_load %arg11[%get3A_863] {strides = array<i32>} : memref<512xf32, #tpu.memory_space<vmem>>, vector<16xf32>,
    %get3A_865 = vector.shape_cast %get3A_864 : vector<16xf32> to vector<16xf32>
    %add3A_866 = arith.addf %mul3A_862, %get3A_865 : vector<16xf32>
    %sub3A_867 = arith.constant 1.000000e+00 : f32
    %sub3A_868 = vector.broadcast %sub3A_867 : f32 to vector<16xf32>
    %sub3A_869 = arith.subf %sub3A_868, %get3A_855 : vector<16xf32>
    %exp3A_870 = math.exp %add3A_866 : vector<16xf32>
    %add3A_871 = arith.constant 1.000000e+00 : f32
    %add3A_872 = vector.broadcast %add3A_871 : f32 to vector<16xf32>
    %add3A_873 = arith.addf %add3A_872, %exp3A_870 : vector<16xf32>
    %div3A_874 = arith.divf %sub3A_869, %add3A_873 : vector<16xf32>
    %add3A_875 = arith.addf %get3A_855, %div3A_874 : vector<16xf32>
    %swap3A_876 = arith.constant 496 : index
    %swap3A_877 = tpu.vector_load %arg13[%swap3A_876] {strides = array<i32>} : memref<512xf32, #tpu.memory_space<vmem>>, vector<16xf32>,
    %swap3A_878 = vector.shape_cast %swap3A_877 : vector<16xf32> to vector<16xf32>
    %swap3A_879 = vector.shape_cast %add3A_875 : vector<16xf32> to vector<16xf32>
    tpu.vector_store %arg13[%swap3A_876], %swap3A_879 {strides = array<i32>} : memref<512xf32, #tpu.memory_space<vmem>>, vector<16xf32>,
    "tpu.region"() ({
      %run_scoped3A = tpu.sem_alloc : memref<!tpu.dma_semaphore, #tpu.memory_space<semaphore_mem>>
      %dma_start3A_880 = tpu.memref_slice %arg7[%mul3A_2] : memref<16384xf32, #tpu.memory_space<hbm>> -> memref<512xf32, #tpu.memory_space<hbm>>
      %dma_start3A_881 = tpu.memref_slice %arg7[%mul3A_2] : memref<16384xf32, #tpu.memory_space<hbm>> -> memref<512xf32, #tpu.memory_space<hbm>>
      tpu.enqueue_dma source(%arg13 : memref<512xf32, #tpu.memory_space<vmem>>) target(%dma_start3A_881 : memref<512xf32, #tpu.memory_space<hbm>>) target_semaphore(%run_scoped3A : memref<!tpu.dma_semaphore, #tpu.memory_space<semaphore_mem>>)
      %dma_wait3A_882 = tpu.memref_slice %arg7[%mul3A_2] : memref<16384xf32, #tpu.memory_space<hbm>> -> memref<512xf32, #tpu.memory_space<hbm>>
      %dma_wait3A_883 = tpu.memref_slice %arg7[%mul3A_2] : memref<16384xf32, #tpu.memory_space<hbm>> -> memref<512xf32, #tpu.memory_space<hbm>>
      tpu.wait_dma2 semaphore(%run_scoped3A : memref<!tpu.dma_semaphore, #tpu.memory_space<semaphore_mem>>) src(%arg13 : memref<512xf32, #tpu.memory_space<vmem>>) dst(%dma_wait3A_883 : memref<512xf32, #tpu.memory_space<hbm>>)
      tpu.yield
    }) : () -> ()
    return
  }
}

#map = affine_map<(d0, d1) -> (0)>
module attributes {stable_mosaic.version = 14 : i64} {
  func.func @k(%arg0: i32, %arg1: i32, %arg2: memref<16384xi32, #tpu.memory_space<hbm>>, %arg3: memref<100352xf32, #tpu.memory_space<hbm>>, %arg4: memref<100352xf32, #tpu.memory_space<hbm>>, %arg5: memref<100352xf32, #tpu.memory_space<hbm>>, %arg6: memref<16384xf32, #tpu.memory_space<hbm>>, %arg7: memref<16384xf32, #tpu.memory_space<hbm>>, %arg8: memref<16384xf32, #tpu.memory_space<hbm>>, %arg9: memref<512xi32, #tpu.memory_space<vmem>>, %arg10: memref<512xf32, #tpu.memory_space<vmem>>, %arg11: memref<512xf32, #tpu.memory_space<vmem>>, %arg12: memref<512xf32, #tpu.memory_space<vmem>>, %arg13: memref<512xf32, #tpu.memory_space<vmem>>, %arg14: memref<512xf32, #tpu.memory_space<vmem>>, %arg15: memref<512xf32, #tpu.memory_space<vmem>>, %arg16: memref<!tpu.dma_semaphore, #tpu.memory_space<semaphore_mem>>) attributes {dimension_semantics = [#tpu.dimension_semantics<core_parallel>, #tpu.dimension_semantics<subcore_parallel>], iteration_bounds = array<i64: 2, 16>, scalar_prefetch = 0 : i64, scratch_operands = 8 : i64, tpu.core_type = #tpu.core_type<sc_vector_subcore>, window_params = [{transform_indices = #map}, {transform_indices = #map}, {transform_indices = #map}, {transform_indices = #map}, {transform_indices = #map}, {transform_indices = #map}, {transform_indices = #map}]} {
    %mul3A = arith.constant 2 : i32
    %mul3A_0 = arith.muli %arg1, %mul3A : i32
    %add3A = arith.addi %mul3A_0, %arg0 : i32
    %mul3A_1 = arith.constant 512 : i32
    %mul3A_2 = arith.muli %add3A, %mul3A_1 : i32
    "tpu.region"() ({
      %run_scoped3A = tpu.sem_alloc : memref<!tpu.dma_semaphore, #tpu.memory_space<semaphore_mem>>
      %dma_start3A_2513 = tpu.memref_slice %arg2[%mul3A_2] : memref<16384xi32, #tpu.memory_space<hbm>> -> memref<512xi32, #tpu.memory_space<hbm>>
      %dma_start3A_2514 = tpu.memref_slice %arg2[%mul3A_2] : memref<16384xi32, #tpu.memory_space<hbm>> -> memref<512xi32, #tpu.memory_space<hbm>>
      tpu.enqueue_dma source(%dma_start3A_2514 : memref<512xi32, #tpu.memory_space<hbm>>) target(%arg9 : memref<512xi32, #tpu.memory_space<vmem>>) target_semaphore(%run_scoped3A : memref<!tpu.dma_semaphore, #tpu.memory_space<semaphore_mem>>)
      %dma_wait3A_2515 = tpu.memref_slice %arg2[%mul3A_2] : memref<16384xi32, #tpu.memory_space<hbm>> -> memref<512xi32, #tpu.memory_space<hbm>>
      %dma_wait3A_2516 = tpu.memref_slice %arg2[%mul3A_2] : memref<16384xi32, #tpu.memory_space<hbm>> -> memref<512xi32, #tpu.memory_space<hbm>>
      tpu.wait_dma2 semaphore(%run_scoped3A : memref<!tpu.dma_semaphore, #tpu.memory_space<semaphore_mem>>) src(%dma_wait3A_2516 : memref<512xi32, #tpu.memory_space<hbm>>) dst(%arg9 : memref<512xi32, #tpu.memory_space<vmem>>)
      tpu.yield
    }) : () -> ()
    %dma_start3A = arith.constant 0 : i32
    %dma_start3A_3 = tpu.memref_slice %arg3[%dma_start3A] : memref<100352xf32, #tpu.memory_space<hbm>> -> memref<100352xf32, #tpu.memory_space<hbm>>
    tpu.enqueue_indirect_dma source(%dma_start3A_3 : memref<100352xf32, #tpu.memory_space<hbm>>) target(%arg10 : memref<512xf32, #tpu.memory_space<vmem>>) offsets(%arg9 : memref<512xi32, #tpu.memory_space<vmem>>) semaphore(%arg16 : memref<!tpu.dma_semaphore, #tpu.memory_space<semaphore_mem>>)
    %dma_start3A_4 = arith.constant 0 : i32
    %dma_start3A_5 = tpu.memref_slice %arg4[%dma_start3A_4] : memref<100352xf32, #tpu.memory_space<hbm>> -> memref<100352xf32, #tpu.memory_space<hbm>>
    tpu.enqueue_indirect_dma source(%dma_start3A_5 : memref<100352xf32, #tpu.memory_space<hbm>>) target(%arg11 : memref<512xf32, #tpu.memory_space<vmem>>) offsets(%arg9 : memref<512xi32, #tpu.memory_space<vmem>>) semaphore(%arg16 : memref<!tpu.dma_semaphore, #tpu.memory_space<semaphore_mem>>)
    %dma_start3A_6 = arith.constant 0 : i32
    %dma_start3A_7 = tpu.memref_slice %arg5[%dma_start3A_6] : memref<100352xf32, #tpu.memory_space<hbm>> -> memref<100352xf32, #tpu.memory_space<hbm>>
    tpu.enqueue_indirect_dma source(%dma_start3A_7 : memref<100352xf32, #tpu.memory_space<hbm>>) target(%arg12 : memref<512xf32, #tpu.memory_space<vmem>>) offsets(%arg9 : memref<512xi32, #tpu.memory_space<vmem>>) semaphore(%arg16 : memref<!tpu.dma_semaphore, #tpu.memory_space<semaphore_mem>>)
    %dma_wait3A = arith.constant 0 : i32
    %dma_wait3A_8 = tpu.memref_slice %arg3[%dma_wait3A] : memref<100352xf32, #tpu.memory_space<hbm>> -> memref<100352xf32, #tpu.memory_space<hbm>>
    tpu.wait_indirect_dma semaphore(%arg16 : memref<!tpu.dma_semaphore, #tpu.memory_space<semaphore_mem>>) src(%dma_wait3A_8 : memref<100352xf32, #tpu.memory_space<hbm>>) dst(%arg10 : memref<512xf32, #tpu.memory_space<vmem>>)
    %dma_wait3A_9 = arith.constant 0 : i32
    %dma_wait3A_10 = tpu.memref_slice %arg4[%dma_wait3A_9] : memref<100352xf32, #tpu.memory_space<hbm>> -> memref<100352xf32, #tpu.memory_space<hbm>>
    tpu.wait_indirect_dma semaphore(%arg16 : memref<!tpu.dma_semaphore, #tpu.memory_space<semaphore_mem>>) src(%dma_wait3A_10 : memref<100352xf32, #tpu.memory_space<hbm>>) dst(%arg11 : memref<512xf32, #tpu.memory_space<vmem>>)
    %dma_wait3A_11 = arith.constant 0 : i32
    %dma_wait3A_12 = tpu.memref_slice %arg5[%dma_wait3A_11] : memref<100352xf32, #tpu.memory_space<hbm>> -> memref<100352xf32, #tpu.memory_space<hbm>>
    tpu.wait_indirect_dma semaphore(%arg16 : memref<!tpu.dma_semaphore, #tpu.memory_space<semaphore_mem>>) src(%dma_wait3A_12 : memref<100352xf32, #tpu.memory_space<hbm>>) dst(%arg12 : memref<512xf32, #tpu.memory_space<vmem>>)
    %get3A = arith.constant 0 : index
    %get3A_13 = tpu.vector_load %arg10[%get3A] {strides = array<i32>} : memref<512xf32, #tpu.memory_space<vmem>>, vector<16xf32>,
    %get3A_14 = vector.shape_cast %get3A_13 : vector<16xf32> to vector<16xf32>
    %max3A = arith.constant 0.000000e+00 : f32
    %max3A_15 = vector.broadcast %max3A : f32 to vector<16xf32>
    %max3A_16 = arith.maximumf %get3A_14, %max3A_15 : vector<16xf32>
    %abs3A = math.absf %get3A_14 : vector<16xf32>
    %neg3A = arith.constant 0.000000e+00 : f32
    %neg3A_17 = vector.broadcast %neg3A : f32 to vector<16xf32>
    %neg3A_18 = arith.subf %neg3A_17, %abs3A : vector<16xf32>
    %exp3A = math.exp %neg3A_18 : vector<16xf32>
    %mul3A_19 = arith.constant -0.00857467576 : f32
    %mul3A_20 = vector.broadcast %mul3A_19 : f32 to vector<16xf32>
    %mul3A_21 = arith.mulf %mul3A_20, %exp3A : vector<16xf32>
    %add3A_22 = arith.constant 0.0442141928 : f32
    %add3A_23 = vector.broadcast %add3A_22 : f32 to vector<16xf32>
    %add3A_24 = arith.addf %mul3A_21, %add3A_23 : vector<16xf32>
    %mul3A_25 = arith.mulf %add3A_24, %exp3A : vector<16xf32>
    %add3A_26 = arith.constant -0.107853681 : f32
    %add3A_27 = vector.broadcast %add3A_26 : f32 to vector<16xf32>
    %add3A_28 = arith.addf %mul3A_25, %add3A_27 : vector<16xf32>
    %mul3A_29 = arith.mulf %add3A_28, %exp3A : vector<16xf32>
    %add3A_30 = arith.constant 0.177570239 : f32
    %add3A_31 = vector.broadcast %add3A_30 : f32 to vector<16xf32>
    %add3A_32 = arith.addf %mul3A_29, %add3A_31 : vector<16xf32>
    %mul3A_33 = arith.mulf %add3A_32, %exp3A : vector<16xf32>
    %add3A_34 = arith.constant -0.244996116 : f32
    %add3A_35 = vector.broadcast %add3A_34 : f32 to vector<16xf32>
    %add3A_36 = arith.addf %mul3A_33, %add3A_35 : vector<16xf32>
    %mul3A_37 = arith.mulf %add3A_36, %exp3A : vector<16xf32>
    %add3A_38 = arith.constant 0.332761765 : f32
    %add3A_39 = vector.broadcast %add3A_38 : f32 to vector<16xf32>
    %add3A_40 = arith.addf %mul3A_37, %add3A_39 : vector<16xf32>
    %mul3A_41 = arith.mulf %add3A_40, %exp3A : vector<16xf32>
    %add3A_42 = arith.constant -0.499974489 : f32
    %add3A_43 = vector.broadcast %add3A_42 : f32 to vector<16xf32>
    %add3A_44 = arith.addf %mul3A_41, %add3A_43 : vector<16xf32>
    %mul3A_45 = arith.mulf %add3A_44, %exp3A : vector<16xf32>
    %add3A_46 = arith.constant 0.999999821 : f32
    %add3A_47 = vector.broadcast %add3A_46 : f32 to vector<16xf32>
    %add3A_48 = arith.addf %mul3A_45, %add3A_47 : vector<16xf32>
    %mul3A_49 = arith.mulf %exp3A, %add3A_48 : vector<16xf32>
    %add3A_50 = arith.addf %max3A_16, %mul3A_49 : vector<16xf32>
    %mul3A_51 = arith.constant -1.730000e+00 : f32
    %mul3A_52 = vector.broadcast %mul3A_51 : f32 to vector<16xf32>
    %mul3A_53 = arith.mulf %mul3A_52, %add3A_50 : vector<16xf32>
    %swap3A = arith.constant 0 : index
    %swap3A_54 = tpu.vector_load %arg13[%swap3A] {strides = array<i32>} : memref<512xf32, #tpu.memory_space<vmem>>, vector<16xf32>,
    %swap3A_55 = vector.shape_cast %swap3A_54 : vector<16xf32> to vector<16xf32>
    %swap3A_56 = vector.shape_cast %mul3A_53 : vector<16xf32> to vector<16xf32>
    tpu.vector_store %arg13[%swap3A], %swap3A_56 {strides = array<i32>} : memref<512xf32, #tpu.memory_space<vmem>>, vector<16xf32>,
    %get3A_57 = arith.constant 0 : index
    %get3A_58 = tpu.vector_load %arg11[%get3A_57] {strides = array<i32>} : memref<512xf32, #tpu.memory_space<vmem>>, vector<16xf32>,
    %get3A_59 = vector.shape_cast %get3A_58 : vector<16xf32> to vector<16xf32>
    %mul3A_60 = arith.mulf %mul3A_53, %get3A_59 : vector<16xf32>
    %sub3A = arith.constant 9.99999993E-9 : f32
    %sub3A_61 = vector.broadcast %sub3A : f32 to vector<16xf32>
    %sub3A_62 = arith.subf %sub3A_61, %mul3A_60 : vector<16xf32>
    %swap3A_63 = arith.constant 0 : index
    %swap3A_64 = tpu.vector_load %arg14[%swap3A_63] {strides = array<i32>} : memref<512xf32, #tpu.memory_space<vmem>>, vector<16xf32>,
    %swap3A_65 = vector.shape_cast %swap3A_64 : vector<16xf32> to vector<16xf32>
    %swap3A_66 = vector.shape_cast %sub3A_62 : vector<16xf32> to vector<16xf32>
    tpu.vector_store %arg14[%swap3A_63], %swap3A_66 {strides = array<i32>} : memref<512xf32, #tpu.memory_space<vmem>>, vector<16xf32>,
    %get3A_67 = arith.constant 0 : index
    %get3A_68 = tpu.vector_load %arg12[%get3A_67] {strides = array<i32>} : memref<512xf32, #tpu.memory_space<vmem>>, vector<16xf32>,
    %get3A_69 = vector.shape_cast %get3A_68 : vector<16xf32> to vector<16xf32>
    %neg3A_70 = arith.constant 0.000000e+00 : f32
    %neg3A_71 = vector.broadcast %neg3A_70 : f32 to vector<16xf32>
    %neg3A_72 = arith.subf %neg3A_71, %get3A_69 : vector<16xf32>
    %exp3A_73 = math.exp %neg3A_72 : vector<16xf32>
    %add3A_74 = arith.constant 1.000000e+00 : f32
    %add3A_75 = vector.broadcast %add3A_74 : f32 to vector<16xf32>
    %add3A_76 = arith.addf %add3A_75, %exp3A_73 : vector<16xf32>
    %div3A = arith.constant 1.000000e+00 : f32
    %div3A_77 = vector.broadcast %div3A : f32 to vector<16xf32>
    %div3A_78 = arith.divf %div3A_77, %add3A_76 : vector<16xf32>
    %swap3A_79 = arith.constant 0 : index
    %swap3A_80 = tpu.vector_load %arg15[%swap3A_79] {strides = array<i32>} : memref<512xf32, #tpu.memory_space<vmem>>, vector<16xf32>,
    %swap3A_81 = vector.shape_cast %swap3A_80 : vector<16xf32> to vector<16xf32>
    %swap3A_82 = vector.shape_cast %div3A_78 : vector<16xf32> to vector<16xf32>
    tpu.vector_store %arg15[%swap3A_79], %swap3A_82 {strides = array<i32>} : memref<512xf32, #tpu.memory_space<vmem>>, vector<16xf32>,
    %get3A_83 = arith.constant 16 : index
    %get3A_84 = tpu.vector_load %arg10[%get3A_83] {strides = array<i32>} : memref<512xf32, #tpu.memory_space<vmem>>, vector<16xf32>,
    %get3A_85 = vector.shape_cast %get3A_84 : vector<16xf32> to vector<16xf32>
    %max3A_86 = arith.constant 0.000000e+00 : f32
    %max3A_87 = vector.broadcast %max3A_86 : f32 to vector<16xf32>
    %max3A_88 = arith.maximumf %get3A_85, %max3A_87 : vector<16xf32>
    %abs3A_89 = math.absf %get3A_85 : vector<16xf32>
    %neg3A_90 = arith.constant 0.000000e+00 : f32
    %neg3A_91 = vector.broadcast %neg3A_90 : f32 to vector<16xf32>
    %neg3A_92 = arith.subf %neg3A_91, %abs3A_89 : vector<16xf32>
    %exp3A_93 = math.exp %neg3A_92 : vector<16xf32>
    %mul3A_94 = arith.constant -0.00857467576 : f32
    %mul3A_95 = vector.broadcast %mul3A_94 : f32 to vector<16xf32>
    %mul3A_96 = arith.mulf %mul3A_95, %exp3A_93 : vector<16xf32>
    %add3A_97 = arith.constant 0.0442141928 : f32
    %add3A_98 = vector.broadcast %add3A_97 : f32 to vector<16xf32>
    %add3A_99 = arith.addf %mul3A_96, %add3A_98 : vector<16xf32>
    %mul3A_100 = arith.mulf %add3A_99, %exp3A_93 : vector<16xf32>
    %add3A_101 = arith.constant -0.107853681 : f32
    %add3A_102 = vector.broadcast %add3A_101 : f32 to vector<16xf32>
    %add3A_103 = arith.addf %mul3A_100, %add3A_102 : vector<16xf32>
    %mul3A_104 = arith.mulf %add3A_103, %exp3A_93 : vector<16xf32>
    %add3A_105 = arith.constant 0.177570239 : f32
    %add3A_106 = vector.broadcast %add3A_105 : f32 to vector<16xf32>
    %add3A_107 = arith.addf %mul3A_104, %add3A_106 : vector<16xf32>
    %mul3A_108 = arith.mulf %add3A_107, %exp3A_93 : vector<16xf32>
    %add3A_109 = arith.constant -0.244996116 : f32
    %add3A_110 = vector.broadcast %add3A_109 : f32 to vector<16xf32>
    %add3A_111 = arith.addf %mul3A_108, %add3A_110 : vector<16xf32>
    %mul3A_112 = arith.mulf %add3A_111, %exp3A_93 : vector<16xf32>
    %add3A_113 = arith.constant 0.332761765 : f32
    %add3A_114 = vector.broadcast %add3A_113 : f32 to vector<16xf32>
    %add3A_115 = arith.addf %mul3A_112, %add3A_114 : vector<16xf32>
    %mul3A_116 = arith.mulf %add3A_115, %exp3A_93 : vector<16xf32>
    %add3A_117 = arith.constant -0.499974489 : f32
    %add3A_118 = vector.broadcast %add3A_117 : f32 to vector<16xf32>
    %add3A_119 = arith.addf %mul3A_116, %add3A_118 : vector<16xf32>
    %mul3A_120 = arith.mulf %add3A_119, %exp3A_93 : vector<16xf32>
    %add3A_121 = arith.constant 0.999999821 : f32
    %add3A_122 = vector.broadcast %add3A_121 : f32 to vector<16xf32>
    %add3A_123 = arith.addf %mul3A_120, %add3A_122 : vector<16xf32>
    %mul3A_124 = arith.mulf %exp3A_93, %add3A_123 : vector<16xf32>
    %add3A_125 = arith.addf %max3A_88, %mul3A_124 : vector<16xf32>
    %mul3A_126 = arith.constant -1.730000e+00 : f32
    %mul3A_127 = vector.broadcast %mul3A_126 : f32 to vector<16xf32>
    %mul3A_128 = arith.mulf %mul3A_127, %add3A_125 : vector<16xf32>
    %swap3A_129 = arith.constant 16 : index
    %swap3A_130 = tpu.vector_load %arg13[%swap3A_129] {strides = array<i32>} : memref<512xf32, #tpu.memory_space<vmem>>, vector<16xf32>,
    %swap3A_131 = vector.shape_cast %swap3A_130 : vector<16xf32> to vector<16xf32>
    %swap3A_132 = vector.shape_cast %mul3A_128 : vector<16xf32> to vector<16xf32>
    tpu.vector_store %arg13[%swap3A_129], %swap3A_132 {strides = array<i32>} : memref<512xf32, #tpu.memory_space<vmem>>, vector<16xf32>,
    %get3A_133 = arith.constant 16 : index
    %get3A_134 = tpu.vector_load %arg11[%get3A_133] {strides = array<i32>} : memref<512xf32, #tpu.memory_space<vmem>>, vector<16xf32>,
    %get3A_135 = vector.shape_cast %get3A_134 : vector<16xf32> to vector<16xf32>
    %mul3A_136 = arith.mulf %mul3A_128, %get3A_135 : vector<16xf32>
    %sub3A_137 = arith.constant 9.99999993E-9 : f32
    %sub3A_138 = vector.broadcast %sub3A_137 : f32 to vector<16xf32>
    %sub3A_139 = arith.subf %sub3A_138, %mul3A_136 : vector<16xf32>
    %swap3A_140 = arith.constant 16 : index
    %swap3A_141 = tpu.vector_load %arg14[%swap3A_140] {strides = array<i32>} : memref<512xf32, #tpu.memory_space<vmem>>, vector<16xf32>,
    %swap3A_142 = vector.shape_cast %swap3A_141 : vector<16xf32> to vector<16xf32>
    %swap3A_143 = vector.shape_cast %sub3A_139 : vector<16xf32> to vector<16xf32>
    tpu.vector_store %arg14[%swap3A_140], %swap3A_143 {strides = array<i32>} : memref<512xf32, #tpu.memory_space<vmem>>, vector<16xf32>,
    %get3A_144 = arith.constant 16 : index
    %get3A_145 = tpu.vector_load %arg12[%get3A_144] {strides = array<i32>} : memref<512xf32, #tpu.memory_space<vmem>>, vector<16xf32>,
    %get3A_146 = vector.shape_cast %get3A_145 : vector<16xf32> to vector<16xf32>
    %neg3A_147 = arith.constant 0.000000e+00 : f32
    %neg3A_148 = vector.broadcast %neg3A_147 : f32 to vector<16xf32>
    %neg3A_149 = arith.subf %neg3A_148, %get3A_146 : vector<16xf32>
    %exp3A_150 = math.exp %neg3A_149 : vector<16xf32>
    %add3A_151 = arith.constant 1.000000e+00 : f32
    %add3A_152 = vector.broadcast %add3A_151 : f32 to vector<16xf32>
    %add3A_153 = arith.addf %add3A_152, %exp3A_150 : vector<16xf32>
    %div3A_154 = arith.constant 1.000000e+00 : f32
    %div3A_155 = vector.broadcast %div3A_154 : f32 to vector<16xf32>
    %div3A_156 = arith.divf %div3A_155, %add3A_153 : vector<16xf32>
    %swap3A_157 = arith.constant 16 : index
    %swap3A_158 = tpu.vector_load %arg15[%swap3A_157] {strides = array<i32>} : memref<512xf32, #tpu.memory_space<vmem>>, vector<16xf32>,
    %swap3A_159 = vector.shape_cast %swap3A_158 : vector<16xf32> to vector<16xf32>
    %swap3A_160 = vector.shape_cast %div3A_156 : vector<16xf32> to vector<16xf32>
    tpu.vector_store %arg15[%swap3A_157], %swap3A_160 {strides = array<i32>} : memref<512xf32, #tpu.memory_space<vmem>>, vector<16xf32>,
    %get3A_161 = arith.constant 32 : index
    %get3A_162 = tpu.vector_load %arg10[%get3A_161] {strides = array<i32>} : memref<512xf32, #tpu.memory_space<vmem>>, vector<16xf32>,
    %get3A_163 = vector.shape_cast %get3A_162 : vector<16xf32> to vector<16xf32>
    %max3A_164 = arith.constant 0.000000e+00 : f32
    %max3A_165 = vector.broadcast %max3A_164 : f32 to vector<16xf32>
    %max3A_166 = arith.maximumf %get3A_163, %max3A_165 : vector<16xf32>
    %abs3A_167 = math.absf %get3A_163 : vector<16xf32>
    %neg3A_168 = arith.constant 0.000000e+00 : f32
    %neg3A_169 = vector.broadcast %neg3A_168 : f32 to vector<16xf32>
    %neg3A_170 = arith.subf %neg3A_169, %abs3A_167 : vector<16xf32>
    %exp3A_171 = math.exp %neg3A_170 : vector<16xf32>
    %mul3A_172 = arith.constant -0.00857467576 : f32
    %mul3A_173 = vector.broadcast %mul3A_172 : f32 to vector<16xf32>
    %mul3A_174 = arith.mulf %mul3A_173, %exp3A_171 : vector<16xf32>
    %add3A_175 = arith.constant 0.0442141928 : f32
    %add3A_176 = vector.broadcast %add3A_175 : f32 to vector<16xf32>
    %add3A_177 = arith.addf %mul3A_174, %add3A_176 : vector<16xf32>
    %mul3A_178 = arith.mulf %add3A_177, %exp3A_171 : vector<16xf32>
    %add3A_179 = arith.constant -0.107853681 : f32
    %add3A_180 = vector.broadcast %add3A_179 : f32 to vector<16xf32>
    %add3A_181 = arith.addf %mul3A_178, %add3A_180 : vector<16xf32>
    %mul3A_182 = arith.mulf %add3A_181, %exp3A_171 : vector<16xf32>
    %add3A_183 = arith.constant 0.177570239 : f32
    %add3A_184 = vector.broadcast %add3A_183 : f32 to vector<16xf32>
    %add3A_185 = arith.addf %mul3A_182, %add3A_184 : vector<16xf32>
    %mul3A_186 = arith.mulf %add3A_185, %exp3A_171 : vector<16xf32>
    %add3A_187 = arith.constant -0.244996116 : f32
    %add3A_188 = vector.broadcast %add3A_187 : f32 to vector<16xf32>
    %add3A_189 = arith.addf %mul3A_186, %add3A_188 : vector<16xf32>
    %mul3A_190 = arith.mulf %add3A_189, %exp3A_171 : vector<16xf32>
    %add3A_191 = arith.constant 0.332761765 : f32
    %add3A_192 = vector.broadcast %add3A_191 : f32 to vector<16xf32>
    %add3A_193 = arith.addf %mul3A_190, %add3A_192 : vector<16xf32>
    %mul3A_194 = arith.mulf %add3A_193, %exp3A_171 : vector<16xf32>
    %add3A_195 = arith.constant -0.499974489 : f32
    %add3A_196 = vector.broadcast %add3A_195 : f32 to vector<16xf32>
    %add3A_197 = arith.addf %mul3A_194, %add3A_196 : vector<16xf32>
    %mul3A_198 = arith.mulf %add3A_197, %exp3A_171 : vector<16xf32>
    %add3A_199 = arith.constant 0.999999821 : f32
    %add3A_200 = vector.broadcast %add3A_199 : f32 to vector<16xf32>
    %add3A_201 = arith.addf %mul3A_198, %add3A_200 : vector<16xf32>
    %mul3A_202 = arith.mulf %exp3A_171, %add3A_201 : vector<16xf32>
    %add3A_203 = arith.addf %max3A_166, %mul3A_202 : vector<16xf32>
    %mul3A_204 = arith.constant -1.730000e+00 : f32
    %mul3A_205 = vector.broadcast %mul3A_204 : f32 to vector<16xf32>
    %mul3A_206 = arith.mulf %mul3A_205, %add3A_203 : vector<16xf32>
    %swap3A_207 = arith.constant 32 : index
    %swap3A_208 = tpu.vector_load %arg13[%swap3A_207] {strides = array<i32>} : memref<512xf32, #tpu.memory_space<vmem>>, vector<16xf32>,
    %swap3A_209 = vector.shape_cast %swap3A_208 : vector<16xf32> to vector<16xf32>
    %swap3A_210 = vector.shape_cast %mul3A_206 : vector<16xf32> to vector<16xf32>
    tpu.vector_store %arg13[%swap3A_207], %swap3A_210 {strides = array<i32>} : memref<512xf32, #tpu.memory_space<vmem>>, vector<16xf32>,
    %get3A_211 = arith.constant 32 : index
    %get3A_212 = tpu.vector_load %arg11[%get3A_211] {strides = array<i32>} : memref<512xf32, #tpu.memory_space<vmem>>, vector<16xf32>,
    %get3A_213 = vector.shape_cast %get3A_212 : vector<16xf32> to vector<16xf32>
    %mul3A_214 = arith.mulf %mul3A_206, %get3A_213 : vector<16xf32>
    %sub3A_215 = arith.constant 9.99999993E-9 : f32
    %sub3A_216 = vector.broadcast %sub3A_215 : f32 to vector<16xf32>
    %sub3A_217 = arith.subf %sub3A_216, %mul3A_214 : vector<16xf32>
    %swap3A_218 = arith.constant 32 : index
    %swap3A_219 = tpu.vector_load %arg14[%swap3A_218] {strides = array<i32>} : memref<512xf32, #tpu.memory_space<vmem>>, vector<16xf32>,
    %swap3A_220 = vector.shape_cast %swap3A_219 : vector<16xf32> to vector<16xf32>
    %swap3A_221 = vector.shape_cast %sub3A_217 : vector<16xf32> to vector<16xf32>
    tpu.vector_store %arg14[%swap3A_218], %swap3A_221 {strides = array<i32>} : memref<512xf32, #tpu.memory_space<vmem>>, vector<16xf32>,
    %get3A_222 = arith.constant 32 : index
    %get3A_223 = tpu.vector_load %arg12[%get3A_222] {strides = array<i32>} : memref<512xf32, #tpu.memory_space<vmem>>, vector<16xf32>,
    %get3A_224 = vector.shape_cast %get3A_223 : vector<16xf32> to vector<16xf32>
    %neg3A_225 = arith.constant 0.000000e+00 : f32
    %neg3A_226 = vector.broadcast %neg3A_225 : f32 to vector<16xf32>
    %neg3A_227 = arith.subf %neg3A_226, %get3A_224 : vector<16xf32>
    %exp3A_228 = math.exp %neg3A_227 : vector<16xf32>
    %add3A_229 = arith.constant 1.000000e+00 : f32
    %add3A_230 = vector.broadcast %add3A_229 : f32 to vector<16xf32>
    %add3A_231 = arith.addf %add3A_230, %exp3A_228 : vector<16xf32>
    %div3A_232 = arith.constant 1.000000e+00 : f32
    %div3A_233 = vector.broadcast %div3A_232 : f32 to vector<16xf32>
    %div3A_234 = arith.divf %div3A_233, %add3A_231 : vector<16xf32>
    %swap3A_235 = arith.constant 32 : index
    %swap3A_236 = tpu.vector_load %arg15[%swap3A_235] {strides = array<i32>} : memref<512xf32, #tpu.memory_space<vmem>>, vector<16xf32>,
    %swap3A_237 = vector.shape_cast %swap3A_236 : vector<16xf32> to vector<16xf32>
    %swap3A_238 = vector.shape_cast %div3A_234 : vector<16xf32> to vector<16xf32>
    tpu.vector_store %arg15[%swap3A_235], %swap3A_238 {strides = array<i32>} : memref<512xf32, #tpu.memory_space<vmem>>, vector<16xf32>,
    %get3A_239 = arith.constant 48 : index
    %get3A_240 = tpu.vector_load %arg10[%get3A_239] {strides = array<i32>} : memref<512xf32, #tpu.memory_space<vmem>>, vector<16xf32>,
    %get3A_241 = vector.shape_cast %get3A_240 : vector<16xf32> to vector<16xf32>
    %max3A_242 = arith.constant 0.000000e+00 : f32
    %max3A_243 = vector.broadcast %max3A_242 : f32 to vector<16xf32>
    %max3A_244 = arith.maximumf %get3A_241, %max3A_243 : vector<16xf32>
    %abs3A_245 = math.absf %get3A_241 : vector<16xf32>
    %neg3A_246 = arith.constant 0.000000e+00 : f32
    %neg3A_247 = vector.broadcast %neg3A_246 : f32 to vector<16xf32>
    %neg3A_248 = arith.subf %neg3A_247, %abs3A_245 : vector<16xf32>
    %exp3A_249 = math.exp %neg3A_248 : vector<16xf32>
    %mul3A_250 = arith.constant -0.00857467576 : f32
    %mul3A_251 = vector.broadcast %mul3A_250 : f32 to vector<16xf32>
    %mul3A_252 = arith.mulf %mul3A_251, %exp3A_249 : vector<16xf32>
    %add3A_253 = arith.constant 0.0442141928 : f32
    %add3A_254 = vector.broadcast %add3A_253 : f32 to vector<16xf32>
    %add3A_255 = arith.addf %mul3A_252, %add3A_254 : vector<16xf32>
    %mul3A_256 = arith.mulf %add3A_255, %exp3A_249 : vector<16xf32>
    %add3A_257 = arith.constant -0.107853681 : f32
    %add3A_258 = vector.broadcast %add3A_257 : f32 to vector<16xf32>
    %add3A_259 = arith.addf %mul3A_256, %add3A_258 : vector<16xf32>
    %mul3A_260 = arith.mulf %add3A_259, %exp3A_249 : vector<16xf32>
    %add3A_261 = arith.constant 0.177570239 : f32
    %add3A_262 = vector.broadcast %add3A_261 : f32 to vector<16xf32>
    %add3A_263 = arith.addf %mul3A_260, %add3A_262 : vector<16xf32>
    %mul3A_264 = arith.mulf %add3A_263, %exp3A_249 : vector<16xf32>
    %add3A_265 = arith.constant -0.244996116 : f32
    %add3A_266 = vector.broadcast %add3A_265 : f32 to vector<16xf32>
    %add3A_267 = arith.addf %mul3A_264, %add3A_266 : vector<16xf32>
    %mul3A_268 = arith.mulf %add3A_267, %exp3A_249 : vector<16xf32>
    %add3A_269 = arith.constant 0.332761765 : f32
    %add3A_270 = vector.broadcast %add3A_269 : f32 to vector<16xf32>
    %add3A_271 = arith.addf %mul3A_268, %add3A_270 : vector<16xf32>
    %mul3A_272 = arith.mulf %add3A_271, %exp3A_249 : vector<16xf32>
    %add3A_273 = arith.constant -0.499974489 : f32
    %add3A_274 = vector.broadcast %add3A_273 : f32 to vector<16xf32>
    %add3A_275 = arith.addf %mul3A_272, %add3A_274 : vector<16xf32>
    %mul3A_276 = arith.mulf %add3A_275, %exp3A_249 : vector<16xf32>
    %add3A_277 = arith.constant 0.999999821 : f32
    %add3A_278 = vector.broadcast %add3A_277 : f32 to vector<16xf32>
    %add3A_279 = arith.addf %mul3A_276, %add3A_278 : vector<16xf32>
    %mul3A_280 = arith.mulf %exp3A_249, %add3A_279 : vector<16xf32>
    %add3A_281 = arith.addf %max3A_244, %mul3A_280 : vector<16xf32>
    %mul3A_282 = arith.constant -1.730000e+00 : f32
    %mul3A_283 = vector.broadcast %mul3A_282 : f32 to vector<16xf32>
    %mul3A_284 = arith.mulf %mul3A_283, %add3A_281 : vector<16xf32>
    %swap3A_285 = arith.constant 48 : index
    %swap3A_286 = tpu.vector_load %arg13[%swap3A_285] {strides = array<i32>} : memref<512xf32, #tpu.memory_space<vmem>>, vector<16xf32>,
    %swap3A_287 = vector.shape_cast %swap3A_286 : vector<16xf32> to vector<16xf32>
    %swap3A_288 = vector.shape_cast %mul3A_284 : vector<16xf32> to vector<16xf32>
    tpu.vector_store %arg13[%swap3A_285], %swap3A_288 {strides = array<i32>} : memref<512xf32, #tpu.memory_space<vmem>>, vector<16xf32>,
    %get3A_289 = arith.constant 48 : index
    %get3A_290 = tpu.vector_load %arg11[%get3A_289] {strides = array<i32>} : memref<512xf32, #tpu.memory_space<vmem>>, vector<16xf32>,
    %get3A_291 = vector.shape_cast %get3A_290 : vector<16xf32> to vector<16xf32>
    %mul3A_292 = arith.mulf %mul3A_284, %get3A_291 : vector<16xf32>
    %sub3A_293 = arith.constant 9.99999993E-9 : f32
    %sub3A_294 = vector.broadcast %sub3A_293 : f32 to vector<16xf32>
    %sub3A_295 = arith.subf %sub3A_294, %mul3A_292 : vector<16xf32>
    %swap3A_296 = arith.constant 48 : index
    %swap3A_297 = tpu.vector_load %arg14[%swap3A_296] {strides = array<i32>} : memref<512xf32, #tpu.memory_space<vmem>>, vector<16xf32>,
    %swap3A_298 = vector.shape_cast %swap3A_297 : vector<16xf32> to vector<16xf32>
    %swap3A_299 = vector.shape_cast %sub3A_295 : vector<16xf32> to vector<16xf32>
    tpu.vector_store %arg14[%swap3A_296], %swap3A_299 {strides = array<i32>} : memref<512xf32, #tpu.memory_space<vmem>>, vector<16xf32>,
    %get3A_300 = arith.constant 48 : index
    %get3A_301 = tpu.vector_load %arg12[%get3A_300] {strides = array<i32>} : memref<512xf32, #tpu.memory_space<vmem>>, vector<16xf32>,
    %get3A_302 = vector.shape_cast %get3A_301 : vector<16xf32> to vector<16xf32>
    %neg3A_303 = arith.constant 0.000000e+00 : f32
    %neg3A_304 = vector.broadcast %neg3A_303 : f32 to vector<16xf32>
    %neg3A_305 = arith.subf %neg3A_304, %get3A_302 : vector<16xf32>
    %exp3A_306 = math.exp %neg3A_305 : vector<16xf32>
    %add3A_307 = arith.constant 1.000000e+00 : f32
    %add3A_308 = vector.broadcast %add3A_307 : f32 to vector<16xf32>
    %add3A_309 = arith.addf %add3A_308, %exp3A_306 : vector<16xf32>
    %div3A_310 = arith.constant 1.000000e+00 : f32
    %div3A_311 = vector.broadcast %div3A_310 : f32 to vector<16xf32>
    %div3A_312 = arith.divf %div3A_311, %add3A_309 : vector<16xf32>
    %swap3A_313 = arith.constant 48 : index
    %swap3A_314 = tpu.vector_load %arg15[%swap3A_313] {strides = array<i32>} : memref<512xf32, #tpu.memory_space<vmem>>, vector<16xf32>,
    %swap3A_315 = vector.shape_cast %swap3A_314 : vector<16xf32> to vector<16xf32>
    %swap3A_316 = vector.shape_cast %div3A_312 : vector<16xf32> to vector<16xf32>
    tpu.vector_store %arg15[%swap3A_313], %swap3A_316 {strides = array<i32>} : memref<512xf32, #tpu.memory_space<vmem>>, vector<16xf32>,
    %get3A_317 = arith.constant 64 : index
    %get3A_318 = tpu.vector_load %arg10[%get3A_317] {strides = array<i32>} : memref<512xf32, #tpu.memory_space<vmem>>, vector<16xf32>,
    %get3A_319 = vector.shape_cast %get3A_318 : vector<16xf32> to vector<16xf32>
    %max3A_320 = arith.constant 0.000000e+00 : f32
    %max3A_321 = vector.broadcast %max3A_320 : f32 to vector<16xf32>
    %max3A_322 = arith.maximumf %get3A_319, %max3A_321 : vector<16xf32>
    %abs3A_323 = math.absf %get3A_319 : vector<16xf32>
    %neg3A_324 = arith.constant 0.000000e+00 : f32
    %neg3A_325 = vector.broadcast %neg3A_324 : f32 to vector<16xf32>
    %neg3A_326 = arith.subf %neg3A_325, %abs3A_323 : vector<16xf32>
    %exp3A_327 = math.exp %neg3A_326 : vector<16xf32>
    %mul3A_328 = arith.constant -0.00857467576 : f32
    %mul3A_329 = vector.broadcast %mul3A_328 : f32 to vector<16xf32>
    %mul3A_330 = arith.mulf %mul3A_329, %exp3A_327 : vector<16xf32>
    %add3A_331 = arith.constant 0.0442141928 : f32
    %add3A_332 = vector.broadcast %add3A_331 : f32 to vector<16xf32>
    %add3A_333 = arith.addf %mul3A_330, %add3A_332 : vector<16xf32>
    %mul3A_334 = arith.mulf %add3A_333, %exp3A_327 : vector<16xf32>
    %add3A_335 = arith.constant -0.107853681 : f32
    %add3A_336 = vector.broadcast %add3A_335 : f32 to vector<16xf32>
    %add3A_337 = arith.addf %mul3A_334, %add3A_336 : vector<16xf32>
    %mul3A_338 = arith.mulf %add3A_337, %exp3A_327 : vector<16xf32>
    %add3A_339 = arith.constant 0.177570239 : f32
    %add3A_340 = vector.broadcast %add3A_339 : f32 to vector<16xf32>
    %add3A_341 = arith.addf %mul3A_338, %add3A_340 : vector<16xf32>
    %mul3A_342 = arith.mulf %add3A_341, %exp3A_327 : vector<16xf32>
    %add3A_343 = arith.constant -0.244996116 : f32
    %add3A_344 = vector.broadcast %add3A_343 : f32 to vector<16xf32>
    %add3A_345 = arith.addf %mul3A_342, %add3A_344 : vector<16xf32>
    %mul3A_346 = arith.mulf %add3A_345, %exp3A_327 : vector<16xf32>
    %add3A_347 = arith.constant 0.332761765 : f32
    %add3A_348 = vector.broadcast %add3A_347 : f32 to vector<16xf32>
    %add3A_349 = arith.addf %mul3A_346, %add3A_348 : vector<16xf32>
    %mul3A_350 = arith.mulf %add3A_349, %exp3A_327 : vector<16xf32>
    %add3A_351 = arith.constant -0.499974489 : f32
    %add3A_352 = vector.broadcast %add3A_351 : f32 to vector<16xf32>
    %add3A_353 = arith.addf %mul3A_350, %add3A_352 : vector<16xf32>
    %mul3A_354 = arith.mulf %add3A_353, %exp3A_327 : vector<16xf32>
    %add3A_355 = arith.constant 0.999999821 : f32
    %add3A_356 = vector.broadcast %add3A_355 : f32 to vector<16xf32>
    %add3A_357 = arith.addf %mul3A_354, %add3A_356 : vector<16xf32>
    %mul3A_358 = arith.mulf %exp3A_327, %add3A_357 : vector<16xf32>
    %add3A_359 = arith.addf %max3A_322, %mul3A_358 : vector<16xf32>
    %mul3A_360 = arith.constant -1.730000e+00 : f32
    %mul3A_361 = vector.broadcast %mul3A_360 : f32 to vector<16xf32>
    %mul3A_362 = arith.mulf %mul3A_361, %add3A_359 : vector<16xf32>
    %swap3A_363 = arith.constant 64 : index
    %swap3A_364 = tpu.vector_load %arg13[%swap3A_363] {strides = array<i32>} : memref<512xf32, #tpu.memory_space<vmem>>, vector<16xf32>,
    %swap3A_365 = vector.shape_cast %swap3A_364 : vector<16xf32> to vector<16xf32>
    %swap3A_366 = vector.shape_cast %mul3A_362 : vector<16xf32> to vector<16xf32>
    tpu.vector_store %arg13[%swap3A_363], %swap3A_366 {strides = array<i32>} : memref<512xf32, #tpu.memory_space<vmem>>, vector<16xf32>,
    %get3A_367 = arith.constant 64 : index
    %get3A_368 = tpu.vector_load %arg11[%get3A_367] {strides = array<i32>} : memref<512xf32, #tpu.memory_space<vmem>>, vector<16xf32>,
    %get3A_369 = vector.shape_cast %get3A_368 : vector<16xf32> to vector<16xf32>
    %mul3A_370 = arith.mulf %mul3A_362, %get3A_369 : vector<16xf32>
    %sub3A_371 = arith.constant 9.99999993E-9 : f32
    %sub3A_372 = vector.broadcast %sub3A_371 : f32 to vector<16xf32>
    %sub3A_373 = arith.subf %sub3A_372, %mul3A_370 : vector<16xf32>
    %swap3A_374 = arith.constant 64 : index
    %swap3A_375 = tpu.vector_load %arg14[%swap3A_374] {strides = array<i32>} : memref<512xf32, #tpu.memory_space<vmem>>, vector<16xf32>,
    %swap3A_376 = vector.shape_cast %swap3A_375 : vector<16xf32> to vector<16xf32>
    %swap3A_377 = vector.shape_cast %sub3A_373 : vector<16xf32> to vector<16xf32>
    tpu.vector_store %arg14[%swap3A_374], %swap3A_377 {strides = array<i32>} : memref<512xf32, #tpu.memory_space<vmem>>, vector<16xf32>,
    %get3A_378 = arith.constant 64 : index
    %get3A_379 = tpu.vector_load %arg12[%get3A_378] {strides = array<i32>} : memref<512xf32, #tpu.memory_space<vmem>>, vector<16xf32>,
    %get3A_380 = vector.shape_cast %get3A_379 : vector<16xf32> to vector<16xf32>
    %neg3A_381 = arith.constant 0.000000e+00 : f32
    %neg3A_382 = vector.broadcast %neg3A_381 : f32 to vector<16xf32>
    %neg3A_383 = arith.subf %neg3A_382, %get3A_380 : vector<16xf32>
    %exp3A_384 = math.exp %neg3A_383 : vector<16xf32>
    %add3A_385 = arith.constant 1.000000e+00 : f32
    %add3A_386 = vector.broadcast %add3A_385 : f32 to vector<16xf32>
    %add3A_387 = arith.addf %add3A_386, %exp3A_384 : vector<16xf32>
    %div3A_388 = arith.constant 1.000000e+00 : f32
    %div3A_389 = vector.broadcast %div3A_388 : f32 to vector<16xf32>
    %div3A_390 = arith.divf %div3A_389, %add3A_387 : vector<16xf32>
    %swap3A_391 = arith.constant 64 : index
    %swap3A_392 = tpu.vector_load %arg15[%swap3A_391] {strides = array<i32>} : memref<512xf32, #tpu.memory_space<vmem>>, vector<16xf32>,
    %swap3A_393 = vector.shape_cast %swap3A_392 : vector<16xf32> to vector<16xf32>
    %swap3A_394 = vector.shape_cast %div3A_390 : vector<16xf32> to vector<16xf32>
    tpu.vector_store %arg15[%swap3A_391], %swap3A_394 {strides = array<i32>} : memref<512xf32, #tpu.memory_space<vmem>>, vector<16xf32>,
    %get3A_395 = arith.constant 80 : index
    %get3A_396 = tpu.vector_load %arg10[%get3A_395] {strides = array<i32>} : memref<512xf32, #tpu.memory_space<vmem>>, vector<16xf32>,
    %get3A_397 = vector.shape_cast %get3A_396 : vector<16xf32> to vector<16xf32>
    %max3A_398 = arith.constant 0.000000e+00 : f32
    %max3A_399 = vector.broadcast %max3A_398 : f32 to vector<16xf32>
    %max3A_400 = arith.maximumf %get3A_397, %max3A_399 : vector<16xf32>
    %abs3A_401 = math.absf %get3A_397 : vector<16xf32>
    %neg3A_402 = arith.constant 0.000000e+00 : f32
    %neg3A_403 = vector.broadcast %neg3A_402 : f32 to vector<16xf32>
    %neg3A_404 = arith.subf %neg3A_403, %abs3A_401 : vector<16xf32>
    %exp3A_405 = math.exp %neg3A_404 : vector<16xf32>
    %mul3A_406 = arith.constant -0.00857467576 : f32
    %mul3A_407 = vector.broadcast %mul3A_406 : f32 to vector<16xf32>
    %mul3A_408 = arith.mulf %mul3A_407, %exp3A_405 : vector<16xf32>
    %add3A_409 = arith.constant 0.0442141928 : f32
    %add3A_410 = vector.broadcast %add3A_409 : f32 to vector<16xf32>
    %add3A_411 = arith.addf %mul3A_408, %add3A_410 : vector<16xf32>
    %mul3A_412 = arith.mulf %add3A_411, %exp3A_405 : vector<16xf32>
    %add3A_413 = arith.constant -0.107853681 : f32
    %add3A_414 = vector.broadcast %add3A_413 : f32 to vector<16xf32>
    %add3A_415 = arith.addf %mul3A_412, %add3A_414 : vector<16xf32>
    %mul3A_416 = arith.mulf %add3A_415, %exp3A_405 : vector<16xf32>
    %add3A_417 = arith.constant 0.177570239 : f32
    %add3A_418 = vector.broadcast %add3A_417 : f32 to vector<16xf32>
    %add3A_419 = arith.addf %mul3A_416, %add3A_418 : vector<16xf32>
    %mul3A_420 = arith.mulf %add3A_419, %exp3A_405 : vector<16xf32>
    %add3A_421 = arith.constant -0.244996116 : f32
    %add3A_422 = vector.broadcast %add3A_421 : f32 to vector<16xf32>
    %add3A_423 = arith.addf %mul3A_420, %add3A_422 : vector<16xf32>
    %mul3A_424 = arith.mulf %add3A_423, %exp3A_405 : vector<16xf32>
    %add3A_425 = arith.constant 0.332761765 : f32
    %add3A_426 = vector.broadcast %add3A_425 : f32 to vector<16xf32>
    %add3A_427 = arith.addf %mul3A_424, %add3A_426 : vector<16xf32>
    %mul3A_428 = arith.mulf %add3A_427, %exp3A_405 : vector<16xf32>
    %add3A_429 = arith.constant -0.499974489 : f32
    %add3A_430 = vector.broadcast %add3A_429 : f32 to vector<16xf32>
    %add3A_431 = arith.addf %mul3A_428, %add3A_430 : vector<16xf32>
    %mul3A_432 = arith.mulf %add3A_431, %exp3A_405 : vector<16xf32>
    %add3A_433 = arith.constant 0.999999821 : f32
    %add3A_434 = vector.broadcast %add3A_433 : f32 to vector<16xf32>
    %add3A_435 = arith.addf %mul3A_432, %add3A_434 : vector<16xf32>
    %mul3A_436 = arith.mulf %exp3A_405, %add3A_435 : vector<16xf32>
    %add3A_437 = arith.addf %max3A_400, %mul3A_436 : vector<16xf32>
    %mul3A_438 = arith.constant -1.730000e+00 : f32
    %mul3A_439 = vector.broadcast %mul3A_438 : f32 to vector<16xf32>
    %mul3A_440 = arith.mulf %mul3A_439, %add3A_437 : vector<16xf32>
    %swap3A_441 = arith.constant 80 : index
    %swap3A_442 = tpu.vector_load %arg13[%swap3A_441] {strides = array<i32>} : memref<512xf32, #tpu.memory_space<vmem>>, vector<16xf32>,
    %swap3A_443 = vector.shape_cast %swap3A_442 : vector<16xf32> to vector<16xf32>
    %swap3A_444 = vector.shape_cast %mul3A_440 : vector<16xf32> to vector<16xf32>
    tpu.vector_store %arg13[%swap3A_441], %swap3A_444 {strides = array<i32>} : memref<512xf32, #tpu.memory_space<vmem>>, vector<16xf32>,
    %get3A_445 = arith.constant 80 : index
    %get3A_446 = tpu.vector_load %arg11[%get3A_445] {strides = array<i32>} : memref<512xf32, #tpu.memory_space<vmem>>, vector<16xf32>,
    %get3A_447 = vector.shape_cast %get3A_446 : vector<16xf32> to vector<16xf32>
    %mul3A_448 = arith.mulf %mul3A_440, %get3A_447 : vector<16xf32>
    %sub3A_449 = arith.constant 9.99999993E-9 : f32
    %sub3A_450 = vector.broadcast %sub3A_449 : f32 to vector<16xf32>
    %sub3A_451 = arith.subf %sub3A_450, %mul3A_448 : vector<16xf32>
    %swap3A_452 = arith.constant 80 : index
    %swap3A_453 = tpu.vector_load %arg14[%swap3A_452] {strides = array<i32>} : memref<512xf32, #tpu.memory_space<vmem>>, vector<16xf32>,
    %swap3A_454 = vector.shape_cast %swap3A_453 : vector<16xf32> to vector<16xf32>
    %swap3A_455 = vector.shape_cast %sub3A_451 : vector<16xf32> to vector<16xf32>
    tpu.vector_store %arg14[%swap3A_452], %swap3A_455 {strides = array<i32>} : memref<512xf32, #tpu.memory_space<vmem>>, vector<16xf32>,
    %get3A_456 = arith.constant 80 : index
    %get3A_457 = tpu.vector_load %arg12[%get3A_456] {strides = array<i32>} : memref<512xf32, #tpu.memory_space<vmem>>, vector<16xf32>,
    %get3A_458 = vector.shape_cast %get3A_457 : vector<16xf32> to vector<16xf32>
    %neg3A_459 = arith.constant 0.000000e+00 : f32
    %neg3A_460 = vector.broadcast %neg3A_459 : f32 to vector<16xf32>
    %neg3A_461 = arith.subf %neg3A_460, %get3A_458 : vector<16xf32>
    %exp3A_462 = math.exp %neg3A_461 : vector<16xf32>
    %add3A_463 = arith.constant 1.000000e+00 : f32
    %add3A_464 = vector.broadcast %add3A_463 : f32 to vector<16xf32>
    %add3A_465 = arith.addf %add3A_464, %exp3A_462 : vector<16xf32>
    %div3A_466 = arith.constant 1.000000e+00 : f32
    %div3A_467 = vector.broadcast %div3A_466 : f32 to vector<16xf32>
    %div3A_468 = arith.divf %div3A_467, %add3A_465 : vector<16xf32>
    %swap3A_469 = arith.constant 80 : index
    %swap3A_470 = tpu.vector_load %arg15[%swap3A_469] {strides = array<i32>} : memref<512xf32, #tpu.memory_space<vmem>>, vector<16xf32>,
    %swap3A_471 = vector.shape_cast %swap3A_470 : vector<16xf32> to vector<16xf32>
    %swap3A_472 = vector.shape_cast %div3A_468 : vector<16xf32> to vector<16xf32>
    tpu.vector_store %arg15[%swap3A_469], %swap3A_472 {strides = array<i32>} : memref<512xf32, #tpu.memory_space<vmem>>, vector<16xf32>,
    %get3A_473 = arith.constant 96 : index
    %get3A_474 = tpu.vector_load %arg10[%get3A_473] {strides = array<i32>} : memref<512xf32, #tpu.memory_space<vmem>>, vector<16xf32>,
    %get3A_475 = vector.shape_cast %get3A_474 : vector<16xf32> to vector<16xf32>
    %max3A_476 = arith.constant 0.000000e+00 : f32
    %max3A_477 = vector.broadcast %max3A_476 : f32 to vector<16xf32>
    %max3A_478 = arith.maximumf %get3A_475, %max3A_477 : vector<16xf32>
    %abs3A_479 = math.absf %get3A_475 : vector<16xf32>
    %neg3A_480 = arith.constant 0.000000e+00 : f32
    %neg3A_481 = vector.broadcast %neg3A_480 : f32 to vector<16xf32>
    %neg3A_482 = arith.subf %neg3A_481, %abs3A_479 : vector<16xf32>
    %exp3A_483 = math.exp %neg3A_482 : vector<16xf32>
    %mul3A_484 = arith.constant -0.00857467576 : f32
    %mul3A_485 = vector.broadcast %mul3A_484 : f32 to vector<16xf32>
    %mul3A_486 = arith.mulf %mul3A_485, %exp3A_483 : vector<16xf32>
    %add3A_487 = arith.constant 0.0442141928 : f32
    %add3A_488 = vector.broadcast %add3A_487 : f32 to vector<16xf32>
    %add3A_489 = arith.addf %mul3A_486, %add3A_488 : vector<16xf32>
    %mul3A_490 = arith.mulf %add3A_489, %exp3A_483 : vector<16xf32>
    %add3A_491 = arith.constant -0.107853681 : f32
    %add3A_492 = vector.broadcast %add3A_491 : f32 to vector<16xf32>
    %add3A_493 = arith.addf %mul3A_490, %add3A_492 : vector<16xf32>
    %mul3A_494 = arith.mulf %add3A_493, %exp3A_483 : vector<16xf32>
    %add3A_495 = arith.constant 0.177570239 : f32
    %add3A_496 = vector.broadcast %add3A_495 : f32 to vector<16xf32>
    %add3A_497 = arith.addf %mul3A_494, %add3A_496 : vector<16xf32>
    %mul3A_498 = arith.mulf %add3A_497, %exp3A_483 : vector<16xf32>
    %add3A_499 = arith.constant -0.244996116 : f32
    %add3A_500 = vector.broadcast %add3A_499 : f32 to vector<16xf32>
    %add3A_501 = arith.addf %mul3A_498, %add3A_500 : vector<16xf32>
    %mul3A_502 = arith.mulf %add3A_501, %exp3A_483 : vector<16xf32>
    %add3A_503 = arith.constant 0.332761765 : f32
    %add3A_504 = vector.broadcast %add3A_503 : f32 to vector<16xf32>
    %add3A_505 = arith.addf %mul3A_502, %add3A_504 : vector<16xf32>
    %mul3A_506 = arith.mulf %add3A_505, %exp3A_483 : vector<16xf32>
    %add3A_507 = arith.constant -0.499974489 : f32
    %add3A_508 = vector.broadcast %add3A_507 : f32 to vector<16xf32>
    %add3A_509 = arith.addf %mul3A_506, %add3A_508 : vector<16xf32>
    %mul3A_510 = arith.mulf %add3A_509, %exp3A_483 : vector<16xf32>
    %add3A_511 = arith.constant 0.999999821 : f32
    %add3A_512 = vector.broadcast %add3A_511 : f32 to vector<16xf32>
    %add3A_513 = arith.addf %mul3A_510, %add3A_512 : vector<16xf32>
    %mul3A_514 = arith.mulf %exp3A_483, %add3A_513 : vector<16xf32>
    %add3A_515 = arith.addf %max3A_478, %mul3A_514 : vector<16xf32>
    %mul3A_516 = arith.constant -1.730000e+00 : f32
    %mul3A_517 = vector.broadcast %mul3A_516 : f32 to vector<16xf32>
    %mul3A_518 = arith.mulf %mul3A_517, %add3A_515 : vector<16xf32>
    %swap3A_519 = arith.constant 96 : index
    %swap3A_520 = tpu.vector_load %arg13[%swap3A_519] {strides = array<i32>} : memref<512xf32, #tpu.memory_space<vmem>>, vector<16xf32>,
    %swap3A_521 = vector.shape_cast %swap3A_520 : vector<16xf32> to vector<16xf32>
    %swap3A_522 = vector.shape_cast %mul3A_518 : vector<16xf32> to vector<16xf32>
    tpu.vector_store %arg13[%swap3A_519], %swap3A_522 {strides = array<i32>} : memref<512xf32, #tpu.memory_space<vmem>>, vector<16xf32>,
    %get3A_523 = arith.constant 96 : index
    %get3A_524 = tpu.vector_load %arg11[%get3A_523] {strides = array<i32>} : memref<512xf32, #tpu.memory_space<vmem>>, vector<16xf32>,
    %get3A_525 = vector.shape_cast %get3A_524 : vector<16xf32> to vector<16xf32>
    %mul3A_526 = arith.mulf %mul3A_518, %get3A_525 : vector<16xf32>
    %sub3A_527 = arith.constant 9.99999993E-9 : f32
    %sub3A_528 = vector.broadcast %sub3A_527 : f32 to vector<16xf32>
    %sub3A_529 = arith.subf %sub3A_528, %mul3A_526 : vector<16xf32>
    %swap3A_530 = arith.constant 96 : index
    %swap3A_531 = tpu.vector_load %arg14[%swap3A_530] {strides = array<i32>} : memref<512xf32, #tpu.memory_space<vmem>>, vector<16xf32>,
    %swap3A_532 = vector.shape_cast %swap3A_531 : vector<16xf32> to vector<16xf32>
    %swap3A_533 = vector.shape_cast %sub3A_529 : vector<16xf32> to vector<16xf32>
    tpu.vector_store %arg14[%swap3A_530], %swap3A_533 {strides = array<i32>} : memref<512xf32, #tpu.memory_space<vmem>>, vector<16xf32>,
    %get3A_534 = arith.constant 96 : index
    %get3A_535 = tpu.vector_load %arg12[%get3A_534] {strides = array<i32>} : memref<512xf32, #tpu.memory_space<vmem>>, vector<16xf32>,
    %get3A_536 = vector.shape_cast %get3A_535 : vector<16xf32> to vector<16xf32>
    %neg3A_537 = arith.constant 0.000000e+00 : f32
    %neg3A_538 = vector.broadcast %neg3A_537 : f32 to vector<16xf32>
    %neg3A_539 = arith.subf %neg3A_538, %get3A_536 : vector<16xf32>
    %exp3A_540 = math.exp %neg3A_539 : vector<16xf32>
    %add3A_541 = arith.constant 1.000000e+00 : f32
    %add3A_542 = vector.broadcast %add3A_541 : f32 to vector<16xf32>
    %add3A_543 = arith.addf %add3A_542, %exp3A_540 : vector<16xf32>
    %div3A_544 = arith.constant 1.000000e+00 : f32
    %div3A_545 = vector.broadcast %div3A_544 : f32 to vector<16xf32>
    %div3A_546 = arith.divf %div3A_545, %add3A_543 : vector<16xf32>
    %swap3A_547 = arith.constant 96 : index
    %swap3A_548 = tpu.vector_load %arg15[%swap3A_547] {strides = array<i32>} : memref<512xf32, #tpu.memory_space<vmem>>, vector<16xf32>,
    %swap3A_549 = vector.shape_cast %swap3A_548 : vector<16xf32> to vector<16xf32>
    %swap3A_550 = vector.shape_cast %div3A_546 : vector<16xf32> to vector<16xf32>
    tpu.vector_store %arg15[%swap3A_547], %swap3A_550 {strides = array<i32>} : memref<512xf32, #tpu.memory_space<vmem>>, vector<16xf32>,
    %get3A_551 = arith.constant 112 : index
    %get3A_552 = tpu.vector_load %arg10[%get3A_551] {strides = array<i32>} : memref<512xf32, #tpu.memory_space<vmem>>, vector<16xf32>,
    %get3A_553 = vector.shape_cast %get3A_552 : vector<16xf32> to vector<16xf32>
    %max3A_554 = arith.constant 0.000000e+00 : f32
    %max3A_555 = vector.broadcast %max3A_554 : f32 to vector<16xf32>
    %max3A_556 = arith.maximumf %get3A_553, %max3A_555 : vector<16xf32>
    %abs3A_557 = math.absf %get3A_553 : vector<16xf32>
    %neg3A_558 = arith.constant 0.000000e+00 : f32
    %neg3A_559 = vector.broadcast %neg3A_558 : f32 to vector<16xf32>
    %neg3A_560 = arith.subf %neg3A_559, %abs3A_557 : vector<16xf32>
    %exp3A_561 = math.exp %neg3A_560 : vector<16xf32>
    %mul3A_562 = arith.constant -0.00857467576 : f32
    %mul3A_563 = vector.broadcast %mul3A_562 : f32 to vector<16xf32>
    %mul3A_564 = arith.mulf %mul3A_563, %exp3A_561 : vector<16xf32>
    %add3A_565 = arith.constant 0.0442141928 : f32
    %add3A_566 = vector.broadcast %add3A_565 : f32 to vector<16xf32>
    %add3A_567 = arith.addf %mul3A_564, %add3A_566 : vector<16xf32>
    %mul3A_568 = arith.mulf %add3A_567, %exp3A_561 : vector<16xf32>
    %add3A_569 = arith.constant -0.107853681 : f32
    %add3A_570 = vector.broadcast %add3A_569 : f32 to vector<16xf32>
    %add3A_571 = arith.addf %mul3A_568, %add3A_570 : vector<16xf32>
    %mul3A_572 = arith.mulf %add3A_571, %exp3A_561 : vector<16xf32>
    %add3A_573 = arith.constant 0.177570239 : f32
    %add3A_574 = vector.broadcast %add3A_573 : f32 to vector<16xf32>
    %add3A_575 = arith.addf %mul3A_572, %add3A_574 : vector<16xf32>
    %mul3A_576 = arith.mulf %add3A_575, %exp3A_561 : vector<16xf32>
    %add3A_577 = arith.constant -0.244996116 : f32
    %add3A_578 = vector.broadcast %add3A_577 : f32 to vector<16xf32>
    %add3A_579 = arith.addf %mul3A_576, %add3A_578 : vector<16xf32>
    %mul3A_580 = arith.mulf %add3A_579, %exp3A_561 : vector<16xf32>
    %add3A_581 = arith.constant 0.332761765 : f32
    %add3A_582 = vector.broadcast %add3A_581 : f32 to vector<16xf32>
    %add3A_583 = arith.addf %mul3A_580, %add3A_582 : vector<16xf32>
    %mul3A_584 = arith.mulf %add3A_583, %exp3A_561 : vector<16xf32>
    %add3A_585 = arith.constant -0.499974489 : f32
    %add3A_586 = vector.broadcast %add3A_585 : f32 to vector<16xf32>
    %add3A_587 = arith.addf %mul3A_584, %add3A_586 : vector<16xf32>
    %mul3A_588 = arith.mulf %add3A_587, %exp3A_561 : vector<16xf32>
    %add3A_589 = arith.constant 0.999999821 : f32
    %add3A_590 = vector.broadcast %add3A_589 : f32 to vector<16xf32>
    %add3A_591 = arith.addf %mul3A_588, %add3A_590 : vector<16xf32>
    %mul3A_592 = arith.mulf %exp3A_561, %add3A_591 : vector<16xf32>
    %add3A_593 = arith.addf %max3A_556, %mul3A_592 : vector<16xf32>
    %mul3A_594 = arith.constant -1.730000e+00 : f32
    %mul3A_595 = vector.broadcast %mul3A_594 : f32 to vector<16xf32>
    %mul3A_596 = arith.mulf %mul3A_595, %add3A_593 : vector<16xf32>
    %swap3A_597 = arith.constant 112 : index
    %swap3A_598 = tpu.vector_load %arg13[%swap3A_597] {strides = array<i32>} : memref<512xf32, #tpu.memory_space<vmem>>, vector<16xf32>,
    %swap3A_599 = vector.shape_cast %swap3A_598 : vector<16xf32> to vector<16xf32>
    %swap3A_600 = vector.shape_cast %mul3A_596 : vector<16xf32> to vector<16xf32>
    tpu.vector_store %arg13[%swap3A_597], %swap3A_600 {strides = array<i32>} : memref<512xf32, #tpu.memory_space<vmem>>, vector<16xf32>,
    %get3A_601 = arith.constant 112 : index
    %get3A_602 = tpu.vector_load %arg11[%get3A_601] {strides = array<i32>} : memref<512xf32, #tpu.memory_space<vmem>>, vector<16xf32>,
    %get3A_603 = vector.shape_cast %get3A_602 : vector<16xf32> to vector<16xf32>
    %mul3A_604 = arith.mulf %mul3A_596, %get3A_603 : vector<16xf32>
    %sub3A_605 = arith.constant 9.99999993E-9 : f32
    %sub3A_606 = vector.broadcast %sub3A_605 : f32 to vector<16xf32>
    %sub3A_607 = arith.subf %sub3A_606, %mul3A_604 : vector<16xf32>
    %swap3A_608 = arith.constant 112 : index
    %swap3A_609 = tpu.vector_load %arg14[%swap3A_608] {strides = array<i32>} : memref<512xf32, #tpu.memory_space<vmem>>, vector<16xf32>,
    %swap3A_610 = vector.shape_cast %swap3A_609 : vector<16xf32> to vector<16xf32>
    %swap3A_611 = vector.shape_cast %sub3A_607 : vector<16xf32> to vector<16xf32>
    tpu.vector_store %arg14[%swap3A_608], %swap3A_611 {strides = array<i32>} : memref<512xf32, #tpu.memory_space<vmem>>, vector<16xf32>,
    %get3A_612 = arith.constant 112 : index
    %get3A_613 = tpu.vector_load %arg12[%get3A_612] {strides = array<i32>} : memref<512xf32, #tpu.memory_space<vmem>>, vector<16xf32>,
    %get3A_614 = vector.shape_cast %get3A_613 : vector<16xf32> to vector<16xf32>
    %neg3A_615 = arith.constant 0.000000e+00 : f32
    %neg3A_616 = vector.broadcast %neg3A_615 : f32 to vector<16xf32>
    %neg3A_617 = arith.subf %neg3A_616, %get3A_614 : vector<16xf32>
    %exp3A_618 = math.exp %neg3A_617 : vector<16xf32>
    %add3A_619 = arith.constant 1.000000e+00 : f32
    %add3A_620 = vector.broadcast %add3A_619 : f32 to vector<16xf32>
    %add3A_621 = arith.addf %add3A_620, %exp3A_618 : vector<16xf32>
    %div3A_622 = arith.constant 1.000000e+00 : f32
    %div3A_623 = vector.broadcast %div3A_622 : f32 to vector<16xf32>
    %div3A_624 = arith.divf %div3A_623, %add3A_621 : vector<16xf32>
    %swap3A_625 = arith.constant 112 : index
    %swap3A_626 = tpu.vector_load %arg15[%swap3A_625] {strides = array<i32>} : memref<512xf32, #tpu.memory_space<vmem>>, vector<16xf32>,
    %swap3A_627 = vector.shape_cast %swap3A_626 : vector<16xf32> to vector<16xf32>
    %swap3A_628 = vector.shape_cast %div3A_624 : vector<16xf32> to vector<16xf32>
    tpu.vector_store %arg15[%swap3A_625], %swap3A_628 {strides = array<i32>} : memref<512xf32, #tpu.memory_space<vmem>>, vector<16xf32>,
    %get3A_629 = arith.constant 128 : index
    %get3A_630 = tpu.vector_load %arg10[%get3A_629] {strides = array<i32>} : memref<512xf32, #tpu.memory_space<vmem>>, vector<16xf32>,
    %get3A_631 = vector.shape_cast %get3A_630 : vector<16xf32> to vector<16xf32>
    %max3A_632 = arith.constant 0.000000e+00 : f32
    %max3A_633 = vector.broadcast %max3A_632 : f32 to vector<16xf32>
    %max3A_634 = arith.maximumf %get3A_631, %max3A_633 : vector<16xf32>
    %abs3A_635 = math.absf %get3A_631 : vector<16xf32>
    %neg3A_636 = arith.constant 0.000000e+00 : f32
    %neg3A_637 = vector.broadcast %neg3A_636 : f32 to vector<16xf32>
    %neg3A_638 = arith.subf %neg3A_637, %abs3A_635 : vector<16xf32>
    %exp3A_639 = math.exp %neg3A_638 : vector<16xf32>
    %mul3A_640 = arith.constant -0.00857467576 : f32
    %mul3A_641 = vector.broadcast %mul3A_640 : f32 to vector<16xf32>
    %mul3A_642 = arith.mulf %mul3A_641, %exp3A_639 : vector<16xf32>
    %add3A_643 = arith.constant 0.0442141928 : f32
    %add3A_644 = vector.broadcast %add3A_643 : f32 to vector<16xf32>
    %add3A_645 = arith.addf %mul3A_642, %add3A_644 : vector<16xf32>
    %mul3A_646 = arith.mulf %add3A_645, %exp3A_639 : vector<16xf32>
    %add3A_647 = arith.constant -0.107853681 : f32
    %add3A_648 = vector.broadcast %add3A_647 : f32 to vector<16xf32>
    %add3A_649 = arith.addf %mul3A_646, %add3A_648 : vector<16xf32>
    %mul3A_650 = arith.mulf %add3A_649, %exp3A_639 : vector<16xf32>
    %add3A_651 = arith.constant 0.177570239 : f32
    %add3A_652 = vector.broadcast %add3A_651 : f32 to vector<16xf32>
    %add3A_653 = arith.addf %mul3A_650, %add3A_652 : vector<16xf32>
    %mul3A_654 = arith.mulf %add3A_653, %exp3A_639 : vector<16xf32>
    %add3A_655 = arith.constant -0.244996116 : f32
    %add3A_656 = vector.broadcast %add3A_655 : f32 to vector<16xf32>
    %add3A_657 = arith.addf %mul3A_654, %add3A_656 : vector<16xf32>
    %mul3A_658 = arith.mulf %add3A_657, %exp3A_639 : vector<16xf32>
    %add3A_659 = arith.constant 0.332761765 : f32
    %add3A_660 = vector.broadcast %add3A_659 : f32 to vector<16xf32>
    %add3A_661 = arith.addf %mul3A_658, %add3A_660 : vector<16xf32>
    %mul3A_662 = arith.mulf %add3A_661, %exp3A_639 : vector<16xf32>
    %add3A_663 = arith.constant -0.499974489 : f32
    %add3A_664 = vector.broadcast %add3A_663 : f32 to vector<16xf32>
    %add3A_665 = arith.addf %mul3A_662, %add3A_664 : vector<16xf32>
    %mul3A_666 = arith.mulf %add3A_665, %exp3A_639 : vector<16xf32>
    %add3A_667 = arith.constant 0.999999821 : f32
    %add3A_668 = vector.broadcast %add3A_667 : f32 to vector<16xf32>
    %add3A_669 = arith.addf %mul3A_666, %add3A_668 : vector<16xf32>
    %mul3A_670 = arith.mulf %exp3A_639, %add3A_669 : vector<16xf32>
    %add3A_671 = arith.addf %max3A_634, %mul3A_670 : vector<16xf32>
    %mul3A_672 = arith.constant -1.730000e+00 : f32
    %mul3A_673 = vector.broadcast %mul3A_672 : f32 to vector<16xf32>
    %mul3A_674 = arith.mulf %mul3A_673, %add3A_671 : vector<16xf32>
    %swap3A_675 = arith.constant 128 : index
    %swap3A_676 = tpu.vector_load %arg13[%swap3A_675] {strides = array<i32>} : memref<512xf32, #tpu.memory_space<vmem>>, vector<16xf32>,
    %swap3A_677 = vector.shape_cast %swap3A_676 : vector<16xf32> to vector<16xf32>
    %swap3A_678 = vector.shape_cast %mul3A_674 : vector<16xf32> to vector<16xf32>
    tpu.vector_store %arg13[%swap3A_675], %swap3A_678 {strides = array<i32>} : memref<512xf32, #tpu.memory_space<vmem>>, vector<16xf32>,
    %get3A_679 = arith.constant 128 : index
    %get3A_680 = tpu.vector_load %arg11[%get3A_679] {strides = array<i32>} : memref<512xf32, #tpu.memory_space<vmem>>, vector<16xf32>,
    %get3A_681 = vector.shape_cast %get3A_680 : vector<16xf32> to vector<16xf32>
    %mul3A_682 = arith.mulf %mul3A_674, %get3A_681 : vector<16xf32>
    %sub3A_683 = arith.constant 9.99999993E-9 : f32
    %sub3A_684 = vector.broadcast %sub3A_683 : f32 to vector<16xf32>
    %sub3A_685 = arith.subf %sub3A_684, %mul3A_682 : vector<16xf32>
    %swap3A_686 = arith.constant 128 : index
    %swap3A_687 = tpu.vector_load %arg14[%swap3A_686] {strides = array<i32>} : memref<512xf32, #tpu.memory_space<vmem>>, vector<16xf32>,
    %swap3A_688 = vector.shape_cast %swap3A_687 : vector<16xf32> to vector<16xf32>
    %swap3A_689 = vector.shape_cast %sub3A_685 : vector<16xf32> to vector<16xf32>
    tpu.vector_store %arg14[%swap3A_686], %swap3A_689 {strides = array<i32>} : memref<512xf32, #tpu.memory_space<vmem>>, vector<16xf32>,
    %get3A_690 = arith.constant 128 : index
    %get3A_691 = tpu.vector_load %arg12[%get3A_690] {strides = array<i32>} : memref<512xf32, #tpu.memory_space<vmem>>, vector<16xf32>,
    %get3A_692 = vector.shape_cast %get3A_691 : vector<16xf32> to vector<16xf32>
    %neg3A_693 = arith.constant 0.000000e+00 : f32
    %neg3A_694 = vector.broadcast %neg3A_693 : f32 to vector<16xf32>
    %neg3A_695 = arith.subf %neg3A_694, %get3A_692 : vector<16xf32>
    %exp3A_696 = math.exp %neg3A_695 : vector<16xf32>
    %add3A_697 = arith.constant 1.000000e+00 : f32
    %add3A_698 = vector.broadcast %add3A_697 : f32 to vector<16xf32>
    %add3A_699 = arith.addf %add3A_698, %exp3A_696 : vector<16xf32>
    %div3A_700 = arith.constant 1.000000e+00 : f32
    %div3A_701 = vector.broadcast %div3A_700 : f32 to vector<16xf32>
    %div3A_702 = arith.divf %div3A_701, %add3A_699 : vector<16xf32>
    %swap3A_703 = arith.constant 128 : index
    %swap3A_704 = tpu.vector_load %arg15[%swap3A_703] {strides = array<i32>} : memref<512xf32, #tpu.memory_space<vmem>>, vector<16xf32>,
    %swap3A_705 = vector.shape_cast %swap3A_704 : vector<16xf32> to vector<16xf32>
    %swap3A_706 = vector.shape_cast %div3A_702 : vector<16xf32> to vector<16xf32>
    tpu.vector_store %arg15[%swap3A_703], %swap3A_706 {strides = array<i32>} : memref<512xf32, #tpu.memory_space<vmem>>, vector<16xf32>,
    %get3A_707 = arith.constant 144 : index
    %get3A_708 = tpu.vector_load %arg10[%get3A_707] {strides = array<i32>} : memref<512xf32, #tpu.memory_space<vmem>>, vector<16xf32>,
    %get3A_709 = vector.shape_cast %get3A_708 : vector<16xf32> to vector<16xf32>
    %max3A_710 = arith.constant 0.000000e+00 : f32
    %max3A_711 = vector.broadcast %max3A_710 : f32 to vector<16xf32>
    %max3A_712 = arith.maximumf %get3A_709, %max3A_711 : vector<16xf32>
    %abs3A_713 = math.absf %get3A_709 : vector<16xf32>
    %neg3A_714 = arith.constant 0.000000e+00 : f32
    %neg3A_715 = vector.broadcast %neg3A_714 : f32 to vector<16xf32>
    %neg3A_716 = arith.subf %neg3A_715, %abs3A_713 : vector<16xf32>
    %exp3A_717 = math.exp %neg3A_716 : vector<16xf32>
    %mul3A_718 = arith.constant -0.00857467576 : f32
    %mul3A_719 = vector.broadcast %mul3A_718 : f32 to vector<16xf32>
    %mul3A_720 = arith.mulf %mul3A_719, %exp3A_717 : vector<16xf32>
    %add3A_721 = arith.constant 0.0442141928 : f32
    %add3A_722 = vector.broadcast %add3A_721 : f32 to vector<16xf32>
    %add3A_723 = arith.addf %mul3A_720, %add3A_722 : vector<16xf32>
    %mul3A_724 = arith.mulf %add3A_723, %exp3A_717 : vector<16xf32>
    %add3A_725 = arith.constant -0.107853681 : f32
    %add3A_726 = vector.broadcast %add3A_725 : f32 to vector<16xf32>
    %add3A_727 = arith.addf %mul3A_724, %add3A_726 : vector<16xf32>
    %mul3A_728 = arith.mulf %add3A_727, %exp3A_717 : vector<16xf32>
    %add3A_729 = arith.constant 0.177570239 : f32
    %add3A_730 = vector.broadcast %add3A_729 : f32 to vector<16xf32>
    %add3A_731 = arith.addf %mul3A_728, %add3A_730 : vector<16xf32>
    %mul3A_732 = arith.mulf %add3A_731, %exp3A_717 : vector<16xf32>
    %add3A_733 = arith.constant -0.244996116 : f32
    %add3A_734 = vector.broadcast %add3A_733 : f32 to vector<16xf32>
    %add3A_735 = arith.addf %mul3A_732, %add3A_734 : vector<16xf32>
    %mul3A_736 = arith.mulf %add3A_735, %exp3A_717 : vector<16xf32>
    %add3A_737 = arith.constant 0.332761765 : f32
    %add3A_738 = vector.broadcast %add3A_737 : f32 to vector<16xf32>
    %add3A_739 = arith.addf %mul3A_736, %add3A_738 : vector<16xf32>
    %mul3A_740 = arith.mulf %add3A_739, %exp3A_717 : vector<16xf32>
    %add3A_741 = arith.constant -0.499974489 : f32
    %add3A_742 = vector.broadcast %add3A_741 : f32 to vector<16xf32>
    %add3A_743 = arith.addf %mul3A_740, %add3A_742 : vector<16xf32>
    %mul3A_744 = arith.mulf %add3A_743, %exp3A_717 : vector<16xf32>
    %add3A_745 = arith.constant 0.999999821 : f32
    %add3A_746 = vector.broadcast %add3A_745 : f32 to vector<16xf32>
    %add3A_747 = arith.addf %mul3A_744, %add3A_746 : vector<16xf32>
    %mul3A_748 = arith.mulf %exp3A_717, %add3A_747 : vector<16xf32>
    %add3A_749 = arith.addf %max3A_712, %mul3A_748 : vector<16xf32>
    %mul3A_750 = arith.constant -1.730000e+00 : f32
    %mul3A_751 = vector.broadcast %mul3A_750 : f32 to vector<16xf32>
    %mul3A_752 = arith.mulf %mul3A_751, %add3A_749 : vector<16xf32>
    %swap3A_753 = arith.constant 144 : index
    %swap3A_754 = tpu.vector_load %arg13[%swap3A_753] {strides = array<i32>} : memref<512xf32, #tpu.memory_space<vmem>>, vector<16xf32>,
    %swap3A_755 = vector.shape_cast %swap3A_754 : vector<16xf32> to vector<16xf32>
    %swap3A_756 = vector.shape_cast %mul3A_752 : vector<16xf32> to vector<16xf32>
    tpu.vector_store %arg13[%swap3A_753], %swap3A_756 {strides = array<i32>} : memref<512xf32, #tpu.memory_space<vmem>>, vector<16xf32>,
    %get3A_757 = arith.constant 144 : index
    %get3A_758 = tpu.vector_load %arg11[%get3A_757] {strides = array<i32>} : memref<512xf32, #tpu.memory_space<vmem>>, vector<16xf32>,
    %get3A_759 = vector.shape_cast %get3A_758 : vector<16xf32> to vector<16xf32>
    %mul3A_760 = arith.mulf %mul3A_752, %get3A_759 : vector<16xf32>
    %sub3A_761 = arith.constant 9.99999993E-9 : f32
    %sub3A_762 = vector.broadcast %sub3A_761 : f32 to vector<16xf32>
    %sub3A_763 = arith.subf %sub3A_762, %mul3A_760 : vector<16xf32>
    %swap3A_764 = arith.constant 144 : index
    %swap3A_765 = tpu.vector_load %arg14[%swap3A_764] {strides = array<i32>} : memref<512xf32, #tpu.memory_space<vmem>>, vector<16xf32>,
    %swap3A_766 = vector.shape_cast %swap3A_765 : vector<16xf32> to vector<16xf32>
    %swap3A_767 = vector.shape_cast %sub3A_763 : vector<16xf32> to vector<16xf32>
    tpu.vector_store %arg14[%swap3A_764], %swap3A_767 {strides = array<i32>} : memref<512xf32, #tpu.memory_space<vmem>>, vector<16xf32>,
    %get3A_768 = arith.constant 144 : index
    %get3A_769 = tpu.vector_load %arg12[%get3A_768] {strides = array<i32>} : memref<512xf32, #tpu.memory_space<vmem>>, vector<16xf32>,
    %get3A_770 = vector.shape_cast %get3A_769 : vector<16xf32> to vector<16xf32>
    %neg3A_771 = arith.constant 0.000000e+00 : f32
    %neg3A_772 = vector.broadcast %neg3A_771 : f32 to vector<16xf32>
    %neg3A_773 = arith.subf %neg3A_772, %get3A_770 : vector<16xf32>
    %exp3A_774 = math.exp %neg3A_773 : vector<16xf32>
    %add3A_775 = arith.constant 1.000000e+00 : f32
    %add3A_776 = vector.broadcast %add3A_775 : f32 to vector<16xf32>
    %add3A_777 = arith.addf %add3A_776, %exp3A_774 : vector<16xf32>
    %div3A_778 = arith.constant 1.000000e+00 : f32
    %div3A_779 = vector.broadcast %div3A_778 : f32 to vector<16xf32>
    %div3A_780 = arith.divf %div3A_779, %add3A_777 : vector<16xf32>
    %swap3A_781 = arith.constant 144 : index
    %swap3A_782 = tpu.vector_load %arg15[%swap3A_781] {strides = array<i32>} : memref<512xf32, #tpu.memory_space<vmem>>, vector<16xf32>,
    %swap3A_783 = vector.shape_cast %swap3A_782 : vector<16xf32> to vector<16xf32>
    %swap3A_784 = vector.shape_cast %div3A_780 : vector<16xf32> to vector<16xf32>
    tpu.vector_store %arg15[%swap3A_781], %swap3A_784 {strides = array<i32>} : memref<512xf32, #tpu.memory_space<vmem>>, vector<16xf32>,
    %get3A_785 = arith.constant 160 : index
    %get3A_786 = tpu.vector_load %arg10[%get3A_785] {strides = array<i32>} : memref<512xf32, #tpu.memory_space<vmem>>, vector<16xf32>,
    %get3A_787 = vector.shape_cast %get3A_786 : vector<16xf32> to vector<16xf32>
    %max3A_788 = arith.constant 0.000000e+00 : f32
    %max3A_789 = vector.broadcast %max3A_788 : f32 to vector<16xf32>
    %max3A_790 = arith.maximumf %get3A_787, %max3A_789 : vector<16xf32>
    %abs3A_791 = math.absf %get3A_787 : vector<16xf32>
    %neg3A_792 = arith.constant 0.000000e+00 : f32
    %neg3A_793 = vector.broadcast %neg3A_792 : f32 to vector<16xf32>
    %neg3A_794 = arith.subf %neg3A_793, %abs3A_791 : vector<16xf32>
    %exp3A_795 = math.exp %neg3A_794 : vector<16xf32>
    %mul3A_796 = arith.constant -0.00857467576 : f32
    %mul3A_797 = vector.broadcast %mul3A_796 : f32 to vector<16xf32>
    %mul3A_798 = arith.mulf %mul3A_797, %exp3A_795 : vector<16xf32>
    %add3A_799 = arith.constant 0.0442141928 : f32
    %add3A_800 = vector.broadcast %add3A_799 : f32 to vector<16xf32>
    %add3A_801 = arith.addf %mul3A_798, %add3A_800 : vector<16xf32>
    %mul3A_802 = arith.mulf %add3A_801, %exp3A_795 : vector<16xf32>
    %add3A_803 = arith.constant -0.107853681 : f32
    %add3A_804 = vector.broadcast %add3A_803 : f32 to vector<16xf32>
    %add3A_805 = arith.addf %mul3A_802, %add3A_804 : vector<16xf32>
    %mul3A_806 = arith.mulf %add3A_805, %exp3A_795 : vector<16xf32>
    %add3A_807 = arith.constant 0.177570239 : f32
    %add3A_808 = vector.broadcast %add3A_807 : f32 to vector<16xf32>
    %add3A_809 = arith.addf %mul3A_806, %add3A_808 : vector<16xf32>
    %mul3A_810 = arith.mulf %add3A_809, %exp3A_795 : vector<16xf32>
    %add3A_811 = arith.constant -0.244996116 : f32
    %add3A_812 = vector.broadcast %add3A_811 : f32 to vector<16xf32>
    %add3A_813 = arith.addf %mul3A_810, %add3A_812 : vector<16xf32>
    %mul3A_814 = arith.mulf %add3A_813, %exp3A_795 : vector<16xf32>
    %add3A_815 = arith.constant 0.332761765 : f32
    %add3A_816 = vector.broadcast %add3A_815 : f32 to vector<16xf32>
    %add3A_817 = arith.addf %mul3A_814, %add3A_816 : vector<16xf32>
    %mul3A_818 = arith.mulf %add3A_817, %exp3A_795 : vector<16xf32>
    %add3A_819 = arith.constant -0.499974489 : f32
    %add3A_820 = vector.broadcast %add3A_819 : f32 to vector<16xf32>
    %add3A_821 = arith.addf %mul3A_818, %add3A_820 : vector<16xf32>
    %mul3A_822 = arith.mulf %add3A_821, %exp3A_795 : vector<16xf32>
    %add3A_823 = arith.constant 0.999999821 : f32
    %add3A_824 = vector.broadcast %add3A_823 : f32 to vector<16xf32>
    %add3A_825 = arith.addf %mul3A_822, %add3A_824 : vector<16xf32>
    %mul3A_826 = arith.mulf %exp3A_795, %add3A_825 : vector<16xf32>
    %add3A_827 = arith.addf %max3A_790, %mul3A_826 : vector<16xf32>
    %mul3A_828 = arith.constant -1.730000e+00 : f32
    %mul3A_829 = vector.broadcast %mul3A_828 : f32 to vector<16xf32>
    %mul3A_830 = arith.mulf %mul3A_829, %add3A_827 : vector<16xf32>
    %swap3A_831 = arith.constant 160 : index
    %swap3A_832 = tpu.vector_load %arg13[%swap3A_831] {strides = array<i32>} : memref<512xf32, #tpu.memory_space<vmem>>, vector<16xf32>,
    %swap3A_833 = vector.shape_cast %swap3A_832 : vector<16xf32> to vector<16xf32>
    %swap3A_834 = vector.shape_cast %mul3A_830 : vector<16xf32> to vector<16xf32>
    tpu.vector_store %arg13[%swap3A_831], %swap3A_834 {strides = array<i32>} : memref<512xf32, #tpu.memory_space<vmem>>, vector<16xf32>,
    %get3A_835 = arith.constant 160 : index
    %get3A_836 = tpu.vector_load %arg11[%get3A_835] {strides = array<i32>} : memref<512xf32, #tpu.memory_space<vmem>>, vector<16xf32>,
    %get3A_837 = vector.shape_cast %get3A_836 : vector<16xf32> to vector<16xf32>
    %mul3A_838 = arith.mulf %mul3A_830, %get3A_837 : vector<16xf32>
    %sub3A_839 = arith.constant 9.99999993E-9 : f32
    %sub3A_840 = vector.broadcast %sub3A_839 : f32 to vector<16xf32>
    %sub3A_841 = arith.subf %sub3A_840, %mul3A_838 : vector<16xf32>
    %swap3A_842 = arith.constant 160 : index
    %swap3A_843 = tpu.vector_load %arg14[%swap3A_842] {strides = array<i32>} : memref<512xf32, #tpu.memory_space<vmem>>, vector<16xf32>,
    %swap3A_844 = vector.shape_cast %swap3A_843 : vector<16xf32> to vector<16xf32>
    %swap3A_845 = vector.shape_cast %sub3A_841 : vector<16xf32> to vector<16xf32>
    tpu.vector_store %arg14[%swap3A_842], %swap3A_845 {strides = array<i32>} : memref<512xf32, #tpu.memory_space<vmem>>, vector<16xf32>,
    %get3A_846 = arith.constant 160 : index
    %get3A_847 = tpu.vector_load %arg12[%get3A_846] {strides = array<i32>} : memref<512xf32, #tpu.memory_space<vmem>>, vector<16xf32>,
    %get3A_848 = vector.shape_cast %get3A_847 : vector<16xf32> to vector<16xf32>
    %neg3A_849 = arith.constant 0.000000e+00 : f32
    %neg3A_850 = vector.broadcast %neg3A_849 : f32 to vector<16xf32>
    %neg3A_851 = arith.subf %neg3A_850, %get3A_848 : vector<16xf32>
    %exp3A_852 = math.exp %neg3A_851 : vector<16xf32>
    %add3A_853 = arith.constant 1.000000e+00 : f32
    %add3A_854 = vector.broadcast %add3A_853 : f32 to vector<16xf32>
    %add3A_855 = arith.addf %add3A_854, %exp3A_852 : vector<16xf32>
    %div3A_856 = arith.constant 1.000000e+00 : f32
    %div3A_857 = vector.broadcast %div3A_856 : f32 to vector<16xf32>
    %div3A_858 = arith.divf %div3A_857, %add3A_855 : vector<16xf32>
    %swap3A_859 = arith.constant 160 : index
    %swap3A_860 = tpu.vector_load %arg15[%swap3A_859] {strides = array<i32>} : memref<512xf32, #tpu.memory_space<vmem>>, vector<16xf32>,
    %swap3A_861 = vector.shape_cast %swap3A_860 : vector<16xf32> to vector<16xf32>
    %swap3A_862 = vector.shape_cast %div3A_858 : vector<16xf32> to vector<16xf32>
    tpu.vector_store %arg15[%swap3A_859], %swap3A_862 {strides = array<i32>} : memref<512xf32, #tpu.memory_space<vmem>>, vector<16xf32>,
    %get3A_863 = arith.constant 176 : index
    %get3A_864 = tpu.vector_load %arg10[%get3A_863] {strides = array<i32>} : memref<512xf32, #tpu.memory_space<vmem>>, vector<16xf32>,
    %get3A_865 = vector.shape_cast %get3A_864 : vector<16xf32> to vector<16xf32>
    %max3A_866 = arith.constant 0.000000e+00 : f32
    %max3A_867 = vector.broadcast %max3A_866 : f32 to vector<16xf32>
    %max3A_868 = arith.maximumf %get3A_865, %max3A_867 : vector<16xf32>
    %abs3A_869 = math.absf %get3A_865 : vector<16xf32>
    %neg3A_870 = arith.constant 0.000000e+00 : f32
    %neg3A_871 = vector.broadcast %neg3A_870 : f32 to vector<16xf32>
    %neg3A_872 = arith.subf %neg3A_871, %abs3A_869 : vector<16xf32>
    %exp3A_873 = math.exp %neg3A_872 : vector<16xf32>
    %mul3A_874 = arith.constant -0.00857467576 : f32
    %mul3A_875 = vector.broadcast %mul3A_874 : f32 to vector<16xf32>
    %mul3A_876 = arith.mulf %mul3A_875, %exp3A_873 : vector<16xf32>
    %add3A_877 = arith.constant 0.0442141928 : f32
    %add3A_878 = vector.broadcast %add3A_877 : f32 to vector<16xf32>
    %add3A_879 = arith.addf %mul3A_876, %add3A_878 : vector<16xf32>
    %mul3A_880 = arith.mulf %add3A_879, %exp3A_873 : vector<16xf32>
    %add3A_881 = arith.constant -0.107853681 : f32
    %add3A_882 = vector.broadcast %add3A_881 : f32 to vector<16xf32>
    %add3A_883 = arith.addf %mul3A_880, %add3A_882 : vector<16xf32>
    %mul3A_884 = arith.mulf %add3A_883, %exp3A_873 : vector<16xf32>
    %add3A_885 = arith.constant 0.177570239 : f32
    %add3A_886 = vector.broadcast %add3A_885 : f32 to vector<16xf32>
    %add3A_887 = arith.addf %mul3A_884, %add3A_886 : vector<16xf32>
    %mul3A_888 = arith.mulf %add3A_887, %exp3A_873 : vector<16xf32>
    %add3A_889 = arith.constant -0.244996116 : f32
    %add3A_890 = vector.broadcast %add3A_889 : f32 to vector<16xf32>
    %add3A_891 = arith.addf %mul3A_888, %add3A_890 : vector<16xf32>
    %mul3A_892 = arith.mulf %add3A_891, %exp3A_873 : vector<16xf32>
    %add3A_893 = arith.constant 0.332761765 : f32
    %add3A_894 = vector.broadcast %add3A_893 : f32 to vector<16xf32>
    %add3A_895 = arith.addf %mul3A_892, %add3A_894 : vector<16xf32>
    %mul3A_896 = arith.mulf %add3A_895, %exp3A_873 : vector<16xf32>
    %add3A_897 = arith.constant -0.499974489 : f32
    %add3A_898 = vector.broadcast %add3A_897 : f32 to vector<16xf32>
    %add3A_899 = arith.addf %mul3A_896, %add3A_898 : vector<16xf32>
    %mul3A_900 = arith.mulf %add3A_899, %exp3A_873 : vector<16xf32>
    %add3A_901 = arith.constant 0.999999821 : f32
    %add3A_902 = vector.broadcast %add3A_901 : f32 to vector<16xf32>
    %add3A_903 = arith.addf %mul3A_900, %add3A_902 : vector<16xf32>
    %mul3A_904 = arith.mulf %exp3A_873, %add3A_903 : vector<16xf32>
    %add3A_905 = arith.addf %max3A_868, %mul3A_904 : vector<16xf32>
    %mul3A_906 = arith.constant -1.730000e+00 : f32
    %mul3A_907 = vector.broadcast %mul3A_906 : f32 to vector<16xf32>
    %mul3A_908 = arith.mulf %mul3A_907, %add3A_905 : vector<16xf32>
    %swap3A_909 = arith.constant 176 : index
    %swap3A_910 = tpu.vector_load %arg13[%swap3A_909] {strides = array<i32>} : memref<512xf32, #tpu.memory_space<vmem>>, vector<16xf32>,
    %swap3A_911 = vector.shape_cast %swap3A_910 : vector<16xf32> to vector<16xf32>
    %swap3A_912 = vector.shape_cast %mul3A_908 : vector<16xf32> to vector<16xf32>
    tpu.vector_store %arg13[%swap3A_909], %swap3A_912 {strides = array<i32>} : memref<512xf32, #tpu.memory_space<vmem>>, vector<16xf32>,
    %get3A_913 = arith.constant 176 : index
    %get3A_914 = tpu.vector_load %arg11[%get3A_913] {strides = array<i32>} : memref<512xf32, #tpu.memory_space<vmem>>, vector<16xf32>,
    %get3A_915 = vector.shape_cast %get3A_914 : vector<16xf32> to vector<16xf32>
    %mul3A_916 = arith.mulf %mul3A_908, %get3A_915 : vector<16xf32>
    %sub3A_917 = arith.constant 9.99999993E-9 : f32
    %sub3A_918 = vector.broadcast %sub3A_917 : f32 to vector<16xf32>
    %sub3A_919 = arith.subf %sub3A_918, %mul3A_916 : vector<16xf32>
    %swap3A_920 = arith.constant 176 : index
    %swap3A_921 = tpu.vector_load %arg14[%swap3A_920] {strides = array<i32>} : memref<512xf32, #tpu.memory_space<vmem>>, vector<16xf32>,
    %swap3A_922 = vector.shape_cast %swap3A_921 : vector<16xf32> to vector<16xf32>
    %swap3A_923 = vector.shape_cast %sub3A_919 : vector<16xf32> to vector<16xf32>
    tpu.vector_store %arg14[%swap3A_920], %swap3A_923 {strides = array<i32>} : memref<512xf32, #tpu.memory_space<vmem>>, vector<16xf32>,
    %get3A_924 = arith.constant 176 : index
    %get3A_925 = tpu.vector_load %arg12[%get3A_924] {strides = array<i32>} : memref<512xf32, #tpu.memory_space<vmem>>, vector<16xf32>,
    %get3A_926 = vector.shape_cast %get3A_925 : vector<16xf32> to vector<16xf32>
    %neg3A_927 = arith.constant 0.000000e+00 : f32
    %neg3A_928 = vector.broadcast %neg3A_927 : f32 to vector<16xf32>
    %neg3A_929 = arith.subf %neg3A_928, %get3A_926 : vector<16xf32>
    %exp3A_930 = math.exp %neg3A_929 : vector<16xf32>
    %add3A_931 = arith.constant 1.000000e+00 : f32
    %add3A_932 = vector.broadcast %add3A_931 : f32 to vector<16xf32>
    %add3A_933 = arith.addf %add3A_932, %exp3A_930 : vector<16xf32>
    %div3A_934 = arith.constant 1.000000e+00 : f32
    %div3A_935 = vector.broadcast %div3A_934 : f32 to vector<16xf32>
    %div3A_936 = arith.divf %div3A_935, %add3A_933 : vector<16xf32>
    %swap3A_937 = arith.constant 176 : index
    %swap3A_938 = tpu.vector_load %arg15[%swap3A_937] {strides = array<i32>} : memref<512xf32, #tpu.memory_space<vmem>>, vector<16xf32>,
    %swap3A_939 = vector.shape_cast %swap3A_938 : vector<16xf32> to vector<16xf32>
    %swap3A_940 = vector.shape_cast %div3A_936 : vector<16xf32> to vector<16xf32>
    tpu.vector_store %arg15[%swap3A_937], %swap3A_940 {strides = array<i32>} : memref<512xf32, #tpu.memory_space<vmem>>, vector<16xf32>,
    %get3A_941 = arith.constant 192 : index
    %get3A_942 = tpu.vector_load %arg10[%get3A_941] {strides = array<i32>} : memref<512xf32, #tpu.memory_space<vmem>>, vector<16xf32>,
    %get3A_943 = vector.shape_cast %get3A_942 : vector<16xf32> to vector<16xf32>
    %max3A_944 = arith.constant 0.000000e+00 : f32
    %max3A_945 = vector.broadcast %max3A_944 : f32 to vector<16xf32>
    %max3A_946 = arith.maximumf %get3A_943, %max3A_945 : vector<16xf32>
    %abs3A_947 = math.absf %get3A_943 : vector<16xf32>
    %neg3A_948 = arith.constant 0.000000e+00 : f32
    %neg3A_949 = vector.broadcast %neg3A_948 : f32 to vector<16xf32>
    %neg3A_950 = arith.subf %neg3A_949, %abs3A_947 : vector<16xf32>
    %exp3A_951 = math.exp %neg3A_950 : vector<16xf32>
    %mul3A_952 = arith.constant -0.00857467576 : f32
    %mul3A_953 = vector.broadcast %mul3A_952 : f32 to vector<16xf32>
    %mul3A_954 = arith.mulf %mul3A_953, %exp3A_951 : vector<16xf32>
    %add3A_955 = arith.constant 0.0442141928 : f32
    %add3A_956 = vector.broadcast %add3A_955 : f32 to vector<16xf32>
    %add3A_957 = arith.addf %mul3A_954, %add3A_956 : vector<16xf32>
    %mul3A_958 = arith.mulf %add3A_957, %exp3A_951 : vector<16xf32>
    %add3A_959 = arith.constant -0.107853681 : f32
    %add3A_960 = vector.broadcast %add3A_959 : f32 to vector<16xf32>
    %add3A_961 = arith.addf %mul3A_958, %add3A_960 : vector<16xf32>
    %mul3A_962 = arith.mulf %add3A_961, %exp3A_951 : vector<16xf32>
    %add3A_963 = arith.constant 0.177570239 : f32
    %add3A_964 = vector.broadcast %add3A_963 : f32 to vector<16xf32>
    %add3A_965 = arith.addf %mul3A_962, %add3A_964 : vector<16xf32>
    %mul3A_966 = arith.mulf %add3A_965, %exp3A_951 : vector<16xf32>
    %add3A_967 = arith.constant -0.244996116 : f32
    %add3A_968 = vector.broadcast %add3A_967 : f32 to vector<16xf32>
    %add3A_969 = arith.addf %mul3A_966, %add3A_968 : vector<16xf32>
    %mul3A_970 = arith.mulf %add3A_969, %exp3A_951 : vector<16xf32>
    %add3A_971 = arith.constant 0.332761765 : f32
    %add3A_972 = vector.broadcast %add3A_971 : f32 to vector<16xf32>
    %add3A_973 = arith.addf %mul3A_970, %add3A_972 : vector<16xf32>
    %mul3A_974 = arith.mulf %add3A_973, %exp3A_951 : vector<16xf32>
    %add3A_975 = arith.constant -0.499974489 : f32
    %add3A_976 = vector.broadcast %add3A_975 : f32 to vector<16xf32>
    %add3A_977 = arith.addf %mul3A_974, %add3A_976 : vector<16xf32>
    %mul3A_978 = arith.mulf %add3A_977, %exp3A_951 : vector<16xf32>
    %add3A_979 = arith.constant 0.999999821 : f32
    %add3A_980 = vector.broadcast %add3A_979 : f32 to vector<16xf32>
    %add3A_981 = arith.addf %mul3A_978, %add3A_980 : vector<16xf32>
    %mul3A_982 = arith.mulf %exp3A_951, %add3A_981 : vector<16xf32>
    %add3A_983 = arith.addf %max3A_946, %mul3A_982 : vector<16xf32>
    %mul3A_984 = arith.constant -1.730000e+00 : f32
    %mul3A_985 = vector.broadcast %mul3A_984 : f32 to vector<16xf32>
    %mul3A_986 = arith.mulf %mul3A_985, %add3A_983 : vector<16xf32>
    %swap3A_987 = arith.constant 192 : index
    %swap3A_988 = tpu.vector_load %arg13[%swap3A_987] {strides = array<i32>} : memref<512xf32, #tpu.memory_space<vmem>>, vector<16xf32>,
    %swap3A_989 = vector.shape_cast %swap3A_988 : vector<16xf32> to vector<16xf32>
    %swap3A_990 = vector.shape_cast %mul3A_986 : vector<16xf32> to vector<16xf32>
    tpu.vector_store %arg13[%swap3A_987], %swap3A_990 {strides = array<i32>} : memref<512xf32, #tpu.memory_space<vmem>>, vector<16xf32>,
    %get3A_991 = arith.constant 192 : index
    %get3A_992 = tpu.vector_load %arg11[%get3A_991] {strides = array<i32>} : memref<512xf32, #tpu.memory_space<vmem>>, vector<16xf32>,
    %get3A_993 = vector.shape_cast %get3A_992 : vector<16xf32> to vector<16xf32>
    %mul3A_994 = arith.mulf %mul3A_986, %get3A_993 : vector<16xf32>
    %sub3A_995 = arith.constant 9.99999993E-9 : f32
    %sub3A_996 = vector.broadcast %sub3A_995 : f32 to vector<16xf32>
    %sub3A_997 = arith.subf %sub3A_996, %mul3A_994 : vector<16xf32>
    %swap3A_998 = arith.constant 192 : index
    %swap3A_999 = tpu.vector_load %arg14[%swap3A_998] {strides = array<i32>} : memref<512xf32, #tpu.memory_space<vmem>>, vector<16xf32>,
    %swap3A_1000 = vector.shape_cast %swap3A_999 : vector<16xf32> to vector<16xf32>
    %swap3A_1001 = vector.shape_cast %sub3A_997 : vector<16xf32> to vector<16xf32>
    tpu.vector_store %arg14[%swap3A_998], %swap3A_1001 {strides = array<i32>} : memref<512xf32, #tpu.memory_space<vmem>>, vector<16xf32>,
    %get3A_1002 = arith.constant 192 : index
    %get3A_1003 = tpu.vector_load %arg12[%get3A_1002] {strides = array<i32>} : memref<512xf32, #tpu.memory_space<vmem>>, vector<16xf32>,
    %get3A_1004 = vector.shape_cast %get3A_1003 : vector<16xf32> to vector<16xf32>
    %neg3A_1005 = arith.constant 0.000000e+00 : f32
    %neg3A_1006 = vector.broadcast %neg3A_1005 : f32 to vector<16xf32>
    %neg3A_1007 = arith.subf %neg3A_1006, %get3A_1004 : vector<16xf32>
    %exp3A_1008 = math.exp %neg3A_1007 : vector<16xf32>
    %add3A_1009 = arith.constant 1.000000e+00 : f32
    %add3A_1010 = vector.broadcast %add3A_1009 : f32 to vector<16xf32>
    %add3A_1011 = arith.addf %add3A_1010, %exp3A_1008 : vector<16xf32>
    %div3A_1012 = arith.constant 1.000000e+00 : f32
    %div3A_1013 = vector.broadcast %div3A_1012 : f32 to vector<16xf32>
    %div3A_1014 = arith.divf %div3A_1013, %add3A_1011 : vector<16xf32>
    %swap3A_1015 = arith.constant 192 : index
    %swap3A_1016 = tpu.vector_load %arg15[%swap3A_1015] {strides = array<i32>} : memref<512xf32, #tpu.memory_space<vmem>>, vector<16xf32>,
    %swap3A_1017 = vector.shape_cast %swap3A_1016 : vector<16xf32> to vector<16xf32>
    %swap3A_1018 = vector.shape_cast %div3A_1014 : vector<16xf32> to vector<16xf32>
    tpu.vector_store %arg15[%swap3A_1015], %swap3A_1018 {strides = array<i32>} : memref<512xf32, #tpu.memory_space<vmem>>, vector<16xf32>,
    %get3A_1019 = arith.constant 208 : index
    %get3A_1020 = tpu.vector_load %arg10[%get3A_1019] {strides = array<i32>} : memref<512xf32, #tpu.memory_space<vmem>>, vector<16xf32>,
    %get3A_1021 = vector.shape_cast %get3A_1020 : vector<16xf32> to vector<16xf32>
    %max3A_1022 = arith.constant 0.000000e+00 : f32
    %max3A_1023 = vector.broadcast %max3A_1022 : f32 to vector<16xf32>
    %max3A_1024 = arith.maximumf %get3A_1021, %max3A_1023 : vector<16xf32>
    %abs3A_1025 = math.absf %get3A_1021 : vector<16xf32>
    %neg3A_1026 = arith.constant 0.000000e+00 : f32
    %neg3A_1027 = vector.broadcast %neg3A_1026 : f32 to vector<16xf32>
    %neg3A_1028 = arith.subf %neg3A_1027, %abs3A_1025 : vector<16xf32>
    %exp3A_1029 = math.exp %neg3A_1028 : vector<16xf32>
    %mul3A_1030 = arith.constant -0.00857467576 : f32
    %mul3A_1031 = vector.broadcast %mul3A_1030 : f32 to vector<16xf32>
    %mul3A_1032 = arith.mulf %mul3A_1031, %exp3A_1029 : vector<16xf32>
    %add3A_1033 = arith.constant 0.0442141928 : f32
    %add3A_1034 = vector.broadcast %add3A_1033 : f32 to vector<16xf32>
    %add3A_1035 = arith.addf %mul3A_1032, %add3A_1034 : vector<16xf32>
    %mul3A_1036 = arith.mulf %add3A_1035, %exp3A_1029 : vector<16xf32>
    %add3A_1037 = arith.constant -0.107853681 : f32
    %add3A_1038 = vector.broadcast %add3A_1037 : f32 to vector<16xf32>
    %add3A_1039 = arith.addf %mul3A_1036, %add3A_1038 : vector<16xf32>
    %mul3A_1040 = arith.mulf %add3A_1039, %exp3A_1029 : vector<16xf32>
    %add3A_1041 = arith.constant 0.177570239 : f32
    %add3A_1042 = vector.broadcast %add3A_1041 : f32 to vector<16xf32>
    %add3A_1043 = arith.addf %mul3A_1040, %add3A_1042 : vector<16xf32>
    %mul3A_1044 = arith.mulf %add3A_1043, %exp3A_1029 : vector<16xf32>
    %add3A_1045 = arith.constant -0.244996116 : f32
    %add3A_1046 = vector.broadcast %add3A_1045 : f32 to vector<16xf32>
    %add3A_1047 = arith.addf %mul3A_1044, %add3A_1046 : vector<16xf32>
    %mul3A_1048 = arith.mulf %add3A_1047, %exp3A_1029 : vector<16xf32>
    %add3A_1049 = arith.constant 0.332761765 : f32
    %add3A_1050 = vector.broadcast %add3A_1049 : f32 to vector<16xf32>
    %add3A_1051 = arith.addf %mul3A_1048, %add3A_1050 : vector<16xf32>
    %mul3A_1052 = arith.mulf %add3A_1051, %exp3A_1029 : vector<16xf32>
    %add3A_1053 = arith.constant -0.499974489 : f32
    %add3A_1054 = vector.broadcast %add3A_1053 : f32 to vector<16xf32>
    %add3A_1055 = arith.addf %mul3A_1052, %add3A_1054 : vector<16xf32>
    %mul3A_1056 = arith.mulf %add3A_1055, %exp3A_1029 : vector<16xf32>
    %add3A_1057 = arith.constant 0.999999821 : f32
    %add3A_1058 = vector.broadcast %add3A_1057 : f32 to vector<16xf32>
    %add3A_1059 = arith.addf %mul3A_1056, %add3A_1058 : vector<16xf32>
    %mul3A_1060 = arith.mulf %exp3A_1029, %add3A_1059 : vector<16xf32>
    %add3A_1061 = arith.addf %max3A_1024, %mul3A_1060 : vector<16xf32>
    %mul3A_1062 = arith.constant -1.730000e+00 : f32
    %mul3A_1063 = vector.broadcast %mul3A_1062 : f32 to vector<16xf32>
    %mul3A_1064 = arith.mulf %mul3A_1063, %add3A_1061 : vector<16xf32>
    %swap3A_1065 = arith.constant 208 : index
    %swap3A_1066 = tpu.vector_load %arg13[%swap3A_1065] {strides = array<i32>} : memref<512xf32, #tpu.memory_space<vmem>>, vector<16xf32>,
    %swap3A_1067 = vector.shape_cast %swap3A_1066 : vector<16xf32> to vector<16xf32>
    %swap3A_1068 = vector.shape_cast %mul3A_1064 : vector<16xf32> to vector<16xf32>
    tpu.vector_store %arg13[%swap3A_1065], %swap3A_1068 {strides = array<i32>} : memref<512xf32, #tpu.memory_space<vmem>>, vector<16xf32>,
    %get3A_1069 = arith.constant 208 : index
    %get3A_1070 = tpu.vector_load %arg11[%get3A_1069] {strides = array<i32>} : memref<512xf32, #tpu.memory_space<vmem>>, vector<16xf32>,
    %get3A_1071 = vector.shape_cast %get3A_1070 : vector<16xf32> to vector<16xf32>
    %mul3A_1072 = arith.mulf %mul3A_1064, %get3A_1071 : vector<16xf32>
    %sub3A_1073 = arith.constant 9.99999993E-9 : f32
    %sub3A_1074 = vector.broadcast %sub3A_1073 : f32 to vector<16xf32>
    %sub3A_1075 = arith.subf %sub3A_1074, %mul3A_1072 : vector<16xf32>
    %swap3A_1076 = arith.constant 208 : index
    %swap3A_1077 = tpu.vector_load %arg14[%swap3A_1076] {strides = array<i32>} : memref<512xf32, #tpu.memory_space<vmem>>, vector<16xf32>,
    %swap3A_1078 = vector.shape_cast %swap3A_1077 : vector<16xf32> to vector<16xf32>
    %swap3A_1079 = vector.shape_cast %sub3A_1075 : vector<16xf32> to vector<16xf32>
    tpu.vector_store %arg14[%swap3A_1076], %swap3A_1079 {strides = array<i32>} : memref<512xf32, #tpu.memory_space<vmem>>, vector<16xf32>,
    %get3A_1080 = arith.constant 208 : index
    %get3A_1081 = tpu.vector_load %arg12[%get3A_1080] {strides = array<i32>} : memref<512xf32, #tpu.memory_space<vmem>>, vector<16xf32>,
    %get3A_1082 = vector.shape_cast %get3A_1081 : vector<16xf32> to vector<16xf32>
    %neg3A_1083 = arith.constant 0.000000e+00 : f32
    %neg3A_1084 = vector.broadcast %neg3A_1083 : f32 to vector<16xf32>
    %neg3A_1085 = arith.subf %neg3A_1084, %get3A_1082 : vector<16xf32>
    %exp3A_1086 = math.exp %neg3A_1085 : vector<16xf32>
    %add3A_1087 = arith.constant 1.000000e+00 : f32
    %add3A_1088 = vector.broadcast %add3A_1087 : f32 to vector<16xf32>
    %add3A_1089 = arith.addf %add3A_1088, %exp3A_1086 : vector<16xf32>
    %div3A_1090 = arith.constant 1.000000e+00 : f32
    %div3A_1091 = vector.broadcast %div3A_1090 : f32 to vector<16xf32>
    %div3A_1092 = arith.divf %div3A_1091, %add3A_1089 : vector<16xf32>
    %swap3A_1093 = arith.constant 208 : index
    %swap3A_1094 = tpu.vector_load %arg15[%swap3A_1093] {strides = array<i32>} : memref<512xf32, #tpu.memory_space<vmem>>, vector<16xf32>,
    %swap3A_1095 = vector.shape_cast %swap3A_1094 : vector<16xf32> to vector<16xf32>
    %swap3A_1096 = vector.shape_cast %div3A_1092 : vector<16xf32> to vector<16xf32>
    tpu.vector_store %arg15[%swap3A_1093], %swap3A_1096 {strides = array<i32>} : memref<512xf32, #tpu.memory_space<vmem>>, vector<16xf32>,
    %get3A_1097 = arith.constant 224 : index
    %get3A_1098 = tpu.vector_load %arg10[%get3A_1097] {strides = array<i32>} : memref<512xf32, #tpu.memory_space<vmem>>, vector<16xf32>,
    %get3A_1099 = vector.shape_cast %get3A_1098 : vector<16xf32> to vector<16xf32>
    %max3A_1100 = arith.constant 0.000000e+00 : f32
    %max3A_1101 = vector.broadcast %max3A_1100 : f32 to vector<16xf32>
    %max3A_1102 = arith.maximumf %get3A_1099, %max3A_1101 : vector<16xf32>
    %abs3A_1103 = math.absf %get3A_1099 : vector<16xf32>
    %neg3A_1104 = arith.constant 0.000000e+00 : f32
    %neg3A_1105 = vector.broadcast %neg3A_1104 : f32 to vector<16xf32>
    %neg3A_1106 = arith.subf %neg3A_1105, %abs3A_1103 : vector<16xf32>
    %exp3A_1107 = math.exp %neg3A_1106 : vector<16xf32>
    %mul3A_1108 = arith.constant -0.00857467576 : f32
    %mul3A_1109 = vector.broadcast %mul3A_1108 : f32 to vector<16xf32>
    %mul3A_1110 = arith.mulf %mul3A_1109, %exp3A_1107 : vector<16xf32>
    %add3A_1111 = arith.constant 0.0442141928 : f32
    %add3A_1112 = vector.broadcast %add3A_1111 : f32 to vector<16xf32>
    %add3A_1113 = arith.addf %mul3A_1110, %add3A_1112 : vector<16xf32>
    %mul3A_1114 = arith.mulf %add3A_1113, %exp3A_1107 : vector<16xf32>
    %add3A_1115 = arith.constant -0.107853681 : f32
    %add3A_1116 = vector.broadcast %add3A_1115 : f32 to vector<16xf32>
    %add3A_1117 = arith.addf %mul3A_1114, %add3A_1116 : vector<16xf32>
    %mul3A_1118 = arith.mulf %add3A_1117, %exp3A_1107 : vector<16xf32>
    %add3A_1119 = arith.constant 0.177570239 : f32
    %add3A_1120 = vector.broadcast %add3A_1119 : f32 to vector<16xf32>
    %add3A_1121 = arith.addf %mul3A_1118, %add3A_1120 : vector<16xf32>
    %mul3A_1122 = arith.mulf %add3A_1121, %exp3A_1107 : vector<16xf32>
    %add3A_1123 = arith.constant -0.244996116 : f32
    %add3A_1124 = vector.broadcast %add3A_1123 : f32 to vector<16xf32>
    %add3A_1125 = arith.addf %mul3A_1122, %add3A_1124 : vector<16xf32>
    %mul3A_1126 = arith.mulf %add3A_1125, %exp3A_1107 : vector<16xf32>
    %add3A_1127 = arith.constant 0.332761765 : f32
    %add3A_1128 = vector.broadcast %add3A_1127 : f32 to vector<16xf32>
    %add3A_1129 = arith.addf %mul3A_1126, %add3A_1128 : vector<16xf32>
    %mul3A_1130 = arith.mulf %add3A_1129, %exp3A_1107 : vector<16xf32>
    %add3A_1131 = arith.constant -0.499974489 : f32
    %add3A_1132 = vector.broadcast %add3A_1131 : f32 to vector<16xf32>
    %add3A_1133 = arith.addf %mul3A_1130, %add3A_1132 : vector<16xf32>
    %mul3A_1134 = arith.mulf %add3A_1133, %exp3A_1107 : vector<16xf32>
    %add3A_1135 = arith.constant 0.999999821 : f32
    %add3A_1136 = vector.broadcast %add3A_1135 : f32 to vector<16xf32>
    %add3A_1137 = arith.addf %mul3A_1134, %add3A_1136 : vector<16xf32>
    %mul3A_1138 = arith.mulf %exp3A_1107, %add3A_1137 : vector<16xf32>
    %add3A_1139 = arith.addf %max3A_1102, %mul3A_1138 : vector<16xf32>
    %mul3A_1140 = arith.constant -1.730000e+00 : f32
    %mul3A_1141 = vector.broadcast %mul3A_1140 : f32 to vector<16xf32>
    %mul3A_1142 = arith.mulf %mul3A_1141, %add3A_1139 : vector<16xf32>
    %swap3A_1143 = arith.constant 224 : index
    %swap3A_1144 = tpu.vector_load %arg13[%swap3A_1143] {strides = array<i32>} : memref<512xf32, #tpu.memory_space<vmem>>, vector<16xf32>,
    %swap3A_1145 = vector.shape_cast %swap3A_1144 : vector<16xf32> to vector<16xf32>
    %swap3A_1146 = vector.shape_cast %mul3A_1142 : vector<16xf32> to vector<16xf32>
    tpu.vector_store %arg13[%swap3A_1143], %swap3A_1146 {strides = array<i32>} : memref<512xf32, #tpu.memory_space<vmem>>, vector<16xf32>,
    %get3A_1147 = arith.constant 224 : index
    %get3A_1148 = tpu.vector_load %arg11[%get3A_1147] {strides = array<i32>} : memref<512xf32, #tpu.memory_space<vmem>>, vector<16xf32>,
    %get3A_1149 = vector.shape_cast %get3A_1148 : vector<16xf32> to vector<16xf32>
    %mul3A_1150 = arith.mulf %mul3A_1142, %get3A_1149 : vector<16xf32>
    %sub3A_1151 = arith.constant 9.99999993E-9 : f32
    %sub3A_1152 = vector.broadcast %sub3A_1151 : f32 to vector<16xf32>
    %sub3A_1153 = arith.subf %sub3A_1152, %mul3A_1150 : vector<16xf32>
    %swap3A_1154 = arith.constant 224 : index
    %swap3A_1155 = tpu.vector_load %arg14[%swap3A_1154] {strides = array<i32>} : memref<512xf32, #tpu.memory_space<vmem>>, vector<16xf32>,
    %swap3A_1156 = vector.shape_cast %swap3A_1155 : vector<16xf32> to vector<16xf32>
    %swap3A_1157 = vector.shape_cast %sub3A_1153 : vector<16xf32> to vector<16xf32>
    tpu.vector_store %arg14[%swap3A_1154], %swap3A_1157 {strides = array<i32>} : memref<512xf32, #tpu.memory_space<vmem>>, vector<16xf32>,
    %get3A_1158 = arith.constant 224 : index
    %get3A_1159 = tpu.vector_load %arg12[%get3A_1158] {strides = array<i32>} : memref<512xf32, #tpu.memory_space<vmem>>, vector<16xf32>,
    %get3A_1160 = vector.shape_cast %get3A_1159 : vector<16xf32> to vector<16xf32>
    %neg3A_1161 = arith.constant 0.000000e+00 : f32
    %neg3A_1162 = vector.broadcast %neg3A_1161 : f32 to vector<16xf32>
    %neg3A_1163 = arith.subf %neg3A_1162, %get3A_1160 : vector<16xf32>
    %exp3A_1164 = math.exp %neg3A_1163 : vector<16xf32>
    %add3A_1165 = arith.constant 1.000000e+00 : f32
    %add3A_1166 = vector.broadcast %add3A_1165 : f32 to vector<16xf32>
    %add3A_1167 = arith.addf %add3A_1166, %exp3A_1164 : vector<16xf32>
    %div3A_1168 = arith.constant 1.000000e+00 : f32
    %div3A_1169 = vector.broadcast %div3A_1168 : f32 to vector<16xf32>
    %div3A_1170 = arith.divf %div3A_1169, %add3A_1167 : vector<16xf32>
    %swap3A_1171 = arith.constant 224 : index
    %swap3A_1172 = tpu.vector_load %arg15[%swap3A_1171] {strides = array<i32>} : memref<512xf32, #tpu.memory_space<vmem>>, vector<16xf32>,
    %swap3A_1173 = vector.shape_cast %swap3A_1172 : vector<16xf32> to vector<16xf32>
    %swap3A_1174 = vector.shape_cast %div3A_1170 : vector<16xf32> to vector<16xf32>
    tpu.vector_store %arg15[%swap3A_1171], %swap3A_1174 {strides = array<i32>} : memref<512xf32, #tpu.memory_space<vmem>>, vector<16xf32>,
    %get3A_1175 = arith.constant 240 : index
    %get3A_1176 = tpu.vector_load %arg10[%get3A_1175] {strides = array<i32>} : memref<512xf32, #tpu.memory_space<vmem>>, vector<16xf32>,
    %get3A_1177 = vector.shape_cast %get3A_1176 : vector<16xf32> to vector<16xf32>
    %max3A_1178 = arith.constant 0.000000e+00 : f32
    %max3A_1179 = vector.broadcast %max3A_1178 : f32 to vector<16xf32>
    %max3A_1180 = arith.maximumf %get3A_1177, %max3A_1179 : vector<16xf32>
    %abs3A_1181 = math.absf %get3A_1177 : vector<16xf32>
    %neg3A_1182 = arith.constant 0.000000e+00 : f32
    %neg3A_1183 = vector.broadcast %neg3A_1182 : f32 to vector<16xf32>
    %neg3A_1184 = arith.subf %neg3A_1183, %abs3A_1181 : vector<16xf32>
    %exp3A_1185 = math.exp %neg3A_1184 : vector<16xf32>
    %mul3A_1186 = arith.constant -0.00857467576 : f32
    %mul3A_1187 = vector.broadcast %mul3A_1186 : f32 to vector<16xf32>
    %mul3A_1188 = arith.mulf %mul3A_1187, %exp3A_1185 : vector<16xf32>
    %add3A_1189 = arith.constant 0.0442141928 : f32
    %add3A_1190 = vector.broadcast %add3A_1189 : f32 to vector<16xf32>
    %add3A_1191 = arith.addf %mul3A_1188, %add3A_1190 : vector<16xf32>
    %mul3A_1192 = arith.mulf %add3A_1191, %exp3A_1185 : vector<16xf32>
    %add3A_1193 = arith.constant -0.107853681 : f32
    %add3A_1194 = vector.broadcast %add3A_1193 : f32 to vector<16xf32>
    %add3A_1195 = arith.addf %mul3A_1192, %add3A_1194 : vector<16xf32>
    %mul3A_1196 = arith.mulf %add3A_1195, %exp3A_1185 : vector<16xf32>
    %add3A_1197 = arith.constant 0.177570239 : f32
    %add3A_1198 = vector.broadcast %add3A_1197 : f32 to vector<16xf32>
    %add3A_1199 = arith.addf %mul3A_1196, %add3A_1198 : vector<16xf32>
    %mul3A_1200 = arith.mulf %add3A_1199, %exp3A_1185 : vector<16xf32>
    %add3A_1201 = arith.constant -0.244996116 : f32
    %add3A_1202 = vector.broadcast %add3A_1201 : f32 to vector<16xf32>
    %add3A_1203 = arith.addf %mul3A_1200, %add3A_1202 : vector<16xf32>
    %mul3A_1204 = arith.mulf %add3A_1203, %exp3A_1185 : vector<16xf32>
    %add3A_1205 = arith.constant 0.332761765 : f32
    %add3A_1206 = vector.broadcast %add3A_1205 : f32 to vector<16xf32>
    %add3A_1207 = arith.addf %mul3A_1204, %add3A_1206 : vector<16xf32>
    %mul3A_1208 = arith.mulf %add3A_1207, %exp3A_1185 : vector<16xf32>
    %add3A_1209 = arith.constant -0.499974489 : f32
    %add3A_1210 = vector.broadcast %add3A_1209 : f32 to vector<16xf32>
    %add3A_1211 = arith.addf %mul3A_1208, %add3A_1210 : vector<16xf32>
    %mul3A_1212 = arith.mulf %add3A_1211, %exp3A_1185 : vector<16xf32>
    %add3A_1213 = arith.constant 0.999999821 : f32
    %add3A_1214 = vector.broadcast %add3A_1213 : f32 to vector<16xf32>
    %add3A_1215 = arith.addf %mul3A_1212, %add3A_1214 : vector<16xf32>
    %mul3A_1216 = arith.mulf %exp3A_1185, %add3A_1215 : vector<16xf32>
    %add3A_1217 = arith.addf %max3A_1180, %mul3A_1216 : vector<16xf32>
    %mul3A_1218 = arith.constant -1.730000e+00 : f32
    %mul3A_1219 = vector.broadcast %mul3A_1218 : f32 to vector<16xf32>
    %mul3A_1220 = arith.mulf %mul3A_1219, %add3A_1217 : vector<16xf32>
    %swap3A_1221 = arith.constant 240 : index
    %swap3A_1222 = tpu.vector_load %arg13[%swap3A_1221] {strides = array<i32>} : memref<512xf32, #tpu.memory_space<vmem>>, vector<16xf32>,
    %swap3A_1223 = vector.shape_cast %swap3A_1222 : vector<16xf32> to vector<16xf32>
    %swap3A_1224 = vector.shape_cast %mul3A_1220 : vector<16xf32> to vector<16xf32>
    tpu.vector_store %arg13[%swap3A_1221], %swap3A_1224 {strides = array<i32>} : memref<512xf32, #tpu.memory_space<vmem>>, vector<16xf32>,
    %get3A_1225 = arith.constant 240 : index
    %get3A_1226 = tpu.vector_load %arg11[%get3A_1225] {strides = array<i32>} : memref<512xf32, #tpu.memory_space<vmem>>, vector<16xf32>,
    %get3A_1227 = vector.shape_cast %get3A_1226 : vector<16xf32> to vector<16xf32>
    %mul3A_1228 = arith.mulf %mul3A_1220, %get3A_1227 : vector<16xf32>
    %sub3A_1229 = arith.constant 9.99999993E-9 : f32
    %sub3A_1230 = vector.broadcast %sub3A_1229 : f32 to vector<16xf32>
    %sub3A_1231 = arith.subf %sub3A_1230, %mul3A_1228 : vector<16xf32>
    %swap3A_1232 = arith.constant 240 : index
    %swap3A_1233 = tpu.vector_load %arg14[%swap3A_1232] {strides = array<i32>} : memref<512xf32, #tpu.memory_space<vmem>>, vector<16xf32>,
    %swap3A_1234 = vector.shape_cast %swap3A_1233 : vector<16xf32> to vector<16xf32>
    %swap3A_1235 = vector.shape_cast %sub3A_1231 : vector<16xf32> to vector<16xf32>
    tpu.vector_store %arg14[%swap3A_1232], %swap3A_1235 {strides = array<i32>} : memref<512xf32, #tpu.memory_space<vmem>>, vector<16xf32>,
    %get3A_1236 = arith.constant 240 : index
    %get3A_1237 = tpu.vector_load %arg12[%get3A_1236] {strides = array<i32>} : memref<512xf32, #tpu.memory_space<vmem>>, vector<16xf32>,
    %get3A_1238 = vector.shape_cast %get3A_1237 : vector<16xf32> to vector<16xf32>
    %neg3A_1239 = arith.constant 0.000000e+00 : f32
    %neg3A_1240 = vector.broadcast %neg3A_1239 : f32 to vector<16xf32>
    %neg3A_1241 = arith.subf %neg3A_1240, %get3A_1238 : vector<16xf32>
    %exp3A_1242 = math.exp %neg3A_1241 : vector<16xf32>
    %add3A_1243 = arith.constant 1.000000e+00 : f32
    %add3A_1244 = vector.broadcast %add3A_1243 : f32 to vector<16xf32>
    %add3A_1245 = arith.addf %add3A_1244, %exp3A_1242 : vector<16xf32>
    %div3A_1246 = arith.constant 1.000000e+00 : f32
    %div3A_1247 = vector.broadcast %div3A_1246 : f32 to vector<16xf32>
    %div3A_1248 = arith.divf %div3A_1247, %add3A_1245 : vector<16xf32>
    %swap3A_1249 = arith.constant 240 : index
    %swap3A_1250 = tpu.vector_load %arg15[%swap3A_1249] {strides = array<i32>} : memref<512xf32, #tpu.memory_space<vmem>>, vector<16xf32>,
    %swap3A_1251 = vector.shape_cast %swap3A_1250 : vector<16xf32> to vector<16xf32>
    %swap3A_1252 = vector.shape_cast %div3A_1248 : vector<16xf32> to vector<16xf32>
    tpu.vector_store %arg15[%swap3A_1249], %swap3A_1252 {strides = array<i32>} : memref<512xf32, #tpu.memory_space<vmem>>, vector<16xf32>,
    %get3A_1253 = arith.constant 256 : index
    %get3A_1254 = tpu.vector_load %arg10[%get3A_1253] {strides = array<i32>} : memref<512xf32, #tpu.memory_space<vmem>>, vector<16xf32>,
    %get3A_1255 = vector.shape_cast %get3A_1254 : vector<16xf32> to vector<16xf32>
    %max3A_1256 = arith.constant 0.000000e+00 : f32
    %max3A_1257 = vector.broadcast %max3A_1256 : f32 to vector<16xf32>
    %max3A_1258 = arith.maximumf %get3A_1255, %max3A_1257 : vector<16xf32>
    %abs3A_1259 = math.absf %get3A_1255 : vector<16xf32>
    %neg3A_1260 = arith.constant 0.000000e+00 : f32
    %neg3A_1261 = vector.broadcast %neg3A_1260 : f32 to vector<16xf32>
    %neg3A_1262 = arith.subf %neg3A_1261, %abs3A_1259 : vector<16xf32>
    %exp3A_1263 = math.exp %neg3A_1262 : vector<16xf32>
    %mul3A_1264 = arith.constant -0.00857467576 : f32
    %mul3A_1265 = vector.broadcast %mul3A_1264 : f32 to vector<16xf32>
    %mul3A_1266 = arith.mulf %mul3A_1265, %exp3A_1263 : vector<16xf32>
    %add3A_1267 = arith.constant 0.0442141928 : f32
    %add3A_1268 = vector.broadcast %add3A_1267 : f32 to vector<16xf32>
    %add3A_1269 = arith.addf %mul3A_1266, %add3A_1268 : vector<16xf32>
    %mul3A_1270 = arith.mulf %add3A_1269, %exp3A_1263 : vector<16xf32>
    %add3A_1271 = arith.constant -0.107853681 : f32
    %add3A_1272 = vector.broadcast %add3A_1271 : f32 to vector<16xf32>
    %add3A_1273 = arith.addf %mul3A_1270, %add3A_1272 : vector<16xf32>
    %mul3A_1274 = arith.mulf %add3A_1273, %exp3A_1263 : vector<16xf32>
    %add3A_1275 = arith.constant 0.177570239 : f32
    %add3A_1276 = vector.broadcast %add3A_1275 : f32 to vector<16xf32>
    %add3A_1277 = arith.addf %mul3A_1274, %add3A_1276 : vector<16xf32>
    %mul3A_1278 = arith.mulf %add3A_1277, %exp3A_1263 : vector<16xf32>
    %add3A_1279 = arith.constant -0.244996116 : f32
    %add3A_1280 = vector.broadcast %add3A_1279 : f32 to vector<16xf32>
    %add3A_1281 = arith.addf %mul3A_1278, %add3A_1280 : vector<16xf32>
    %mul3A_1282 = arith.mulf %add3A_1281, %exp3A_1263 : vector<16xf32>
    %add3A_1283 = arith.constant 0.332761765 : f32
    %add3A_1284 = vector.broadcast %add3A_1283 : f32 to vector<16xf32>
    %add3A_1285 = arith.addf %mul3A_1282, %add3A_1284 : vector<16xf32>
    %mul3A_1286 = arith.mulf %add3A_1285, %exp3A_1263 : vector<16xf32>
    %add3A_1287 = arith.constant -0.499974489 : f32
    %add3A_1288 = vector.broadcast %add3A_1287 : f32 to vector<16xf32>
    %add3A_1289 = arith.addf %mul3A_1286, %add3A_1288 : vector<16xf32>
    %mul3A_1290 = arith.mulf %add3A_1289, %exp3A_1263 : vector<16xf32>
    %add3A_1291 = arith.constant 0.999999821 : f32
    %add3A_1292 = vector.broadcast %add3A_1291 : f32 to vector<16xf32>
    %add3A_1293 = arith.addf %mul3A_1290, %add3A_1292 : vector<16xf32>
    %mul3A_1294 = arith.mulf %exp3A_1263, %add3A_1293 : vector<16xf32>
    %add3A_1295 = arith.addf %max3A_1258, %mul3A_1294 : vector<16xf32>
    %mul3A_1296 = arith.constant -1.730000e+00 : f32
    %mul3A_1297 = vector.broadcast %mul3A_1296 : f32 to vector<16xf32>
    %mul3A_1298 = arith.mulf %mul3A_1297, %add3A_1295 : vector<16xf32>
    %swap3A_1299 = arith.constant 256 : index
    %swap3A_1300 = tpu.vector_load %arg13[%swap3A_1299] {strides = array<i32>} : memref<512xf32, #tpu.memory_space<vmem>>, vector<16xf32>,
    %swap3A_1301 = vector.shape_cast %swap3A_1300 : vector<16xf32> to vector<16xf32>
    %swap3A_1302 = vector.shape_cast %mul3A_1298 : vector<16xf32> to vector<16xf32>
    tpu.vector_store %arg13[%swap3A_1299], %swap3A_1302 {strides = array<i32>} : memref<512xf32, #tpu.memory_space<vmem>>, vector<16xf32>,
    %get3A_1303 = arith.constant 256 : index
    %get3A_1304 = tpu.vector_load %arg11[%get3A_1303] {strides = array<i32>} : memref<512xf32, #tpu.memory_space<vmem>>, vector<16xf32>,
    %get3A_1305 = vector.shape_cast %get3A_1304 : vector<16xf32> to vector<16xf32>
    %mul3A_1306 = arith.mulf %mul3A_1298, %get3A_1305 : vector<16xf32>
    %sub3A_1307 = arith.constant 9.99999993E-9 : f32
    %sub3A_1308 = vector.broadcast %sub3A_1307 : f32 to vector<16xf32>
    %sub3A_1309 = arith.subf %sub3A_1308, %mul3A_1306 : vector<16xf32>
    %swap3A_1310 = arith.constant 256 : index
    %swap3A_1311 = tpu.vector_load %arg14[%swap3A_1310] {strides = array<i32>} : memref<512xf32, #tpu.memory_space<vmem>>, vector<16xf32>,
    %swap3A_1312 = vector.shape_cast %swap3A_1311 : vector<16xf32> to vector<16xf32>
    %swap3A_1313 = vector.shape_cast %sub3A_1309 : vector<16xf32> to vector<16xf32>
    tpu.vector_store %arg14[%swap3A_1310], %swap3A_1313 {strides = array<i32>} : memref<512xf32, #tpu.memory_space<vmem>>, vector<16xf32>,
    %get3A_1314 = arith.constant 256 : index
    %get3A_1315 = tpu.vector_load %arg12[%get3A_1314] {strides = array<i32>} : memref<512xf32, #tpu.memory_space<vmem>>, vector<16xf32>,
    %get3A_1316 = vector.shape_cast %get3A_1315 : vector<16xf32> to vector<16xf32>
    %neg3A_1317 = arith.constant 0.000000e+00 : f32
    %neg3A_1318 = vector.broadcast %neg3A_1317 : f32 to vector<16xf32>
    %neg3A_1319 = arith.subf %neg3A_1318, %get3A_1316 : vector<16xf32>
    %exp3A_1320 = math.exp %neg3A_1319 : vector<16xf32>
    %add3A_1321 = arith.constant 1.000000e+00 : f32
    %add3A_1322 = vector.broadcast %add3A_1321 : f32 to vector<16xf32>
    %add3A_1323 = arith.addf %add3A_1322, %exp3A_1320 : vector<16xf32>
    %div3A_1324 = arith.constant 1.000000e+00 : f32
    %div3A_1325 = vector.broadcast %div3A_1324 : f32 to vector<16xf32>
    %div3A_1326 = arith.divf %div3A_1325, %add3A_1323 : vector<16xf32>
    %swap3A_1327 = arith.constant 256 : index
    %swap3A_1328 = tpu.vector_load %arg15[%swap3A_1327] {strides = array<i32>} : memref<512xf32, #tpu.memory_space<vmem>>, vector<16xf32>,
    %swap3A_1329 = vector.shape_cast %swap3A_1328 : vector<16xf32> to vector<16xf32>
    %swap3A_1330 = vector.shape_cast %div3A_1326 : vector<16xf32> to vector<16xf32>
    tpu.vector_store %arg15[%swap3A_1327], %swap3A_1330 {strides = array<i32>} : memref<512xf32, #tpu.memory_space<vmem>>, vector<16xf32>,
    %get3A_1331 = arith.constant 272 : index
    %get3A_1332 = tpu.vector_load %arg10[%get3A_1331] {strides = array<i32>} : memref<512xf32, #tpu.memory_space<vmem>>, vector<16xf32>,
    %get3A_1333 = vector.shape_cast %get3A_1332 : vector<16xf32> to vector<16xf32>
    %max3A_1334 = arith.constant 0.000000e+00 : f32
    %max3A_1335 = vector.broadcast %max3A_1334 : f32 to vector<16xf32>
    %max3A_1336 = arith.maximumf %get3A_1333, %max3A_1335 : vector<16xf32>
    %abs3A_1337 = math.absf %get3A_1333 : vector<16xf32>
    %neg3A_1338 = arith.constant 0.000000e+00 : f32
    %neg3A_1339 = vector.broadcast %neg3A_1338 : f32 to vector<16xf32>
    %neg3A_1340 = arith.subf %neg3A_1339, %abs3A_1337 : vector<16xf32>
    %exp3A_1341 = math.exp %neg3A_1340 : vector<16xf32>
    %mul3A_1342 = arith.constant -0.00857467576 : f32
    %mul3A_1343 = vector.broadcast %mul3A_1342 : f32 to vector<16xf32>
    %mul3A_1344 = arith.mulf %mul3A_1343, %exp3A_1341 : vector<16xf32>
    %add3A_1345 = arith.constant 0.0442141928 : f32
    %add3A_1346 = vector.broadcast %add3A_1345 : f32 to vector<16xf32>
    %add3A_1347 = arith.addf %mul3A_1344, %add3A_1346 : vector<16xf32>
    %mul3A_1348 = arith.mulf %add3A_1347, %exp3A_1341 : vector<16xf32>
    %add3A_1349 = arith.constant -0.107853681 : f32
    %add3A_1350 = vector.broadcast %add3A_1349 : f32 to vector<16xf32>
    %add3A_1351 = arith.addf %mul3A_1348, %add3A_1350 : vector<16xf32>
    %mul3A_1352 = arith.mulf %add3A_1351, %exp3A_1341 : vector<16xf32>
    %add3A_1353 = arith.constant 0.177570239 : f32
    %add3A_1354 = vector.broadcast %add3A_1353 : f32 to vector<16xf32>
    %add3A_1355 = arith.addf %mul3A_1352, %add3A_1354 : vector<16xf32>
    %mul3A_1356 = arith.mulf %add3A_1355, %exp3A_1341 : vector<16xf32>
    %add3A_1357 = arith.constant -0.244996116 : f32
    %add3A_1358 = vector.broadcast %add3A_1357 : f32 to vector<16xf32>
    %add3A_1359 = arith.addf %mul3A_1356, %add3A_1358 : vector<16xf32>
    %mul3A_1360 = arith.mulf %add3A_1359, %exp3A_1341 : vector<16xf32>
    %add3A_1361 = arith.constant 0.332761765 : f32
    %add3A_1362 = vector.broadcast %add3A_1361 : f32 to vector<16xf32>
    %add3A_1363 = arith.addf %mul3A_1360, %add3A_1362 : vector<16xf32>
    %mul3A_1364 = arith.mulf %add3A_1363, %exp3A_1341 : vector<16xf32>
    %add3A_1365 = arith.constant -0.499974489 : f32
    %add3A_1366 = vector.broadcast %add3A_1365 : f32 to vector<16xf32>
    %add3A_1367 = arith.addf %mul3A_1364, %add3A_1366 : vector<16xf32>
    %mul3A_1368 = arith.mulf %add3A_1367, %exp3A_1341 : vector<16xf32>
    %add3A_1369 = arith.constant 0.999999821 : f32
    %add3A_1370 = vector.broadcast %add3A_1369 : f32 to vector<16xf32>
    %add3A_1371 = arith.addf %mul3A_1368, %add3A_1370 : vector<16xf32>
    %mul3A_1372 = arith.mulf %exp3A_1341, %add3A_1371 : vector<16xf32>
    %add3A_1373 = arith.addf %max3A_1336, %mul3A_1372 : vector<16xf32>
    %mul3A_1374 = arith.constant -1.730000e+00 : f32
    %mul3A_1375 = vector.broadcast %mul3A_1374 : f32 to vector<16xf32>
    %mul3A_1376 = arith.mulf %mul3A_1375, %add3A_1373 : vector<16xf32>
    %swap3A_1377 = arith.constant 272 : index
    %swap3A_1378 = tpu.vector_load %arg13[%swap3A_1377] {strides = array<i32>} : memref<512xf32, #tpu.memory_space<vmem>>, vector<16xf32>,
    %swap3A_1379 = vector.shape_cast %swap3A_1378 : vector<16xf32> to vector<16xf32>
    %swap3A_1380 = vector.shape_cast %mul3A_1376 : vector<16xf32> to vector<16xf32>
    tpu.vector_store %arg13[%swap3A_1377], %swap3A_1380 {strides = array<i32>} : memref<512xf32, #tpu.memory_space<vmem>>, vector<16xf32>,
    %get3A_1381 = arith.constant 272 : index
    %get3A_1382 = tpu.vector_load %arg11[%get3A_1381] {strides = array<i32>} : memref<512xf32, #tpu.memory_space<vmem>>, vector<16xf32>,
    %get3A_1383 = vector.shape_cast %get3A_1382 : vector<16xf32> to vector<16xf32>
    %mul3A_1384 = arith.mulf %mul3A_1376, %get3A_1383 : vector<16xf32>
    %sub3A_1385 = arith.constant 9.99999993E-9 : f32
    %sub3A_1386 = vector.broadcast %sub3A_1385 : f32 to vector<16xf32>
    %sub3A_1387 = arith.subf %sub3A_1386, %mul3A_1384 : vector<16xf32>
    %swap3A_1388 = arith.constant 272 : index
    %swap3A_1389 = tpu.vector_load %arg14[%swap3A_1388] {strides = array<i32>} : memref<512xf32, #tpu.memory_space<vmem>>, vector<16xf32>,
    %swap3A_1390 = vector.shape_cast %swap3A_1389 : vector<16xf32> to vector<16xf32>
    %swap3A_1391 = vector.shape_cast %sub3A_1387 : vector<16xf32> to vector<16xf32>
    tpu.vector_store %arg14[%swap3A_1388], %swap3A_1391 {strides = array<i32>} : memref<512xf32, #tpu.memory_space<vmem>>, vector<16xf32>,
    %get3A_1392 = arith.constant 272 : index
    %get3A_1393 = tpu.vector_load %arg12[%get3A_1392] {strides = array<i32>} : memref<512xf32, #tpu.memory_space<vmem>>, vector<16xf32>,
    %get3A_1394 = vector.shape_cast %get3A_1393 : vector<16xf32> to vector<16xf32>
    %neg3A_1395 = arith.constant 0.000000e+00 : f32
    %neg3A_1396 = vector.broadcast %neg3A_1395 : f32 to vector<16xf32>
    %neg3A_1397 = arith.subf %neg3A_1396, %get3A_1394 : vector<16xf32>
    %exp3A_1398 = math.exp %neg3A_1397 : vector<16xf32>
    %add3A_1399 = arith.constant 1.000000e+00 : f32
    %add3A_1400 = vector.broadcast %add3A_1399 : f32 to vector<16xf32>
    %add3A_1401 = arith.addf %add3A_1400, %exp3A_1398 : vector<16xf32>
    %div3A_1402 = arith.constant 1.000000e+00 : f32
    %div3A_1403 = vector.broadcast %div3A_1402 : f32 to vector<16xf32>
    %div3A_1404 = arith.divf %div3A_1403, %add3A_1401 : vector<16xf32>
    %swap3A_1405 = arith.constant 272 : index
    %swap3A_1406 = tpu.vector_load %arg15[%swap3A_1405] {strides = array<i32>} : memref<512xf32, #tpu.memory_space<vmem>>, vector<16xf32>,
    %swap3A_1407 = vector.shape_cast %swap3A_1406 : vector<16xf32> to vector<16xf32>
    %swap3A_1408 = vector.shape_cast %div3A_1404 : vector<16xf32> to vector<16xf32>
    tpu.vector_store %arg15[%swap3A_1405], %swap3A_1408 {strides = array<i32>} : memref<512xf32, #tpu.memory_space<vmem>>, vector<16xf32>,
    %get3A_1409 = arith.constant 288 : index
    %get3A_1410 = tpu.vector_load %arg10[%get3A_1409] {strides = array<i32>} : memref<512xf32, #tpu.memory_space<vmem>>, vector<16xf32>,
    %get3A_1411 = vector.shape_cast %get3A_1410 : vector<16xf32> to vector<16xf32>
    %max3A_1412 = arith.constant 0.000000e+00 : f32
    %max3A_1413 = vector.broadcast %max3A_1412 : f32 to vector<16xf32>
    %max3A_1414 = arith.maximumf %get3A_1411, %max3A_1413 : vector<16xf32>
    %abs3A_1415 = math.absf %get3A_1411 : vector<16xf32>
    %neg3A_1416 = arith.constant 0.000000e+00 : f32
    %neg3A_1417 = vector.broadcast %neg3A_1416 : f32 to vector<16xf32>
    %neg3A_1418 = arith.subf %neg3A_1417, %abs3A_1415 : vector<16xf32>
    %exp3A_1419 = math.exp %neg3A_1418 : vector<16xf32>
    %mul3A_1420 = arith.constant -0.00857467576 : f32
    %mul3A_1421 = vector.broadcast %mul3A_1420 : f32 to vector<16xf32>
    %mul3A_1422 = arith.mulf %mul3A_1421, %exp3A_1419 : vector<16xf32>
    %add3A_1423 = arith.constant 0.0442141928 : f32
    %add3A_1424 = vector.broadcast %add3A_1423 : f32 to vector<16xf32>
    %add3A_1425 = arith.addf %mul3A_1422, %add3A_1424 : vector<16xf32>
    %mul3A_1426 = arith.mulf %add3A_1425, %exp3A_1419 : vector<16xf32>
    %add3A_1427 = arith.constant -0.107853681 : f32
    %add3A_1428 = vector.broadcast %add3A_1427 : f32 to vector<16xf32>
    %add3A_1429 = arith.addf %mul3A_1426, %add3A_1428 : vector<16xf32>
    %mul3A_1430 = arith.mulf %add3A_1429, %exp3A_1419 : vector<16xf32>
    %add3A_1431 = arith.constant 0.177570239 : f32
    %add3A_1432 = vector.broadcast %add3A_1431 : f32 to vector<16xf32>
    %add3A_1433 = arith.addf %mul3A_1430, %add3A_1432 : vector<16xf32>
    %mul3A_1434 = arith.mulf %add3A_1433, %exp3A_1419 : vector<16xf32>
    %add3A_1435 = arith.constant -0.244996116 : f32
    %add3A_1436 = vector.broadcast %add3A_1435 : f32 to vector<16xf32>
    %add3A_1437 = arith.addf %mul3A_1434, %add3A_1436 : vector<16xf32>
    %mul3A_1438 = arith.mulf %add3A_1437, %exp3A_1419 : vector<16xf32>
    %add3A_1439 = arith.constant 0.332761765 : f32
    %add3A_1440 = vector.broadcast %add3A_1439 : f32 to vector<16xf32>
    %add3A_1441 = arith.addf %mul3A_1438, %add3A_1440 : vector<16xf32>
    %mul3A_1442 = arith.mulf %add3A_1441, %exp3A_1419 : vector<16xf32>
    %add3A_1443 = arith.constant -0.499974489 : f32
    %add3A_1444 = vector.broadcast %add3A_1443 : f32 to vector<16xf32>
    %add3A_1445 = arith.addf %mul3A_1442, %add3A_1444 : vector<16xf32>
    %mul3A_1446 = arith.mulf %add3A_1445, %exp3A_1419 : vector<16xf32>
    %add3A_1447 = arith.constant 0.999999821 : f32
    %add3A_1448 = vector.broadcast %add3A_1447 : f32 to vector<16xf32>
    %add3A_1449 = arith.addf %mul3A_1446, %add3A_1448 : vector<16xf32>
    %mul3A_1450 = arith.mulf %exp3A_1419, %add3A_1449 : vector<16xf32>
    %add3A_1451 = arith.addf %max3A_1414, %mul3A_1450 : vector<16xf32>
    %mul3A_1452 = arith.constant -1.730000e+00 : f32
    %mul3A_1453 = vector.broadcast %mul3A_1452 : f32 to vector<16xf32>
    %mul3A_1454 = arith.mulf %mul3A_1453, %add3A_1451 : vector<16xf32>
    %swap3A_1455 = arith.constant 288 : index
    %swap3A_1456 = tpu.vector_load %arg13[%swap3A_1455] {strides = array<i32>} : memref<512xf32, #tpu.memory_space<vmem>>, vector<16xf32>,
    %swap3A_1457 = vector.shape_cast %swap3A_1456 : vector<16xf32> to vector<16xf32>
    %swap3A_1458 = vector.shape_cast %mul3A_1454 : vector<16xf32> to vector<16xf32>
    tpu.vector_store %arg13[%swap3A_1455], %swap3A_1458 {strides = array<i32>} : memref<512xf32, #tpu.memory_space<vmem>>, vector<16xf32>,
    %get3A_1459 = arith.constant 288 : index
    %get3A_1460 = tpu.vector_load %arg11[%get3A_1459] {strides = array<i32>} : memref<512xf32, #tpu.memory_space<vmem>>, vector<16xf32>,
    %get3A_1461 = vector.shape_cast %get3A_1460 : vector<16xf32> to vector<16xf32>
    %mul3A_1462 = arith.mulf %mul3A_1454, %get3A_1461 : vector<16xf32>
    %sub3A_1463 = arith.constant 9.99999993E-9 : f32
    %sub3A_1464 = vector.broadcast %sub3A_1463 : f32 to vector<16xf32>
    %sub3A_1465 = arith.subf %sub3A_1464, %mul3A_1462 : vector<16xf32>
    %swap3A_1466 = arith.constant 288 : index
    %swap3A_1467 = tpu.vector_load %arg14[%swap3A_1466] {strides = array<i32>} : memref<512xf32, #tpu.memory_space<vmem>>, vector<16xf32>,
    %swap3A_1468 = vector.shape_cast %swap3A_1467 : vector<16xf32> to vector<16xf32>
    %swap3A_1469 = vector.shape_cast %sub3A_1465 : vector<16xf32> to vector<16xf32>
    tpu.vector_store %arg14[%swap3A_1466], %swap3A_1469 {strides = array<i32>} : memref<512xf32, #tpu.memory_space<vmem>>, vector<16xf32>,
    %get3A_1470 = arith.constant 288 : index
    %get3A_1471 = tpu.vector_load %arg12[%get3A_1470] {strides = array<i32>} : memref<512xf32, #tpu.memory_space<vmem>>, vector<16xf32>,
    %get3A_1472 = vector.shape_cast %get3A_1471 : vector<16xf32> to vector<16xf32>
    %neg3A_1473 = arith.constant 0.000000e+00 : f32
    %neg3A_1474 = vector.broadcast %neg3A_1473 : f32 to vector<16xf32>
    %neg3A_1475 = arith.subf %neg3A_1474, %get3A_1472 : vector<16xf32>
    %exp3A_1476 = math.exp %neg3A_1475 : vector<16xf32>
    %add3A_1477 = arith.constant 1.000000e+00 : f32
    %add3A_1478 = vector.broadcast %add3A_1477 : f32 to vector<16xf32>
    %add3A_1479 = arith.addf %add3A_1478, %exp3A_1476 : vector<16xf32>
    %div3A_1480 = arith.constant 1.000000e+00 : f32
    %div3A_1481 = vector.broadcast %div3A_1480 : f32 to vector<16xf32>
    %div3A_1482 = arith.divf %div3A_1481, %add3A_1479 : vector<16xf32>
    %swap3A_1483 = arith.constant 288 : index
    %swap3A_1484 = tpu.vector_load %arg15[%swap3A_1483] {strides = array<i32>} : memref<512xf32, #tpu.memory_space<vmem>>, vector<16xf32>,
    %swap3A_1485 = vector.shape_cast %swap3A_1484 : vector<16xf32> to vector<16xf32>
    %swap3A_1486 = vector.shape_cast %div3A_1482 : vector<16xf32> to vector<16xf32>
    tpu.vector_store %arg15[%swap3A_1483], %swap3A_1486 {strides = array<i32>} : memref<512xf32, #tpu.memory_space<vmem>>, vector<16xf32>,
    %get3A_1487 = arith.constant 304 : index
    %get3A_1488 = tpu.vector_load %arg10[%get3A_1487] {strides = array<i32>} : memref<512xf32, #tpu.memory_space<vmem>>, vector<16xf32>,
    %get3A_1489 = vector.shape_cast %get3A_1488 : vector<16xf32> to vector<16xf32>
    %max3A_1490 = arith.constant 0.000000e+00 : f32
    %max3A_1491 = vector.broadcast %max3A_1490 : f32 to vector<16xf32>
    %max3A_1492 = arith.maximumf %get3A_1489, %max3A_1491 : vector<16xf32>
    %abs3A_1493 = math.absf %get3A_1489 : vector<16xf32>
    %neg3A_1494 = arith.constant 0.000000e+00 : f32
    %neg3A_1495 = vector.broadcast %neg3A_1494 : f32 to vector<16xf32>
    %neg3A_1496 = arith.subf %neg3A_1495, %abs3A_1493 : vector<16xf32>
    %exp3A_1497 = math.exp %neg3A_1496 : vector<16xf32>
    %mul3A_1498 = arith.constant -0.00857467576 : f32
    %mul3A_1499 = vector.broadcast %mul3A_1498 : f32 to vector<16xf32>
    %mul3A_1500 = arith.mulf %mul3A_1499, %exp3A_1497 : vector<16xf32>
    %add3A_1501 = arith.constant 0.0442141928 : f32
    %add3A_1502 = vector.broadcast %add3A_1501 : f32 to vector<16xf32>
    %add3A_1503 = arith.addf %mul3A_1500, %add3A_1502 : vector<16xf32>
    %mul3A_1504 = arith.mulf %add3A_1503, %exp3A_1497 : vector<16xf32>
    %add3A_1505 = arith.constant -0.107853681 : f32
    %add3A_1506 = vector.broadcast %add3A_1505 : f32 to vector<16xf32>
    %add3A_1507 = arith.addf %mul3A_1504, %add3A_1506 : vector<16xf32>
    %mul3A_1508 = arith.mulf %add3A_1507, %exp3A_1497 : vector<16xf32>
    %add3A_1509 = arith.constant 0.177570239 : f32
    %add3A_1510 = vector.broadcast %add3A_1509 : f32 to vector<16xf32>
    %add3A_1511 = arith.addf %mul3A_1508, %add3A_1510 : vector<16xf32>
    %mul3A_1512 = arith.mulf %add3A_1511, %exp3A_1497 : vector<16xf32>
    %add3A_1513 = arith.constant -0.244996116 : f32
    %add3A_1514 = vector.broadcast %add3A_1513 : f32 to vector<16xf32>
    %add3A_1515 = arith.addf %mul3A_1512, %add3A_1514 : vector<16xf32>
    %mul3A_1516 = arith.mulf %add3A_1515, %exp3A_1497 : vector<16xf32>
    %add3A_1517 = arith.constant 0.332761765 : f32
    %add3A_1518 = vector.broadcast %add3A_1517 : f32 to vector<16xf32>
    %add3A_1519 = arith.addf %mul3A_1516, %add3A_1518 : vector<16xf32>
    %mul3A_1520 = arith.mulf %add3A_1519, %exp3A_1497 : vector<16xf32>
    %add3A_1521 = arith.constant -0.499974489 : f32
    %add3A_1522 = vector.broadcast %add3A_1521 : f32 to vector<16xf32>
    %add3A_1523 = arith.addf %mul3A_1520, %add3A_1522 : vector<16xf32>
    %mul3A_1524 = arith.mulf %add3A_1523, %exp3A_1497 : vector<16xf32>
    %add3A_1525 = arith.constant 0.999999821 : f32
    %add3A_1526 = vector.broadcast %add3A_1525 : f32 to vector<16xf32>
    %add3A_1527 = arith.addf %mul3A_1524, %add3A_1526 : vector<16xf32>
    %mul3A_1528 = arith.mulf %exp3A_1497, %add3A_1527 : vector<16xf32>
    %add3A_1529 = arith.addf %max3A_1492, %mul3A_1528 : vector<16xf32>
    %mul3A_1530 = arith.constant -1.730000e+00 : f32
    %mul3A_1531 = vector.broadcast %mul3A_1530 : f32 to vector<16xf32>
    %mul3A_1532 = arith.mulf %mul3A_1531, %add3A_1529 : vector<16xf32>
    %swap3A_1533 = arith.constant 304 : index
    %swap3A_1534 = tpu.vector_load %arg13[%swap3A_1533] {strides = array<i32>} : memref<512xf32, #tpu.memory_space<vmem>>, vector<16xf32>,
    %swap3A_1535 = vector.shape_cast %swap3A_1534 : vector<16xf32> to vector<16xf32>
    %swap3A_1536 = vector.shape_cast %mul3A_1532 : vector<16xf32> to vector<16xf32>
    tpu.vector_store %arg13[%swap3A_1533], %swap3A_1536 {strides = array<i32>} : memref<512xf32, #tpu.memory_space<vmem>>, vector<16xf32>,
    %get3A_1537 = arith.constant 304 : index
    %get3A_1538 = tpu.vector_load %arg11[%get3A_1537] {strides = array<i32>} : memref<512xf32, #tpu.memory_space<vmem>>, vector<16xf32>,
    %get3A_1539 = vector.shape_cast %get3A_1538 : vector<16xf32> to vector<16xf32>
    %mul3A_1540 = arith.mulf %mul3A_1532, %get3A_1539 : vector<16xf32>
    %sub3A_1541 = arith.constant 9.99999993E-9 : f32
    %sub3A_1542 = vector.broadcast %sub3A_1541 : f32 to vector<16xf32>
    %sub3A_1543 = arith.subf %sub3A_1542, %mul3A_1540 : vector<16xf32>
    %swap3A_1544 = arith.constant 304 : index
    %swap3A_1545 = tpu.vector_load %arg14[%swap3A_1544] {strides = array<i32>} : memref<512xf32, #tpu.memory_space<vmem>>, vector<16xf32>,
    %swap3A_1546 = vector.shape_cast %swap3A_1545 : vector<16xf32> to vector<16xf32>
    %swap3A_1547 = vector.shape_cast %sub3A_1543 : vector<16xf32> to vector<16xf32>
    tpu.vector_store %arg14[%swap3A_1544], %swap3A_1547 {strides = array<i32>} : memref<512xf32, #tpu.memory_space<vmem>>, vector<16xf32>,
    %get3A_1548 = arith.constant 304 : index
    %get3A_1549 = tpu.vector_load %arg12[%get3A_1548] {strides = array<i32>} : memref<512xf32, #tpu.memory_space<vmem>>, vector<16xf32>,
    %get3A_1550 = vector.shape_cast %get3A_1549 : vector<16xf32> to vector<16xf32>
    %neg3A_1551 = arith.constant 0.000000e+00 : f32
    %neg3A_1552 = vector.broadcast %neg3A_1551 : f32 to vector<16xf32>
    %neg3A_1553 = arith.subf %neg3A_1552, %get3A_1550 : vector<16xf32>
    %exp3A_1554 = math.exp %neg3A_1553 : vector<16xf32>
    %add3A_1555 = arith.constant 1.000000e+00 : f32
    %add3A_1556 = vector.broadcast %add3A_1555 : f32 to vector<16xf32>
    %add3A_1557 = arith.addf %add3A_1556, %exp3A_1554 : vector<16xf32>
    %div3A_1558 = arith.constant 1.000000e+00 : f32
    %div3A_1559 = vector.broadcast %div3A_1558 : f32 to vector<16xf32>
    %div3A_1560 = arith.divf %div3A_1559, %add3A_1557 : vector<16xf32>
    %swap3A_1561 = arith.constant 304 : index
    %swap3A_1562 = tpu.vector_load %arg15[%swap3A_1561] {strides = array<i32>} : memref<512xf32, #tpu.memory_space<vmem>>, vector<16xf32>,
    %swap3A_1563 = vector.shape_cast %swap3A_1562 : vector<16xf32> to vector<16xf32>
    %swap3A_1564 = vector.shape_cast %div3A_1560 : vector<16xf32> to vector<16xf32>
    tpu.vector_store %arg15[%swap3A_1561], %swap3A_1564 {strides = array<i32>} : memref<512xf32, #tpu.memory_space<vmem>>, vector<16xf32>,
    %get3A_1565 = arith.constant 320 : index
    %get3A_1566 = tpu.vector_load %arg10[%get3A_1565] {strides = array<i32>} : memref<512xf32, #tpu.memory_space<vmem>>, vector<16xf32>,
    %get3A_1567 = vector.shape_cast %get3A_1566 : vector<16xf32> to vector<16xf32>
    %max3A_1568 = arith.constant 0.000000e+00 : f32
    %max3A_1569 = vector.broadcast %max3A_1568 : f32 to vector<16xf32>
    %max3A_1570 = arith.maximumf %get3A_1567, %max3A_1569 : vector<16xf32>
    %abs3A_1571 = math.absf %get3A_1567 : vector<16xf32>
    %neg3A_1572 = arith.constant 0.000000e+00 : f32
    %neg3A_1573 = vector.broadcast %neg3A_1572 : f32 to vector<16xf32>
    %neg3A_1574 = arith.subf %neg3A_1573, %abs3A_1571 : vector<16xf32>
    %exp3A_1575 = math.exp %neg3A_1574 : vector<16xf32>
    %mul3A_1576 = arith.constant -0.00857467576 : f32
    %mul3A_1577 = vector.broadcast %mul3A_1576 : f32 to vector<16xf32>
    %mul3A_1578 = arith.mulf %mul3A_1577, %exp3A_1575 : vector<16xf32>
    %add3A_1579 = arith.constant 0.0442141928 : f32
    %add3A_1580 = vector.broadcast %add3A_1579 : f32 to vector<16xf32>
    %add3A_1581 = arith.addf %mul3A_1578, %add3A_1580 : vector<16xf32>
    %mul3A_1582 = arith.mulf %add3A_1581, %exp3A_1575 : vector<16xf32>
    %add3A_1583 = arith.constant -0.107853681 : f32
    %add3A_1584 = vector.broadcast %add3A_1583 : f32 to vector<16xf32>
    %add3A_1585 = arith.addf %mul3A_1582, %add3A_1584 : vector<16xf32>
    %mul3A_1586 = arith.mulf %add3A_1585, %exp3A_1575 : vector<16xf32>
    %add3A_1587 = arith.constant 0.177570239 : f32
    %add3A_1588 = vector.broadcast %add3A_1587 : f32 to vector<16xf32>
    %add3A_1589 = arith.addf %mul3A_1586, %add3A_1588 : vector<16xf32>
    %mul3A_1590 = arith.mulf %add3A_1589, %exp3A_1575 : vector<16xf32>
    %add3A_1591 = arith.constant -0.244996116 : f32
    %add3A_1592 = vector.broadcast %add3A_1591 : f32 to vector<16xf32>
    %add3A_1593 = arith.addf %mul3A_1590, %add3A_1592 : vector<16xf32>
    %mul3A_1594 = arith.mulf %add3A_1593, %exp3A_1575 : vector<16xf32>
    %add3A_1595 = arith.constant 0.332761765 : f32
    %add3A_1596 = vector.broadcast %add3A_1595 : f32 to vector<16xf32>
    %add3A_1597 = arith.addf %mul3A_1594, %add3A_1596 : vector<16xf32>
    %mul3A_1598 = arith.mulf %add3A_1597, %exp3A_1575 : vector<16xf32>
    %add3A_1599 = arith.constant -0.499974489 : f32
    %add3A_1600 = vector.broadcast %add3A_1599 : f32 to vector<16xf32>
    %add3A_1601 = arith.addf %mul3A_1598, %add3A_1600 : vector<16xf32>
    %mul3A_1602 = arith.mulf %add3A_1601, %exp3A_1575 : vector<16xf32>
    %add3A_1603 = arith.constant 0.999999821 : f32
    %add3A_1604 = vector.broadcast %add3A_1603 : f32 to vector<16xf32>
    %add3A_1605 = arith.addf %mul3A_1602, %add3A_1604 : vector<16xf32>
    %mul3A_1606 = arith.mulf %exp3A_1575, %add3A_1605 : vector<16xf32>
    %add3A_1607 = arith.addf %max3A_1570, %mul3A_1606 : vector<16xf32>
    %mul3A_1608 = arith.constant -1.730000e+00 : f32
    %mul3A_1609 = vector.broadcast %mul3A_1608 : f32 to vector<16xf32>
    %mul3A_1610 = arith.mulf %mul3A_1609, %add3A_1607 : vector<16xf32>
    %swap3A_1611 = arith.constant 320 : index
    %swap3A_1612 = tpu.vector_load %arg13[%swap3A_1611] {strides = array<i32>} : memref<512xf32, #tpu.memory_space<vmem>>, vector<16xf32>,
    %swap3A_1613 = vector.shape_cast %swap3A_1612 : vector<16xf32> to vector<16xf32>
    %swap3A_1614 = vector.shape_cast %mul3A_1610 : vector<16xf32> to vector<16xf32>
    tpu.vector_store %arg13[%swap3A_1611], %swap3A_1614 {strides = array<i32>} : memref<512xf32, #tpu.memory_space<vmem>>, vector<16xf32>,
    %get3A_1615 = arith.constant 320 : index
    %get3A_1616 = tpu.vector_load %arg11[%get3A_1615] {strides = array<i32>} : memref<512xf32, #tpu.memory_space<vmem>>, vector<16xf32>,
    %get3A_1617 = vector.shape_cast %get3A_1616 : vector<16xf32> to vector<16xf32>
    %mul3A_1618 = arith.mulf %mul3A_1610, %get3A_1617 : vector<16xf32>
    %sub3A_1619 = arith.constant 9.99999993E-9 : f32
    %sub3A_1620 = vector.broadcast %sub3A_1619 : f32 to vector<16xf32>
    %sub3A_1621 = arith.subf %sub3A_1620, %mul3A_1618 : vector<16xf32>
    %swap3A_1622 = arith.constant 320 : index
    %swap3A_1623 = tpu.vector_load %arg14[%swap3A_1622] {strides = array<i32>} : memref<512xf32, #tpu.memory_space<vmem>>, vector<16xf32>,
    %swap3A_1624 = vector.shape_cast %swap3A_1623 : vector<16xf32> to vector<16xf32>
    %swap3A_1625 = vector.shape_cast %sub3A_1621 : vector<16xf32> to vector<16xf32>
    tpu.vector_store %arg14[%swap3A_1622], %swap3A_1625 {strides = array<i32>} : memref<512xf32, #tpu.memory_space<vmem>>, vector<16xf32>,
    %get3A_1626 = arith.constant 320 : index
    %get3A_1627 = tpu.vector_load %arg12[%get3A_1626] {strides = array<i32>} : memref<512xf32, #tpu.memory_space<vmem>>, vector<16xf32>,
    %get3A_1628 = vector.shape_cast %get3A_1627 : vector<16xf32> to vector<16xf32>
    %neg3A_1629 = arith.constant 0.000000e+00 : f32
    %neg3A_1630 = vector.broadcast %neg3A_1629 : f32 to vector<16xf32>
    %neg3A_1631 = arith.subf %neg3A_1630, %get3A_1628 : vector<16xf32>
    %exp3A_1632 = math.exp %neg3A_1631 : vector<16xf32>
    %add3A_1633 = arith.constant 1.000000e+00 : f32
    %add3A_1634 = vector.broadcast %add3A_1633 : f32 to vector<16xf32>
    %add3A_1635 = arith.addf %add3A_1634, %exp3A_1632 : vector<16xf32>
    %div3A_1636 = arith.constant 1.000000e+00 : f32
    %div3A_1637 = vector.broadcast %div3A_1636 : f32 to vector<16xf32>
    %div3A_1638 = arith.divf %div3A_1637, %add3A_1635 : vector<16xf32>
    %swap3A_1639 = arith.constant 320 : index
    %swap3A_1640 = tpu.vector_load %arg15[%swap3A_1639] {strides = array<i32>} : memref<512xf32, #tpu.memory_space<vmem>>, vector<16xf32>,
    %swap3A_1641 = vector.shape_cast %swap3A_1640 : vector<16xf32> to vector<16xf32>
    %swap3A_1642 = vector.shape_cast %div3A_1638 : vector<16xf32> to vector<16xf32>
    tpu.vector_store %arg15[%swap3A_1639], %swap3A_1642 {strides = array<i32>} : memref<512xf32, #tpu.memory_space<vmem>>, vector<16xf32>,
    %get3A_1643 = arith.constant 336 : index
    %get3A_1644 = tpu.vector_load %arg10[%get3A_1643] {strides = array<i32>} : memref<512xf32, #tpu.memory_space<vmem>>, vector<16xf32>,
    %get3A_1645 = vector.shape_cast %get3A_1644 : vector<16xf32> to vector<16xf32>
    %max3A_1646 = arith.constant 0.000000e+00 : f32
    %max3A_1647 = vector.broadcast %max3A_1646 : f32 to vector<16xf32>
    %max3A_1648 = arith.maximumf %get3A_1645, %max3A_1647 : vector<16xf32>
    %abs3A_1649 = math.absf %get3A_1645 : vector<16xf32>
    %neg3A_1650 = arith.constant 0.000000e+00 : f32
    %neg3A_1651 = vector.broadcast %neg3A_1650 : f32 to vector<16xf32>
    %neg3A_1652 = arith.subf %neg3A_1651, %abs3A_1649 : vector<16xf32>
    %exp3A_1653 = math.exp %neg3A_1652 : vector<16xf32>
    %mul3A_1654 = arith.constant -0.00857467576 : f32
    %mul3A_1655 = vector.broadcast %mul3A_1654 : f32 to vector<16xf32>
    %mul3A_1656 = arith.mulf %mul3A_1655, %exp3A_1653 : vector<16xf32>
    %add3A_1657 = arith.constant 0.0442141928 : f32
    %add3A_1658 = vector.broadcast %add3A_1657 : f32 to vector<16xf32>
    %add3A_1659 = arith.addf %mul3A_1656, %add3A_1658 : vector<16xf32>
    %mul3A_1660 = arith.mulf %add3A_1659, %exp3A_1653 : vector<16xf32>
    %add3A_1661 = arith.constant -0.107853681 : f32
    %add3A_1662 = vector.broadcast %add3A_1661 : f32 to vector<16xf32>
    %add3A_1663 = arith.addf %mul3A_1660, %add3A_1662 : vector<16xf32>
    %mul3A_1664 = arith.mulf %add3A_1663, %exp3A_1653 : vector<16xf32>
    %add3A_1665 = arith.constant 0.177570239 : f32
    %add3A_1666 = vector.broadcast %add3A_1665 : f32 to vector<16xf32>
    %add3A_1667 = arith.addf %mul3A_1664, %add3A_1666 : vector<16xf32>
    %mul3A_1668 = arith.mulf %add3A_1667, %exp3A_1653 : vector<16xf32>
    %add3A_1669 = arith.constant -0.244996116 : f32
    %add3A_1670 = vector.broadcast %add3A_1669 : f32 to vector<16xf32>
    %add3A_1671 = arith.addf %mul3A_1668, %add3A_1670 : vector<16xf32>
    %mul3A_1672 = arith.mulf %add3A_1671, %exp3A_1653 : vector<16xf32>
    %add3A_1673 = arith.constant 0.332761765 : f32
    %add3A_1674 = vector.broadcast %add3A_1673 : f32 to vector<16xf32>
    %add3A_1675 = arith.addf %mul3A_1672, %add3A_1674 : vector<16xf32>
    %mul3A_1676 = arith.mulf %add3A_1675, %exp3A_1653 : vector<16xf32>
    %add3A_1677 = arith.constant -0.499974489 : f32
    %add3A_1678 = vector.broadcast %add3A_1677 : f32 to vector<16xf32>
    %add3A_1679 = arith.addf %mul3A_1676, %add3A_1678 : vector<16xf32>
    %mul3A_1680 = arith.mulf %add3A_1679, %exp3A_1653 : vector<16xf32>
    %add3A_1681 = arith.constant 0.999999821 : f32
    %add3A_1682 = vector.broadcast %add3A_1681 : f32 to vector<16xf32>
    %add3A_1683 = arith.addf %mul3A_1680, %add3A_1682 : vector<16xf32>
    %mul3A_1684 = arith.mulf %exp3A_1653, %add3A_1683 : vector<16xf32>
    %add3A_1685 = arith.addf %max3A_1648, %mul3A_1684 : vector<16xf32>
    %mul3A_1686 = arith.constant -1.730000e+00 : f32
    %mul3A_1687 = vector.broadcast %mul3A_1686 : f32 to vector<16xf32>
    %mul3A_1688 = arith.mulf %mul3A_1687, %add3A_1685 : vector<16xf32>
    %swap3A_1689 = arith.constant 336 : index
    %swap3A_1690 = tpu.vector_load %arg13[%swap3A_1689] {strides = array<i32>} : memref<512xf32, #tpu.memory_space<vmem>>, vector<16xf32>,
    %swap3A_1691 = vector.shape_cast %swap3A_1690 : vector<16xf32> to vector<16xf32>
    %swap3A_1692 = vector.shape_cast %mul3A_1688 : vector<16xf32> to vector<16xf32>
    tpu.vector_store %arg13[%swap3A_1689], %swap3A_1692 {strides = array<i32>} : memref<512xf32, #tpu.memory_space<vmem>>, vector<16xf32>,
    %get3A_1693 = arith.constant 336 : index
    %get3A_1694 = tpu.vector_load %arg11[%get3A_1693] {strides = array<i32>} : memref<512xf32, #tpu.memory_space<vmem>>, vector<16xf32>,
    %get3A_1695 = vector.shape_cast %get3A_1694 : vector<16xf32> to vector<16xf32>
    %mul3A_1696 = arith.mulf %mul3A_1688, %get3A_1695 : vector<16xf32>
    %sub3A_1697 = arith.constant 9.99999993E-9 : f32
    %sub3A_1698 = vector.broadcast %sub3A_1697 : f32 to vector<16xf32>
    %sub3A_1699 = arith.subf %sub3A_1698, %mul3A_1696 : vector<16xf32>
    %swap3A_1700 = arith.constant 336 : index
    %swap3A_1701 = tpu.vector_load %arg14[%swap3A_1700] {strides = array<i32>} : memref<512xf32, #tpu.memory_space<vmem>>, vector<16xf32>,
    %swap3A_1702 = vector.shape_cast %swap3A_1701 : vector<16xf32> to vector<16xf32>
    %swap3A_1703 = vector.shape_cast %sub3A_1699 : vector<16xf32> to vector<16xf32>
    tpu.vector_store %arg14[%swap3A_1700], %swap3A_1703 {strides = array<i32>} : memref<512xf32, #tpu.memory_space<vmem>>, vector<16xf32>,
    %get3A_1704 = arith.constant 336 : index
    %get3A_1705 = tpu.vector_load %arg12[%get3A_1704] {strides = array<i32>} : memref<512xf32, #tpu.memory_space<vmem>>, vector<16xf32>,
    %get3A_1706 = vector.shape_cast %get3A_1705 : vector<16xf32> to vector<16xf32>
    %neg3A_1707 = arith.constant 0.000000e+00 : f32
    %neg3A_1708 = vector.broadcast %neg3A_1707 : f32 to vector<16xf32>
    %neg3A_1709 = arith.subf %neg3A_1708, %get3A_1706 : vector<16xf32>
    %exp3A_1710 = math.exp %neg3A_1709 : vector<16xf32>
    %add3A_1711 = arith.constant 1.000000e+00 : f32
    %add3A_1712 = vector.broadcast %add3A_1711 : f32 to vector<16xf32>
    %add3A_1713 = arith.addf %add3A_1712, %exp3A_1710 : vector<16xf32>
    %div3A_1714 = arith.constant 1.000000e+00 : f32
    %div3A_1715 = vector.broadcast %div3A_1714 : f32 to vector<16xf32>
    %div3A_1716 = arith.divf %div3A_1715, %add3A_1713 : vector<16xf32>
    %swap3A_1717 = arith.constant 336 : index
    %swap3A_1718 = tpu.vector_load %arg15[%swap3A_1717] {strides = array<i32>} : memref<512xf32, #tpu.memory_space<vmem>>, vector<16xf32>,
    %swap3A_1719 = vector.shape_cast %swap3A_1718 : vector<16xf32> to vector<16xf32>
    %swap3A_1720 = vector.shape_cast %div3A_1716 : vector<16xf32> to vector<16xf32>
    tpu.vector_store %arg15[%swap3A_1717], %swap3A_1720 {strides = array<i32>} : memref<512xf32, #tpu.memory_space<vmem>>, vector<16xf32>,
    %get3A_1721 = arith.constant 352 : index
    %get3A_1722 = tpu.vector_load %arg10[%get3A_1721] {strides = array<i32>} : memref<512xf32, #tpu.memory_space<vmem>>, vector<16xf32>,
    %get3A_1723 = vector.shape_cast %get3A_1722 : vector<16xf32> to vector<16xf32>
    %max3A_1724 = arith.constant 0.000000e+00 : f32
    %max3A_1725 = vector.broadcast %max3A_1724 : f32 to vector<16xf32>
    %max3A_1726 = arith.maximumf %get3A_1723, %max3A_1725 : vector<16xf32>
    %abs3A_1727 = math.absf %get3A_1723 : vector<16xf32>
    %neg3A_1728 = arith.constant 0.000000e+00 : f32
    %neg3A_1729 = vector.broadcast %neg3A_1728 : f32 to vector<16xf32>
    %neg3A_1730 = arith.subf %neg3A_1729, %abs3A_1727 : vector<16xf32>
    %exp3A_1731 = math.exp %neg3A_1730 : vector<16xf32>
    %mul3A_1732 = arith.constant -0.00857467576 : f32
    %mul3A_1733 = vector.broadcast %mul3A_1732 : f32 to vector<16xf32>
    %mul3A_1734 = arith.mulf %mul3A_1733, %exp3A_1731 : vector<16xf32>
    %add3A_1735 = arith.constant 0.0442141928 : f32
    %add3A_1736 = vector.broadcast %add3A_1735 : f32 to vector<16xf32>
    %add3A_1737 = arith.addf %mul3A_1734, %add3A_1736 : vector<16xf32>
    %mul3A_1738 = arith.mulf %add3A_1737, %exp3A_1731 : vector<16xf32>
    %add3A_1739 = arith.constant -0.107853681 : f32
    %add3A_1740 = vector.broadcast %add3A_1739 : f32 to vector<16xf32>
    %add3A_1741 = arith.addf %mul3A_1738, %add3A_1740 : vector<16xf32>
    %mul3A_1742 = arith.mulf %add3A_1741, %exp3A_1731 : vector<16xf32>
    %add3A_1743 = arith.constant 0.177570239 : f32
    %add3A_1744 = vector.broadcast %add3A_1743 : f32 to vector<16xf32>
    %add3A_1745 = arith.addf %mul3A_1742, %add3A_1744 : vector<16xf32>
    %mul3A_1746 = arith.mulf %add3A_1745, %exp3A_1731 : vector<16xf32>
    %add3A_1747 = arith.constant -0.244996116 : f32
    %add3A_1748 = vector.broadcast %add3A_1747 : f32 to vector<16xf32>
    %add3A_1749 = arith.addf %mul3A_1746, %add3A_1748 : vector<16xf32>
    %mul3A_1750 = arith.mulf %add3A_1749, %exp3A_1731 : vector<16xf32>
    %add3A_1751 = arith.constant 0.332761765 : f32
    %add3A_1752 = vector.broadcast %add3A_1751 : f32 to vector<16xf32>
    %add3A_1753 = arith.addf %mul3A_1750, %add3A_1752 : vector<16xf32>
    %mul3A_1754 = arith.mulf %add3A_1753, %exp3A_1731 : vector<16xf32>
    %add3A_1755 = arith.constant -0.499974489 : f32
    %add3A_1756 = vector.broadcast %add3A_1755 : f32 to vector<16xf32>
    %add3A_1757 = arith.addf %mul3A_1754, %add3A_1756 : vector<16xf32>
    %mul3A_1758 = arith.mulf %add3A_1757, %exp3A_1731 : vector<16xf32>
    %add3A_1759 = arith.constant 0.999999821 : f32
    %add3A_1760 = vector.broadcast %add3A_1759 : f32 to vector<16xf32>
    %add3A_1761 = arith.addf %mul3A_1758, %add3A_1760 : vector<16xf32>
    %mul3A_1762 = arith.mulf %exp3A_1731, %add3A_1761 : vector<16xf32>
    %add3A_1763 = arith.addf %max3A_1726, %mul3A_1762 : vector<16xf32>
    %mul3A_1764 = arith.constant -1.730000e+00 : f32
    %mul3A_1765 = vector.broadcast %mul3A_1764 : f32 to vector<16xf32>
    %mul3A_1766 = arith.mulf %mul3A_1765, %add3A_1763 : vector<16xf32>
    %swap3A_1767 = arith.constant 352 : index
    %swap3A_1768 = tpu.vector_load %arg13[%swap3A_1767] {strides = array<i32>} : memref<512xf32, #tpu.memory_space<vmem>>, vector<16xf32>,
    %swap3A_1769 = vector.shape_cast %swap3A_1768 : vector<16xf32> to vector<16xf32>
    %swap3A_1770 = vector.shape_cast %mul3A_1766 : vector<16xf32> to vector<16xf32>
    tpu.vector_store %arg13[%swap3A_1767], %swap3A_1770 {strides = array<i32>} : memref<512xf32, #tpu.memory_space<vmem>>, vector<16xf32>,
    %get3A_1771 = arith.constant 352 : index
    %get3A_1772 = tpu.vector_load %arg11[%get3A_1771] {strides = array<i32>} : memref<512xf32, #tpu.memory_space<vmem>>, vector<16xf32>,
    %get3A_1773 = vector.shape_cast %get3A_1772 : vector<16xf32> to vector<16xf32>
    %mul3A_1774 = arith.mulf %mul3A_1766, %get3A_1773 : vector<16xf32>
    %sub3A_1775 = arith.constant 9.99999993E-9 : f32
    %sub3A_1776 = vector.broadcast %sub3A_1775 : f32 to vector<16xf32>
    %sub3A_1777 = arith.subf %sub3A_1776, %mul3A_1774 : vector<16xf32>
    %swap3A_1778 = arith.constant 352 : index
    %swap3A_1779 = tpu.vector_load %arg14[%swap3A_1778] {strides = array<i32>} : memref<512xf32, #tpu.memory_space<vmem>>, vector<16xf32>,
    %swap3A_1780 = vector.shape_cast %swap3A_1779 : vector<16xf32> to vector<16xf32>
    %swap3A_1781 = vector.shape_cast %sub3A_1777 : vector<16xf32> to vector<16xf32>
    tpu.vector_store %arg14[%swap3A_1778], %swap3A_1781 {strides = array<i32>} : memref<512xf32, #tpu.memory_space<vmem>>, vector<16xf32>,
    %get3A_1782 = arith.constant 352 : index
    %get3A_1783 = tpu.vector_load %arg12[%get3A_1782] {strides = array<i32>} : memref<512xf32, #tpu.memory_space<vmem>>, vector<16xf32>,
    %get3A_1784 = vector.shape_cast %get3A_1783 : vector<16xf32> to vector<16xf32>
    %neg3A_1785 = arith.constant 0.000000e+00 : f32
    %neg3A_1786 = vector.broadcast %neg3A_1785 : f32 to vector<16xf32>
    %neg3A_1787 = arith.subf %neg3A_1786, %get3A_1784 : vector<16xf32>
    %exp3A_1788 = math.exp %neg3A_1787 : vector<16xf32>
    %add3A_1789 = arith.constant 1.000000e+00 : f32
    %add3A_1790 = vector.broadcast %add3A_1789 : f32 to vector<16xf32>
    %add3A_1791 = arith.addf %add3A_1790, %exp3A_1788 : vector<16xf32>
    %div3A_1792 = arith.constant 1.000000e+00 : f32
    %div3A_1793 = vector.broadcast %div3A_1792 : f32 to vector<16xf32>
    %div3A_1794 = arith.divf %div3A_1793, %add3A_1791 : vector<16xf32>
    %swap3A_1795 = arith.constant 352 : index
    %swap3A_1796 = tpu.vector_load %arg15[%swap3A_1795] {strides = array<i32>} : memref<512xf32, #tpu.memory_space<vmem>>, vector<16xf32>,
    %swap3A_1797 = vector.shape_cast %swap3A_1796 : vector<16xf32> to vector<16xf32>
    %swap3A_1798 = vector.shape_cast %div3A_1794 : vector<16xf32> to vector<16xf32>
    tpu.vector_store %arg15[%swap3A_1795], %swap3A_1798 {strides = array<i32>} : memref<512xf32, #tpu.memory_space<vmem>>, vector<16xf32>,
    %get3A_1799 = arith.constant 368 : index
    %get3A_1800 = tpu.vector_load %arg10[%get3A_1799] {strides = array<i32>} : memref<512xf32, #tpu.memory_space<vmem>>, vector<16xf32>,
    %get3A_1801 = vector.shape_cast %get3A_1800 : vector<16xf32> to vector<16xf32>
    %max3A_1802 = arith.constant 0.000000e+00 : f32
    %max3A_1803 = vector.broadcast %max3A_1802 : f32 to vector<16xf32>
    %max3A_1804 = arith.maximumf %get3A_1801, %max3A_1803 : vector<16xf32>
    %abs3A_1805 = math.absf %get3A_1801 : vector<16xf32>
    %neg3A_1806 = arith.constant 0.000000e+00 : f32
    %neg3A_1807 = vector.broadcast %neg3A_1806 : f32 to vector<16xf32>
    %neg3A_1808 = arith.subf %neg3A_1807, %abs3A_1805 : vector<16xf32>
    %exp3A_1809 = math.exp %neg3A_1808 : vector<16xf32>
    %mul3A_1810 = arith.constant -0.00857467576 : f32
    %mul3A_1811 = vector.broadcast %mul3A_1810 : f32 to vector<16xf32>
    %mul3A_1812 = arith.mulf %mul3A_1811, %exp3A_1809 : vector<16xf32>
    %add3A_1813 = arith.constant 0.0442141928 : f32
    %add3A_1814 = vector.broadcast %add3A_1813 : f32 to vector<16xf32>
    %add3A_1815 = arith.addf %mul3A_1812, %add3A_1814 : vector<16xf32>
    %mul3A_1816 = arith.mulf %add3A_1815, %exp3A_1809 : vector<16xf32>
    %add3A_1817 = arith.constant -0.107853681 : f32
    %add3A_1818 = vector.broadcast %add3A_1817 : f32 to vector<16xf32>
    %add3A_1819 = arith.addf %mul3A_1816, %add3A_1818 : vector<16xf32>
    %mul3A_1820 = arith.mulf %add3A_1819, %exp3A_1809 : vector<16xf32>
    %add3A_1821 = arith.constant 0.177570239 : f32
    %add3A_1822 = vector.broadcast %add3A_1821 : f32 to vector<16xf32>
    %add3A_1823 = arith.addf %mul3A_1820, %add3A_1822 : vector<16xf32>
    %mul3A_1824 = arith.mulf %add3A_1823, %exp3A_1809 : vector<16xf32>
    %add3A_1825 = arith.constant -0.244996116 : f32
    %add3A_1826 = vector.broadcast %add3A_1825 : f32 to vector<16xf32>
    %add3A_1827 = arith.addf %mul3A_1824, %add3A_1826 : vector<16xf32>
    %mul3A_1828 = arith.mulf %add3A_1827, %exp3A_1809 : vector<16xf32>
    %add3A_1829 = arith.constant 0.332761765 : f32
    %add3A_1830 = vector.broadcast %add3A_1829 : f32 to vector<16xf32>
    %add3A_1831 = arith.addf %mul3A_1828, %add3A_1830 : vector<16xf32>
    %mul3A_1832 = arith.mulf %add3A_1831, %exp3A_1809 : vector<16xf32>
    %add3A_1833 = arith.constant -0.499974489 : f32
    %add3A_1834 = vector.broadcast %add3A_1833 : f32 to vector<16xf32>
    %add3A_1835 = arith.addf %mul3A_1832, %add3A_1834 : vector<16xf32>
    %mul3A_1836 = arith.mulf %add3A_1835, %exp3A_1809 : vector<16xf32>
    %add3A_1837 = arith.constant 0.999999821 : f32
    %add3A_1838 = vector.broadcast %add3A_1837 : f32 to vector<16xf32>
    %add3A_1839 = arith.addf %mul3A_1836, %add3A_1838 : vector<16xf32>
    %mul3A_1840 = arith.mulf %exp3A_1809, %add3A_1839 : vector<16xf32>
    %add3A_1841 = arith.addf %max3A_1804, %mul3A_1840 : vector<16xf32>
    %mul3A_1842 = arith.constant -1.730000e+00 : f32
    %mul3A_1843 = vector.broadcast %mul3A_1842 : f32 to vector<16xf32>
    %mul3A_1844 = arith.mulf %mul3A_1843, %add3A_1841 : vector<16xf32>
    %swap3A_1845 = arith.constant 368 : index
    %swap3A_1846 = tpu.vector_load %arg13[%swap3A_1845] {strides = array<i32>} : memref<512xf32, #tpu.memory_space<vmem>>, vector<16xf32>,
    %swap3A_1847 = vector.shape_cast %swap3A_1846 : vector<16xf32> to vector<16xf32>
    %swap3A_1848 = vector.shape_cast %mul3A_1844 : vector<16xf32> to vector<16xf32>
    tpu.vector_store %arg13[%swap3A_1845], %swap3A_1848 {strides = array<i32>} : memref<512xf32, #tpu.memory_space<vmem>>, vector<16xf32>,
    %get3A_1849 = arith.constant 368 : index
    %get3A_1850 = tpu.vector_load %arg11[%get3A_1849] {strides = array<i32>} : memref<512xf32, #tpu.memory_space<vmem>>, vector<16xf32>,
    %get3A_1851 = vector.shape_cast %get3A_1850 : vector<16xf32> to vector<16xf32>
    %mul3A_1852 = arith.mulf %mul3A_1844, %get3A_1851 : vector<16xf32>
    %sub3A_1853 = arith.constant 9.99999993E-9 : f32
    %sub3A_1854 = vector.broadcast %sub3A_1853 : f32 to vector<16xf32>
    %sub3A_1855 = arith.subf %sub3A_1854, %mul3A_1852 : vector<16xf32>
    %swap3A_1856 = arith.constant 368 : index
    %swap3A_1857 = tpu.vector_load %arg14[%swap3A_1856] {strides = array<i32>} : memref<512xf32, #tpu.memory_space<vmem>>, vector<16xf32>,
    %swap3A_1858 = vector.shape_cast %swap3A_1857 : vector<16xf32> to vector<16xf32>
    %swap3A_1859 = vector.shape_cast %sub3A_1855 : vector<16xf32> to vector<16xf32>
    tpu.vector_store %arg14[%swap3A_1856], %swap3A_1859 {strides = array<i32>} : memref<512xf32, #tpu.memory_space<vmem>>, vector<16xf32>,
    %get3A_1860 = arith.constant 368 : index
    %get3A_1861 = tpu.vector_load %arg12[%get3A_1860] {strides = array<i32>} : memref<512xf32, #tpu.memory_space<vmem>>, vector<16xf32>,
    %get3A_1862 = vector.shape_cast %get3A_1861 : vector<16xf32> to vector<16xf32>
    %neg3A_1863 = arith.constant 0.000000e+00 : f32
    %neg3A_1864 = vector.broadcast %neg3A_1863 : f32 to vector<16xf32>
    %neg3A_1865 = arith.subf %neg3A_1864, %get3A_1862 : vector<16xf32>
    %exp3A_1866 = math.exp %neg3A_1865 : vector<16xf32>
    %add3A_1867 = arith.constant 1.000000e+00 : f32
    %add3A_1868 = vector.broadcast %add3A_1867 : f32 to vector<16xf32>
    %add3A_1869 = arith.addf %add3A_1868, %exp3A_1866 : vector<16xf32>
    %div3A_1870 = arith.constant 1.000000e+00 : f32
    %div3A_1871 = vector.broadcast %div3A_1870 : f32 to vector<16xf32>
    %div3A_1872 = arith.divf %div3A_1871, %add3A_1869 : vector<16xf32>
    %swap3A_1873 = arith.constant 368 : index
    %swap3A_1874 = tpu.vector_load %arg15[%swap3A_1873] {strides = array<i32>} : memref<512xf32, #tpu.memory_space<vmem>>, vector<16xf32>,
    %swap3A_1875 = vector.shape_cast %swap3A_1874 : vector<16xf32> to vector<16xf32>
    %swap3A_1876 = vector.shape_cast %div3A_1872 : vector<16xf32> to vector<16xf32>
    tpu.vector_store %arg15[%swap3A_1873], %swap3A_1876 {strides = array<i32>} : memref<512xf32, #tpu.memory_space<vmem>>, vector<16xf32>,
    %get3A_1877 = arith.constant 384 : index
    %get3A_1878 = tpu.vector_load %arg10[%get3A_1877] {strides = array<i32>} : memref<512xf32, #tpu.memory_space<vmem>>, vector<16xf32>,
    %get3A_1879 = vector.shape_cast %get3A_1878 : vector<16xf32> to vector<16xf32>
    %max3A_1880 = arith.constant 0.000000e+00 : f32
    %max3A_1881 = vector.broadcast %max3A_1880 : f32 to vector<16xf32>
    %max3A_1882 = arith.maximumf %get3A_1879, %max3A_1881 : vector<16xf32>
    %abs3A_1883 = math.absf %get3A_1879 : vector<16xf32>
    %neg3A_1884 = arith.constant 0.000000e+00 : f32
    %neg3A_1885 = vector.broadcast %neg3A_1884 : f32 to vector<16xf32>
    %neg3A_1886 = arith.subf %neg3A_1885, %abs3A_1883 : vector<16xf32>
    %exp3A_1887 = math.exp %neg3A_1886 : vector<16xf32>
    %mul3A_1888 = arith.constant -0.00857467576 : f32
    %mul3A_1889 = vector.broadcast %mul3A_1888 : f32 to vector<16xf32>
    %mul3A_1890 = arith.mulf %mul3A_1889, %exp3A_1887 : vector<16xf32>
    %add3A_1891 = arith.constant 0.0442141928 : f32
    %add3A_1892 = vector.broadcast %add3A_1891 : f32 to vector<16xf32>
    %add3A_1893 = arith.addf %mul3A_1890, %add3A_1892 : vector<16xf32>
    %mul3A_1894 = arith.mulf %add3A_1893, %exp3A_1887 : vector<16xf32>
    %add3A_1895 = arith.constant -0.107853681 : f32
    %add3A_1896 = vector.broadcast %add3A_1895 : f32 to vector<16xf32>
    %add3A_1897 = arith.addf %mul3A_1894, %add3A_1896 : vector<16xf32>
    %mul3A_1898 = arith.mulf %add3A_1897, %exp3A_1887 : vector<16xf32>
    %add3A_1899 = arith.constant 0.177570239 : f32
    %add3A_1900 = vector.broadcast %add3A_1899 : f32 to vector<16xf32>
    %add3A_1901 = arith.addf %mul3A_1898, %add3A_1900 : vector<16xf32>
    %mul3A_1902 = arith.mulf %add3A_1901, %exp3A_1887 : vector<16xf32>
    %add3A_1903 = arith.constant -0.244996116 : f32
    %add3A_1904 = vector.broadcast %add3A_1903 : f32 to vector<16xf32>
    %add3A_1905 = arith.addf %mul3A_1902, %add3A_1904 : vector<16xf32>
    %mul3A_1906 = arith.mulf %add3A_1905, %exp3A_1887 : vector<16xf32>
    %add3A_1907 = arith.constant 0.332761765 : f32
    %add3A_1908 = vector.broadcast %add3A_1907 : f32 to vector<16xf32>
    %add3A_1909 = arith.addf %mul3A_1906, %add3A_1908 : vector<16xf32>
    %mul3A_1910 = arith.mulf %add3A_1909, %exp3A_1887 : vector<16xf32>
    %add3A_1911 = arith.constant -0.499974489 : f32
    %add3A_1912 = vector.broadcast %add3A_1911 : f32 to vector<16xf32>
    %add3A_1913 = arith.addf %mul3A_1910, %add3A_1912 : vector<16xf32>
    %mul3A_1914 = arith.mulf %add3A_1913, %exp3A_1887 : vector<16xf32>
    %add3A_1915 = arith.constant 0.999999821 : f32
    %add3A_1916 = vector.broadcast %add3A_1915 : f32 to vector<16xf32>
    %add3A_1917 = arith.addf %mul3A_1914, %add3A_1916 : vector<16xf32>
    %mul3A_1918 = arith.mulf %exp3A_1887, %add3A_1917 : vector<16xf32>
    %add3A_1919 = arith.addf %max3A_1882, %mul3A_1918 : vector<16xf32>
    %mul3A_1920 = arith.constant -1.730000e+00 : f32
    %mul3A_1921 = vector.broadcast %mul3A_1920 : f32 to vector<16xf32>
    %mul3A_1922 = arith.mulf %mul3A_1921, %add3A_1919 : vector<16xf32>
    %swap3A_1923 = arith.constant 384 : index
    %swap3A_1924 = tpu.vector_load %arg13[%swap3A_1923] {strides = array<i32>} : memref<512xf32, #tpu.memory_space<vmem>>, vector<16xf32>,
    %swap3A_1925 = vector.shape_cast %swap3A_1924 : vector<16xf32> to vector<16xf32>
    %swap3A_1926 = vector.shape_cast %mul3A_1922 : vector<16xf32> to vector<16xf32>
    tpu.vector_store %arg13[%swap3A_1923], %swap3A_1926 {strides = array<i32>} : memref<512xf32, #tpu.memory_space<vmem>>, vector<16xf32>,
    %get3A_1927 = arith.constant 384 : index
    %get3A_1928 = tpu.vector_load %arg11[%get3A_1927] {strides = array<i32>} : memref<512xf32, #tpu.memory_space<vmem>>, vector<16xf32>,
    %get3A_1929 = vector.shape_cast %get3A_1928 : vector<16xf32> to vector<16xf32>
    %mul3A_1930 = arith.mulf %mul3A_1922, %get3A_1929 : vector<16xf32>
    %sub3A_1931 = arith.constant 9.99999993E-9 : f32
    %sub3A_1932 = vector.broadcast %sub3A_1931 : f32 to vector<16xf32>
    %sub3A_1933 = arith.subf %sub3A_1932, %mul3A_1930 : vector<16xf32>
    %swap3A_1934 = arith.constant 384 : index
    %swap3A_1935 = tpu.vector_load %arg14[%swap3A_1934] {strides = array<i32>} : memref<512xf32, #tpu.memory_space<vmem>>, vector<16xf32>,
    %swap3A_1936 = vector.shape_cast %swap3A_1935 : vector<16xf32> to vector<16xf32>
    %swap3A_1937 = vector.shape_cast %sub3A_1933 : vector<16xf32> to vector<16xf32>
    tpu.vector_store %arg14[%swap3A_1934], %swap3A_1937 {strides = array<i32>} : memref<512xf32, #tpu.memory_space<vmem>>, vector<16xf32>,
    %get3A_1938 = arith.constant 384 : index
    %get3A_1939 = tpu.vector_load %arg12[%get3A_1938] {strides = array<i32>} : memref<512xf32, #tpu.memory_space<vmem>>, vector<16xf32>,
    %get3A_1940 = vector.shape_cast %get3A_1939 : vector<16xf32> to vector<16xf32>
    %neg3A_1941 = arith.constant 0.000000e+00 : f32
    %neg3A_1942 = vector.broadcast %neg3A_1941 : f32 to vector<16xf32>
    %neg3A_1943 = arith.subf %neg3A_1942, %get3A_1940 : vector<16xf32>
    %exp3A_1944 = math.exp %neg3A_1943 : vector<16xf32>
    %add3A_1945 = arith.constant 1.000000e+00 : f32
    %add3A_1946 = vector.broadcast %add3A_1945 : f32 to vector<16xf32>
    %add3A_1947 = arith.addf %add3A_1946, %exp3A_1944 : vector<16xf32>
    %div3A_1948 = arith.constant 1.000000e+00 : f32
    %div3A_1949 = vector.broadcast %div3A_1948 : f32 to vector<16xf32>
    %div3A_1950 = arith.divf %div3A_1949, %add3A_1947 : vector<16xf32>
    %swap3A_1951 = arith.constant 384 : index
    %swap3A_1952 = tpu.vector_load %arg15[%swap3A_1951] {strides = array<i32>} : memref<512xf32, #tpu.memory_space<vmem>>, vector<16xf32>,
    %swap3A_1953 = vector.shape_cast %swap3A_1952 : vector<16xf32> to vector<16xf32>
    %swap3A_1954 = vector.shape_cast %div3A_1950 : vector<16xf32> to vector<16xf32>
    tpu.vector_store %arg15[%swap3A_1951], %swap3A_1954 {strides = array<i32>} : memref<512xf32, #tpu.memory_space<vmem>>, vector<16xf32>,
    %get3A_1955 = arith.constant 400 : index
    %get3A_1956 = tpu.vector_load %arg10[%get3A_1955] {strides = array<i32>} : memref<512xf32, #tpu.memory_space<vmem>>, vector<16xf32>,
    %get3A_1957 = vector.shape_cast %get3A_1956 : vector<16xf32> to vector<16xf32>
    %max3A_1958 = arith.constant 0.000000e+00 : f32
    %max3A_1959 = vector.broadcast %max3A_1958 : f32 to vector<16xf32>
    %max3A_1960 = arith.maximumf %get3A_1957, %max3A_1959 : vector<16xf32>
    %abs3A_1961 = math.absf %get3A_1957 : vector<16xf32>
    %neg3A_1962 = arith.constant 0.000000e+00 : f32
    %neg3A_1963 = vector.broadcast %neg3A_1962 : f32 to vector<16xf32>
    %neg3A_1964 = arith.subf %neg3A_1963, %abs3A_1961 : vector<16xf32>
    %exp3A_1965 = math.exp %neg3A_1964 : vector<16xf32>
    %mul3A_1966 = arith.constant -0.00857467576 : f32
    %mul3A_1967 = vector.broadcast %mul3A_1966 : f32 to vector<16xf32>
    %mul3A_1968 = arith.mulf %mul3A_1967, %exp3A_1965 : vector<16xf32>
    %add3A_1969 = arith.constant 0.0442141928 : f32
    %add3A_1970 = vector.broadcast %add3A_1969 : f32 to vector<16xf32>
    %add3A_1971 = arith.addf %mul3A_1968, %add3A_1970 : vector<16xf32>
    %mul3A_1972 = arith.mulf %add3A_1971, %exp3A_1965 : vector<16xf32>
    %add3A_1973 = arith.constant -0.107853681 : f32
    %add3A_1974 = vector.broadcast %add3A_1973 : f32 to vector<16xf32>
    %add3A_1975 = arith.addf %mul3A_1972, %add3A_1974 : vector<16xf32>
    %mul3A_1976 = arith.mulf %add3A_1975, %exp3A_1965 : vector<16xf32>
    %add3A_1977 = arith.constant 0.177570239 : f32
    %add3A_1978 = vector.broadcast %add3A_1977 : f32 to vector<16xf32>
    %add3A_1979 = arith.addf %mul3A_1976, %add3A_1978 : vector<16xf32>
    %mul3A_1980 = arith.mulf %add3A_1979, %exp3A_1965 : vector<16xf32>
    %add3A_1981 = arith.constant -0.244996116 : f32
    %add3A_1982 = vector.broadcast %add3A_1981 : f32 to vector<16xf32>
    %add3A_1983 = arith.addf %mul3A_1980, %add3A_1982 : vector<16xf32>
    %mul3A_1984 = arith.mulf %add3A_1983, %exp3A_1965 : vector<16xf32>
    %add3A_1985 = arith.constant 0.332761765 : f32
    %add3A_1986 = vector.broadcast %add3A_1985 : f32 to vector<16xf32>
    %add3A_1987 = arith.addf %mul3A_1984, %add3A_1986 : vector<16xf32>
    %mul3A_1988 = arith.mulf %add3A_1987, %exp3A_1965 : vector<16xf32>
    %add3A_1989 = arith.constant -0.499974489 : f32
    %add3A_1990 = vector.broadcast %add3A_1989 : f32 to vector<16xf32>
    %add3A_1991 = arith.addf %mul3A_1988, %add3A_1990 : vector<16xf32>
    %mul3A_1992 = arith.mulf %add3A_1991, %exp3A_1965 : vector<16xf32>
    %add3A_1993 = arith.constant 0.999999821 : f32
    %add3A_1994 = vector.broadcast %add3A_1993 : f32 to vector<16xf32>
    %add3A_1995 = arith.addf %mul3A_1992, %add3A_1994 : vector<16xf32>
    %mul3A_1996 = arith.mulf %exp3A_1965, %add3A_1995 : vector<16xf32>
    %add3A_1997 = arith.addf %max3A_1960, %mul3A_1996 : vector<16xf32>
    %mul3A_1998 = arith.constant -1.730000e+00 : f32
    %mul3A_1999 = vector.broadcast %mul3A_1998 : f32 to vector<16xf32>
    %mul3A_2000 = arith.mulf %mul3A_1999, %add3A_1997 : vector<16xf32>
    %swap3A_2001 = arith.constant 400 : index
    %swap3A_2002 = tpu.vector_load %arg13[%swap3A_2001] {strides = array<i32>} : memref<512xf32, #tpu.memory_space<vmem>>, vector<16xf32>,
    %swap3A_2003 = vector.shape_cast %swap3A_2002 : vector<16xf32> to vector<16xf32>
    %swap3A_2004 = vector.shape_cast %mul3A_2000 : vector<16xf32> to vector<16xf32>
    tpu.vector_store %arg13[%swap3A_2001], %swap3A_2004 {strides = array<i32>} : memref<512xf32, #tpu.memory_space<vmem>>, vector<16xf32>,
    %get3A_2005 = arith.constant 400 : index
    %get3A_2006 = tpu.vector_load %arg11[%get3A_2005] {strides = array<i32>} : memref<512xf32, #tpu.memory_space<vmem>>, vector<16xf32>,
    %get3A_2007 = vector.shape_cast %get3A_2006 : vector<16xf32> to vector<16xf32>
    %mul3A_2008 = arith.mulf %mul3A_2000, %get3A_2007 : vector<16xf32>
    %sub3A_2009 = arith.constant 9.99999993E-9 : f32
    %sub3A_2010 = vector.broadcast %sub3A_2009 : f32 to vector<16xf32>
    %sub3A_2011 = arith.subf %sub3A_2010, %mul3A_2008 : vector<16xf32>
    %swap3A_2012 = arith.constant 400 : index
    %swap3A_2013 = tpu.vector_load %arg14[%swap3A_2012] {strides = array<i32>} : memref<512xf32, #tpu.memory_space<vmem>>, vector<16xf32>,
    %swap3A_2014 = vector.shape_cast %swap3A_2013 : vector<16xf32> to vector<16xf32>
    %swap3A_2015 = vector.shape_cast %sub3A_2011 : vector<16xf32> to vector<16xf32>
    tpu.vector_store %arg14[%swap3A_2012], %swap3A_2015 {strides = array<i32>} : memref<512xf32, #tpu.memory_space<vmem>>, vector<16xf32>,
    %get3A_2016 = arith.constant 400 : index
    %get3A_2017 = tpu.vector_load %arg12[%get3A_2016] {strides = array<i32>} : memref<512xf32, #tpu.memory_space<vmem>>, vector<16xf32>,
    %get3A_2018 = vector.shape_cast %get3A_2017 : vector<16xf32> to vector<16xf32>
    %neg3A_2019 = arith.constant 0.000000e+00 : f32
    %neg3A_2020 = vector.broadcast %neg3A_2019 : f32 to vector<16xf32>
    %neg3A_2021 = arith.subf %neg3A_2020, %get3A_2018 : vector<16xf32>
    %exp3A_2022 = math.exp %neg3A_2021 : vector<16xf32>
    %add3A_2023 = arith.constant 1.000000e+00 : f32
    %add3A_2024 = vector.broadcast %add3A_2023 : f32 to vector<16xf32>
    %add3A_2025 = arith.addf %add3A_2024, %exp3A_2022 : vector<16xf32>
    %div3A_2026 = arith.constant 1.000000e+00 : f32
    %div3A_2027 = vector.broadcast %div3A_2026 : f32 to vector<16xf32>
    %div3A_2028 = arith.divf %div3A_2027, %add3A_2025 : vector<16xf32>
    %swap3A_2029 = arith.constant 400 : index
    %swap3A_2030 = tpu.vector_load %arg15[%swap3A_2029] {strides = array<i32>} : memref<512xf32, #tpu.memory_space<vmem>>, vector<16xf32>,
    %swap3A_2031 = vector.shape_cast %swap3A_2030 : vector<16xf32> to vector<16xf32>
    %swap3A_2032 = vector.shape_cast %div3A_2028 : vector<16xf32> to vector<16xf32>
    tpu.vector_store %arg15[%swap3A_2029], %swap3A_2032 {strides = array<i32>} : memref<512xf32, #tpu.memory_space<vmem>>, vector<16xf32>,
    %get3A_2033 = arith.constant 416 : index
    %get3A_2034 = tpu.vector_load %arg10[%get3A_2033] {strides = array<i32>} : memref<512xf32, #tpu.memory_space<vmem>>, vector<16xf32>,
    %get3A_2035 = vector.shape_cast %get3A_2034 : vector<16xf32> to vector<16xf32>
    %max3A_2036 = arith.constant 0.000000e+00 : f32
    %max3A_2037 = vector.broadcast %max3A_2036 : f32 to vector<16xf32>
    %max3A_2038 = arith.maximumf %get3A_2035, %max3A_2037 : vector<16xf32>
    %abs3A_2039 = math.absf %get3A_2035 : vector<16xf32>
    %neg3A_2040 = arith.constant 0.000000e+00 : f32
    %neg3A_2041 = vector.broadcast %neg3A_2040 : f32 to vector<16xf32>
    %neg3A_2042 = arith.subf %neg3A_2041, %abs3A_2039 : vector<16xf32>
    %exp3A_2043 = math.exp %neg3A_2042 : vector<16xf32>
    %mul3A_2044 = arith.constant -0.00857467576 : f32
    %mul3A_2045 = vector.broadcast %mul3A_2044 : f32 to vector<16xf32>
    %mul3A_2046 = arith.mulf %mul3A_2045, %exp3A_2043 : vector<16xf32>
    %add3A_2047 = arith.constant 0.0442141928 : f32
    %add3A_2048 = vector.broadcast %add3A_2047 : f32 to vector<16xf32>
    %add3A_2049 = arith.addf %mul3A_2046, %add3A_2048 : vector<16xf32>
    %mul3A_2050 = arith.mulf %add3A_2049, %exp3A_2043 : vector<16xf32>
    %add3A_2051 = arith.constant -0.107853681 : f32
    %add3A_2052 = vector.broadcast %add3A_2051 : f32 to vector<16xf32>
    %add3A_2053 = arith.addf %mul3A_2050, %add3A_2052 : vector<16xf32>
    %mul3A_2054 = arith.mulf %add3A_2053, %exp3A_2043 : vector<16xf32>
    %add3A_2055 = arith.constant 0.177570239 : f32
    %add3A_2056 = vector.broadcast %add3A_2055 : f32 to vector<16xf32>
    %add3A_2057 = arith.addf %mul3A_2054, %add3A_2056 : vector<16xf32>
    %mul3A_2058 = arith.mulf %add3A_2057, %exp3A_2043 : vector<16xf32>
    %add3A_2059 = arith.constant -0.244996116 : f32
    %add3A_2060 = vector.broadcast %add3A_2059 : f32 to vector<16xf32>
    %add3A_2061 = arith.addf %mul3A_2058, %add3A_2060 : vector<16xf32>
    %mul3A_2062 = arith.mulf %add3A_2061, %exp3A_2043 : vector<16xf32>
    %add3A_2063 = arith.constant 0.332761765 : f32
    %add3A_2064 = vector.broadcast %add3A_2063 : f32 to vector<16xf32>
    %add3A_2065 = arith.addf %mul3A_2062, %add3A_2064 : vector<16xf32>
    %mul3A_2066 = arith.mulf %add3A_2065, %exp3A_2043 : vector<16xf32>
    %add3A_2067 = arith.constant -0.499974489 : f32
    %add3A_2068 = vector.broadcast %add3A_2067 : f32 to vector<16xf32>
    %add3A_2069 = arith.addf %mul3A_2066, %add3A_2068 : vector<16xf32>
    %mul3A_2070 = arith.mulf %add3A_2069, %exp3A_2043 : vector<16xf32>
    %add3A_2071 = arith.constant 0.999999821 : f32
    %add3A_2072 = vector.broadcast %add3A_2071 : f32 to vector<16xf32>
    %add3A_2073 = arith.addf %mul3A_2070, %add3A_2072 : vector<16xf32>
    %mul3A_2074 = arith.mulf %exp3A_2043, %add3A_2073 : vector<16xf32>
    %add3A_2075 = arith.addf %max3A_2038, %mul3A_2074 : vector<16xf32>
    %mul3A_2076 = arith.constant -1.730000e+00 : f32
    %mul3A_2077 = vector.broadcast %mul3A_2076 : f32 to vector<16xf32>
    %mul3A_2078 = arith.mulf %mul3A_2077, %add3A_2075 : vector<16xf32>
    %swap3A_2079 = arith.constant 416 : index
    %swap3A_2080 = tpu.vector_load %arg13[%swap3A_2079] {strides = array<i32>} : memref<512xf32, #tpu.memory_space<vmem>>, vector<16xf32>,
    %swap3A_2081 = vector.shape_cast %swap3A_2080 : vector<16xf32> to vector<16xf32>
    %swap3A_2082 = vector.shape_cast %mul3A_2078 : vector<16xf32> to vector<16xf32>
    tpu.vector_store %arg13[%swap3A_2079], %swap3A_2082 {strides = array<i32>} : memref<512xf32, #tpu.memory_space<vmem>>, vector<16xf32>,
    %get3A_2083 = arith.constant 416 : index
    %get3A_2084 = tpu.vector_load %arg11[%get3A_2083] {strides = array<i32>} : memref<512xf32, #tpu.memory_space<vmem>>, vector<16xf32>,
    %get3A_2085 = vector.shape_cast %get3A_2084 : vector<16xf32> to vector<16xf32>
    %mul3A_2086 = arith.mulf %mul3A_2078, %get3A_2085 : vector<16xf32>
    %sub3A_2087 = arith.constant 9.99999993E-9 : f32
    %sub3A_2088 = vector.broadcast %sub3A_2087 : f32 to vector<16xf32>
    %sub3A_2089 = arith.subf %sub3A_2088, %mul3A_2086 : vector<16xf32>
    %swap3A_2090 = arith.constant 416 : index
    %swap3A_2091 = tpu.vector_load %arg14[%swap3A_2090] {strides = array<i32>} : memref<512xf32, #tpu.memory_space<vmem>>, vector<16xf32>,
    %swap3A_2092 = vector.shape_cast %swap3A_2091 : vector<16xf32> to vector<16xf32>
    %swap3A_2093 = vector.shape_cast %sub3A_2089 : vector<16xf32> to vector<16xf32>
    tpu.vector_store %arg14[%swap3A_2090], %swap3A_2093 {strides = array<i32>} : memref<512xf32, #tpu.memory_space<vmem>>, vector<16xf32>,
    %get3A_2094 = arith.constant 416 : index
    %get3A_2095 = tpu.vector_load %arg12[%get3A_2094] {strides = array<i32>} : memref<512xf32, #tpu.memory_space<vmem>>, vector<16xf32>,
    %get3A_2096 = vector.shape_cast %get3A_2095 : vector<16xf32> to vector<16xf32>
    %neg3A_2097 = arith.constant 0.000000e+00 : f32
    %neg3A_2098 = vector.broadcast %neg3A_2097 : f32 to vector<16xf32>
    %neg3A_2099 = arith.subf %neg3A_2098, %get3A_2096 : vector<16xf32>
    %exp3A_2100 = math.exp %neg3A_2099 : vector<16xf32>
    %add3A_2101 = arith.constant 1.000000e+00 : f32
    %add3A_2102 = vector.broadcast %add3A_2101 : f32 to vector<16xf32>
    %add3A_2103 = arith.addf %add3A_2102, %exp3A_2100 : vector<16xf32>
    %div3A_2104 = arith.constant 1.000000e+00 : f32
    %div3A_2105 = vector.broadcast %div3A_2104 : f32 to vector<16xf32>
    %div3A_2106 = arith.divf %div3A_2105, %add3A_2103 : vector<16xf32>
    %swap3A_2107 = arith.constant 416 : index
    %swap3A_2108 = tpu.vector_load %arg15[%swap3A_2107] {strides = array<i32>} : memref<512xf32, #tpu.memory_space<vmem>>, vector<16xf32>,
    %swap3A_2109 = vector.shape_cast %swap3A_2108 : vector<16xf32> to vector<16xf32>
    %swap3A_2110 = vector.shape_cast %div3A_2106 : vector<16xf32> to vector<16xf32>
    tpu.vector_store %arg15[%swap3A_2107], %swap3A_2110 {strides = array<i32>} : memref<512xf32, #tpu.memory_space<vmem>>, vector<16xf32>,
    %get3A_2111 = arith.constant 432 : index
    %get3A_2112 = tpu.vector_load %arg10[%get3A_2111] {strides = array<i32>} : memref<512xf32, #tpu.memory_space<vmem>>, vector<16xf32>,
    %get3A_2113 = vector.shape_cast %get3A_2112 : vector<16xf32> to vector<16xf32>
    %max3A_2114 = arith.constant 0.000000e+00 : f32
    %max3A_2115 = vector.broadcast %max3A_2114 : f32 to vector<16xf32>
    %max3A_2116 = arith.maximumf %get3A_2113, %max3A_2115 : vector<16xf32>
    %abs3A_2117 = math.absf %get3A_2113 : vector<16xf32>
    %neg3A_2118 = arith.constant 0.000000e+00 : f32
    %neg3A_2119 = vector.broadcast %neg3A_2118 : f32 to vector<16xf32>
    %neg3A_2120 = arith.subf %neg3A_2119, %abs3A_2117 : vector<16xf32>
    %exp3A_2121 = math.exp %neg3A_2120 : vector<16xf32>
    %mul3A_2122 = arith.constant -0.00857467576 : f32
    %mul3A_2123 = vector.broadcast %mul3A_2122 : f32 to vector<16xf32>
    %mul3A_2124 = arith.mulf %mul3A_2123, %exp3A_2121 : vector<16xf32>
    %add3A_2125 = arith.constant 0.0442141928 : f32
    %add3A_2126 = vector.broadcast %add3A_2125 : f32 to vector<16xf32>
    %add3A_2127 = arith.addf %mul3A_2124, %add3A_2126 : vector<16xf32>
    %mul3A_2128 = arith.mulf %add3A_2127, %exp3A_2121 : vector<16xf32>
    %add3A_2129 = arith.constant -0.107853681 : f32
    %add3A_2130 = vector.broadcast %add3A_2129 : f32 to vector<16xf32>
    %add3A_2131 = arith.addf %mul3A_2128, %add3A_2130 : vector<16xf32>
    %mul3A_2132 = arith.mulf %add3A_2131, %exp3A_2121 : vector<16xf32>
    %add3A_2133 = arith.constant 0.177570239 : f32
    %add3A_2134 = vector.broadcast %add3A_2133 : f32 to vector<16xf32>
    %add3A_2135 = arith.addf %mul3A_2132, %add3A_2134 : vector<16xf32>
    %mul3A_2136 = arith.mulf %add3A_2135, %exp3A_2121 : vector<16xf32>
    %add3A_2137 = arith.constant -0.244996116 : f32
    %add3A_2138 = vector.broadcast %add3A_2137 : f32 to vector<16xf32>
    %add3A_2139 = arith.addf %mul3A_2136, %add3A_2138 : vector<16xf32>
    %mul3A_2140 = arith.mulf %add3A_2139, %exp3A_2121 : vector<16xf32>
    %add3A_2141 = arith.constant 0.332761765 : f32
    %add3A_2142 = vector.broadcast %add3A_2141 : f32 to vector<16xf32>
    %add3A_2143 = arith.addf %mul3A_2140, %add3A_2142 : vector<16xf32>
    %mul3A_2144 = arith.mulf %add3A_2143, %exp3A_2121 : vector<16xf32>
    %add3A_2145 = arith.constant -0.499974489 : f32
    %add3A_2146 = vector.broadcast %add3A_2145 : f32 to vector<16xf32>
    %add3A_2147 = arith.addf %mul3A_2144, %add3A_2146 : vector<16xf32>
    %mul3A_2148 = arith.mulf %add3A_2147, %exp3A_2121 : vector<16xf32>
    %add3A_2149 = arith.constant 0.999999821 : f32
    %add3A_2150 = vector.broadcast %add3A_2149 : f32 to vector<16xf32>
    %add3A_2151 = arith.addf %mul3A_2148, %add3A_2150 : vector<16xf32>
    %mul3A_2152 = arith.mulf %exp3A_2121, %add3A_2151 : vector<16xf32>
    %add3A_2153 = arith.addf %max3A_2116, %mul3A_2152 : vector<16xf32>
    %mul3A_2154 = arith.constant -1.730000e+00 : f32
    %mul3A_2155 = vector.broadcast %mul3A_2154 : f32 to vector<16xf32>
    %mul3A_2156 = arith.mulf %mul3A_2155, %add3A_2153 : vector<16xf32>
    %swap3A_2157 = arith.constant 432 : index
    %swap3A_2158 = tpu.vector_load %arg13[%swap3A_2157] {strides = array<i32>} : memref<512xf32, #tpu.memory_space<vmem>>, vector<16xf32>,
    %swap3A_2159 = vector.shape_cast %swap3A_2158 : vector<16xf32> to vector<16xf32>
    %swap3A_2160 = vector.shape_cast %mul3A_2156 : vector<16xf32> to vector<16xf32>
    tpu.vector_store %arg13[%swap3A_2157], %swap3A_2160 {strides = array<i32>} : memref<512xf32, #tpu.memory_space<vmem>>, vector<16xf32>,
    %get3A_2161 = arith.constant 432 : index
    %get3A_2162 = tpu.vector_load %arg11[%get3A_2161] {strides = array<i32>} : memref<512xf32, #tpu.memory_space<vmem>>, vector<16xf32>,
    %get3A_2163 = vector.shape_cast %get3A_2162 : vector<16xf32> to vector<16xf32>
    %mul3A_2164 = arith.mulf %mul3A_2156, %get3A_2163 : vector<16xf32>
    %sub3A_2165 = arith.constant 9.99999993E-9 : f32
    %sub3A_2166 = vector.broadcast %sub3A_2165 : f32 to vector<16xf32>
    %sub3A_2167 = arith.subf %sub3A_2166, %mul3A_2164 : vector<16xf32>
    %swap3A_2168 = arith.constant 432 : index
    %swap3A_2169 = tpu.vector_load %arg14[%swap3A_2168] {strides = array<i32>} : memref<512xf32, #tpu.memory_space<vmem>>, vector<16xf32>,
    %swap3A_2170 = vector.shape_cast %swap3A_2169 : vector<16xf32> to vector<16xf32>
    %swap3A_2171 = vector.shape_cast %sub3A_2167 : vector<16xf32> to vector<16xf32>
    tpu.vector_store %arg14[%swap3A_2168], %swap3A_2171 {strides = array<i32>} : memref<512xf32, #tpu.memory_space<vmem>>, vector<16xf32>,
    %get3A_2172 = arith.constant 432 : index
    %get3A_2173 = tpu.vector_load %arg12[%get3A_2172] {strides = array<i32>} : memref<512xf32, #tpu.memory_space<vmem>>, vector<16xf32>,
    %get3A_2174 = vector.shape_cast %get3A_2173 : vector<16xf32> to vector<16xf32>
    %neg3A_2175 = arith.constant 0.000000e+00 : f32
    %neg3A_2176 = vector.broadcast %neg3A_2175 : f32 to vector<16xf32>
    %neg3A_2177 = arith.subf %neg3A_2176, %get3A_2174 : vector<16xf32>
    %exp3A_2178 = math.exp %neg3A_2177 : vector<16xf32>
    %add3A_2179 = arith.constant 1.000000e+00 : f32
    %add3A_2180 = vector.broadcast %add3A_2179 : f32 to vector<16xf32>
    %add3A_2181 = arith.addf %add3A_2180, %exp3A_2178 : vector<16xf32>
    %div3A_2182 = arith.constant 1.000000e+00 : f32
    %div3A_2183 = vector.broadcast %div3A_2182 : f32 to vector<16xf32>
    %div3A_2184 = arith.divf %div3A_2183, %add3A_2181 : vector<16xf32>
    %swap3A_2185 = arith.constant 432 : index
    %swap3A_2186 = tpu.vector_load %arg15[%swap3A_2185] {strides = array<i32>} : memref<512xf32, #tpu.memory_space<vmem>>, vector<16xf32>,
    %swap3A_2187 = vector.shape_cast %swap3A_2186 : vector<16xf32> to vector<16xf32>
    %swap3A_2188 = vector.shape_cast %div3A_2184 : vector<16xf32> to vector<16xf32>
    tpu.vector_store %arg15[%swap3A_2185], %swap3A_2188 {strides = array<i32>} : memref<512xf32, #tpu.memory_space<vmem>>, vector<16xf32>,
    %get3A_2189 = arith.constant 448 : index
    %get3A_2190 = tpu.vector_load %arg10[%get3A_2189] {strides = array<i32>} : memref<512xf32, #tpu.memory_space<vmem>>, vector<16xf32>,
    %get3A_2191 = vector.shape_cast %get3A_2190 : vector<16xf32> to vector<16xf32>
    %max3A_2192 = arith.constant 0.000000e+00 : f32
    %max3A_2193 = vector.broadcast %max3A_2192 : f32 to vector<16xf32>
    %max3A_2194 = arith.maximumf %get3A_2191, %max3A_2193 : vector<16xf32>
    %abs3A_2195 = math.absf %get3A_2191 : vector<16xf32>
    %neg3A_2196 = arith.constant 0.000000e+00 : f32
    %neg3A_2197 = vector.broadcast %neg3A_2196 : f32 to vector<16xf32>
    %neg3A_2198 = arith.subf %neg3A_2197, %abs3A_2195 : vector<16xf32>
    %exp3A_2199 = math.exp %neg3A_2198 : vector<16xf32>
    %mul3A_2200 = arith.constant -0.00857467576 : f32
    %mul3A_2201 = vector.broadcast %mul3A_2200 : f32 to vector<16xf32>
    %mul3A_2202 = arith.mulf %mul3A_2201, %exp3A_2199 : vector<16xf32>
    %add3A_2203 = arith.constant 0.0442141928 : f32
    %add3A_2204 = vector.broadcast %add3A_2203 : f32 to vector<16xf32>
    %add3A_2205 = arith.addf %mul3A_2202, %add3A_2204 : vector<16xf32>
    %mul3A_2206 = arith.mulf %add3A_2205, %exp3A_2199 : vector<16xf32>
    %add3A_2207 = arith.constant -0.107853681 : f32
    %add3A_2208 = vector.broadcast %add3A_2207 : f32 to vector<16xf32>
    %add3A_2209 = arith.addf %mul3A_2206, %add3A_2208 : vector<16xf32>
    %mul3A_2210 = arith.mulf %add3A_2209, %exp3A_2199 : vector<16xf32>
    %add3A_2211 = arith.constant 0.177570239 : f32
    %add3A_2212 = vector.broadcast %add3A_2211 : f32 to vector<16xf32>
    %add3A_2213 = arith.addf %mul3A_2210, %add3A_2212 : vector<16xf32>
    %mul3A_2214 = arith.mulf %add3A_2213, %exp3A_2199 : vector<16xf32>
    %add3A_2215 = arith.constant -0.244996116 : f32
    %add3A_2216 = vector.broadcast %add3A_2215 : f32 to vector<16xf32>
    %add3A_2217 = arith.addf %mul3A_2214, %add3A_2216 : vector<16xf32>
    %mul3A_2218 = arith.mulf %add3A_2217, %exp3A_2199 : vector<16xf32>
    %add3A_2219 = arith.constant 0.332761765 : f32
    %add3A_2220 = vector.broadcast %add3A_2219 : f32 to vector<16xf32>
    %add3A_2221 = arith.addf %mul3A_2218, %add3A_2220 : vector<16xf32>
    %mul3A_2222 = arith.mulf %add3A_2221, %exp3A_2199 : vector<16xf32>
    %add3A_2223 = arith.constant -0.499974489 : f32
    %add3A_2224 = vector.broadcast %add3A_2223 : f32 to vector<16xf32>
    %add3A_2225 = arith.addf %mul3A_2222, %add3A_2224 : vector<16xf32>
    %mul3A_2226 = arith.mulf %add3A_2225, %exp3A_2199 : vector<16xf32>
    %add3A_2227 = arith.constant 0.999999821 : f32
    %add3A_2228 = vector.broadcast %add3A_2227 : f32 to vector<16xf32>
    %add3A_2229 = arith.addf %mul3A_2226, %add3A_2228 : vector<16xf32>
    %mul3A_2230 = arith.mulf %exp3A_2199, %add3A_2229 : vector<16xf32>
    %add3A_2231 = arith.addf %max3A_2194, %mul3A_2230 : vector<16xf32>
    %mul3A_2232 = arith.constant -1.730000e+00 : f32
    %mul3A_2233 = vector.broadcast %mul3A_2232 : f32 to vector<16xf32>
    %mul3A_2234 = arith.mulf %mul3A_2233, %add3A_2231 : vector<16xf32>
    %swap3A_2235 = arith.constant 448 : index
    %swap3A_2236 = tpu.vector_load %arg13[%swap3A_2235] {strides = array<i32>} : memref<512xf32, #tpu.memory_space<vmem>>, vector<16xf32>,
    %swap3A_2237 = vector.shape_cast %swap3A_2236 : vector<16xf32> to vector<16xf32>
    %swap3A_2238 = vector.shape_cast %mul3A_2234 : vector<16xf32> to vector<16xf32>
    tpu.vector_store %arg13[%swap3A_2235], %swap3A_2238 {strides = array<i32>} : memref<512xf32, #tpu.memory_space<vmem>>, vector<16xf32>,
    %get3A_2239 = arith.constant 448 : index
    %get3A_2240 = tpu.vector_load %arg11[%get3A_2239] {strides = array<i32>} : memref<512xf32, #tpu.memory_space<vmem>>, vector<16xf32>,
    %get3A_2241 = vector.shape_cast %get3A_2240 : vector<16xf32> to vector<16xf32>
    %mul3A_2242 = arith.mulf %mul3A_2234, %get3A_2241 : vector<16xf32>
    %sub3A_2243 = arith.constant 9.99999993E-9 : f32
    %sub3A_2244 = vector.broadcast %sub3A_2243 : f32 to vector<16xf32>
    %sub3A_2245 = arith.subf %sub3A_2244, %mul3A_2242 : vector<16xf32>
    %swap3A_2246 = arith.constant 448 : index
    %swap3A_2247 = tpu.vector_load %arg14[%swap3A_2246] {strides = array<i32>} : memref<512xf32, #tpu.memory_space<vmem>>, vector<16xf32>,
    %swap3A_2248 = vector.shape_cast %swap3A_2247 : vector<16xf32> to vector<16xf32>
    %swap3A_2249 = vector.shape_cast %sub3A_2245 : vector<16xf32> to vector<16xf32>
    tpu.vector_store %arg14[%swap3A_2246], %swap3A_2249 {strides = array<i32>} : memref<512xf32, #tpu.memory_space<vmem>>, vector<16xf32>,
    %get3A_2250 = arith.constant 448 : index
    %get3A_2251 = tpu.vector_load %arg12[%get3A_2250] {strides = array<i32>} : memref<512xf32, #tpu.memory_space<vmem>>, vector<16xf32>,
    %get3A_2252 = vector.shape_cast %get3A_2251 : vector<16xf32> to vector<16xf32>
    %neg3A_2253 = arith.constant 0.000000e+00 : f32
    %neg3A_2254 = vector.broadcast %neg3A_2253 : f32 to vector<16xf32>
    %neg3A_2255 = arith.subf %neg3A_2254, %get3A_2252 : vector<16xf32>
    %exp3A_2256 = math.exp %neg3A_2255 : vector<16xf32>
    %add3A_2257 = arith.constant 1.000000e+00 : f32
    %add3A_2258 = vector.broadcast %add3A_2257 : f32 to vector<16xf32>
    %add3A_2259 = arith.addf %add3A_2258, %exp3A_2256 : vector<16xf32>
    %div3A_2260 = arith.constant 1.000000e+00 : f32
    %div3A_2261 = vector.broadcast %div3A_2260 : f32 to vector<16xf32>
    %div3A_2262 = arith.divf %div3A_2261, %add3A_2259 : vector<16xf32>
    %swap3A_2263 = arith.constant 448 : index
    %swap3A_2264 = tpu.vector_load %arg15[%swap3A_2263] {strides = array<i32>} : memref<512xf32, #tpu.memory_space<vmem>>, vector<16xf32>,
    %swap3A_2265 = vector.shape_cast %swap3A_2264 : vector<16xf32> to vector<16xf32>
    %swap3A_2266 = vector.shape_cast %div3A_2262 : vector<16xf32> to vector<16xf32>
    tpu.vector_store %arg15[%swap3A_2263], %swap3A_2266 {strides = array<i32>} : memref<512xf32, #tpu.memory_space<vmem>>, vector<16xf32>,
    %get3A_2267 = arith.constant 464 : index
    %get3A_2268 = tpu.vector_load %arg10[%get3A_2267] {strides = array<i32>} : memref<512xf32, #tpu.memory_space<vmem>>, vector<16xf32>,
    %get3A_2269 = vector.shape_cast %get3A_2268 : vector<16xf32> to vector<16xf32>
    %max3A_2270 = arith.constant 0.000000e+00 : f32
    %max3A_2271 = vector.broadcast %max3A_2270 : f32 to vector<16xf32>
    %max3A_2272 = arith.maximumf %get3A_2269, %max3A_2271 : vector<16xf32>
    %abs3A_2273 = math.absf %get3A_2269 : vector<16xf32>
    %neg3A_2274 = arith.constant 0.000000e+00 : f32
    %neg3A_2275 = vector.broadcast %neg3A_2274 : f32 to vector<16xf32>
    %neg3A_2276 = arith.subf %neg3A_2275, %abs3A_2273 : vector<16xf32>
    %exp3A_2277 = math.exp %neg3A_2276 : vector<16xf32>
    %mul3A_2278 = arith.constant -0.00857467576 : f32
    %mul3A_2279 = vector.broadcast %mul3A_2278 : f32 to vector<16xf32>
    %mul3A_2280 = arith.mulf %mul3A_2279, %exp3A_2277 : vector<16xf32>
    %add3A_2281 = arith.constant 0.0442141928 : f32
    %add3A_2282 = vector.broadcast %add3A_2281 : f32 to vector<16xf32>
    %add3A_2283 = arith.addf %mul3A_2280, %add3A_2282 : vector<16xf32>
    %mul3A_2284 = arith.mulf %add3A_2283, %exp3A_2277 : vector<16xf32>
    %add3A_2285 = arith.constant -0.107853681 : f32
    %add3A_2286 = vector.broadcast %add3A_2285 : f32 to vector<16xf32>
    %add3A_2287 = arith.addf %mul3A_2284, %add3A_2286 : vector<16xf32>
    %mul3A_2288 = arith.mulf %add3A_2287, %exp3A_2277 : vector<16xf32>
    %add3A_2289 = arith.constant 0.177570239 : f32
    %add3A_2290 = vector.broadcast %add3A_2289 : f32 to vector<16xf32>
    %add3A_2291 = arith.addf %mul3A_2288, %add3A_2290 : vector<16xf32>
    %mul3A_2292 = arith.mulf %add3A_2291, %exp3A_2277 : vector<16xf32>
    %add3A_2293 = arith.constant -0.244996116 : f32
    %add3A_2294 = vector.broadcast %add3A_2293 : f32 to vector<16xf32>
    %add3A_2295 = arith.addf %mul3A_2292, %add3A_2294 : vector<16xf32>
    %mul3A_2296 = arith.mulf %add3A_2295, %exp3A_2277 : vector<16xf32>
    %add3A_2297 = arith.constant 0.332761765 : f32
    %add3A_2298 = vector.broadcast %add3A_2297 : f32 to vector<16xf32>
    %add3A_2299 = arith.addf %mul3A_2296, %add3A_2298 : vector<16xf32>
    %mul3A_2300 = arith.mulf %add3A_2299, %exp3A_2277 : vector<16xf32>
    %add3A_2301 = arith.constant -0.499974489 : f32
    %add3A_2302 = vector.broadcast %add3A_2301 : f32 to vector<16xf32>
    %add3A_2303 = arith.addf %mul3A_2300, %add3A_2302 : vector<16xf32>
    %mul3A_2304 = arith.mulf %add3A_2303, %exp3A_2277 : vector<16xf32>
    %add3A_2305 = arith.constant 0.999999821 : f32
    %add3A_2306 = vector.broadcast %add3A_2305 : f32 to vector<16xf32>
    %add3A_2307 = arith.addf %mul3A_2304, %add3A_2306 : vector<16xf32>
    %mul3A_2308 = arith.mulf %exp3A_2277, %add3A_2307 : vector<16xf32>
    %add3A_2309 = arith.addf %max3A_2272, %mul3A_2308 : vector<16xf32>
    %mul3A_2310 = arith.constant -1.730000e+00 : f32
    %mul3A_2311 = vector.broadcast %mul3A_2310 : f32 to vector<16xf32>
    %mul3A_2312 = arith.mulf %mul3A_2311, %add3A_2309 : vector<16xf32>
    %swap3A_2313 = arith.constant 464 : index
    %swap3A_2314 = tpu.vector_load %arg13[%swap3A_2313] {strides = array<i32>} : memref<512xf32, #tpu.memory_space<vmem>>, vector<16xf32>,
    %swap3A_2315 = vector.shape_cast %swap3A_2314 : vector<16xf32> to vector<16xf32>
    %swap3A_2316 = vector.shape_cast %mul3A_2312 : vector<16xf32> to vector<16xf32>
    tpu.vector_store %arg13[%swap3A_2313], %swap3A_2316 {strides = array<i32>} : memref<512xf32, #tpu.memory_space<vmem>>, vector<16xf32>,
    %get3A_2317 = arith.constant 464 : index
    %get3A_2318 = tpu.vector_load %arg11[%get3A_2317] {strides = array<i32>} : memref<512xf32, #tpu.memory_space<vmem>>, vector<16xf32>,
    %get3A_2319 = vector.shape_cast %get3A_2318 : vector<16xf32> to vector<16xf32>
    %mul3A_2320 = arith.mulf %mul3A_2312, %get3A_2319 : vector<16xf32>
    %sub3A_2321 = arith.constant 9.99999993E-9 : f32
    %sub3A_2322 = vector.broadcast %sub3A_2321 : f32 to vector<16xf32>
    %sub3A_2323 = arith.subf %sub3A_2322, %mul3A_2320 : vector<16xf32>
    %swap3A_2324 = arith.constant 464 : index
    %swap3A_2325 = tpu.vector_load %arg14[%swap3A_2324] {strides = array<i32>} : memref<512xf32, #tpu.memory_space<vmem>>, vector<16xf32>,
    %swap3A_2326 = vector.shape_cast %swap3A_2325 : vector<16xf32> to vector<16xf32>
    %swap3A_2327 = vector.shape_cast %sub3A_2323 : vector<16xf32> to vector<16xf32>
    tpu.vector_store %arg14[%swap3A_2324], %swap3A_2327 {strides = array<i32>} : memref<512xf32, #tpu.memory_space<vmem>>, vector<16xf32>,
    %get3A_2328 = arith.constant 464 : index
    %get3A_2329 = tpu.vector_load %arg12[%get3A_2328] {strides = array<i32>} : memref<512xf32, #tpu.memory_space<vmem>>, vector<16xf32>,
    %get3A_2330 = vector.shape_cast %get3A_2329 : vector<16xf32> to vector<16xf32>
    %neg3A_2331 = arith.constant 0.000000e+00 : f32
    %neg3A_2332 = vector.broadcast %neg3A_2331 : f32 to vector<16xf32>
    %neg3A_2333 = arith.subf %neg3A_2332, %get3A_2330 : vector<16xf32>
    %exp3A_2334 = math.exp %neg3A_2333 : vector<16xf32>
    %add3A_2335 = arith.constant 1.000000e+00 : f32
    %add3A_2336 = vector.broadcast %add3A_2335 : f32 to vector<16xf32>
    %add3A_2337 = arith.addf %add3A_2336, %exp3A_2334 : vector<16xf32>
    %div3A_2338 = arith.constant 1.000000e+00 : f32
    %div3A_2339 = vector.broadcast %div3A_2338 : f32 to vector<16xf32>
    %div3A_2340 = arith.divf %div3A_2339, %add3A_2337 : vector<16xf32>
    %swap3A_2341 = arith.constant 464 : index
    %swap3A_2342 = tpu.vector_load %arg15[%swap3A_2341] {strides = array<i32>} : memref<512xf32, #tpu.memory_space<vmem>>, vector<16xf32>,
    %swap3A_2343 = vector.shape_cast %swap3A_2342 : vector<16xf32> to vector<16xf32>
    %swap3A_2344 = vector.shape_cast %div3A_2340 : vector<16xf32> to vector<16xf32>
    tpu.vector_store %arg15[%swap3A_2341], %swap3A_2344 {strides = array<i32>} : memref<512xf32, #tpu.memory_space<vmem>>, vector<16xf32>,
    %get3A_2345 = arith.constant 480 : index
    %get3A_2346 = tpu.vector_load %arg10[%get3A_2345] {strides = array<i32>} : memref<512xf32, #tpu.memory_space<vmem>>, vector<16xf32>,
    %get3A_2347 = vector.shape_cast %get3A_2346 : vector<16xf32> to vector<16xf32>
    %max3A_2348 = arith.constant 0.000000e+00 : f32
    %max3A_2349 = vector.broadcast %max3A_2348 : f32 to vector<16xf32>
    %max3A_2350 = arith.maximumf %get3A_2347, %max3A_2349 : vector<16xf32>
    %abs3A_2351 = math.absf %get3A_2347 : vector<16xf32>
    %neg3A_2352 = arith.constant 0.000000e+00 : f32
    %neg3A_2353 = vector.broadcast %neg3A_2352 : f32 to vector<16xf32>
    %neg3A_2354 = arith.subf %neg3A_2353, %abs3A_2351 : vector<16xf32>
    %exp3A_2355 = math.exp %neg3A_2354 : vector<16xf32>
    %mul3A_2356 = arith.constant -0.00857467576 : f32
    %mul3A_2357 = vector.broadcast %mul3A_2356 : f32 to vector<16xf32>
    %mul3A_2358 = arith.mulf %mul3A_2357, %exp3A_2355 : vector<16xf32>
    %add3A_2359 = arith.constant 0.0442141928 : f32
    %add3A_2360 = vector.broadcast %add3A_2359 : f32 to vector<16xf32>
    %add3A_2361 = arith.addf %mul3A_2358, %add3A_2360 : vector<16xf32>
    %mul3A_2362 = arith.mulf %add3A_2361, %exp3A_2355 : vector<16xf32>
    %add3A_2363 = arith.constant -0.107853681 : f32
    %add3A_2364 = vector.broadcast %add3A_2363 : f32 to vector<16xf32>
    %add3A_2365 = arith.addf %mul3A_2362, %add3A_2364 : vector<16xf32>
    %mul3A_2366 = arith.mulf %add3A_2365, %exp3A_2355 : vector<16xf32>
    %add3A_2367 = arith.constant 0.177570239 : f32
    %add3A_2368 = vector.broadcast %add3A_2367 : f32 to vector<16xf32>
    %add3A_2369 = arith.addf %mul3A_2366, %add3A_2368 : vector<16xf32>
    %mul3A_2370 = arith.mulf %add3A_2369, %exp3A_2355 : vector<16xf32>
    %add3A_2371 = arith.constant -0.244996116 : f32
    %add3A_2372 = vector.broadcast %add3A_2371 : f32 to vector<16xf32>
    %add3A_2373 = arith.addf %mul3A_2370, %add3A_2372 : vector<16xf32>
    %mul3A_2374 = arith.mulf %add3A_2373, %exp3A_2355 : vector<16xf32>
    %add3A_2375 = arith.constant 0.332761765 : f32
    %add3A_2376 = vector.broadcast %add3A_2375 : f32 to vector<16xf32>
    %add3A_2377 = arith.addf %mul3A_2374, %add3A_2376 : vector<16xf32>
    %mul3A_2378 = arith.mulf %add3A_2377, %exp3A_2355 : vector<16xf32>
    %add3A_2379 = arith.constant -0.499974489 : f32
    %add3A_2380 = vector.broadcast %add3A_2379 : f32 to vector<16xf32>
    %add3A_2381 = arith.addf %mul3A_2378, %add3A_2380 : vector<16xf32>
    %mul3A_2382 = arith.mulf %add3A_2381, %exp3A_2355 : vector<16xf32>
    %add3A_2383 = arith.constant 0.999999821 : f32
    %add3A_2384 = vector.broadcast %add3A_2383 : f32 to vector<16xf32>
    %add3A_2385 = arith.addf %mul3A_2382, %add3A_2384 : vector<16xf32>
    %mul3A_2386 = arith.mulf %exp3A_2355, %add3A_2385 : vector<16xf32>
    %add3A_2387 = arith.addf %max3A_2350, %mul3A_2386 : vector<16xf32>
    %mul3A_2388 = arith.constant -1.730000e+00 : f32
    %mul3A_2389 = vector.broadcast %mul3A_2388 : f32 to vector<16xf32>
    %mul3A_2390 = arith.mulf %mul3A_2389, %add3A_2387 : vector<16xf32>
    %swap3A_2391 = arith.constant 480 : index
    %swap3A_2392 = tpu.vector_load %arg13[%swap3A_2391] {strides = array<i32>} : memref<512xf32, #tpu.memory_space<vmem>>, vector<16xf32>,
    %swap3A_2393 = vector.shape_cast %swap3A_2392 : vector<16xf32> to vector<16xf32>
    %swap3A_2394 = vector.shape_cast %mul3A_2390 : vector<16xf32> to vector<16xf32>
    tpu.vector_store %arg13[%swap3A_2391], %swap3A_2394 {strides = array<i32>} : memref<512xf32, #tpu.memory_space<vmem>>, vector<16xf32>,
    %get3A_2395 = arith.constant 480 : index
    %get3A_2396 = tpu.vector_load %arg11[%get3A_2395] {strides = array<i32>} : memref<512xf32, #tpu.memory_space<vmem>>, vector<16xf32>,
    %get3A_2397 = vector.shape_cast %get3A_2396 : vector<16xf32> to vector<16xf32>
    %mul3A_2398 = arith.mulf %mul3A_2390, %get3A_2397 : vector<16xf32>
    %sub3A_2399 = arith.constant 9.99999993E-9 : f32
    %sub3A_2400 = vector.broadcast %sub3A_2399 : f32 to vector<16xf32>
    %sub3A_2401 = arith.subf %sub3A_2400, %mul3A_2398 : vector<16xf32>
    %swap3A_2402 = arith.constant 480 : index
    %swap3A_2403 = tpu.vector_load %arg14[%swap3A_2402] {strides = array<i32>} : memref<512xf32, #tpu.memory_space<vmem>>, vector<16xf32>,
    %swap3A_2404 = vector.shape_cast %swap3A_2403 : vector<16xf32> to vector<16xf32>
    %swap3A_2405 = vector.shape_cast %sub3A_2401 : vector<16xf32> to vector<16xf32>
    tpu.vector_store %arg14[%swap3A_2402], %swap3A_2405 {strides = array<i32>} : memref<512xf32, #tpu.memory_space<vmem>>, vector<16xf32>,
    %get3A_2406 = arith.constant 480 : index
    %get3A_2407 = tpu.vector_load %arg12[%get3A_2406] {strides = array<i32>} : memref<512xf32, #tpu.memory_space<vmem>>, vector<16xf32>,
    %get3A_2408 = vector.shape_cast %get3A_2407 : vector<16xf32> to vector<16xf32>
    %neg3A_2409 = arith.constant 0.000000e+00 : f32
    %neg3A_2410 = vector.broadcast %neg3A_2409 : f32 to vector<16xf32>
    %neg3A_2411 = arith.subf %neg3A_2410, %get3A_2408 : vector<16xf32>
    %exp3A_2412 = math.exp %neg3A_2411 : vector<16xf32>
    %add3A_2413 = arith.constant 1.000000e+00 : f32
    %add3A_2414 = vector.broadcast %add3A_2413 : f32 to vector<16xf32>
    %add3A_2415 = arith.addf %add3A_2414, %exp3A_2412 : vector<16xf32>
    %div3A_2416 = arith.constant 1.000000e+00 : f32
    %div3A_2417 = vector.broadcast %div3A_2416 : f32 to vector<16xf32>
    %div3A_2418 = arith.divf %div3A_2417, %add3A_2415 : vector<16xf32>
    %swap3A_2419 = arith.constant 480 : index
    %swap3A_2420 = tpu.vector_load %arg15[%swap3A_2419] {strides = array<i32>} : memref<512xf32, #tpu.memory_space<vmem>>, vector<16xf32>,
    %swap3A_2421 = vector.shape_cast %swap3A_2420 : vector<16xf32> to vector<16xf32>
    %swap3A_2422 = vector.shape_cast %div3A_2418 : vector<16xf32> to vector<16xf32>
    tpu.vector_store %arg15[%swap3A_2419], %swap3A_2422 {strides = array<i32>} : memref<512xf32, #tpu.memory_space<vmem>>, vector<16xf32>,
    %get3A_2423 = arith.constant 496 : index
    %get3A_2424 = tpu.vector_load %arg10[%get3A_2423] {strides = array<i32>} : memref<512xf32, #tpu.memory_space<vmem>>, vector<16xf32>,
    %get3A_2425 = vector.shape_cast %get3A_2424 : vector<16xf32> to vector<16xf32>
    %max3A_2426 = arith.constant 0.000000e+00 : f32
    %max3A_2427 = vector.broadcast %max3A_2426 : f32 to vector<16xf32>
    %max3A_2428 = arith.maximumf %get3A_2425, %max3A_2427 : vector<16xf32>
    %abs3A_2429 = math.absf %get3A_2425 : vector<16xf32>
    %neg3A_2430 = arith.constant 0.000000e+00 : f32
    %neg3A_2431 = vector.broadcast %neg3A_2430 : f32 to vector<16xf32>
    %neg3A_2432 = arith.subf %neg3A_2431, %abs3A_2429 : vector<16xf32>
    %exp3A_2433 = math.exp %neg3A_2432 : vector<16xf32>
    %mul3A_2434 = arith.constant -0.00857467576 : f32
    %mul3A_2435 = vector.broadcast %mul3A_2434 : f32 to vector<16xf32>
    %mul3A_2436 = arith.mulf %mul3A_2435, %exp3A_2433 : vector<16xf32>
    %add3A_2437 = arith.constant 0.0442141928 : f32
    %add3A_2438 = vector.broadcast %add3A_2437 : f32 to vector<16xf32>
    %add3A_2439 = arith.addf %mul3A_2436, %add3A_2438 : vector<16xf32>
    %mul3A_2440 = arith.mulf %add3A_2439, %exp3A_2433 : vector<16xf32>
    %add3A_2441 = arith.constant -0.107853681 : f32
    %add3A_2442 = vector.broadcast %add3A_2441 : f32 to vector<16xf32>
    %add3A_2443 = arith.addf %mul3A_2440, %add3A_2442 : vector<16xf32>
    %mul3A_2444 = arith.mulf %add3A_2443, %exp3A_2433 : vector<16xf32>
    %add3A_2445 = arith.constant 0.177570239 : f32
    %add3A_2446 = vector.broadcast %add3A_2445 : f32 to vector<16xf32>
    %add3A_2447 = arith.addf %mul3A_2444, %add3A_2446 : vector<16xf32>
    %mul3A_2448 = arith.mulf %add3A_2447, %exp3A_2433 : vector<16xf32>
    %add3A_2449 = arith.constant -0.244996116 : f32
    %add3A_2450 = vector.broadcast %add3A_2449 : f32 to vector<16xf32>
    %add3A_2451 = arith.addf %mul3A_2448, %add3A_2450 : vector<16xf32>
    %mul3A_2452 = arith.mulf %add3A_2451, %exp3A_2433 : vector<16xf32>
    %add3A_2453 = arith.constant 0.332761765 : f32
    %add3A_2454 = vector.broadcast %add3A_2453 : f32 to vector<16xf32>
    %add3A_2455 = arith.addf %mul3A_2452, %add3A_2454 : vector<16xf32>
    %mul3A_2456 = arith.mulf %add3A_2455, %exp3A_2433 : vector<16xf32>
    %add3A_2457 = arith.constant -0.499974489 : f32
    %add3A_2458 = vector.broadcast %add3A_2457 : f32 to vector<16xf32>
    %add3A_2459 = arith.addf %mul3A_2456, %add3A_2458 : vector<16xf32>
    %mul3A_2460 = arith.mulf %add3A_2459, %exp3A_2433 : vector<16xf32>
    %add3A_2461 = arith.constant 0.999999821 : f32
    %add3A_2462 = vector.broadcast %add3A_2461 : f32 to vector<16xf32>
    %add3A_2463 = arith.addf %mul3A_2460, %add3A_2462 : vector<16xf32>
    %mul3A_2464 = arith.mulf %exp3A_2433, %add3A_2463 : vector<16xf32>
    %add3A_2465 = arith.addf %max3A_2428, %mul3A_2464 : vector<16xf32>
    %mul3A_2466 = arith.constant -1.730000e+00 : f32
    %mul3A_2467 = vector.broadcast %mul3A_2466 : f32 to vector<16xf32>
    %mul3A_2468 = arith.mulf %mul3A_2467, %add3A_2465 : vector<16xf32>
    %swap3A_2469 = arith.constant 496 : index
    %swap3A_2470 = tpu.vector_load %arg13[%swap3A_2469] {strides = array<i32>} : memref<512xf32, #tpu.memory_space<vmem>>, vector<16xf32>,
    %swap3A_2471 = vector.shape_cast %swap3A_2470 : vector<16xf32> to vector<16xf32>
    %swap3A_2472 = vector.shape_cast %mul3A_2468 : vector<16xf32> to vector<16xf32>
    tpu.vector_store %arg13[%swap3A_2469], %swap3A_2472 {strides = array<i32>} : memref<512xf32, #tpu.memory_space<vmem>>, vector<16xf32>,
    %get3A_2473 = arith.constant 496 : index
    %get3A_2474 = tpu.vector_load %arg11[%get3A_2473] {strides = array<i32>} : memref<512xf32, #tpu.memory_space<vmem>>, vector<16xf32>,
    %get3A_2475 = vector.shape_cast %get3A_2474 : vector<16xf32> to vector<16xf32>
    %mul3A_2476 = arith.mulf %mul3A_2468, %get3A_2475 : vector<16xf32>
    %sub3A_2477 = arith.constant 9.99999993E-9 : f32
    %sub3A_2478 = vector.broadcast %sub3A_2477 : f32 to vector<16xf32>
    %sub3A_2479 = arith.subf %sub3A_2478, %mul3A_2476 : vector<16xf32>
    %swap3A_2480 = arith.constant 496 : index
    %swap3A_2481 = tpu.vector_load %arg14[%swap3A_2480] {strides = array<i32>} : memref<512xf32, #tpu.memory_space<vmem>>, vector<16xf32>,
    %swap3A_2482 = vector.shape_cast %swap3A_2481 : vector<16xf32> to vector<16xf32>
    %swap3A_2483 = vector.shape_cast %sub3A_2479 : vector<16xf32> to vector<16xf32>
    tpu.vector_store %arg14[%swap3A_2480], %swap3A_2483 {strides = array<i32>} : memref<512xf32, #tpu.memory_space<vmem>>, vector<16xf32>,
    %get3A_2484 = arith.constant 496 : index
    %get3A_2485 = tpu.vector_load %arg12[%get3A_2484] {strides = array<i32>} : memref<512xf32, #tpu.memory_space<vmem>>, vector<16xf32>,
    %get3A_2486 = vector.shape_cast %get3A_2485 : vector<16xf32> to vector<16xf32>
    %neg3A_2487 = arith.constant 0.000000e+00 : f32
    %neg3A_2488 = vector.broadcast %neg3A_2487 : f32 to vector<16xf32>
    %neg3A_2489 = arith.subf %neg3A_2488, %get3A_2486 : vector<16xf32>
    %exp3A_2490 = math.exp %neg3A_2489 : vector<16xf32>
    %add3A_2491 = arith.constant 1.000000e+00 : f32
    %add3A_2492 = vector.broadcast %add3A_2491 : f32 to vector<16xf32>
    %add3A_2493 = arith.addf %add3A_2492, %exp3A_2490 : vector<16xf32>
    %div3A_2494 = arith.constant 1.000000e+00 : f32
    %div3A_2495 = vector.broadcast %div3A_2494 : f32 to vector<16xf32>
    %div3A_2496 = arith.divf %div3A_2495, %add3A_2493 : vector<16xf32>
    %swap3A_2497 = arith.constant 496 : index
    %swap3A_2498 = tpu.vector_load %arg15[%swap3A_2497] {strides = array<i32>} : memref<512xf32, #tpu.memory_space<vmem>>, vector<16xf32>,
    %swap3A_2499 = vector.shape_cast %swap3A_2498 : vector<16xf32> to vector<16xf32>
    %swap3A_2500 = vector.shape_cast %div3A_2496 : vector<16xf32> to vector<16xf32>
    tpu.vector_store %arg15[%swap3A_2497], %swap3A_2500 {strides = array<i32>} : memref<512xf32, #tpu.memory_space<vmem>>, vector<16xf32>,
    %dma_start3A_2501 = tpu.memref_slice %arg6[%mul3A_2] : memref<16384xf32, #tpu.memory_space<hbm>> -> memref<512xf32, #tpu.memory_space<hbm>>
    %dma_start3A_2502 = tpu.memref_slice %arg6[%mul3A_2] : memref<16384xf32, #tpu.memory_space<hbm>> -> memref<512xf32, #tpu.memory_space<hbm>>
    tpu.enqueue_dma source(%arg13 : memref<512xf32, #tpu.memory_space<vmem>>) target(%dma_start3A_2502 : memref<512xf32, #tpu.memory_space<hbm>>) target_semaphore(%arg16 : memref<!tpu.dma_semaphore, #tpu.memory_space<semaphore_mem>>)
    %dma_start3A_2503 = tpu.memref_slice %arg7[%mul3A_2] : memref<16384xf32, #tpu.memory_space<hbm>> -> memref<512xf32, #tpu.memory_space<hbm>>
    %dma_start3A_2504 = tpu.memref_slice %arg7[%mul3A_2] : memref<16384xf32, #tpu.memory_space<hbm>> -> memref<512xf32, #tpu.memory_space<hbm>>
    tpu.enqueue_dma source(%arg14 : memref<512xf32, #tpu.memory_space<vmem>>) target(%dma_start3A_2504 : memref<512xf32, #tpu.memory_space<hbm>>) target_semaphore(%arg16 : memref<!tpu.dma_semaphore, #tpu.memory_space<semaphore_mem>>)
    %dma_start3A_2505 = tpu.memref_slice %arg8[%mul3A_2] : memref<16384xf32, #tpu.memory_space<hbm>> -> memref<512xf32, #tpu.memory_space<hbm>>
    %dma_start3A_2506 = tpu.memref_slice %arg8[%mul3A_2] : memref<16384xf32, #tpu.memory_space<hbm>> -> memref<512xf32, #tpu.memory_space<hbm>>
    tpu.enqueue_dma source(%arg15 : memref<512xf32, #tpu.memory_space<vmem>>) target(%dma_start3A_2506 : memref<512xf32, #tpu.memory_space<hbm>>) target_semaphore(%arg16 : memref<!tpu.dma_semaphore, #tpu.memory_space<semaphore_mem>>)
    %dma_wait3A_2507 = tpu.memref_slice %arg6[%mul3A_2] : memref<16384xf32, #tpu.memory_space<hbm>> -> memref<512xf32, #tpu.memory_space<hbm>>
    %dma_wait3A_2508 = tpu.memref_slice %arg6[%mul3A_2] : memref<16384xf32, #tpu.memory_space<hbm>> -> memref<512xf32, #tpu.memory_space<hbm>>
    tpu.wait_dma2 semaphore(%arg16 : memref<!tpu.dma_semaphore, #tpu.memory_space<semaphore_mem>>) src(%arg13 : memref<512xf32, #tpu.memory_space<vmem>>) dst(%dma_wait3A_2508 : memref<512xf32, #tpu.memory_space<hbm>>)
    %dma_wait3A_2509 = tpu.memref_slice %arg7[%mul3A_2] : memref<16384xf32, #tpu.memory_space<hbm>> -> memref<512xf32, #tpu.memory_space<hbm>>
    %dma_wait3A_2510 = tpu.memref_slice %arg7[%mul3A_2] : memref<16384xf32, #tpu.memory_space<hbm>> -> memref<512xf32, #tpu.memory_space<hbm>>
    tpu.wait_dma2 semaphore(%arg16 : memref<!tpu.dma_semaphore, #tpu.memory_space<semaphore_mem>>) src(%arg14 : memref<512xf32, #tpu.memory_space<vmem>>) dst(%dma_wait3A_2510 : memref<512xf32, #tpu.memory_space<hbm>>)
    %dma_wait3A_2511 = tpu.memref_slice %arg8[%mul3A_2] : memref<16384xf32, #tpu.memory_space<hbm>> -> memref<512xf32, #tpu.memory_space<hbm>>
    %dma_wait3A_2512 = tpu.memref_slice %arg8[%mul3A_2] : memref<16384xf32, #tpu.memory_space<hbm>> -> memref<512xf32, #tpu.memory_space<hbm>>
    tpu.wait_dma2 semaphore(%arg16 : memref<!tpu.dma_semaphore, #tpu.memory_space<semaphore_mem>>) src(%arg15 : memref<512xf32, #tpu.memory_space<vmem>>) dst(%dma_wait3A_2512 : memref<512xf32, #tpu.memory_space<hbm>>)
    return
  }
}

</mosaic_0001>

<sc_bundles>
// kernel: kernel.4.cloned.1.call-start
scs
__scs_entry_jumppad:
0x0: {  	(pc) =	sbr.rel $0x88, $3  }
0x1: {  	(tag) =	ssettag $0x0;
	lr =	simm.s32 $0x1  }
0x2: {  	[smem:$0x3F9B] =	sst lr;
	_ =	strace $0xD0000000  }
0x3: {  	_ = 	snop  }
0x4: {  	_ = 	snop  }
0x5: {  	_ = 	snop  }
0x6: {  	_ = 	snop  }
0x7: {  	_ = 	snop  }
__scs_overlays_trampoline_lowered:
0x8: {  	[smem:$0x3FAA] =	sst s0  }
0x9: {  	[smem:$0x3FAB] =	sst s1  }
0xa: {  	[smem:$0x3FAC] =	sst s2  }
0xb: {  	[smem:$0x3FAD] =	sst s3  }
0xc: {  	[smem:$0x3FAE] =	sst s4  }
0xd: {  	[smem:$0x3FAF] =	sst s5  }
0xe: {  	[smem:$0x3FB0] =	sst s6  }
0xf: {  	[smem:$0x3FB1] =	sst s7  }
0x10: {  	[smem:$0x3FB2] =	sst s8  }
0x11: {  	[smem:$0x3FB3] =	sst s9;
	s0 =	simm.s32 @!p0 $0x0  }
0x12: {  	s1 =	sld [smem:$0x3F99];
	s0 =	simm.s32 @p0 $0x1  }
0x13: {  	[smem:$0x3FB4] =	sst s0;
	s0 =	simm.s32 @!p1 $0x0  }
0x14: {  	s2 =	sld [smem:$0x3F98];
	s0 =	simm.s32 @p1 $0x1  }
0x15: {  	[smem:$0x3FB5] =	sst s0;
	s0 =	simm.s32 @!p2 $0x0  }
0x16: {  	s3 =	sld [smem:$0x3FDB];
	s0 =	simm.s32 @p2 $0x1  }
0x17: {  	s4 =	simm.s32 $0x1BF5;
	[smem:$0x3FB7] =	sst s0  }
0x18: {  	s0 =	sld [smem:$0x3F9A];
	_ =	swait.ge [sflag:s4], $0x0  }
0x19: {  	s7 =	sld [smem:$0x3F9B]  }
0x1a: {  	s8 =	sadd.s32 $0xFFFFE003, lr  }
0x1b: {  	s9 =	sadd.s32 $0xFFFFFEF7, lr;
	s5 =	simm.s32 $0xFFFFFFFF;
	p2 =	slt.u32 s8, $0xFFFFF086  }
0x1c: {  	p1 =	slt.u32 s9, $0xF7A;
	s5 =	simm.s32 @!p2 $0x0  }
0x1d: {  	s5 =	simm.s32 @p1 $0x1;
	p0 =	seq.s32 s7, s2  }
0x1e: {  	s7 =	smul.u32 @!p0 $0xF7A, s2;
	p2 =	seq.s32 @!p0 s5, $0x0  }
0x1f: {  	s9 =	smul.u32 $0xF7A, s1;
	s8 =	simm.s32 @!p0 $0x1BF5;
	p2 =	por !p2, p0  }
0x20: {  	[sflag:s8] =	ssyncset.s32 @!p0 $0xFFFFF086;
	s6 =	sadd.s32 @!p0 s3, s7;
	s7 =	simm.s32 @!p0 $0x108  }
0x21: {  	s3 =	sadd.s32 s3, s9;
	s6 =	sadd.s32 @!p0 $0x88, s6;
	s7 =	simm.s32 @p2 $0x1082  }
0x22: {  	[simem:s7], [sflag:s8] =	dma.local @!p0 [hbm:s6], $0xF7A  }
0x23: {  	s9 =	sor.u32 $0xD0000000, s2;
	s6 =	simm.s32 $0x108;
	_ =	swait.ge @!p0 [sflag:s8], $0x0  }
0x24: {  	s3 =	sadd.s32 $0x88, s3;
	s6 =	simm.s32 @!p1 $0x1082;
	[sflag:s4] =	ssyncset.s32 $0xFFFFF086  }
0x25: {  	[simem:s6], [sflag:s4] =	dma.local [hbm:s3], $0xF7A  }
0x26: {  	[smem:$0x3F9B] =	sst s1;
	(tag) =	ssettag s2;
	_ =	strace s9  }
0x27: {  	s1 =	sld [smem:$0x3FAB]  }
0x28: {  	s2 =	sld [smem:$0x3FAC]  }
0x29: {  	s4 =	sld [smem:$0x3FAE]  }
0x2a: {  	p0 =	seq.s32 s5, $0x0;
	s5 =	sld [smem:$0x3FAF]  }
0x2b: {  	s6 =	sld [smem:$0x3FB0]  }
0x2c: {  	s7 =	sld [smem:$0x3FB1]  }
0x2d: {  	s3 =	simm.s32 $0x108;
	s8 =	sld [smem:$0x3FB2]  }
0x2e: {  	s3 =	simm.s32 @!p0 $0x1082;
	s9 =	sld [smem:$0x3FB3]  }
0x2f: {  	lr =	sadd.s32 s0, s3;
	s0 =	sld [smem:$0x3FAA]  }
0x30: {  	s3 =	sld [smem:$0x3FAD]  }
0x31: {  	[smem:$0x3FB6] =	sst s10  }
0x32: {  	s10 =	sld [smem:$0x3FB4];
	_ =	sdelay $0x3  }
0x33: {  	p0 =	seq.s32 s10, $0x1;
	s10 =	sld [smem:$0x3FB6];
	_ =	sdelay $0x3  }
0x34: {  	[smem:$0x3FB6] =	sst s10  }
0x35: {  	s10 =	sld [smem:$0x3FB5];
	_ =	sdelay $0x3  }
0x36: {  	p1 =	seq.s32 s10, $0x1;
	s10 =	sld [smem:$0x3FB6];
	_ =	sdelay $0x3  }
0x37: {  	[smem:$0x3FB6] =	sst s10  }
0x38: {  	s10 =	sld [smem:$0x3FB7]  }
0x39: {  	_ = 	snop;
	(pc) =	sbr.ind lr, $3  }
0x3a: {  	_ = 	snop  }
0x3b: {  	_ = 	snop  }
0x3c: {  	p2 =	seq.s32 s10, $0x1;
	s10 =	sld [smem:$0x3FB6]  }
0x3d: {  	_ =	shalt  }
0x3e: {  	_ =	shalt  }
0x3f: {  	_ =	shalt  }
0x40: {  	_ =	shalt  }
0x41: {  	_ =	shalt  }
0x42: {  	_ =	shalt  }
0x43: {  	_ =	shalt  }
0x44: {  	_ =	shalt  }
0x45: {  	_ =	shalt  }
0x46: {  	_ =	shalt  }
0x47: {  	_ =	shalt  }
0x48: {  	_ =	shalt  }
0x49: {  	_ =	shalt  }
0x4a: {  	_ =	shalt  }
0x4b: {  	_ =	shalt  }
0x4c: {  	_ =	shalt  }
0x4d: {  	_ =	shalt  }
0x4e: {  	_ =	shalt  }
0x4f: {  	_ =	shalt  }
0x50: {  	_ =	shalt  }
0x51: {  	_ =	shalt  }
0x52: {  	_ =	shalt  }
0x53: {  	_ =	shalt  }
0x54: {  	_ =	shalt  }
0x55: {  	_ =	shalt  }
0x56: {  	_ =	shalt  }
0x57: {  	_ =	shalt  }
0x58: {  	_ =	shalt  }
0x59: {  	_ =	shalt  }
0x5a: {  	_ =	shalt  }
0x5b: {  	_ =	shalt  }
0x5c: {  	_ =	shalt  }
0x5d: {  	_ =	shalt  }
0x5e: {  	_ =	shalt  }
0x5f: {  	_ =	shalt  }
0x60: {  	_ =	shalt  }
0x61: {  	_ =	shalt  }
0x62: {  	_ =	shalt  }
0x63: {  	_ =	shalt  }
0x64: {  	_ =	shalt  }
0x65: {  	_ =	shalt  }
0x66: {  	_ =	shalt  }
0x67: {  	_ =	shalt  }
0x68: {  	_ =	shalt  }
0x69: {  	_ =	shalt  }
0x6a: {  	_ =	shalt  }
0x6b: {  	_ =	shalt  }
0x6c: {  	_ =	shalt  }
0x6d: {  	_ =	shalt  }
0x6e: {  	_ =	shalt  }
0x6f: {  	_ =	shalt  }
0x70: {  	_ =	shalt  }
0x71: {  	_ =	shalt  }
0x72: {  	_ =	shalt  }
0x73: {  	_ =	shalt  }
0x74: {  	_ =	shalt  }
0x75: {  	_ =	shalt  }
0x76: {  	_ =	shalt  }
0x77: {  	_ =	shalt  }
0x78: {  	_ =	shalt  }
0x79: {  	_ =	shalt  }
0x7a: {  	_ =	shalt  }
0x7b: {  	_ =	shalt  }
0x7c: {  	_ =	shalt  }
0x7d: {  	_ =	shalt  }
0x7e: {  	_ =	shalt  }
0x7f: {  	_ =	shalt  }
0x80: {  	_ =	shalt  }
0x81: {  	_ =	shalt  }
0x82: {  	_ =	shalt  }
0x83: {  	_ =	shalt  }
0x84: {  	_ =	shalt  }
0x85: {  	_ =	shalt  }
0x86: {  	_ =	shalt  }
0x87: {  	_ =	shalt  }
.Lfunc_end0:
.L_simem_size_0:
called_computation_lowered:
.L_overlay_start_0:
0x88: {  	s2 =	sld [smem:$0x3FD9]  }
0x89: {  	s3 =	sld [smem:$0x3FFE];
	_ =	sdelay $0x1  }
0x8a: {  	s1 =	srdreg.scid  }
0x8b: {  	s0 =	sand.u32 $0x1, s1  }
0x8c: {  	s17 =	sshll.u32 s0, $0xA;
	s2 =	sadd.s32 s3, s2  }
0x8d: {  	s2 =	sadd.s32 s2, s17  }
0x8e: {  	[smem:$0x3FC2] =	sst s2  }
0x8f: {  	_ = 	snop  }
0x90: {  	s2 =	sld [smem:$0x3FC8];
	(tm) =	ssettm $0x1  }
0x91: {  	s18 =	sld [smem:$0x3FFB];
	_ =	sdelay $0x3  }
0x92: {  	_ =	strace s18  }
0x93: {  	s3 =	sld [smem:$0x3FFC];
	_ =	sdelay $0x3  }
0x94: {  	_ =	strace s3  }
0x95: {  	s3 =	sld [smem:$0x3FFD];
	_ =	sdelay $0x3  }
0x96: {  	_ =	strace s3  }
0x97: {  	_ =	strace $0x8FFFFFFF  }
0x98: {  	s19 =	sld [smem:$0x3FDB];
	_ =	sdelay $0x1  }
0x99: {  	s4 =	simm.s32 $_scs_section_size  }
0x9a: {  	s5 =	simm.s32 $_size__tile_overlayer_lowered;
	s6 =	simm.s32 $_tile_overlayer_lowered  }
0x9b: {  	s22 =	simm.s32 $0x1BFF;
	s21 =	sshll.u32 s6, $0x1;
	s3 =	sadd.s32 s4, s19  }
0x9c: {  	s7 =	simm.s32 $0x0;
	s20 =	sshll.u32 s5, $0x1;
	s5 =	sadd.s32 s21, s3  }
0x9d: {  	[timem:s7], [sflag:s22] =	dma.local [hbm:s5], s20  }
0x9e: {  	_ =	swait.ge [sflag:s22], s20  }
0x9f: {  	s4 =	ssub.s32 $0x0, s20;
	[sflag:s22] =	ssyncset.done $0x0  }
0xa0: {  	[sflag:s22] =	ssyncadd.s32 s4;
	_ =	sdelay $0x1  }
0xa1: {  	s23 =	simm.s32 $0x1B8B  }
0xa2: {  	_ =	swait.ge [sflag:s23], $0x1  }
0xa3: {  	[sflag:s23] =	ssyncset.done $0x0  }
0xa4: {  	s25 =	simm.s32 $0x1B8E;
	s24 =	sld [smem:$0x3FFE];
	[sflag:s23] =	ssyncadd.s32 $0xFFFFFFFF  }
0xa5: {  	s26 =	simm.s32 $execute0_lowered;
	[smem:$0x3FD2] =	sst s25  }
0xa6: {  	s5 =	sshll.u32 s26, $0x1;
	_ =	strace $0x80000046;
	[dreg:$0x1] =	wrdreg $0xFFFFFFFF  }
0xa7: {  	s28 =	simm.s32 $_size_execute0_lowered;
	s3 =	sadd.s32 s3, s5;
	[dreg:$0x0] =	wrdreg $0x0  }
0xa8: {  	s5 =	sshll.u32 s28, $0x1;
	[dreg:$0x2] =	wrdreg s3  }
0xa9: {  	[dreg:$0x3] =	wrdreg s5  }
0xaa: {  	[dreg:$0x4] =	wrdreg $0xC0  }
0xab: {  	_ =	task [dreg:s7], $0x5FFFF  }
0xac: {  	[dreg:$0x1] =	wrdreg $0xFFFFFFFF  }
0xad: {  	[dreg:$0x0] =	wrdreg $0x60  }
0xae: {  	[dreg:$0x2] =	wrdreg s2  }
0xaf: {  	[dreg:$0x3] =	wrdreg s24  }
0xb0: {  	[dreg:$0x4] =	wrdreg $0x9  }
0xb1: {  	_ =	task.clear_ibuf [dreg:s7], $0x5FFFF;
	_ =	strace $0x90000046  }
0xb2: {  	s29 =	simm.s32 $0x9;
	_ =	strace $0x80000048  }
0xb3: {  	_ =	swait.ge [sflag:s29], $0x1  }
0xb4: {  	[sflag:s29] =	ssyncadd.s32 $0xFFFFFFFF  }
0xb5: {  	_ =	strace $0x90000048  }
0xb6: {  	_ =	sfence  }
0xb7: {  	s30 =	sld [smem:$0x0];
	_ =	sdelay $0x2  }
0xb8: {  	s31 =	sshll.u32 s1, $0xD;
	s1 =	sshrl.u32 s1, $0x2  }
0xb9: {  	s3 =	sand.u32 $0x4000, s31;
	s1 =	sadd.s32 s1, s30  }
0xba: {  	s0 =	sor.u32 s3, s0;
	s1 =	sshll.u32 s1, $0x11  }
0xbb: {  	s0 =	sor.u32 s1, s0  }
0xbc: {  	s0 =	sadd.s32 $0x8F2B, s0  }
0xbd: {  	[sflag:s0] =	ssyncadd.remote.s32 $0x1  }
0xbe: {  	_ =	sfence.sel $0xFFFF  }
0xbf: {  	[dreg:$0x0] =	wrdreg $0xFFFFFFFF;
	(pc) =	sbr.abs _section_cstart, $3  }
0xc0: {  	[dreg:$0x1] =	wrdreg $0xFFFFFFFF  }
0xc1: {  	_ =	task.clear_ibuf [dreg:s7], $0x2FFFF;
	_ =	strace $0x9FFFFFFF  }
0xc2: {  	(tm) =	ssettm $0x7FFFFFFF  }
0xc3: {  	_ =	shalt  }
tec
execute0_lowered:
.L_overlay_start_1:
0x0: {  	(tag) =	ssettag $0x1  }
0x1: {  	s6 =	rddreg [dreg:$0x0]  }
0x2: {  	s7 =	rddreg [dreg:$0x1]  }
0x3: {  	s0 =	rddreg [dreg:$0x2];
	s1 =	simm.s32 $0x0;
	s5 =	srdreg.scid  }
0x4: {  	s2 =	stileid.u32;
	s12 =	simm.s32 $0x200;
	s13 =	simm.s32 $0x400  }
0x5: {  	s14 =	simm.s32 $0x600;
	s15 =	simm.s32 $0x1;
	s16 =	simm.s32 $0x800  }
0x6: {  	s17 =	simm.s32 $0xA00;
	s18 =	simm.s32 $0xC00;
	[smem:$0x7FF] =	sst s1  }
0x7: {  	s3 =	sadd.s32 $0xE00, s7;
	s4 =	sadd.s32 $0x4000, s7;
	s5 =	sand.u32 $0x1, s5  }
0x8: {  	s8 =	sshll.u32 s2, $0x7;
	s9 =	sshll.u32 s5, $0x6;
	s10 =	ssub.s32 $0x2, s5  }
0x9: {  	_ =	strace $0x80000047;
	s8 =	sor.u32 s9, s8;
	s31 =	sshrl.u32 s10, $0x1  }
0xa: {  	s5 =	sadd.s32 $0x7200, s7;
	s11 =	sadd.s32 s8, s7;
	s10 =	ssub.s32 s10, s31  }
0xb: {  	s6 =	sadd.s32 s6, s8;
	s7 =	sadd.s32 $0xA400, s11;
	s8 =	sadd.s32 $0xAC00, s11  }
0xc: {  	s9 =	sadd.s32 $0xB400, s11;
	s10 =	smax.u32 s10, $0x1;
	s11 =	simm.s32 $0x2  }
.LBB2_1:
0xd: {  	[tilespmem:s1], [sflag:$0x2] =	stream.linear.gather [hbm4b:s6+s1], $0x200, $0x38;
	[tilespmem:$0xE00] =	vst v63  }
0xe: {  	_ =	swait.ge [sflag:s11], $0x200  }
0xf: {  	[sflag:s11] =	ssyncset.done $0x0  }
0x10: {  	[sflag:s11] =	ssyncadd.s32 $0xFFFFFE00  }
0x11: {  	[tilespmem:s12], [sflag:$0x1] =	stream.indirect.gather [hbm4b:s3+s12], $0x1, s1, s12, $0xb8;
	[tilespmem:$0xE00] =	vst v63  }
0x12: {  	_ = 	snop  }
0x13: {  	[tilespmem:s13], [sflag:$0x1] =	stream.indirect.gather [hbm4b:s4+s12], $0x1, s1, s12, $0xb8;
	[tilespmem:$0xE00] =	vst v63  }
0x14: {  	_ = 	snop  }
0x15: {  	[tilespmem:s14], [sflag:$0x1] =	stream.indirect.gather [hbm4b:s5+s12], $0x1, s1, s12, $0xb8;
	[tilespmem:$0xE00] =	vst v63  }
0x16: {  	_ =	swait.ge [sflag:s15], $0x200  }
0x17: {  	[sflag:s15] =	ssyncset.done $0x0  }
0x18: {  	[sflag:s15] =	ssyncadd.s32 $0xFFFFFE00  }
0x19: {  	_ =	swait.ge [sflag:s15], $0x200  }
0x1a: {  	[sflag:s15] =	ssyncset.done $0x0  }
0x1b: {  	[sflag:s15] =	ssyncadd.s32 $0xFFFFFE00  }
0x1c: {  	_ =	swait.ge [sflag:s15], $0x200  }
0x1d: {  	[sflag:s15] =	ssyncset.done $0x0  }
0x1e: {  	[sflag:s15] =	ssyncadd.s32 $0xFFFFFE00  }
0x1f: {  	v34 =	vld [tilespmem:$0x200];
	_ =	sdelay $0x1  }
0x20: {  	v0 =	vld [tilespmem:$0x600];
	_ =	sdelay $0x2  }
0x21: {  	v1 =	vand.u32 $0x7FFFFFFF, v34  }
0x22: {  	v1 =	vsub.f32 $0.0e+00, v1  }
0x23: {  	v0 =	vsub.f32 $0.0e+00, v0  }
0x24: {  	v1 =	vmul.f32 $1.442695020e+00, v1  }
0x25: {  	v0 =	vmul.f32 $1.442695020e+00, v0  }
0x26: {  	(erf) = vpow2.f32 v1  }
0x27: {  	(erf) = vpow2.f32 v0;
	_ =	sdelay $0x2  }
0x28: {  	v39 =	vld [tilespmem:$0x210];
	_ =	sdelay $0x1  }
0x29: {  	v23 =	vld [tilespmem:$0x610];
	_ =	sdelay $0x2  }
0x2a: {  	v29 =	vand.u32 $0x7FFFFFFF, v39;
	v27 =	vpop (erf)  }
0x2b: {  	v1 =	vsub.f32 $0.0e+00, v29;
	v2 =	vpop (erf)  }
0x2c: {  	v0 =	vsub.f32 $0.0e+00, v23;
	v2 =	vadd.f32 $1.000000000e+00, v2  }
0x2d: {  	v1 =	vmul.f32 $1.442695020e+00, v1  }
0x2e: {  	v0 =	vmul.f32 $1.442695020e+00, v0;
	(erf) = vrcp.f32 v2  }
0x2f: {  	(erf) = vpow2.f32 v1  }
0x30: {  	(erf) = vpow2.f32 v0;
	_ =	sdelay $0x2  }
0x31: {  	v33 =	vld [tilespmem:$0x220];
	_ =	sdelay $0x1  }
0x32: {  	v30 =	vld [tilespmem:$0x620];
	_ =	sdelay $0x1  }
0x33: {  	v31 =	vpop (erf)  }
0x34: {  	v32 =	vand.u32 $0x7FFFFFFF, v33;
	v24 =	vpop (erf)  }
0x35: {  	v1 =	vsub.f32 $0.0e+00, v32;
	v35 =	vpop (erf)  }
0x36: {  	v0 =	vsub.f32 $0.0e+00, v30;
	v2 =	vadd.f32 $1.000000000e+00, v35  }
0x37: {  	v1 =	vmul.f32 $1.442695020e+00, v1  }
0x38: {  	v0 =	vmul.f32 $1.442695020e+00, v0;
	(erf) = vrcp.f32 v2  }
0x39: {  	(erf) = vpow2.f32 v1  }
0x3a: {  	(erf) = vpow2.f32 v0;
	_ =	sdelay $0x2  }
0x3b: {  	v30 =	vld [tilespmem:$0x230];
	_ =	sdelay $0x1  }
0x3c: {  	v36 =	vld [tilespmem:$0x630];
	_ =	sdelay $0x1  }
0x3d: {  	v37 =	vpop (erf)  }
0x3e: {  	v38 =	vand.u32 $0x7FFFFFFF, v30;
	v21 =	vpop (erf)  }
0x3f: {  	v1 =	vsub.f32 $0.0e+00, v38;
	v40 =	vpop (erf)  }
0x40: {  	v0 =	vsub.f32 $0.0e+00, v36;
	v2 =	vadd.f32 $1.000000000e+00, v40  }
0x41: {  	v1 =	vmul.f32 $1.442695020e+00, v1  }
0x42: {  	v0 =	vmul.f32 $1.442695020e+00, v0;
	(erf) = vrcp.f32 v2  }
0x43: {  	(erf) = vpow2.f32 v1  }
0x44: {  	(erf) = vpow2.f32 v0;
	_ =	sdelay $0x2  }
0x45: {  	v26 =	vld [tilespmem:$0x240];
	_ =	sdelay $0x1  }
0x46: {  	v41 =	vld [tilespmem:$0x640];
	_ =	sdelay $0x1  }
0x47: {  	v42 =	vpop (erf)  }
0x48: {  	v43 =	vand.u32 $0x7FFFFFFF, v26;
	v9 =	vpop (erf)  }
0x49: {  	v1 =	vsub.f32 $0.0e+00, v43;
	v4 =	vpop (erf)  }
0x4a: {  	v0 =	vsub.f32 $0.0e+00, v41;
	v4 =	vadd.f32 $1.000000000e+00, v4  }
0x4b: {  	v1 =	vmul.f32 $1.442695020e+00, v1  }
0x4c: {  	v0 =	vmul.f32 $1.442695020e+00, v0;
	(erf) = vrcp.f32 v4  }
0x4d: {  	(erf) = vpow2.f32 v1  }
0x4e: {  	(erf) = vpow2.f32 v0;
	_ =	sdelay $0x2  }
0x4f: {  	v28 =	vld [tilespmem:$0x250];
	_ =	sdelay $0x1  }
0x50: {  	v44 =	vld [tilespmem:$0x650];
	_ =	sdelay $0x1  }
0x51: {  	v45 =	vpop (erf)  }
0x52: {  	v46 =	vand.u32 $0x7FFFFFFF, v28;
	v7 =	vpop (erf)  }
0x53: {  	v4 =	vsub.f32 $0.0e+00, v46;
	v6 =	vpop (erf)  }
0x54: {  	v1 =	vsub.f32 $0.0e+00, v44;
	v6 =	vadd.f32 $1.000000000e+00, v6  }
0x55: {  	v4 =	vmul.f32 $1.442695020e+00, v4  }
0x56: {  	v1 =	vmul.f32 $1.442695020e+00, v1;
	(erf) = vrcp.f32 v6  }
0x57: {  	(erf) = vpow2.f32 v4  }
0x58: {  	(erf) = vpow2.f32 v1;
	_ =	sdelay $0x2  }
0x59: {  	v35 =	vld [tilespmem:$0x260];
	_ =	sdelay $0x1  }
0x5a: {  	v47 =	vld [tilespmem:$0x660];
	_ =	sdelay $0x1  }
0x5b: {  	v48 =	vpop (erf)  }
0x5c: {  	v49 =	vand.u32 $0x7FFFFFFF, v35;
	v8 =	vpop (erf)  }
0x5d: {  	v6 =	vsub.f32 $0.0e+00, v49;
	v10 =	vpop (erf)  }
0x5e: {  	v4 =	vsub.f32 $0.0e+00, v47;
	v10 =	vadd.f32 $1.000000000e+00, v10  }
0x5f: {  	v6 =	vmul.f32 $1.442695020e+00, v6  }
0x60: {  	v4 =	vmul.f32 $1.442695020e+00, v4;
	(erf) = vrcp.f32 v10  }
0x61: {  	(erf) = vpow2.f32 v6  }
0x62: {  	(erf) = vpow2.f32 v4;
	_ =	sdelay $0x2  }
0x63: {  	[tilespmem:$0x1FF00] =	vst v42;
	v42 =	vld [tilespmem:$0x270];
	_ =	sdelay $0x1  }
0x64: {  	v50 =	vld [tilespmem:$0x670];
	_ =	sdelay $0x1  }
0x65: {  	v51 =	vpop (erf)  }
0x66: {  	v52 =	vand.u32 $0x7FFFFFFF, v42;
	v58 =	vpop (erf)  }
0x67: {  	v6 =	vsub.f32 $0.0e+00, v52;
	v53 =	vpop (erf)  }
0x68: {  	v4 =	vsub.f32 $0.0e+00, v50;
	v10 =	vadd.f32 $1.000000000e+00, v53  }
0x69: {  	v6 =	vmul.f32 $1.442695020e+00, v6  }
0x6a: {  	v4 =	vmul.f32 $1.442695020e+00, v4;
	(erf) = vrcp.f32 v10  }
0x6b: {  	(erf) = vpow2.f32 v6  }
0x6c: {  	(erf) = vpow2.f32 v4;
	_ =	sdelay $0x2  }
0x6d: {  	v38 =	vld [tilespmem:$0x280];
	_ =	sdelay $0x1  }
0x6e: {  	v54 =	vld [tilespmem:$0x680];
	_ =	sdelay $0x1  }
0x6f: {  	v55 =	vpop (erf)  }
0x70: {  	v56 =	vand.u32 $0x7FFFFFFF, v38;
	v61 =	vpop (erf)  }
0x71: {  	v6 =	vsub.f32 $0.0e+00, v56;
	v57 =	vpop (erf)  }
0x72: {  	v4 =	vsub.f32 $0.0e+00, v54;
	v10 =	vadd.f32 $1.000000000e+00, v57  }
0x73: {  	v6 =	vmul.f32 $1.442695020e+00, v6  }
0x74: {  	v4 =	vmul.f32 $1.442695020e+00, v4;
	(erf) = vrcp.f32 v10  }
0x75: {  	(erf) = vpow2.f32 v6  }
0x76: {  	(erf) = vpow2.f32 v4;
	_ =	sdelay $0x2  }
0x77: {  	[tilespmem:$0x1FF40] =	vst v55;
	v55 =	vld [tilespmem:$0x290];
	_ =	sdelay $0x1  }
0x78: {  	v59 =	vld [tilespmem:$0x690];
	_ =	sdelay $0x1  }
0x79: {  	v11 =	vpop (erf)  }
0x7a: {  	v12 =	vand.u32 $0x7FFFFFFF, v55;
	v60 =	vpop (erf)  }
0x7b: {  	v6 =	vsub.f32 $0.0e+00, v12;
	v13 =	vpop (erf)  }
0x7c: {  	v4 =	vsub.f32 $0.0e+00, v59;
	v10 =	vadd.f32 $1.000000000e+00, v13  }
0x7d: {  	v6 =	vmul.f32 $1.442695020e+00, v6  }
0x7e: {  	v4 =	vmul.f32 $1.442695020e+00, v4;
	(erf) = vrcp.f32 v10  }
0x7f: {  	(erf) = vpow2.f32 v6  }
0x80: {  	(erf) = vpow2.f32 v4;
	_ =	sdelay $0x2  }
0x81: {  	v56 =	vld [tilespmem:$0x2A0];
	_ =	sdelay $0x1  }
0x82: {  	v14 =	vld [tilespmem:$0x6A0];
	_ =	sdelay $0x1  }
0x83: {  	v15 =	vpop (erf)  }
0x84: {  	v16 =	vand.u32 $0x7FFFFFFF, v56;
	v63 =	vpop (erf)  }
0x85: {  	v6 =	vsub.f32 $0.0e+00, v16;
	v17 =	vpop (erf)  }
0x86: {  	v4 =	vsub.f32 $0.0e+00, v14;
	v10 =	vadd.f32 $1.000000000e+00, v17  }
0x87: {  	v6 =	vmul.f32 $1.442695020e+00, v6  }
0x88: {  	v4 =	vmul.f32 $1.442695020e+00, v4;
	(erf) = vrcp.f32 v10  }
0x89: {  	(erf) = vpow2.f32 v6  }
0x8a: {  	(erf) = vpow2.f32 v4;
	_ =	sdelay $0x2  }
0x8b: {  	v43 =	vld [tilespmem:$0x2B0];
	_ =	sdelay $0x1  }
0x8c: {  	v18 =	vld [tilespmem:$0x6B0];
	_ =	sdelay $0x1  }
0x8d: {  	v19 =	vpop (erf)  }
0x8e: {  	v20 =	vand.u32 $0x7FFFFFFF, v43;
	v25 =	vpop (erf)  }
0x8f: {  	[tilespmem:$0x1FF50] =	vst v11;
	v10 =	vsub.f32 $0.0e+00, v20;
	v11 =	vpop (erf)  }
0x90: {  	v4 =	vsub.f32 $0.0e+00, v18;
	v11 =	vadd.f32 $1.000000000e+00, v11  }
0x91: {  	v10 =	vmul.f32 $1.442695020e+00, v10  }
0x92: {  	v4 =	vmul.f32 $1.442695020e+00, v4;
	(erf) = vrcp.f32 v11  }
0x93: {  	(erf) = vpow2.f32 v10  }
0x94: {  	(erf) = vpow2.f32 v4;
	_ =	sdelay $0x2  }
0x95: {  	[tilespmem:$0x1FF10] =	vst v45;
	v45 =	vld [tilespmem:$0x2C0];
	_ =	sdelay $0x1  }
0x96: {  	v22 =	vld [tilespmem:$0x6C0];
	_ =	sdelay $0x1  }
0x97: {  	v23 =	vpop (erf)  }
0x98: {  	v29 =	vand.u32 $0x7FFFFFFF, v45;
	v6 =	vpop (erf)  }
0x99: {  	v11 =	vsub.f32 $0.0e+00, v29;
	v12 =	vpop (erf)  }
0x9a: {  	v10 =	vsub.f32 $0.0e+00, v22;
	v12 =	vadd.f32 $1.000000000e+00, v12  }
0x9b: {  	v11 =	vmul.f32 $1.442695020e+00, v11  }
0x9c: {  	v10 =	vmul.f32 $1.442695020e+00, v10;
	(erf) = vrcp.f32 v12  }
0x9d: {  	(erf) = vpow2.f32 v11  }
0x9e: {  	(erf) = vpow2.f32 v10;
	_ =	sdelay $0x2  }
0x9f: {  	[tilespmem:$0x1FF20] =	vst v48;
	v48 =	vld [tilespmem:$0x2D0];
	_ =	sdelay $0x1  }
0xa0: {  	[tilespmem:$0x1FEE0] =	vst v31;
	v31 =	vld [tilespmem:$0x6D0];
	_ =	sdelay $0x1  }
0xa1: {  	v32 =	vpop (erf)  }
0xa2: {  	v36 =	vand.u32 $0x7FFFFFFF, v48;
	v52 =	vpop (erf)  }
0xa3: {  	v12 =	vsub.f32 $0.0e+00, v36;
	v13 =	vpop (erf)  }
0xa4: {  	v10 =	vsub.f32 $0.0e+00, v31;
	v13 =	vadd.f32 $1.000000000e+00, v13  }
0xa5: {  	v12 =	vmul.f32 $1.442695020e+00, v12  }
0xa6: {  	v10 =	vmul.f32 $1.442695020e+00, v10;
	(erf) = vrcp.f32 v13  }
0xa7: {  	(erf) = vpow2.f32 v12  }
0xa8: {  	(erf) = vpow2.f32 v10;
	_ =	sdelay $0x2  }
0xa9: {  	v50 =	vld [tilespmem:$0x2E0];
	_ =	sdelay $0x1  }
0xaa: {  	[tilespmem:$0x1FEF0] =	vst v37;
	v37 =	vld [tilespmem:$0x6E0];
	_ =	sdelay $0x1  }
0xab: {  	v40 =	vpop (erf)  }
0xac: {  	v41 =	vand.u32 $0x7FFFFFFF, v50;
	v54 =	vpop (erf)  }
0xad: {  	v13 =	vsub.f32 $0.0e+00, v41;
	v14 =	vpop (erf)  }
0xae: {  	v10 =	vsub.f32 $0.0e+00, v37;
	v14 =	vadd.f32 $1.000000000e+00, v14  }
0xaf: {  	v13 =	vmul.f32 $1.442695020e+00, v13  }
0xb0: {  	v10 =	vmul.f32 $1.442695020e+00, v10;
	(erf) = vrcp.f32 v14  }
0xb1: {  	(erf) = vpow2.f32 v13  }
0xb2: {  	(erf) = vpow2.f32 v10;
	_ =	sdelay $0x2  }
0xb3: {  	v53 =	vld [tilespmem:$0x2F0];
	_ =	sdelay $0x1  }
0xb4: {  	v44 =	vld [tilespmem:$0x6F0];
	_ =	sdelay $0x1  }
0xb5: {  	v46 =	vpop (erf)  }
0xb6: {  	v47 =	vand.u32 $0x7FFFFFFF, v53;
	v57 =	vpop (erf)  }
0xb7: {  	[tilespmem:$0x1FF60] =	vst v15;
	v14 =	vsub.f32 $0.0e+00, v47;
	v15 =	vpop (erf)  }
0xb8: {  	v10 =	vsub.f32 $0.0e+00, v44;
	v15 =	vadd.f32 $1.000000000e+00, v15  }
0xb9: {  	v14 =	vmul.f32 $1.442695020e+00, v14  }
0xba: {  	v10 =	vmul.f32 $1.442695020e+00, v10;
	(erf) = vrcp.f32 v15  }
0xbb: {  	(erf) = vpow2.f32 v14  }
0xbc: {  	(erf) = vpow2.f32 v10;
	_ =	sdelay $0x2  }
0xbd: {  	[tilespmem:$0x1FF30] =	vst v51;
	v51 =	vld [tilespmem:$0x300];
	_ =	sdelay $0x1  }
0xbe: {  	v49 =	vld [tilespmem:$0x700];
	_ =	sdelay $0x1  }
0xbf: {  	v62 =	vpop (erf)  }
0xc0: {  	v3 =	vand.u32 $0x7FFFFFFF, v51;
	v59 =	vpop (erf)  }
0xc1: {  	v15 =	vsub.f32 $0.0e+00, v3;
	v16 =	vpop (erf)  }
0xc2: {  	v10 =	vsub.f32 $0.0e+00, v49;
	v16 =	vadd.f32 $1.000000000e+00, v16  }
0xc3: {  	v15 =	vmul.f32 $1.442695020e+00, v15  }
0xc4: {  	v10 =	vmul.f32 $1.442695020e+00, v10;
	(erf) = vrcp.f32 v16  }
0xc5: {  	(erf) = vpow2.f32 v15  }
0xc6: {  	(erf) = vpow2.f32 v10;
	_ =	sdelay $0x2  }
0xc7: {  	v37 =	vld [tilespmem:$0x310];
	_ =	sdelay $0x1  }
0xc8: {  	v4 =	vld [tilespmem:$0x710];
	_ =	sdelay $0x1  }
0xc9: {  	v5 =	vpop (erf)  }
0xca: {  	v11 =	vand.u32 $0x7FFFFFFF, v37;
	[tilespmem:$0x1FFC0] =	vst v62;
	v62 =	vpop (erf)  }
0xcb: {  	v16 =	vsub.f32 $0.0e+00, v11;
	v17 =	vpop (erf)  }
0xcc: {  	v10 =	vsub.f32 $0.0e+00, v4;
	v17 =	vadd.f32 $1.000000000e+00, v17  }
0xcd: {  	v16 =	vmul.f32 $1.442695020e+00, v16  }
0xce: {  	v10 =	vmul.f32 $1.442695020e+00, v10;
	(erf) = vrcp.f32 v17  }
0xcf: {  	(erf) = vpow2.f32 v16  }
0xd0: {  	(erf) = vpow2.f32 v10;
	_ =	sdelay $0x2  }
0xd1: {  	v11 =	vld [tilespmem:$0x320];
	_ =	sdelay $0x1  }
0xd2: {  	v12 =	vld [tilespmem:$0x720];
	_ =	sdelay $0x1  }
0xd3: {  	v13 =	vpop (erf)  }
0xd4: {  	[tilespmem:$0x1FFA0] =	vst v40;
	v14 =	vand.u32 $0x7FFFFFFF, v11;
	v40 =	vpop (erf)  }
0xd5: {  	v17 =	vsub.f32 $0.0e+00, v14;
	v18 =	vpop (erf)  }
0xd6: {  	v10 =	vsub.f32 $0.0e+00, v12;
	v18 =	vadd.f32 $1.000000000e+00, v18  }
0xd7: {  	v17 =	vmul.f32 $1.442695020e+00, v17  }
0xd8: {  	v10 =	vmul.f32 $1.442695020e+00, v10;
	(erf) = vrcp.f32 v18  }
0xd9: {  	(erf) = vpow2.f32 v17  }
0xda: {  	(erf) = vpow2.f32 v10;
	_ =	sdelay $0x2  }
0xdb: {  	v36 =	vld [tilespmem:$0x330];
	_ =	sdelay $0x1  }
0xdc: {  	v15 =	vld [tilespmem:$0x730];
	_ =	sdelay $0x1  }
0xdd: {  	v22 =	vpop (erf)  }
0xde: {  	[tilespmem:$0x1FF80] =	vst v23;
	v23 =	vand.u32 $0x7FFFFFFF, v36;
	v44 =	vpop (erf)  }
0xdf: {  	[tilespmem:$0x1FF70] =	vst v19;
	v18 =	vsub.f32 $0.0e+00, v23;
	v19 =	vpop (erf)  }
0xe0: {  	v10 =	vsub.f32 $0.0e+00, v15;
	v19 =	vadd.f32 $1.000000000e+00, v19  }
0xe1: {  	v18 =	vmul.f32 $1.442695020e+00, v18  }
0xe2: {  	v10 =	vmul.f32 $1.442695020e+00, v10;
	(erf) = vrcp.f32 v19  }
0xe3: {  	(erf) = vpow2.f32 v18  }
0xe4: {  	(erf) = vpow2.f32 v10;
	_ =	sdelay $0x2  }
0xe5: {  	[tilespmem:$0x1FFE0] =	vst v13;
	v13 =	vld [tilespmem:$0x340];
	_ =	sdelay $0x1  }
0xe6: {  	v29 =	vld [tilespmem:$0x740];
	_ =	sdelay $0x1  }
0xe7: {  	v18 =	vpop (erf)  }
0xe8: {  	[tilespmem:$0x1FFB0] =	vst v46;
	v31 =	vand.u32 $0x7FFFFFFF, v13;
	v46 =	vpop (erf)  }
0xe9: {  	v19 =	vsub.f32 $0.0e+00, v31;
	v20 =	vpop (erf)  }
0xea: {  	v10 =	vsub.f32 $0.0e+00, v29;
	v20 =	vadd.f32 $1.000000000e+00, v20  }
0xeb: {  	v19 =	vmul.f32 $1.442695020e+00, v19  }
0xec: {  	v10 =	vmul.f32 $1.442695020e+00, v10;
	(erf) = vrcp.f32 v20  }
0xed: {  	(erf) = vpow2.f32 v19  }
0xee: {  	(erf) = vpow2.f32 v10;
	_ =	sdelay $0x2  }
0xef: {  	v14 =	vld [tilespmem:$0x350];
	_ =	sdelay $0x1  }
0xf0: {  	[tilespmem:$0x1FF90] =	vst v32;
	v32 =	vld [tilespmem:$0x750];
	_ =	sdelay $0x1  }
0xf1: {  	v17 =	vpop (erf)  }
0xf2: {  	v47 =	vand.u32 $0x7FFFFFFF, v14;
	v41 =	vpop (erf)  }
0xf3: {  	v19 =	vsub.f32 $0.0e+00, v47;
	v49 =	vpop (erf)  }
0xf4: {  	v10 =	vsub.f32 $0.0e+00, v32;
	v20 =	vadd.f32 $1.000000000e+00, v49  }
0xf5: {  	v19 =	vmul.f32 $1.442695020e+00, v19  }
0xf6: {  	v10 =	vmul.f32 $1.442695020e+00, v10;
	(erf) = vrcp.f32 v20  }
0xf7: {  	(erf) = vpow2.f32 v19  }
0xf8: {  	(erf) = vpow2.f32 v10;
	_ =	sdelay $0x2  }
0xf9: {  	v15 =	vld [tilespmem:$0x360];
	_ =	sdelay $0x1  }
0xfa: {  	v0 =	vld [tilespmem:$0x760];
	_ =	sdelay $0x1  }
0xfb: {  	v19 =	vpop (erf)  }
0xfc: {  	v1 =	vand.u32 $0x7FFFFFFF, v15;
	v47 =	vpop (erf)  }
0xfd: {  	[tilespmem:$0x1FFF0] =	vst v22;
	v20 =	vsub.f32 $0.0e+00, v1;
	v22 =	vpop (erf)  }
0xfe: {  	v10 =	vsub.f32 $0.0e+00, v0;
	v22 =	vadd.f32 $1.000000000e+00, v22  }
0xff: {  	v20 =	vmul.f32 $1.442695020e+00, v20  }
0x100: {  	v10 =	vmul.f32 $1.442695020e+00, v10;
	(erf) = vrcp.f32 v22  }
0x101: {  	(erf) = vpow2.f32 v20  }
0x102: {  	(erf) = vpow2.f32 v10;
	_ =	sdelay $0x2  }
0x103: {  	v16 =	vld [tilespmem:$0x370];
	_ =	sdelay $0x1  }
0x104: {  	v2 =	vld [tilespmem:$0x770];
	_ =	sdelay $0x1  }
0x105: {  	v20 =	vpop (erf)  }
0x106: {  	v29 =	vand.u32 $0x7FFFFFFF, v16;
	v49 =	vpop (erf)  }
0x107: {  	v3 =	vmul.f32 $8.574675760e-03, v27;
	v29 =	vsub.f32 $0.0e+00, v29;
	v23 =	vpop (erf)  }
0x108: {  	v10 =	vsub.f32 $0.0e+00, v2;
	v23 =	vadd.f32 $1.000000000e+00, v23  }
0x109: {  	v4 =	vmul.f32 $1.442695020e+00, v29;
	v22 =	vsub.f32 $4.421419280e-02, v3  }
0x10a: {  	v10 =	vmul.f32 $1.442695020e+00, v10;
	(erf) = vrcp.f32 v23  }
0x10b: {  	v22 =	vmul.f32 v22, v27;
	(erf) = vpow2.f32 v4  }
0x10c: {  	(erf) = vpow2.f32 v10  }
0x10d: {  	[tilespmem:$0x1FFD0] =	vst v5;
	v5 =	vadd.f32 $-1.078536810e-01, v22  }
0x10e: {  	v29 =	vld [tilespmem:$0x380]  }
0x10f: {  	v10 =	vmul.f32 v5, v27;
	_ =	sdelay $0x1  }
0x110: {  	v12 =	vld [tilespmem:$0x780];
	v10 =	vadd.f32 $1.775702390e-01, v10;
	_ =	sdelay $0x1  }
0x111: {  	v32 =	vand.u32 $0x7FFFFFFF, v29;
	v10 =	vmul.f32 v10, v27;
	v22 =	vpop (erf)  }
0x112: {  	v32 =	vsub.f32 $0.0e+00, v32;
	v31 =	vpop (erf)  }
0x113: {  	v10 =	vadd.f32 $-2.449961160e-01, v10;
	v4 =	vpop (erf)  }
0x114: {  	v23 =	vmul.f32 $1.442695020e+00, v32;
	v5 =	vsub.f32 $0.0e+00, v12;
	v0 =	vadd.f32 $1.000000000e+00, v4  }
0x115: {  	v10 =	vmul.f32 v10, v27;
	v4 =	vmul.f32 $8.574675760e-03, v24  }
0x116: {  	v5 =	vmul.f32 $1.442695020e+00, v5;
	(erf) = vrcp.f32 v0  }
0x117: {  	v0 =	vadd.f32 $3.327617650e-01, v10;
	v32 =	vsub.f32 $4.421419280e-02, v4;
	(erf) = vpow2.f32 v23  }
0x118: {  	v4 =	vmul.f32 $8.574675760e-03, v21;
	(erf) = vpow2.f32 v5  }
0x119: {  	v0 =	vmul.f32 v0, v27;
	v5 =	vmul.f32 v32, v24  }
0x11a: {  	v32 =	vsub.f32 $4.421419280e-02, v4;
	v4 =	vmul.f32 $8.574675760e-03, v9  }
0x11b: {  	v0 =	vadd.f32 $-4.999744890e-01, v0;
	v10 =	vadd.f32 $-1.078536810e-01, v5;
	v5 =	vmul.f32 $8.574675760e-03, v7  }
0x11c: {  	v12 =	vmul.f32 v32, v21  }
0x11d: {  	v23 =	vsub.f32 $4.421419280e-02, v4;
	v0 =	vmul.f32 v0, v27;
	v32 =	vsub.f32 $4.421419280e-02, v5  }
0x11e: {  	v10 =	vmul.f32 v10, v24  }
0x11f: {  	v4 =	vld [tilespmem:$0x790];
	v12 =	vadd.f32 $-1.078536810e-01, v12;
	v0 =	vadd.f32 $9.999998210e-01, v0;
	v2 =	vmul.f32 v32, v7  }
0x120: {  	v3 =	vmul.f32 $8.574675760e-03, v8;
	v1 =	vmul.f32 v23, v9  }
0x121: {  	v10 =	vadd.f32 $1.775702390e-01, v10;
	v12 =	vmul.f32 v12, v21;
	v23 =	vpop (erf);
	v2 =	vadd.f32 $-1.078536810e-01, v2  }
0x122: {  	v3 =	vsub.f32 $4.421419280e-02, v3;
	v1 =	vadd.f32 $-1.078536810e-01, v1;
	v5 =	vmul.f32 v0, v27;
	v32 =	vpop (erf)  }
0x123: {  	v10 =	vmul.f32 v10, v24;
	v12 =	vadd.f32 $1.775702390e-01, v12;
	v0 =	vpop (erf);
	v2 =	vmul.f32 v2, v7  }
0x124: {  	v4 =	vsub.f32 $0.0e+00, v4;
	v1 =	vmul.f32 v1, v9;
	v0 =	vadd.f32 $1.000000000e+00, v0  }
0x125: {  	v27 =	vld [tilespmem:$0x390];
	v10 =	vadd.f32 $-2.449961160e-01, v10;
	v12 =	vmul.f32 v12, v21;
	v2 =	vadd.f32 $1.775702390e-01, v2  }
0x126: {  	(erf) = vrcp.f32 v0;
	v0 =	vadd.f32 $1.775702390e-01, v1;
	v1 =	vmul.f32 v3, v8  }
0x127: {  	v3 =	vmul.f32 v10, v24;
	v10 =	vadd.f32 $-2.449961160e-01, v12  }
0x128: {  	v4 =	vmul.f32 $1.442695020e+00, v4;
	v2 =	vmul.f32 v2, v7;
	v1 =	vadd.f32 $-1.078536810e-01, v1  }
0x129: {  	v0 =	vmul.f32 v0, v9;
	v3 =	vadd.f32 $3.327617650e-01, v3;
	v10 =	vmul.f32 v10, v21  }
0x12a: {  	v12 =	vand.u32 $0x7FFFFFFF, v27;
	v2 =	vadd.f32 $-2.449961160e-01, v2;
	v1 =	vmul.f32 v1, v8  }
0x12b: {  	v0 =	vadd.f32 $-2.449961160e-01, v0;
	v3 =	vmul.f32 v3, v24;
	v10 =	vadd.f32 $3.327617650e-01, v10  }
0x12c: {  	v12 =	vsub.f32 $0.0e+00, v12;
	v2 =	vmul.f32 v2, v7;
	v1 =	vadd.f32 $1.775702390e-01, v1  }
0x12d: {  	v0 =	vmul.f32 v0, v9;
	v3 =	vadd.f32 $-4.999744890e-01, v3;
	v10 =	vmul.f32 v10, v21  }
0x12e: {  	v12 =	vmul.f32 $1.442695020e+00, v12;
	v2 =	vadd.f32 $3.327617650e-01, v2;
	v1 =	vmul.f32 v1, v8  }
0x12f: {  	v0 =	vadd.f32 $3.327617650e-01, v0;
	v3 =	vmul.f32 v3, v24;
	v10 =	vadd.f32 $-4.999744890e-01, v10  }
0x130: {  	(erf) = vpow2.f32 v12;
	v2 =	vmul.f32 v2, v7;
	v1 =	vadd.f32 $-2.449961160e-01, v1  }
0x131: {  	v0 =	vmul.f32 v0, v9;
	v3 =	vadd.f32 $9.999998210e-01, v3;
	v10 =	vmul.f32 v10, v21  }
0x132: {  	(erf) = vpow2.f32 v4;
	v2 =	vadd.f32 $-4.999744890e-01, v2;
	v1 =	vmul.f32 v1, v8  }
0x133: {  	v0 =	vadd.f32 $-4.999744890e-01, v0;
	v3 =	vmul.f32 v3, v24;
	v4 =	vadd.f32 $9.999998210e-01, v10  }
0x134: {  	v24 =	vmax.f32 v34, $0.0e+00;
	v34 =	vmax.f32 v39, $0.0e+00;
	v39 =	vmax.f32 v33, $0.0e+00  }
0x135: {  	v2 =	vmul.f32 v2, v7;
	v12 =	vadd.f32 v5, v24;
	v1 =	vadd.f32 $3.327617650e-01, v1  }
0x136: {  	v33 =	vld [tilespmem:$0x7A0];
	v0 =	vmul.f32 v0, v9;
	v4 =	vmul.f32 v4, v21;
	v10 =	vadd.f32 v3, v34  }
0x137: {  	v21 =	vld [tilespmem:$0x3A0];
	v34 =	vmax.f32 v30, $0.0e+00;
	v3 =	vmul.f32 $8.574675760e-03, v58;
	v2 =	vadd.f32 $9.999998210e-01, v2  }
0x138: {  	v1 =	vmul.f32 v1, v8;
	v0 =	vadd.f32 $9.999998210e-01, v0;
	v4 =	vadd.f32 v4, v39  }
0x139: {  	v39 =	vmax.f32 v26, $0.0e+00;
	v3 =	vsub.f32 $4.421419280e-02, v3;
	v2 =	vmul.f32 v2, v7  }
0x13a: {  	v12 =	vmul.f32 $-1.730000020e+00, v12;
	v1 =	vadd.f32 $-4.999744890e-01, v1;
	v0 =	vmul.f32 v0, v9  }
0x13b: {  	v26 =	vpop (erf);
	v33 =	vsub.f32 $0.0e+00, v33;
	v3 =	vmul.f32 v3, v58;
	v2 =	vadd.f32 v2, v39  }
0x13c: {  	v39 =	vpop (erf);
	v9 =	vand.u32 $0x7FFFFFFF, v21;
	v1 =	vmul.f32 v1, v8;
	v5 =	vadd.f32 v0, v34  }
0x13d: {  	v0 =	vsub.f32 $0.0e+00, v9;
	v30 =	vpop (erf);
	v34 =	vmul.f32 $8.574675760e-03, v61;
	v9 =	vmul.f32 $1.442695020e+00, v33  }
0x13e: {  	v33 =	vmul.f32 $8.574675760e-03, v60;
	v7 =	vadd.f32 $1.000000000e+00, v30;
	v1 =	vadd.f32 $9.999998210e-01, v1  }
0x13f: {  	v0 =	vmul.f32 $1.442695020e+00, v0;
	v24 =	vsub.f32 $4.421419280e-02, v34;
	v34 =	vmul.f32 $8.574675760e-03, v63  }
0x140: {  	v28 =	vmax.f32 v28, $0.0e+00;
	(erf) = vrcp.f32 v7;
	v1 =	vmul.f32 v1, v8  }
0x141: {  	(erf) = vpow2.f32 v0;
	v30 =	vmul.f32 v24, v61;
	v7 =	vsub.f32 $4.421419280e-02, v34  }
0x142: {  	(erf) = vpow2.f32 v9;
	v8 =	vadd.f32 v1, v28;
	v1 =	vadd.f32 $-1.078536810e-01, v3  }
0x143: {  	v0 =	vadd.f32 $-1.078536810e-01, v30;
	v30 =	vmul.f32 $8.574675760e-03, v6;
	v3 =	vsub.f32 $4.421419280e-02, v33  }
0x144: {  	v28 =	vmul.f32 $8.574675760e-03, v25;
	v7 =	vmul.f32 v7, v63;
	v33 =	vmax.f32 v35, $0.0e+00  }
0x145: {  	v1 =	vmul.f32 v1, v58;
	v24 =	vsub.f32 $4.421419280e-02, v30;
	v3 =	vmul.f32 v3, v60  }
0x146: {  	v0 =	vmul.f32 v0, v61;
	v9 =	vsub.f32 $4.421419280e-02, v28;
	v7 =	vadd.f32 $-1.078536810e-01, v7  }
0x147: {  	v28 =	vmul.f32 $8.574675760e-03, v52;
	v24 =	vmul.f32 v24, v6;
	v3 =	vadd.f32 $-1.078536810e-01, v3  }
0x148: {  	v1 =	vadd.f32 $1.775702390e-01, v1;
	v0 =	vadd.f32 $1.775702390e-01, v0;
	v9 =	vmul.f32 v9, v25  }
0x149: {  	v7 =	vmul.f32 v7, v63;
	v24 =	vadd.f32 $-1.078536810e-01, v24;
	v3 =	vmul.f32 v3, v60  }
0x14a: {  	v1 =	vmul.f32 v1, v58;
	v0 =	vmul.f32 v0, v61;
	v9 =	vadd.f32 $-1.078536810e-01, v9  }
0x14b: {  	v7 =	vadd.f32 $1.775702390e-01, v7;
	v24 =	vmul.f32 v24, v6;
	v3 =	vadd.f32 $1.775702390e-01, v3  }
0x14c: {  	v1 =	vadd.f32 $-2.449961160e-01, v1;
	v0 =	vadd.f32 $-2.449961160e-01, v0;
	v9 =	vmul.f32 v9, v25  }
0x14d: {  	v7 =	vmul.f32 v7, v63;
	v24 =	vadd.f32 $1.775702390e-01, v24;
	v3 =	vmul.f32 v3, v60  }
0x14e: {  	v1 =	vmul.f32 v1, v58;
	v0 =	vmul.f32 v0, v61;
	v9 =	vadd.f32 $1.775702390e-01, v9  }
0x14f: {  	v7 =	vadd.f32 $-2.449961160e-01, v7;
	v24 =	vmul.f32 v24, v6;
	v3 =	vadd.f32 $-2.449961160e-01, v3  }
0x150: {  	v1 =	vadd.f32 $3.327617650e-01, v1;
	v0 =	vadd.f32 $3.327617650e-01, v0;
	v9 =	vmul.f32 v9, v25  }
0x151: {  	v7 =	vmul.f32 v7, v63;
	v24 =	vadd.f32 $-2.449961160e-01, v24;
	v3 =	vmul.f32 v3, v60  }
0x152: {  	v1 =	vmul.f32 v1, v58;
	v0 =	vmul.f32 v0, v61;
	v9 =	vadd.f32 $-2.449961160e-01, v9  }
0x153: {  	v7 =	vadd.f32 $3.327617650e-01, v7;
	v24 =	vmul.f32 v24, v6;
	v3 =	vadd.f32 $3.327617650e-01, v3  }
0x154: {  	v1 =	vadd.f32 $-4.999744890e-01, v1;
	v0 =	vadd.f32 $-4.999744890e-01, v0;
	v9 =	vmul.f32 v9, v25  }
0x155: {  	v7 =	vmul.f32 v7, v63;
	v24 =	vadd.f32 $3.327617650e-01, v24;
	v3 =	vmul.f32 v3, v60  }
0x156: {  	v1 =	vmul.f32 v1, v58;
	v0 =	vmul.f32 v0, v61;
	v9 =	vadd.f32 $3.327617650e-01, v9  }
0x157: {  	v7 =	vadd.f32 $-4.999744890e-01, v7;
	v24 =	vmul.f32 v24, v6;
	v3 =	vadd.f32 $-4.999744890e-01, v3  }
0x158: {  	v1 =	vadd.f32 $9.999998210e-01, v1;
	v0 =	vadd.f32 $9.999998210e-01, v0;
	v9 =	vmul.f32 v9, v25  }
0x159: {  	v7 =	vmul.f32 v7, v63;
	v24 =	vadd.f32 $-4.999744890e-01, v24;
	v3 =	vmul.f32 v3, v60  }
0x15a: {  	v1 =	vmul.f32 v1, v58;
	v0 =	vmul.f32 v0, v61;
	v9 =	vadd.f32 $-4.999744890e-01, v9  }
0x15b: {  	v61 =	vmax.f32 v42, $0.0e+00;
	v35 =	vmul.f32 v24, v6;
	v3 =	vadd.f32 $9.999998210e-01, v3  }
0x15c: {  	v7 =	vadd.f32 $9.999998210e-01, v7;
	v58 =	vadd.f32 v1, v33;
	v34 =	vmul.f32 v9, v25  }
0x15d: {  	v61 =	vadd.f32 v0, v61;
	v9 =	vadd.f32 $9.999998210e-01, v35;
	v0 =	vmul.f32 v3, v60  }
0x15e: {  	v33 =	vpop (erf);
	v1 =	vadd.f32 $9.999998210e-01, v34;
	v3 =	vmul.f32 v7, v63;
	v34 =	vmul.f32 $8.574675760e-03, v54  }
0x15f: {  	v42 =	vpop (erf);
	v60 =	vmax.f32 v38, $0.0e+00;
	v7 =	vmul.f32 v9, v6;
	v9 =	vsub.f32 $4.421419280e-02, v28  }
0x160: {  	v8 =	vmul.f32 $-1.730000020e+00, v8;
	v35 =	vpop (erf);
	v6 =	vadd.f32 v0, v60;
	v60 =	vsub.f32 $4.421419280e-02, v34  }
0x161: {  	v38 =	vmul.f32 $8.574675760e-03, v57;
	v1 =	vmul.f32 v1, v25;
	v63 =	vadd.f32 $1.000000000e+00, v35  }
0x162: {  	v55 =	vmax.f32 v55, $0.0e+00;
	v35 =	vmul.f32 v9, v52;
	v34 =	vmul.f32 v60, v54  }
0x163: {  	v9 =	vsub.f32 $4.421419280e-02, v38;
	v38 =	vld [tilespmem:$0x3B0];
	(erf) = vrcp.f32 v63;
	v63 =	vmul.f32 $8.574675760e-03, v59  }
0x164: {  	v55 =	vadd.f32 v3, v55;
	v0 =	vadd.f32 $-1.078536810e-01, v35;
	v35 =	vmul.f32 $8.574675760e-03, v62  }
0x165: {  	v9 =	vmul.f32 v9, v57;
	v3 =	vadd.f32 $-1.078536810e-01, v34;
	v60 =	vsub.f32 $4.421419280e-02, v63  }
0x166: {  	v63 =	vmax.f32 v56, $0.0e+00;
	v0 =	vmul.f32 v0, v52;
	v24 =	vsub.f32 $4.421419280e-02, v35  }
0x167: {  	v9 =	vadd.f32 $-1.078536810e-01, v9;
	v56 =	vadd.f32 v1, v63;
	v30 =	vmul.f32 v3, v54;
	v63 =	vld [tilespmem:$0x7B0]  }
0x168: {  	v25 =	vmul.f32 v60, v59;
	v60 =	vand.u32 $0x7FFFFFFF, v38;
	v0 =	vadd.f32 $1.775702390e-01, v0  }
0x169: {  	v34 =	vmul.f32 v24, v62;
	v9 =	vmul.f32 v9, v57;
	v1 =	vadd.f32 $1.775702390e-01, v30  }
0x16a: {  	v35 =	vadd.f32 $-1.078536810e-01, v25;
	v25 =	vsub.f32 $0.0e+00, v60;
	v0 =	vmul.f32 v0, v52  }
0x16b: {  	v3 =	vadd.f32 $-1.078536810e-01, v34;
	v9 =	vadd.f32 $1.775702390e-01, v9;
	v1 =	vmul.f32 v1, v54  }
0x16c: {  	v34 =	vmax.f32 v43, $0.0e+00;
	v24 =	vmul.f32 v35, v59;
	v30 =	vsub.f32 $0.0e+00, v63  }
0x16d: {  	v25 =	vmul.f32 $1.442695020e+00, v25;
	v60 =	vadd.f32 v7, v34;
	v0 =	vadd.f32 $-2.449961160e-01, v0  }
0x16e: {  	v3 =	vmul.f32 v3, v62;
	v9 =	vmul.f32 v9, v57;
	v1 =	vadd.f32 $-2.449961160e-01, v1  }
0x16f: {  	v63 =	vmax.f32 v45, $0.0e+00;
	v24 =	vadd.f32 $1.775702390e-01, v24;
	v0 =	vmul.f32 v0, v52  }
0x170: {  	v3 =	vadd.f32 $1.775702390e-01, v3;
	v9 =	vadd.f32 $-2.449961160e-01, v9;
	v1 =	vmul.f32 v1, v54  }
0x171: {  	v34 =	vmax.f32 v50, $0.0e+00;
	v24 =	vmul.f32 v24, v59;
	v0 =	vadd.f32 $3.327617650e-01, v0  }
0x172: {  	v3 =	vmul.f32 v3, v62;
	v9 =	vmul.f32 v9, v57;
	v1 =	vadd.f32 $3.327617650e-01, v1  }
0x173: {  	v50 =	vmul.f32 $8.574675760e-03, v44;
	v24 =	vadd.f32 $-2.449961160e-01, v24;
	v0 =	vmul.f32 v0, v52  }
0x174: {  	v3 =	vadd.f32 $-2.449961160e-01, v3;
	v9 =	vadd.f32 $3.327617650e-01, v9;
	v1 =	vmul.f32 v1, v54  }
0x175: {  	(erf) = vpow2.f32 v25;
	v24 =	vmul.f32 v24, v59;
	v0 =	vadd.f32 $-4.999744890e-01, v0  }
0x176: {  	v3 =	vmul.f32 v3, v62;
	v9 =	vmul.f32 v9, v57;
	v1 =	vadd.f32 $-4.999744890e-01, v1  }
0x177: {  	v25 =	vmul.f32 $1.442695020e+00, v30;
	v24 =	vadd.f32 $3.327617650e-01, v24;
	v0 =	vmul.f32 v0, v52  }
0x178: {  	v45 =	vld [tilespmem:$0x3C0];
	v3 =	vadd.f32 $3.327617650e-01, v3;
	v9 =	vadd.f32 $-4.999744890e-01, v9;
	v1 =	vmul.f32 v1, v54  }
0x179: {  	(erf) = vpow2.f32 v25;
	v24 =	vmul.f32 v24, v59;
	v0 =	vadd.f32 $9.999998210e-01, v0  }
0x17a: {  	v3 =	vmul.f32 v3, v62;
	v35 =	vmul.f32 v9, v57;
	v1 =	vadd.f32 $9.999998210e-01, v1  }
0x17b: {  	v30 =	vmax.f32 v48, $0.0e+00;
	v43 =	vadd.f32 $-4.999744890e-01, v24;
	v0 =	vmul.f32 v0, v52  }
0x17c: {  	v3 =	vadd.f32 $-4.999744890e-01, v3;
	v7 =	vadd.f32 $9.999998210e-01, v35;
	v24 =	vmul.f32 v1, v54  }
0x17d: {  	v35 =	vmul.f32 $8.574675760e-03, v40;
	v54 =	vand.u32 $0x7FFFFFFF, v45;
	v9 =	vmul.f32 v43, v59  }
0x17e: {  	v63 =	vadd.f32 v0, v63;
	v25 =	vmul.f32 v3, v62;
	v52 =	vadd.f32 v24, v30  }
0x17f: {  	v28 =	vmul.f32 v7, v57;
	v7 =	vsub.f32 $4.421419280e-02, v35;
	v24 =	vsub.f32 $0.0e+00, v54  }
0x180: {  	v57 =	vmax.f32 v53, $0.0e+00;
	v9 =	vadd.f32 $9.999998210e-01, v9;
	v43 =	vpop (erf);
	v1 =	vadd.f32 $9.999998210e-01, v25  }
0x181: {  	v48 =	vadd.f32 v28, v34;
	v0 =	vpop (erf);
	v25 =	vld [tilespmem:$0x7C0];
	v53 =	vmul.f32 v7, v40;
	v54 =	vmul.f32 $1.442695020e+00, v24  }
0x182: {  	v3 =	vmul.f32 v9, v59;
	v59 =	vpop (erf);
	v9 =	vsub.f32 $4.421419280e-02, v50;
	v1 =	vmul.f32 v1, v62  }
0x183: {  	v30 =	vadd.f32 $1.000000000e+00, v59;
	v62 =	vmul.f32 $8.574675760e-03, v46;
	v48 =	vmul.f32 $-1.730000020e+00, v48  }
0x184: {  	v50 =	vadd.f32 v3, v57;
	v9 =	vmul.f32 v9, v44;
	v3 =	vadd.f32 $-1.078536810e-01, v53  }
0x185: {  	v53 =	vmul.f32 $8.574675760e-03, v41;
	(erf) = vrcp.f32 v30;
	v57 =	vsub.f32 $4.421419280e-02, v62  }
0x186: {  	v62 =	vmax.f32 v51, $0.0e+00;
	(erf) = vpow2.f32 v54;
	v59 =	vsub.f32 $0.0e+00, v25  }
0x187: {  	v9 =	vadd.f32 $-1.078536810e-01, v9;
	v28 =	vmul.f32 v3, v40;
	v54 =	vmul.f32 $8.574675760e-03, v47  }
0x188: {  	v51 =	vadd.f32 v1, v62;
	v24 =	vmul.f32 v57, v46;
	v57 =	vmul.f32 $8.574675760e-03, v49  }
0x189: {  	v30 =	vmul.f32 $1.442695020e+00, v59;
	v1 =	vadd.f32 $1.775702390e-01, v28;
	v3 =	vsub.f32 $4.421419280e-02, v54  }
0x18a: {  	v34 =	vmul.f32 v9, v44;
	v35 =	vadd.f32 $-1.078536810e-01, v24;
	v24 =	vsub.f32 $4.421419280e-02, v53  }
0x18b: {  	v25 =	vsub.f32 $4.421419280e-02, v57;
	(erf) = vpow2.f32 v30;
	v1 =	vmul.f32 v1, v40  }
0x18c: {  	v7 =	vadd.f32 $1.775702390e-01, v34;
	v3 =	vmul.f32 v3, v47;
	v9 =	vmul.f32 v35, v46  }
0x18d: {  	v24 =	vmul.f32 v24, v41;
	v25 =	vmul.f32 v25, v49;
	v1 =	vadd.f32 $-2.449961160e-01, v1  }
0x18e: {  	v7 =	vmul.f32 v7, v44;
	v3 =	vadd.f32 $-1.078536810e-01, v3;
	v9 =	vadd.f32 $1.775702390e-01, v9  }
0x18f: {  	v24 =	vadd.f32 $-1.078536810e-01, v24;
	v25 =	vadd.f32 $-1.078536810e-01, v25;
	v1 =	vmul.f32 v1, v40  }
0x190: {  	v7 =	vadd.f32 $-2.449961160e-01, v7;
	v3 =	vmul.f32 v3, v47;
	v9 =	vmul.f32 v9, v46  }
0x191: {  	v24 =	vmul.f32 v24, v41;
	v25 =	vmul.f32 v25, v49;
	v1 =	vadd.f32 $3.327617650e-01, v1  }
0x192: {  	v7 =	vmul.f32 v7, v44;
	v3 =	vadd.f32 $1.775702390e-01, v3;
	v9 =	vadd.f32 $-2.449961160e-01, v9  }
0x193: {  	v24 =	vadd.f32 $1.775702390e-01, v24;
	v25 =	vadd.f32 $1.775702390e-01, v25;
	v1 =	vmul.f32 v1, v40  }
0x194: {  	v53 =	vld [tilespmem:$0x7D0];
	v7 =	vadd.f32 $3.327617650e-01, v7;
	v3 =	vmul.f32 v3, v47;
	v9 =	vmul.f32 v9, v46  }
0x195: {  	v24 =	vmul.f32 v24, v41;
	v25 =	vmul.f32 v25, v49;
	v1 =	vadd.f32 $-4.999744890e-01, v1  }
0x196: {  	v7 =	vmul.f32 v7, v44;
	v3 =	vadd.f32 $-2.449961160e-01, v3;
	v9 =	vadd.f32 $3.327617650e-01, v9  }
0x197: {  	v24 =	vadd.f32 $-2.449961160e-01, v24;
	v25 =	vadd.f32 $-2.449961160e-01, v25;
	v59 =	vmul.f32 v1, v40  }
0x198: {  	v7 =	vadd.f32 $-4.999744890e-01, v7;
	v1 =	vld [tilespmem:$0x3D0];
	v3 =	vmul.f32 v3, v47;
	v9 =	vmul.f32 v9, v46  }
0x199: {  	v34 =	vsub.f32 $0.0e+00, v53;
	v24 =	vmul.f32 v24, v41;
	v25 =	vmul.f32 v25, v49  }
0x19a: {  	v7 =	vmul.f32 v7, v44;
	v28 =	vadd.f32 $9.999998210e-01, v59;
	v62 =	vadd.f32 $3.327617650e-01, v3  }
0x19b: {  	v50 =	vmul.f32 $-1.730000020e+00, v50;
	v9 =	vadd.f32 $-4.999744890e-01, v9;
	v24 =	vadd.f32 $3.327617650e-01, v24  }
0x19c: {  	v25 =	vadd.f32 $3.327617650e-01, v25;
	v7 =	vadd.f32 $9.999998210e-01, v7;
	v28 =	vmul.f32 v28, v40  }
0x19d: {  	v40 =	vpop (erf);
	v30 =	vmul.f32 v62, v47;
	v9 =	vmul.f32 v9, v46;
	v57 =	vand.u32 $0x7FFFFFFF, v1  }
0x19e: {  	v24 =	vmul.f32 v24, v41;
	v3 =	vpop (erf);
	v7 =	vmul.f32 v7, v44;
	v44 =	vsub.f32 $0.0e+00, v57  }
0x19f: {  	v62 =	vld [tilespmem:$0x400];
	v25 =	vmul.f32 v25, v49;
	v54 =	vpop (erf);
	v30 =	vadd.f32 $-4.999744890e-01, v30;
	v9 =	vadd.f32 $9.999998210e-01, v9  }
0x1a0: {  	v34 =	vmul.f32 $1.442695020e+00, v34;
	v35 =	vadd.f32 $1.000000000e+00, v54;
	v24 =	vadd.f32 $-4.999744890e-01, v24  }
0x1a1: {  	v25 =	vadd.f32 $-4.999744890e-01, v25;
	v59 =	vmul.f32 $1.442695020e+00, v44;
	v30 =	vmul.f32 v30, v47  }
0x1a2: {  	v9 =	vmul.f32 v9, v46;
	v24 =	vmul.f32 v24, v41  }
0x1a3: {  	v57 =	vld [tilespmem:$0x410];
	(erf) = vrcp.f32 v35;
	v25 =	vmul.f32 v25, v49  }
0x1a4: {  	v62 =	vmul.f32 v12, v62;
	(erf) = vpow2.f32 v59;
	v24 =	vadd.f32 $9.999998210e-01, v24  }
0x1a5: {  	v46 =	vld [tilespmem:$0x450];
	v30 =	vadd.f32 $9.999998210e-01, v30;
	(erf) = vpow2.f32 v34;
	v25 =	vadd.f32 $9.999998210e-01, v25  }
0x1a6: {  	v59 =	vld [tilespmem:$0x420];
	v24 =	vmul.f32 v24, v41;
	v41 =	vmul.f32 $-1.730000020e+00, v10  }
0x1a7: {  	v44 =	vmax.f32 v37, $0.0e+00;
	v37 =	vmul.f32 v30, v47;
	v30 =	vld [tilespmem:$0x430];
	v10 =	vmul.f32 v25, v49  }
0x1a8: {  	[tilespmem:$0xD20] =	vst v18;
	v44 =	vadd.f32 v28, v44;
	v25 =	vmul.f32 $-1.730000020e+00, v4;
	v4 =	vld [tilespmem:$0x3E0];
	v57 =	vmul.f32 v41, v57  }
0x1a9: {  	[tilespmem:$0x800] =	vst v12;
	v12 =	vmul.f32 $-1.730000020e+00, v2;
	v54 =	vsub.f32 $9.999999930e-09, v62;
	v47 =	vmax.f32 v11, $0.0e+00;
	v11 =	vld [tilespmem:$0x440]  }
0x1aa: {  	[tilespmem:$0xD30] =	vst v17;
	v35 =	vadd.f32 v7, v47;
	v47 =	vmul.f32 $-1.730000020e+00, v5;
	v49 =	vld [tilespmem:$0x460];
	v57 =	vsub.f32 $9.999999930e-09, v57  }
0x1ab: {  	[tilespmem:$0xD40] =	vst v19;
	v28 =	vld [tilespmem:$0x470];
	v34 =	vmul.f32 $-1.730000020e+00, v58;
	v53 =	vmul.f32 v25, v59;
	v59 =	vmax.f32 v36, $0.0e+00  }
0x1ac: {  	v7 =	vadd.f32 v9, v59;
	v59 =	vmul.f32 v8, v46;
	v62 =	vmul.f32 v47, v30;
	[tilespmem:$0xA10] =	vst v57;
	v57 =	vld [tilespmem:$0x1FEF0]  }
0x1ad: {  	v14 =	vmax.f32 v14, $0.0e+00;
	[tilespmem:$0xA00] =	vst v54;
	v54 =	vld [tilespmem:$0x1FEE0];
	v36 =	vsub.f32 $9.999999930e-09, v53;
	v58 =	vand.u32 $0x7FFFFFFF, v4  }
0x1ae: {  	[tilespmem:$0x810] =	vst v41;
	v46 =	vmul.f32 $-1.730000020e+00, v61;
	v53 =	vld [tilespmem:$0x480];
	v2 =	vpop (erf);
	v41 =	vsub.f32 $9.999999930e-09, v59;
	v59 =	vsub.f32 $0.0e+00, v58  }
0x1af: {  	v16 =	vmax.f32 v16, $0.0e+00;
	[tilespmem:$0x850] =	vst v8;
	v11 =	vmul.f32 v12, v11;
	v61 =	vmul.f32 v34, v49;
	v5 =	vpop (erf)  }
0x1b0: {  	v9 =	vsub.f32 $9.999999930e-09, v62;
	v62 =	vpop (erf);
	v58 =	vmul.f32 $1.442695020e+00, v59;
	v59 =	vmul.f32 $8.574675760e-03, v31  }
0x1b1: {  	v49 =	vadd.f32 $1.000000000e+00, v62;
	v62 =	vmax.f32 v13, $0.0e+00;
	[tilespmem:$0xC10] =	vst v57;
	v57 =	vmul.f32 $-1.730000020e+00, v6  }
0x1b2: {  	[tilespmem:$0xC00] =	vst v54;
	v28 =	vmul.f32 v46, v28;
	v54 =	vld [tilespmem:$0x490];
	v30 =	vsub.f32 $9.999999930e-09, v61;
	v6 =	vadd.f32 v24, v62  }
0x1b3: {  	[tilespmem:$0x8E0] =	vst v48;
	v62 =	vsub.f32 $4.421419280e-02, v59;
	v61 =	vmul.f32 v57, v53;
	v53 =	vmul.f32 $-1.730000020e+00, v55;
	v55 =	vld [tilespmem:$0x1FF00]  }
0x1b4: {  	v27 =	vmax.f32 v27, $0.0e+00;
	v51 =	vmul.f32 $-1.730000020e+00, v51;
	[tilespmem:$0x820] =	vst v25;
	(erf) = vrcp.f32 v49;
	v49 =	vld [tilespmem:$0x4A0]  }
0x1b5: {  	v11 =	vsub.f32 $9.999999930e-09, v11;
	v25 =	vsub.f32 $9.999999930e-09, v28;
	[tilespmem:$0xA30] =	vst v9;
	v9 =	vmul.f32 v62, v31  }
0x1b6: {  	[tilespmem:$0xA20] =	vst v36;
	(erf) = vpow2.f32 v58;
	v58 =	vmul.f32 $8.574675760e-03, v32;
	v36 =	vsub.f32 $9.999999930e-09, v61  }
0x1b7: {  	v28 =	vld [tilespmem:$0x4D0];
	[tilespmem:$0xA50] =	vst v41;
	v61 =	vmul.f32 v53, v54;
	v54 =	vmul.f32 $-1.730000020e+00, v56;
	v9 =	vadd.f32 $-1.078536810e-01, v9  }
0x1b8: {  	v44 =	vmul.f32 $-1.730000020e+00, v44;
	v41 =	vld [tilespmem:$0x500];
	[tilespmem:$0xC20] =	vst v55;
	v55 =	vmul.f32 $-1.730000020e+00, v60;
	v60 =	vsub.f32 $4.421419280e-02, v58  }
0x1b9: {  	[tilespmem:$0x830] =	vst v47;
	v24 =	vld [tilespmem:$0x4B0];
	v47 =	vsub.f32 $9.999999930e-09, v61;
	v49 =	vmul.f32 v54, v49;
	v61 =	vmul.f32 $8.574675760e-03, v39  }
0x1ba: {  	[tilespmem:$0x840] =	vst v12;
	v14 =	vadd.f32 v37, v14;
	v35 =	vmul.f32 $-1.730000020e+00, v35;
	v62 =	vld [tilespmem:$0x1FF20];
	v12 =	vmul.f32 v60, v32  }
0x1bb: {  	[tilespmem:$0xA40] =	vst v11;
	v13 =	vld [tilespmem:$0x4C0];
	v9 =	vmul.f32 v9, v31;
	v11 =	vsub.f32 $9.999999930e-09, v49;
	v56 =	vsub.f32 $4.421419280e-02, v61  }
0x1bc: {  	[tilespmem:$0x860] =	vst v34;
	v14 =	vmul.f32 $-1.730000020e+00, v14;
	v49 =	vmul.f32 $-1.730000020e+00, v63;
	v63 =	vld [tilespmem:$0x4E0];
	v12 =	vadd.f32 $-1.078536810e-01, v12  }
0x1bd: {  	[tilespmem:$0xA60] =	vst v30;
	v59 =	vld [tilespmem:$0x1FF10];
	v41 =	vmul.f32 v51, v41;
	v9 =	vadd.f32 $1.775702390e-01, v9;
	v60 =	vmul.f32 v56, v39  }
0x1be: {  	v1 =	vmax.f32 v1, $0.0e+00;
	[tilespmem:$0x890] =	vst v53;
	v61 =	vld [tilespmem:$0x1FF30];
	v24 =	vmul.f32 v55, v24;
	v12 =	vmul.f32 v12, v32  }
0x1bf: {  	v53 =	vmul.f32 $8.574675760e-03, v42;
	[tilespmem:$0xC40] =	vst v62;
	v56 =	vld [tilespmem:$0x510];
	v9 =	vmul.f32 v9, v31;
	v62 =	vadd.f32 $-1.078536810e-01, v60  }
0x1c0: {  	v8 =	vsub.f32 $9.999999930e-09, v24;
	v24 =	vmul.f32 $-1.730000020e+00, v52;
	v12 =	vadd.f32 $1.775702390e-01, v12  }
0x1c1: {  	[tilespmem:$0xA80] =	vst v36;
	v52 =	vld [tilespmem:$0x4F0];
	v9 =	vadd.f32 $-2.449961160e-01, v9;
	v63 =	vmul.f32 v48, v63;
	v34 =	vmul.f32 v62, v39  }
0x1c2: {  	v36 =	vsub.f32 $9.999999930e-09, v41;
	[tilespmem:$0x8A0] =	vst v54;
	v54 =	vmul.f32 $8.574675760e-03, v0;
	v60 =	vld [tilespmem:$0x1FF40];
	v12 =	vmul.f32 v12, v32  }
0x1c3: {  	[tilespmem:$0xC50] =	vst v61;
	v61 =	vld [tilespmem:$0x7E0];
	v9 =	vmul.f32 v9, v31;
	v30 =	vsub.f32 $9.999999930e-09, v63;
	v63 =	vadd.f32 $1.775702390e-01, v34  }
0x1c4: {  	[tilespmem:$0xA90] =	vst v47;
	v47 =	vmul.f32 $-1.730000020e+00, v7;
	v13 =	vmul.f32 v49, v13;
	v12 =	vadd.f32 $-2.449961160e-01, v12  }
0x1c5: {  	[tilespmem:$0xA70] =	vst v25;
	v28 =	vmul.f32 v24, v28;
	v9 =	vadd.f32 $3.327617650e-01, v9;
	v25 =	vmul.f32 v63, v39  }
0x1c6: {  	[tilespmem:$0x880] =	vst v57;
	v13 =	vsub.f32 $9.999999930e-09, v13;
	v48 =	vmul.f32 $8.574675760e-03, v3;
	v12 =	vmul.f32 v12, v32  }
0x1c7: {  	v62 =	vmul.f32 v50, v52;
	[tilespmem:$0xC60] =	vst v60;
	v60 =	vld [tilespmem:$0x1FF60];
	v9 =	vmul.f32 v9, v31;
	v25 =	vadd.f32 $-2.449961160e-01, v25  }
0x1c8: {  	[tilespmem:$0xC30] =	vst v59;
	v57 =	vmul.f32 v44, v56;
	v59 =	vsub.f32 $0.0e+00, v61;
	v61 =	vld [tilespmem:$0x520];
	v12 =	vadd.f32 $3.327617650e-01, v12  }
0x1c9: {  	[tilespmem:$0xD50] =	vst v20;
	v34 =	vsub.f32 $9.999999930e-09, v62;
	v62 =	vld [tilespmem:$0x1FF70];
	v9 =	vadd.f32 $-4.999744890e-01, v9;
	v25 =	vmul.f32 v25, v39  }
0x1ca: {  	[tilespmem:$0x870] =	vst v46;
	v28 =	vsub.f32 $9.999999930e-09, v28;
	v46 =	vmul.f32 $1.442695020e+00, v59;
	v12 =	vmul.f32 v12, v32  }
0x1cb: {  	[tilespmem:$0x8B0] =	vst v55;
	v41 =	vsub.f32 $9.999999930e-09, v57;
	v63 =	vld [tilespmem:$0x530];
	v58 =	vmul.f32 v9, v31;
	v25 =	vadd.f32 $3.327617650e-01, v25  }
0x1cc: {  	v52 =	vld [tilespmem:$0x1FF50];
	[tilespmem:$0xAE0] =	vst v30;
	(erf) = vpow2.f32 v46;
	v46 =	vsub.f32 $4.421419280e-02, v53;
	v59 =	vadd.f32 $-4.999744890e-01, v12  }
0x1cd: {  	[tilespmem:$0xC80] =	vst v60;
	v56 =	vmul.f32 v35, v61;
	v7 =	vadd.f32 $9.999998210e-01, v58;
	v60 =	vmul.f32 v25, v39  }
0x1ce: {  	v57 =	vld [tilespmem:$0x1FF80];
	v30 =	vsub.f32 $4.421419280e-02, v48;
	[tilespmem:$0xC90] =	vst v62;
	v61 =	vmul.f32 v46, v42;
	v62 =	vmul.f32 v59, v32  }
0x1cf: {  	[tilespmem:$0xAA0] =	vst v11;
	v53 =	vmul.f32 v7, v31;
	v7 =	vld [tilespmem:$0x3F0];
	v12 =	vadd.f32 $-4.999744890e-01, v60;
	v59 =	vsub.f32 $4.421419280e-02, v54  }
0x1d0: {  	[tilespmem:$0xAB0] =	vst v8;
	v37 =	vmul.f32 v47, v63;
	v63 =	vld [tilespmem:$0x1FF90];
	v46 =	vmax.f32 v15, $0.0e+00;
	v8 =	vadd.f32 $9.999998210e-01, v62  }
0x1d1: {  	[tilespmem:$0xC70] =	vst v52;
	v52 =	vadd.f32 $-1.078536810e-01, v61;
	v55 =	vmul.f32 v12, v39;
	v61 =	vmul.f32 v59, v0  }
0x1d2: {  	[tilespmem:$0xAC0] =	vst v13;
	v13 =	vmul.f32 $-1.730000020e+00, v6;
	v11 =	vsub.f32 $9.999999930e-09, v56;
	v9 =	vadd.f32 v10, v46  }
0x1d3: {  	v4 =	vmax.f32 v4, $0.0e+00;
	v6 =	vpop (erf);
	[tilespmem:$0xAD0] =	vst v28;
	v10 =	vadd.f32 $9.999998210e-01, v55;
	v25 =	vadd.f32 $-1.078536810e-01, v61  }
0x1d4: {  	[tilespmem:$0xCA0] =	vst v57;
	v57 =	vld [tilespmem:$0x1FFA0];
	v60 =	vmax.f32 v29, $0.0e+00;
	v46 =	vand.u32 $0x7FFFFFFF, v7;
	v58 =	vmul.f32 v8, v32;
	v8 =	vpop (erf)  }
0x1d5: {  	[tilespmem:$0xCB0] =	vst v63;
	v63 =	vld [tilespmem:$0x540];
	v29 =	vsub.f32 $0.0e+00, v46;
	v10 =	vmul.f32 v10, v39;
	v25 =	vmul.f32 v25, v0;
	v39 =	vpop (erf)  }
0x1d6: {  	[tilespmem:$0xAF0] =	vst v34;
	v34 =	vmul.f32 $-1.730000020e+00, v9;
	v56 =	vmul.f32 v52, v42;
	v54 =	vld [tilespmem:$0x560];
	v28 =	vadd.f32 $1.000000000e+00, v39  }
0x1d7: {  	[tilespmem:$0xD60] =	vst v22;
	v30 =	vmul.f32 v30, v3;
	v62 =	vld [tilespmem:$0x1FFB0];
	v29 =	vmul.f32 $1.442695020e+00, v29;
	v25 =	vadd.f32 $1.775702390e-01, v25  }
0x1d8: {  	[tilespmem:$0xD70] =	vst v23;
	v16 =	vadd.f32 v53, v16;
	v12 =	vadd.f32 $1.775702390e-01, v56;
	(erf) = vrcp.f32 v28  }
0x1d9: {  	[tilespmem:$0xCC0] =	vst v57;
	v52 =	vsub.f32 $9.999999930e-09, v37;
	v53 =	vld [tilespmem:$0x550];
	v57 =	vmul.f32 v25, v0;
	(erf) = vpow2.f32 v29  }
0x1da: {  	[tilespmem:$0xD80] =	vst v26;
	v37 =	vmax.f32 v38, $0.0e+00;
	v16 =	vmul.f32 $-1.730000020e+00, v16;
	v12 =	vmul.f32 v12, v42  }
0x1db: {  	[tilespmem:$0x8D0] =	vst v24;
	v59 =	vadd.f32 $-1.078536810e-01, v30;
	v24 =	vmul.f32 v13, v63;
	v9 =	vadd.f32 $-2.449961160e-01, v57  }
0x1dc: {  	v12 =	vadd.f32 $-2.449961160e-01, v12;
	v61 =	vmul.f32 v34, v54;
	[tilespmem:$0xCD0] =	vst v62;
	v62 =	vmul.f32 $8.574675760e-03, v5  }
0x1dd: {  	[tilespmem:$0xD90] =	vst v33;
	v15 =	vadd.f32 v58, v60;
	v24 =	vsub.f32 $9.999999930e-09, v24;
	v9 =	vmul.f32 v9, v0  }
0x1de: {  	[tilespmem:$0x8C0] =	vst v49;
	v58 =	vmul.f32 v14, v53;
	v32 =	vsub.f32 $4.421419280e-02, v62;
	v28 =	vmul.f32 v59, v3  }
0x1df: {  	[tilespmem:$0xB10] =	vst v41;
	v56 =	vld [tilespmem:$0x570];
	v12 =	vmul.f32 v12, v42;
	v10 =	vadd.f32 v10, v27;
	v41 =	vmul.f32 $8.574675760e-03, v8  }
0x1e0: {  	v49 =	vld [tilespmem:$0x1FFC0];
	[tilespmem:$0xB30] =	vst v52;
	v52 =	vsub.f32 $9.999999930e-09, v58;
	v48 =	vmul.f32 v32, v5;
	v28 =	vadd.f32 $1.775702390e-01, v28  }
0x1e1: {  	[tilespmem:$0xDA0] =	vst v43;
	v63 =	vld [tilespmem:$0x1FFF0];
	v15 =	vmul.f32 $-1.730000020e+00, v15;
	v12 =	vadd.f32 $3.327617650e-01, v12;
	v39 =	vadd.f32 $3.327617650e-01, v9;
	v9 =	vpop (erf)  }
0x1e2: {  	[tilespmem:$0x8F0] =	vst v50;
	v55 =	vld [tilespmem:$0x1FFD0];
	v10 =	vmul.f32 $-1.730000020e+00, v10;
	v46 =	vmul.f32 v28, v3;
	v28 =	vadd.f32 $-1.078536810e-01, v48;
	v32 =	vpop (erf)  }
0x1e3: {  	[tilespmem:$0x900] =	vst v51;
	v50 =	vsub.f32 $4.421419280e-02, v41;
	v12 =	vmul.f32 v12, v42;
	v51 =	vmul.f32 $8.574675760e-03, v32  }
0x1e4: {  	[tilespmem:$0xDB0] =	vst v40;
	v58 =	vsub.f32 $9.999999930e-09, v61;
	v29 =	vmul.f32 v16, v56;
	v53 =	vmul.f32 v28, v5  }
0x1e5: {  	[tilespmem:$0xCE0] =	vst v49;
	v59 =	vld [tilespmem:$0x580];
	v27 =	vmul.f32 v50, v8;
	v49 =	vmul.f32 v39, v0;
	v56 =	vsub.f32 $4.421419280e-02, v51  }
0x1e6: {  	[tilespmem:$0xD10] =	vst v63;
	v63 =	vmax.f32 v21, $0.0e+00;
	v12 =	vadd.f32 $-4.999744890e-01, v12;
	v25 =	vadd.f32 $1.775702390e-01, v53  }
0x1e7: {  	[tilespmem:$0xCF0] =	vst v55;
	v55 =	vadd.f32 $-1.078536810e-01, v27;
	v28 =	vld [tilespmem:$0x7F0];
	v18 =	vadd.f32 $-4.999744890e-01, v49;
	v57 =	vmul.f32 v56, v32  }
0x1e8: {  	[tilespmem:$0x910] =	vst v44;
	v41 =	vmax.f32 v45, $0.0e+00;
	v12 =	vmul.f32 v12, v42;
	v25 =	vmul.f32 v25, v5  }
0x1e9: {  	[tilespmem:$0x920] =	vst v35;
	v54 =	vmul.f32 v18, v0;
	v18 =	vmul.f32 v55, v8;
	v62 =	vadd.f32 $-1.078536810e-01, v57  }
0x1ea: {  	[tilespmem:$0x950] =	vst v14;
	v31 =	vmul.f32 v15, v59;
	v44 =	vadd.f32 $9.999998210e-01, v12;
	v12 =	vadd.f32 $-2.449961160e-01, v46  }
0x1eb: {  	v60 =	vld [tilespmem:$0x1FFE0];
	[tilespmem:$0xB40] =	vst v24;
	v24 =	vadd.f32 $-2.449961160e-01, v25;
	v61 =	vadd.f32 $1.775702390e-01, v18;
	v25 =	vmul.f32 v62, v32  }
0x1ec: {  	[tilespmem:$0xDC0] =	vst v2;
	v30 =	vsub.f32 $9.999999930e-09, v29;
	v12 =	vmul.f32 v12, v3;
	v18 =	vsub.f32 $0.0e+00, v28  }
0x1ed: {  	[tilespmem:$0x960] =	vst v34;
	v34 =	vsub.f32 $9.999999930e-09, v31;
	v14 =	vmul.f32 v61, v8;
	v17 =	vadd.f32 $1.775702390e-01, v25  }
0x1ee: {  	[tilespmem:$0xB00] =	vst v36;
	v12 =	vadd.f32 $3.327617650e-01, v12;
	v21 =	vmul.f32 v24, v5;
	v18 =	vmul.f32 $1.442695020e+00, v18  }
0x1ef: {  	[tilespmem:$0xB20] =	vst v11;
	v11 =	vmul.f32 v44, v42;
	v14 =	vadd.f32 $-2.449961160e-01, v14;
	v17 =	vmul.f32 v17, v32  }
0x1f0: {  	[tilespmem:$0xD00] =	vst v60;
	v60 =	vld [tilespmem:$0x590];
	v12 =	vmul.f32 v12, v3;
	v21 =	vadd.f32 $3.327617650e-01, v21;
	(erf) = vpow2.f32 v18  }
0x1f1: {  	[tilespmem:$0x930] =	vst v47;
	v11 =	vadd.f32 v11, v63;
	v14 =	vmul.f32 v14, v8;
	v17 =	vadd.f32 $-2.449961160e-01, v17  }
0x1f2: {  	[tilespmem:$0x940] =	vst v13;
	v13 =	vadd.f32 $9.999998210e-01, v54;
	v12 =	vadd.f32 $-4.999744890e-01, v12;
	v36 =	vmul.f32 v21, v5  }
0x1f3: {  	[tilespmem:$0xDD0] =	vst v6;
	v11 =	vmul.f32 $-1.730000020e+00, v11;
	v14 =	vadd.f32 $3.327617650e-01, v14;
	v17 =	vmul.f32 v17, v32  }
0x1f4: {  	v35 =	vld [tilespmem:$0x5A0];
	[tilespmem:$0x970] =	vst v16;
	v0 =	vmul.f32 v13, v0;
	v12 =	vmul.f32 v12, v3;
	v19 =	vadd.f32 $-4.999744890e-01, v36  }
0x1f5: {  	[tilespmem:$0xB50] =	vst v52;
	v13 =	vmul.f32 v10, v60;
	v14 =	vmul.f32 v14, v8;
	v17 =	vadd.f32 $3.327617650e-01, v17  }
0x1f6: {  	v38 =	vld [tilespmem:$0x5B0];
	[tilespmem:$0xB60] =	vst v58;
	v0 =	vadd.f32 v0, v37;
	v12 =	vadd.f32 $9.999998210e-01, v12;
	v39 =	vmul.f32 v19, v5  }
0x1f7: {  	[tilespmem:$0x980] =	vst v15;
	v13 =	vsub.f32 $9.999999930e-09, v13;
	v14 =	vadd.f32 $-4.999744890e-01, v14;
	v45 =	vmul.f32 v17, v32  }
0x1f8: {  	[tilespmem:$0x990] =	vst v10;
	v0 =	vmul.f32 $-1.730000020e+00, v0;
	v3 =	vmul.f32 v12, v3;
	v16 =	vadd.f32 $9.999998210e-01, v39  }
0x1f9: {  	[tilespmem:$0xB70] =	vst v30;
	v42 =	vld [tilespmem:$0x5C0];
	v12 =	vmul.f32 v11, v35;
	v54 =	vpop (erf);
	v44 =	vmul.f32 v14, v8;
	v47 =	vadd.f32 $-4.999744890e-01, v45  }
0x1fa: {  	[tilespmem:$0x9A0] =	vst v11;
	v3 =	vadd.f32 v3, v41;
	v5 =	vmul.f32 v16, v5;
	v11 =	vadd.f32 $1.000000000e+00, v54  }
0x1fb: {  	v48 =	vld [tilespmem:$0x5D0];
	[tilespmem:$0xB80] =	vst v34;
	v15 =	vmul.f32 v0, v38;
	v46 =	vadd.f32 $9.999998210e-01, v44;
	v50 =	vmul.f32 v47, v32  }
0x1fc: {  	[tilespmem:$0xDE0] =	vst v9;
	v3 =	vmul.f32 $-1.730000020e+00, v3;
	v1 =	vadd.f32 v5, v1;
	(erf) = vrcp.f32 v11  }
0x1fd: {  	[tilespmem:$0xB90] =	vst v13;
	v12 =	vsub.f32 $9.999999930e-09, v12;
	v8 =	vmul.f32 v46, v8;
	v53 =	vadd.f32 $9.999998210e-01, v50  }
0x1fe: {  	v52 =	vld [tilespmem:$0x5E0];
	[tilespmem:$0x9B0] =	vst v0;
	v49 =	vsub.f32 $9.999999930e-09, v15;
	v51 =	vmul.f32 v3, v42;
	v1 =	vmul.f32 $-1.730000020e+00, v1  }
0x1ff: {  	[tilespmem:$0xBA0] =	vst v12;
	v4 =	vadd.f32 v8, v4;
	v55 =	vmul.f32 v53, v32  }
0x200: {  	v58 =	vld [tilespmem:$0x5F0];
	v57 =	vmax.f32 v7, $0.0e+00;
	[tilespmem:$0xBB0] =	vst v49;
	v0 =	vsub.f32 $9.999999930e-09, v51;
	v5 =	vmul.f32 v1, v48  }
0x201: {  	[tilespmem:$0x9C0] =	vst v3;
	v56 =	vmul.f32 $-1.730000020e+00, v4;
	v59 =	vadd.f32 v55, v57  }
0x202: {  	[tilespmem:$0xBC0] =	vst v0;
	v60 =	vsub.f32 $9.999999930e-09, v5  }
0x203: {  	[tilespmem:$0x9D0] =	vst v1;
	v61 =	vmul.f32 v56, v52;
	v2 =	vmul.f32 $-1.730000020e+00, v59  }
0x204: {  	[tilespmem:$0xBD0] =	vst v60  }
0x205: {  	[tilespmem:$0x9E0] =	vst v56;
	v63 =	vpop (erf);
	v1 =	vsub.f32 $9.999999930e-09, v61;
	v62 =	vmul.f32 v2, v58  }
0x206: {  	[tilespmem:$0xDF0] =	vst v63  }
0x207: {  	[tilespmem:$0xBE0] =	vst v1;
	v0 =	vsub.f32 $9.999999930e-09, v62  }
0x208: {  	[tilespmem:$0x9F0] =	vst v2  }
0x209: {  	[tilespmem:$0xBF0] =	vst v0  }
0x20a: {  	[hbm4b:s7+s1] =	stream.linear.scatter [tilespmem:s16], [sflag:$0x1], $0x200, $0x38;
	[tilespmem:$0xE00] =	vst v63  }
0x20b: {  	_ = 	snop  }
0x20c: {  	[hbm4b:s8+s1] =	stream.linear.scatter [tilespmem:s17], [sflag:$0x1], $0x200, $0x38;
	[tilespmem:$0xE00] =	vst v63  }
0x20d: {  	_ = 	snop  }
0x20e: {  	[hbm4b:s9+s1] =	stream.linear.scatter [tilespmem:s18], [sflag:$0x1], $0x200, $0x38;
	[tilespmem:$0xE00] =	vst v63  }
0x20f: {  	_ =	swait.ge [sflag:s15], $0x200  }
0x210: {  	[sflag:s15] =	ssyncset.done $0x0  }
0x211: {  	[sflag:s15] =	ssyncadd.s32 $0xFFFFFE00  }
0x212: {  	p0 =	sne.s32 s10, $0x1;
	_ =	swait.ge [sflag:s15], $0x200  }
.Ltmp0:
0x213: {  	[sflag:s15] =	ssyncset.done $0x0;
	(pc) =	sbr.rel @p0 .LBB2_1-.Ltmp0, $4  }
0x214: {  	[sflag:s15] =	ssyncadd.s32 $0xFFFFFE00  }
0x215: {  	_ =	swait.ge [sflag:s15], $0x200  }
0x216: {  	[sflag:s15] =	ssyncset.done $0x0  }
0x217: {  	s10 =	sadd.s32 $0xFFFFFFFF, s10;
	[sflag:s15] =	ssyncadd.s32 $0xFFFFFE00  }
0x218: {  	_ =	sfence.sel $0x180000  }
0x219: {  	[bflag:$0x0] =	sbarrier.arrive $0xFFFF  }
0x21a: {  	p0 =	sne.s32 s2, $0x0;
	_ =	strace $0x90000047  }
0x21b: {  	s0 =	sadd.s32 @!p0 $0x100000, s0;
	[bflag:$0x2] =	sbarrier.arrive $0xFFFF  }
0x21c: {  	[sflag:s0] =	ssyncadd.tile.s32 @!p0 $0x1;
	_ =	shalt  }
.Lfunc_end2:
_tile_overlayer_lowered:
.L_overlay_start_2:
0x21d: {  	(tag) =	ssettag $0x2  }
0x21e: {  	s0 =	rddreg [dreg:$0x0];
	s2 =	stileid.u32  }
0x21f: {  	s1 =	rddreg [dreg:$0x1];
	p0 =	sne.s32 s2, $0x0  }
0x220: {  	s3 =	rddreg [dreg:$0x2];
	[bflag:$0x3] =	sbarrier.arrive $0xFFFF;
	s2 =	simm.s32 @!p0 $0x1C02  }
0x221: {  	[timem:s3], [sflag:s2] =	dma.local @!p0 [hbm:s0], s1  }
0x222: {  	s0 =	simm.s32 @!p0 $0x2  }
0x223: {  	_ =	swait.ge @!p0 [sflag:s0], s1  }
0x224: {  	s1 =	ssub.s32 @!p0 $0x0, s1;
	[sflag:s0] =	ssyncset.done @!p0 $0x0  }
0x225: {  	[sflag:s0] =	ssyncadd.s32 @!p0 s1  }
0x226: {  	[bflag:$0x3] =	sbarrier.arrive $0xFFFF  }
0x227: {  	_ =	shalt  }

// kernel: kernel.7.cloned.1.call-start
scs
__scs_entry_jumppad:
0x0: {  	(pc) =	sbr.rel $0x88, $3  }
0x1: {  	(tag) =	ssettag $0x0;
	lr =	simm.s32 $0x1  }
0x2: {  	[smem:$0x3F9B] =	sst lr;
	_ =	strace $0xD0000000  }
0x3: {  	_ = 	snop  }
0x4: {  	_ = 	snop  }
0x5: {  	_ = 	snop  }
0x6: {  	_ = 	snop  }
0x7: {  	_ = 	snop  }
__scs_overlays_trampoline_lowered:
0x8: {  	[smem:$0x3FAA] =	sst s0  }
0x9: {  	[smem:$0x3FAB] =	sst s1  }
0xa: {  	[smem:$0x3FAC] =	sst s2  }
0xb: {  	[smem:$0x3FAD] =	sst s3  }
0xc: {  	[smem:$0x3FAE] =	sst s4  }
0xd: {  	[smem:$0x3FAF] =	sst s5  }
0xe: {  	[smem:$0x3FB0] =	sst s6  }
0xf: {  	[smem:$0x3FB1] =	sst s7  }
0x10: {  	[smem:$0x3FB2] =	sst s8  }
0x11: {  	[smem:$0x3FB3] =	sst s9;
	s0 =	simm.s32 @!p0 $0x0  }
0x12: {  	s1 =	sld [smem:$0x3F99];
	s0 =	simm.s32 @p0 $0x1  }
0x13: {  	[smem:$0x3FB4] =	sst s0;
	s0 =	simm.s32 @!p1 $0x0  }
0x14: {  	s2 =	sld [smem:$0x3F98];
	s0 =	simm.s32 @p1 $0x1  }
0x15: {  	[smem:$0x3FB5] =	sst s0;
	s0 =	simm.s32 @!p2 $0x0  }
0x16: {  	s3 =	sld [smem:$0x3FDB];
	s0 =	simm.s32 @p2 $0x1  }
0x17: {  	s4 =	simm.s32 $0x1BF5;
	[smem:$0x3FB7] =	sst s0  }
0x18: {  	s0 =	sld [smem:$0x3F9A];
	_ =	swait.ge [sflag:s4], $0x0  }
0x19: {  	s7 =	sld [smem:$0x3F9B]  }
0x1a: {  	s8 =	sadd.s32 $0xFFFFE003, lr  }
0x1b: {  	s9 =	sadd.s32 $0xFFFFFEF7, lr;
	s5 =	simm.s32 $0xFFFFFFFF;
	p2 =	slt.u32 s8, $0xFFFFF086  }
0x1c: {  	p1 =	slt.u32 s9, $0xF7A;
	s5 =	simm.s32 @!p2 $0x0  }
0x1d: {  	s5 =	simm.s32 @p1 $0x1;
	p0 =	seq.s32 s7, s2  }
0x1e: {  	s7 =	smul.u32 @!p0 $0xF7A, s2;
	p2 =	seq.s32 @!p0 s5, $0x0  }
0x1f: {  	s9 =	smul.u32 $0xF7A, s1;
	s8 =	simm.s32 @!p0 $0x1BF5;
	p2 =	por !p2, p0  }
0x20: {  	[sflag:s8] =	ssyncset.s32 @!p0 $0xFFFFF086;
	s6 =	sadd.s32 @!p0 s3, s7;
	s7 =	simm.s32 @!p0 $0x108  }
0x21: {  	s3 =	sadd.s32 s3, s9;
	s6 =	sadd.s32 @!p0 $0x88, s6;
	s7 =	simm.s32 @p2 $0x1082  }
0x22: {  	[simem:s7], [sflag:s8] =	dma.local @!p0 [hbm:s6], $0xF7A  }
0x23: {  	s9 =	sor.u32 $0xD0000000, s2;
	s6 =	simm.s32 $0x108;
	_ =	swait.ge @!p0 [sflag:s8], $0x0  }
0x24: {  	s3 =	sadd.s32 $0x88, s3;
	s6 =	simm.s32 @!p1 $0x1082;
	[sflag:s4] =	ssyncset.s32 $0xFFFFF086  }
0x25: {  	[simem:s6], [sflag:s4] =	dma.local [hbm:s3], $0xF7A  }
0x26: {  	[smem:$0x3F9B] =	sst s1;
	(tag) =	ssettag s2;
	_ =	strace s9  }
0x27: {  	s1 =	sld [smem:$0x3FAB]  }
0x28: {  	s2 =	sld [smem:$0x3FAC]  }
0x29: {  	s4 =	sld [smem:$0x3FAE]  }
0x2a: {  	p0 =	seq.s32 s5, $0x0;
	s5 =	sld [smem:$0x3FAF]  }
0x2b: {  	s6 =	sld [smem:$0x3FB0]  }
0x2c: {  	s7 =	sld [smem:$0x3FB1]  }
0x2d: {  	s3 =	simm.s32 $0x108;
	s8 =	sld [smem:$0x3FB2]  }
0x2e: {  	s3 =	simm.s32 @!p0 $0x1082;
	s9 =	sld [smem:$0x3FB3]  }
0x2f: {  	lr =	sadd.s32 s0, s3;
	s0 =	sld [smem:$0x3FAA]  }
0x30: {  	s3 =	sld [smem:$0x3FAD]  }
0x31: {  	[smem:$0x3FB6] =	sst s10  }
0x32: {  	s10 =	sld [smem:$0x3FB4];
	_ =	sdelay $0x3  }
0x33: {  	p0 =	seq.s32 s10, $0x1;
	s10 =	sld [smem:$0x3FB6];
	_ =	sdelay $0x3  }
0x34: {  	[smem:$0x3FB6] =	sst s10  }
0x35: {  	s10 =	sld [smem:$0x3FB5];
	_ =	sdelay $0x3  }
0x36: {  	p1 =	seq.s32 s10, $0x1;
	s10 =	sld [smem:$0x3FB6];
	_ =	sdelay $0x3  }
0x37: {  	[smem:$0x3FB6] =	sst s10  }
0x38: {  	s10 =	sld [smem:$0x3FB7]  }
0x39: {  	_ = 	snop;
	(pc) =	sbr.ind lr, $3  }
0x3a: {  	_ = 	snop  }
0x3b: {  	_ = 	snop  }
0x3c: {  	p2 =	seq.s32 s10, $0x1;
	s10 =	sld [smem:$0x3FB6]  }
0x3d: {  	_ =	shalt  }
0x3e: {  	_ =	shalt  }
0x3f: {  	_ =	shalt  }
0x40: {  	_ =	shalt  }
0x41: {  	_ =	shalt  }
0x42: {  	_ =	shalt  }
0x43: {  	_ =	shalt  }
0x44: {  	_ =	shalt  }
0x45: {  	_ =	shalt  }
0x46: {  	_ =	shalt  }
0x47: {  	_ =	shalt  }
0x48: {  	_ =	shalt  }
0x49: {  	_ =	shalt  }
0x4a: {  	_ =	shalt  }
0x4b: {  	_ =	shalt  }
0x4c: {  	_ =	shalt  }
0x4d: {  	_ =	shalt  }
0x4e: {  	_ =	shalt  }
0x4f: {  	_ =	shalt  }
0x50: {  	_ =	shalt  }
0x51: {  	_ =	shalt  }
0x52: {  	_ =	shalt  }
0x53: {  	_ =	shalt  }
0x54: {  	_ =	shalt  }
0x55: {  	_ =	shalt  }
0x56: {  	_ =	shalt  }
0x57: {  	_ =	shalt  }
0x58: {  	_ =	shalt  }
0x59: {  	_ =	shalt  }
0x5a: {  	_ =	shalt  }
0x5b: {  	_ =	shalt  }
0x5c: {  	_ =	shalt  }
0x5d: {  	_ =	shalt  }
0x5e: {  	_ =	shalt  }
0x5f: {  	_ =	shalt  }
0x60: {  	_ =	shalt  }
0x61: {  	_ =	shalt  }
0x62: {  	_ =	shalt  }
0x63: {  	_ =	shalt  }
0x64: {  	_ =	shalt  }
0x65: {  	_ =	shalt  }
0x66: {  	_ =	shalt  }
0x67: {  	_ =	shalt  }
0x68: {  	_ =	shalt  }
0x69: {  	_ =	shalt  }
0x6a: {  	_ =	shalt  }
0x6b: {  	_ =	shalt  }
0x6c: {  	_ =	shalt  }
0x6d: {  	_ =	shalt  }
0x6e: {  	_ =	shalt  }
0x6f: {  	_ =	shalt  }
0x70: {  	_ =	shalt  }
0x71: {  	_ =	shalt  }
0x72: {  	_ =	shalt  }
0x73: {  	_ =	shalt  }
0x74: {  	_ =	shalt  }
0x75: {  	_ =	shalt  }
0x76: {  	_ =	shalt  }
0x77: {  	_ =	shalt  }
0x78: {  	_ =	shalt  }
0x79: {  	_ =	shalt  }
0x7a: {  	_ =	shalt  }
0x7b: {  	_ =	shalt  }
0x7c: {  	_ =	shalt  }
0x7d: {  	_ =	shalt  }
0x7e: {  	_ =	shalt  }
0x7f: {  	_ =	shalt  }
0x80: {  	_ =	shalt  }
0x81: {  	_ =	shalt  }
0x82: {  	_ =	shalt  }
0x83: {  	_ =	shalt  }
0x84: {  	_ =	shalt  }
0x85: {  	_ =	shalt  }
0x86: {  	_ =	shalt  }
0x87: {  	_ =	shalt  }
.Lfunc_end0:
.L_simem_size_0:
called_computation.1_lowered:
.L_overlay_start_0:
0x88: {  	s2 =	sld [smem:$0x3FD9]  }
0x89: {  	s3 =	sld [smem:$0x3FFE];
	_ =	sdelay $0x1  }
0x8a: {  	s1 =	srdreg.scid  }
0x8b: {  	s0 =	sand.u32 $0x1, s1  }
0x8c: {  	s17 =	sshll.u32 s0, $0xA;
	s2 =	sadd.s32 s3, s2  }
0x8d: {  	s2 =	sadd.s32 s2, s17  }
0x8e: {  	[smem:$0x3FC2] =	sst s2  }
0x8f: {  	_ = 	snop  }
0x90: {  	s2 =	sld [smem:$0x3FC9]  }
0x91: {  	s18 =	sld [smem:$0x3FD0];
	(tm) =	ssettm $0x1  }
0x92: {  	s4 =	sld [smem:$0x3FFB];
	_ =	sdelay $0x3  }
0x93: {  	_ =	strace s4  }
0x94: {  	s4 =	sld [smem:$0x3FFC];
	_ =	sdelay $0x3  }
0x95: {  	_ =	strace s4  }
0x96: {  	s4 =	sld [smem:$0x3FFD];
	_ =	sdelay $0x3  }
0x97: {  	_ =	strace s4  }
0x98: {  	_ =	strace $0x8FFFFFFF  }
0x99: {  	s19 =	sld [smem:$0x3FDB];
	_ =	sdelay $0x1  }
0x9a: {  	s5 =	simm.s32 $_scs_section_size  }
0x9b: {  	s6 =	simm.s32 $_size__tile_overlayer_lowered;
	s7 =	simm.s32 $_tile_overlayer_lowered  }
0x9c: {  	s22 =	simm.s32 $0x1BFF;
	s21 =	sshll.u32 s7, $0x1;
	s4 =	sadd.s32 s5, s19  }
0x9d: {  	s8 =	simm.s32 $0x0;
	s20 =	sshll.u32 s6, $0x1;
	s6 =	sadd.s32 s21, s4  }
0x9e: {  	[timem:s8], [sflag:s22] =	dma.local [hbm:s6], s20  }
0x9f: {  	_ =	swait.ge [sflag:s22], s20  }
0xa0: {  	s5 =	ssub.s32 $0x0, s20;
	[sflag:s22] =	ssyncset.done $0x0  }
0xa1: {  	[sflag:s22] =	ssyncadd.s32 s5;
	_ =	sdelay $0x1  }
0xa2: {  	s23 =	simm.s32 $0x1B8B  }
0xa3: {  	_ =	swait.ge [sflag:s23], $0x1  }
0xa4: {  	[sflag:s23] =	ssyncset.done $0x0  }
0xa5: {  	s25 =	simm.s32 $0x1B8E;
	s24 =	sld [smem:$0x3FFE];
	[sflag:s23] =	ssyncadd.s32 $0xFFFFFFFF  }
0xa6: {  	s26 =	simm.s32 $execute0_lowered;
	[smem:$0x3FD2] =	sst s25  }
0xa7: {  	s6 =	sshll.u32 s26, $0x1;
	_ =	strace $0x80000049;
	[dreg:$0x1] =	wrdreg $0xFFFFFFFF  }
0xa8: {  	s28 =	simm.s32 $_size_execute0_lowered;
	s4 =	sadd.s32 s4, s6;
	[dreg:$0x0] =	wrdreg $0x0  }
0xa9: {  	s6 =	sshll.u32 s28, $0x1;
	[dreg:$0x2] =	wrdreg s4  }
0xaa: {  	[dreg:$0x3] =	wrdreg s6  }
0xab: {  	[dreg:$0x4] =	wrdreg $0xC0  }
0xac: {  	_ =	task [dreg:s8], $0x5FFFF  }
0xad: {  	[dreg:$0x1] =	wrdreg $0xFFFFFFFF  }
0xae: {  	[dreg:$0x0] =	wrdreg $0x60  }
0xaf: {  	[dreg:$0x2] =	wrdreg s2  }
0xb0: {  	[dreg:$0x3] =	wrdreg s24  }
0xb1: {  	[dreg:$0x4] =	wrdreg s18  }
0xb2: {  	[dreg:$0x5] =	wrdreg $0x9  }
0xb3: {  	_ =	task.clear_ibuf [dreg:s8], $0x6FFFF;
	_ =	strace $0x90000049  }
0xb4: {  	s29 =	simm.s32 $0x9;
	_ =	strace $0x8000004B  }
0xb5: {  	_ =	swait.ge [sflag:s29], $0x1  }
0xb6: {  	[sflag:s29] =	ssyncadd.s32 $0xFFFFFFFF  }
0xb7: {  	_ =	strace $0x9000004B  }
0xb8: {  	_ =	sfence  }
0xb9: {  	s30 =	sld [smem:$0x0];
	_ =	sdelay $0x2  }
0xba: {  	s31 =	sshll.u32 s1, $0xD;
	s1 =	sshrl.u32 s1, $0x2  }
0xbb: {  	s3 =	sand.u32 $0x4000, s31;
	s1 =	sadd.s32 s1, s30  }
0xbc: {  	s0 =	sor.u32 s3, s0;
	s1 =	sshll.u32 s1, $0x11  }
0xbd: {  	s0 =	sor.u32 s1, s0  }
0xbe: {  	s0 =	sadd.s32 $0x8F2B, s0  }
0xbf: {  	[sflag:s0] =	ssyncadd.remote.s32 $0x1  }
0xc0: {  	_ =	sfence.sel $0xFFFF  }
0xc1: {  	[dreg:$0x0] =	wrdreg $0xFFFFFFFF;
	(pc) =	sbr.abs _section_cstart, $3  }
0xc2: {  	[dreg:$0x1] =	wrdreg $0xFFFFFFFF  }
0xc3: {  	_ =	task.clear_ibuf [dreg:s8], $0x2FFFF;
	_ =	strace $0x9FFFFFFF  }
0xc4: {  	(tm) =	ssettm $0x7FFFFFFF  }
0xc5: {  	_ =	shalt  }
tec
execute0_lowered:
.L_overlay_start_1:
0x0: {  	(tag) =	ssettag $0x1  }
0x1: {  	s4 =	rddreg [dreg:$0x0]  }
0x2: {  	s5 =	rddreg [dreg:$0x1]  }
0x3: {  	s8 =	rddreg [dreg:$0x2]  }
0x4: {  	s0 =	rddreg [dreg:$0x3]  }
0x5: {  	s2 =	simm.s32 $0x0;
	s3 =	srdreg.scid;
	s1 =	stileid.u32  }
0x6: {  	s11 =	simm.s32 $0x600;
	s12 =	simm.s32 $0x800;
	s13 =	simm.s32 $0x1  }
0x7: {  	s14 =	simm.s32 $0x200;
	s15 =	simm.s32 $0xA00;
	s16 =	simm.s32 $0x2  }
0x8: {  	[smem:$0x7FF] =	sst s2;
	s3 =	sand.u32 $0x1, s3;
	s6 =	sshll.u32 s1, $0x7  }
0x9: {  	_ =	strace $0x8000004A;
	s7 =	sshll.u32 s3, $0x6;
	s9 =	ssub.s32 $0x2, s3  }
0xa: {  	s3 =	sadd.s32 $0xBC00, s5;
	s10 =	sor.u32 s7, s6;
	s31 =	sshrl.u32 s9, $0x1  }
0xb: {  	s7 =	sadd.s32 s10, s5;
	s9 =	ssub.s32 s9, s31;
	s4 =	sadd.s32 s4, s10  }
0xc: {  	s8 =	sadd.s32 s8, s10;
	s10 =	simm.s32 $0x400;
	s5 =	sadd.s32 $0xA400, s7  }
0xd: {  	s6 =	sadd.s32 $0xAC00, s7;
	s7 =	sadd.s32 $0xB400, s7;
	s9 =	smax.u32 s9, $0x1  }
.LBB2_1:
0xe: {  	[tilespmem:s2], [sflag:$0x1] =	stream.linear.gather [hbm4b:s4+s2], $0x200, $0x38;
	[tilespmem:$0xC00] =	vst v63  }
0xf: {  	_ = 	snop  }
0x10: {  	[tilespmem:s10], [sflag:$0x1] =	stream.linear.gather [hbm4b:s5+s2], $0x200, $0x38;
	[tilespmem:$0xC00] =	vst v63  }
0x11: {  	_ = 	snop  }
0x12: {  	[tilespmem:s11], [sflag:$0x1] =	stream.linear.gather [hbm4b:s6+s2], $0x200, $0x38;
	[tilespmem:$0xC00] =	vst v63  }
0x13: {  	_ = 	snop  }
0x14: {  	[tilespmem:s12], [sflag:$0x1] =	stream.linear.gather [hbm4b:s7+s2], $0x200, $0x38;
	[tilespmem:$0xC00] =	vst v63  }
0x15: {  	_ =	swait.ge [sflag:s13], $0x200  }
0x16: {  	[sflag:s13] =	ssyncset.done $0x0  }
0x17: {  	[sflag:s13] =	ssyncadd.s32 $0xFFFFFE00  }
0x18: {  	[tilespmem:s14], [sflag:$0x1] =	stream.indirect.gather [hbm4b:s3+s14], $0x1, s2, s14, $0xb8;
	[tilespmem:$0xC00] =	vst v63  }
0x19: {  	_ =	swait.ge [sflag:s13], $0x200  }
0x1a: {  	[sflag:s13] =	ssyncset.done $0x0  }
0x1b: {  	[sflag:s13] =	ssyncadd.s32 $0xFFFFFE00  }
0x1c: {  	_ =	swait.ge [sflag:s13], $0x200  }
0x1d: {  	[sflag:s13] =	ssyncset.done $0x0  }
0x1e: {  	[sflag:s13] =	ssyncadd.s32 $0xFFFFFE00  }
0x1f: {  	_ =	swait.ge [sflag:s13], $0x200  }
0x20: {  	[sflag:s13] =	ssyncset.done $0x0  }
0x21: {  	[sflag:s13] =	ssyncadd.s32 $0xFFFFFE00  }
0x22: {  	_ =	swait.ge [sflag:s13], $0x200  }
0x23: {  	[sflag:s13] =	ssyncset.done $0x0  }
0x24: {  	[sflag:s13] =	ssyncadd.s32 $0xFFFFFE00  }
0x25: {  	v0 =	vld [tilespmem:$0x400]  }
0x26: {  	v1 =	vld [tilespmem:$0x200];
	_ =	sdelay $0x1  }
0x27: {  	v2 =	vld [tilespmem:$0x600];
	_ =	sdelay $0x2  }
0x28: {  	v0 =	vmul.f32 v1, v0;
	_ =	sdelay $0x1  }
0x29: {  	v0 =	vadd.f32 v2, v0;
	_ =	sdelay $0x1  }
0x2a: {  	v0 =	vmul.f32 $1.442695020e+00, v0;
	_ =	sdelay $0x1  }
0x2b: {  	(erf) = vpow2.f32 v0  }
0x2c: {  	v22 =	vld [tilespmem:$0x410]  }
0x2d: {  	v23 =	vld [tilespmem:$0x210];
	_ =	sdelay $0x1  }
0x2e: {  	v24 =	vld [tilespmem:$0x610];
	_ =	sdelay $0x2  }
0x2f: {  	v0 =	vmul.f32 v23, v22;
	_ =	sdelay $0x1  }
0x30: {  	v0 =	vadd.f32 v24, v0;
	v25 =	vpop (erf)  }
0x31: {  	v1 =	vadd.f32 $1.000000000e+00, v25  }
0x32: {  	v0 =	vmul.f32 $1.442695020e+00, v0  }
0x33: {  	(erf) = vrcp.f32 v1  }
0x34: {  	(erf) = vpow2.f32 v0  }
0x35: {  	v26 =	vld [tilespmem:$0x420]  }
0x36: {  	v27 =	vld [tilespmem:$0x220];
	_ =	sdelay $0x1  }
0x37: {  	v28 =	vld [tilespmem:$0x620];
	_ =	sdelay $0x2  }
0x38: {  	v1 =	vmul.f32 v27, v26  }
0x39: {  	v0 =	vpop (erf)  }
0x3a: {  	v1 =	vadd.f32 v28, v1;
	v3 =	vpop (erf)  }
0x3b: {  	v29 =	vadd.f32 $1.000000000e+00, v3  }
0x3c: {  	v1 =	vmul.f32 $1.442695020e+00, v1  }
0x3d: {  	(erf) = vrcp.f32 v29  }
0x3e: {  	(erf) = vpow2.f32 v1  }
0x3f: {  	v30 =	vld [tilespmem:$0x430]  }
0x40: {  	v31 =	vld [tilespmem:$0x230];
	_ =	sdelay $0x1  }
0x41: {  	v32 =	vld [tilespmem:$0x630];
	_ =	sdelay $0x2  }
0x42: {  	v2 =	vmul.f32 v31, v30  }
0x43: {  	v1 =	vpop (erf)  }
0x44: {  	v2 =	vadd.f32 v32, v2;
	v4 =	vpop (erf)  }
0x45: {  	v33 =	vadd.f32 $1.000000000e+00, v4  }
0x46: {  	v2 =	vmul.f32 $1.442695020e+00, v2  }
0x47: {  	(erf) = vrcp.f32 v33  }
0x48: {  	(erf) = vpow2.f32 v2  }
0x49: {  	v34 =	vld [tilespmem:$0x440]  }
0x4a: {  	v35 =	vld [tilespmem:$0x240];
	_ =	sdelay $0x1  }
0x4b: {  	v36 =	vld [tilespmem:$0x640];
	_ =	sdelay $0x2  }
0x4c: {  	v3 =	vmul.f32 v35, v34  }
0x4d: {  	v2 =	vpop (erf)  }
0x4e: {  	v3 =	vadd.f32 v36, v3;
	v5 =	vpop (erf)  }
0x4f: {  	v37 =	vadd.f32 $1.000000000e+00, v5  }
0x50: {  	v3 =	vmul.f32 $1.442695020e+00, v3  }
0x51: {  	(erf) = vrcp.f32 v37  }
0x52: {  	(erf) = vpow2.f32 v3  }
0x53: {  	v38 =	vld [tilespmem:$0x450]  }
0x54: {  	v39 =	vld [tilespmem:$0x250];
	_ =	sdelay $0x1  }
0x55: {  	v40 =	vld [tilespmem:$0x650];
	_ =	sdelay $0x2  }
0x56: {  	v4 =	vmul.f32 v39, v38  }
0x57: {  	v3 =	vpop (erf)  }
0x58: {  	v4 =	vadd.f32 v40, v4;
	v6 =	vpop (erf)  }
0x59: {  	v41 =	vadd.f32 $1.000000000e+00, v6  }
0x5a: {  	v4 =	vmul.f32 $1.442695020e+00, v4  }
0x5b: {  	(erf) = vrcp.f32 v41  }
0x5c: {  	(erf) = vpow2.f32 v4  }
0x5d: {  	v42 =	vld [tilespmem:$0x460]  }
0x5e: {  	v43 =	vld [tilespmem:$0x260];
	_ =	sdelay $0x1  }
0x5f: {  	v44 =	vld [tilespmem:$0x660];
	_ =	sdelay $0x2  }
0x60: {  	v5 =	vmul.f32 v43, v42  }
0x61: {  	v4 =	vpop (erf)  }
0x62: {  	v5 =	vadd.f32 v44, v5;
	v7 =	vpop (erf)  }
0x63: {  	v45 =	vadd.f32 $1.000000000e+00, v7  }
0x64: {  	v5 =	vmul.f32 $1.442695020e+00, v5  }
0x65: {  	(erf) = vrcp.f32 v45  }
0x66: {  	(erf) = vpow2.f32 v5  }
0x67: {  	v46 =	vld [tilespmem:$0x470]  }
0x68: {  	v47 =	vld [tilespmem:$0x270];
	_ =	sdelay $0x1  }
0x69: {  	v48 =	vld [tilespmem:$0x670];
	_ =	sdelay $0x2  }
0x6a: {  	v6 =	vmul.f32 v47, v46  }
0x6b: {  	v5 =	vpop (erf)  }
0x6c: {  	v6 =	vadd.f32 v48, v6;
	v8 =	vpop (erf)  }
0x6d: {  	v49 =	vadd.f32 $1.000000000e+00, v8  }
0x6e: {  	v6 =	vmul.f32 $1.442695020e+00, v6  }
0x6f: {  	(erf) = vrcp.f32 v49  }
0x70: {  	(erf) = vpow2.f32 v6  }
0x71: {  	v50 =	vld [tilespmem:$0x480]  }
0x72: {  	v51 =	vld [tilespmem:$0x280];
	_ =	sdelay $0x1  }
0x73: {  	v52 =	vld [tilespmem:$0x680];
	_ =	sdelay $0x2  }
0x74: {  	v7 =	vmul.f32 v51, v50  }
0x75: {  	v6 =	vpop (erf)  }
0x76: {  	v7 =	vadd.f32 v52, v7;
	v9 =	vpop (erf)  }
0x77: {  	v53 =	vadd.f32 $1.000000000e+00, v9  }
0x78: {  	v7 =	vmul.f32 $1.442695020e+00, v7  }
0x79: {  	(erf) = vrcp.f32 v53  }
0x7a: {  	(erf) = vpow2.f32 v7  }
0x7b: {  	v54 =	vld [tilespmem:$0x490]  }
0x7c: {  	v55 =	vld [tilespmem:$0x290];
	_ =	sdelay $0x1  }
0x7d: {  	v56 =	vld [tilespmem:$0x690];
	_ =	sdelay $0x2  }
0x7e: {  	v8 =	vmul.f32 v55, v54  }
0x7f: {  	v7 =	vpop (erf)  }
0x80: {  	v8 =	vadd.f32 v56, v8;
	v10 =	vpop (erf)  }
0x81: {  	v57 =	vadd.f32 $1.000000000e+00, v10  }
0x82: {  	v8 =	vmul.f32 $1.442695020e+00, v8  }
0x83: {  	(erf) = vrcp.f32 v57  }
0x84: {  	(erf) = vpow2.f32 v8  }
0x85: {  	v58 =	vld [tilespmem:$0x4A0]  }
0x86: {  	v59 =	vld [tilespmem:$0x2A0];
	_ =	sdelay $0x1  }
0x87: {  	v11 =	vld [tilespmem:$0x6A0];
	_ =	sdelay $0x2  }
0x88: {  	v8 =	vmul.f32 v59, v58  }
0x89: {  	v10 =	vpop (erf)  }
0x8a: {  	v8 =	vadd.f32 v11, v8;
	v60 =	vpop (erf)  }
0x8b: {  	v9 =	vadd.f32 $1.000000000e+00, v60  }
0x8c: {  	v8 =	vmul.f32 $1.442695020e+00, v8  }
0x8d: {  	(erf) = vrcp.f32 v9  }
0x8e: {  	(erf) = vpow2.f32 v8  }
0x8f: {  	v61 =	vld [tilespmem:$0x4B0]  }
0x90: {  	v62 =	vld [tilespmem:$0x2B0];
	_ =	sdelay $0x1  }
0x91: {  	v63 =	vld [tilespmem:$0x6B0];
	_ =	sdelay $0x2  }
0x92: {  	v9 =	vmul.f32 v62, v61  }
0x93: {  	v8 =	vpop (erf)  }
0x94: {  	v9 =	vadd.f32 v63, v9;
	v12 =	vpop (erf)  }
0x95: {  	v16 =	vadd.f32 $1.000000000e+00, v12  }
0x96: {  	v9 =	vmul.f32 $1.442695020e+00, v9  }
0x97: {  	(erf) = vrcp.f32 v16  }
0x98: {  	(erf) = vpow2.f32 v9  }
0x99: {  	v17 =	vld [tilespmem:$0x4C0]  }
0x9a: {  	v18 =	vld [tilespmem:$0x2C0];
	_ =	sdelay $0x1  }
0x9b: {  	v19 =	vld [tilespmem:$0x6C0];
	_ =	sdelay $0x2  }
0x9c: {  	v11 =	vmul.f32 v18, v17  }
0x9d: {  	v9 =	vpop (erf)  }
0x9e: {  	v11 =	vadd.f32 v19, v11;
	v13 =	vpop (erf)  }
0x9f: {  	v20 =	vadd.f32 $1.000000000e+00, v13  }
0xa0: {  	v11 =	vmul.f32 $1.442695020e+00, v11  }
0xa1: {  	(erf) = vrcp.f32 v20  }
0xa2: {  	(erf) = vpow2.f32 v11  }
0xa3: {  	v21 =	vld [tilespmem:$0x4D0]  }
0xa4: {  	v22 =	vld [tilespmem:$0x2D0];
	_ =	sdelay $0x1  }
0xa5: {  	v23 =	vld [tilespmem:$0x6D0];
	_ =	sdelay $0x2  }
0xa6: {  	v12 =	vmul.f32 v22, v21  }
0xa7: {  	v11 =	vpop (erf)  }
0xa8: {  	v12 =	vadd.f32 v23, v12;
	v14 =	vpop (erf)  }
0xa9: {  	v24 =	vadd.f32 $1.000000000e+00, v14  }
0xaa: {  	v12 =	vmul.f32 $1.442695020e+00, v12  }
0xab: {  	(erf) = vrcp.f32 v24  }
0xac: {  	(erf) = vpow2.f32 v12  }
0xad: {  	v25 =	vld [tilespmem:$0x4E0]  }
0xae: {  	v26 =	vld [tilespmem:$0x2E0];
	_ =	sdelay $0x1  }
0xaf: {  	v27 =	vld [tilespmem:$0x6E0];
	_ =	sdelay $0x2  }
0xb0: {  	v13 =	vmul.f32 v26, v25  }
0xb1: {  	v12 =	vpop (erf)  }
0xb2: {  	v13 =	vadd.f32 v27, v13;
	v15 =	vpop (erf)  }
0xb3: {  	v28 =	vadd.f32 $1.000000000e+00, v15  }
0xb4: {  	v13 =	vmul.f32 $1.442695020e+00, v13  }
0xb5: {  	(erf) = vrcp.f32 v28  }
0xb6: {  	(erf) = vpow2.f32 v13  }
0xb7: {  	v30 =	vld [tilespmem:$0x2F0]  }
0xb8: {  	v29 =	vld [tilespmem:$0x4F0];
	_ =	sdelay $0x1  }
0xb9: {  	v31 =	vld [tilespmem:$0x6F0];
	_ =	sdelay $0x2  }
0xba: {  	v14 =	vmul.f32 v30, v29  }
0xbb: {  	v13 =	vpop (erf)  }
0xbc: {  	v14 =	vadd.f32 v31, v14;
	v16 =	vpop (erf)  }
0xbd: {  	v32 =	vadd.f32 $1.000000000e+00, v16  }
0xbe: {  	v14 =	vmul.f32 $1.442695020e+00, v14  }
0xbf: {  	(erf) = vrcp.f32 v32  }
0xc0: {  	(erf) = vpow2.f32 v14  }
0xc1: {  	v34 =	vld [tilespmem:$0x300]  }
0xc2: {  	v33 =	vld [tilespmem:$0x500];
	_ =	sdelay $0x1  }
0xc3: {  	v35 =	vld [tilespmem:$0x700];
	_ =	sdelay $0x2  }
0xc4: {  	v15 =	vmul.f32 v34, v33  }
0xc5: {  	v14 =	vpop (erf)  }
0xc6: {  	v15 =	vadd.f32 v35, v15;
	v17 =	vpop (erf)  }
0xc7: {  	v36 =	vadd.f32 $1.000000000e+00, v17  }
0xc8: {  	v15 =	vmul.f32 $1.442695020e+00, v15  }
0xc9: {  	(erf) = vrcp.f32 v36  }
0xca: {  	(erf) = vpow2.f32 v15  }
0xcb: {  	v38 =	vld [tilespmem:$0x310]  }
0xcc: {  	v37 =	vld [tilespmem:$0x510];
	_ =	sdelay $0x1  }
0xcd: {  	v39 =	vld [tilespmem:$0x710];
	_ =	sdelay $0x2  }
0xce: {  	v16 =	vmul.f32 v38, v37  }
0xcf: {  	v15 =	vpop (erf)  }
0xd0: {  	v16 =	vadd.f32 v39, v16;
	v18 =	vpop (erf)  }
0xd1: {  	v40 =	vadd.f32 $1.000000000e+00, v18  }
0xd2: {  	v16 =	vmul.f32 $1.442695020e+00, v16  }
0xd3: {  	(erf) = vrcp.f32 v40  }
0xd4: {  	(erf) = vpow2.f32 v16  }
0xd5: {  	v42 =	vld [tilespmem:$0x320]  }
0xd6: {  	v41 =	vld [tilespmem:$0x520];
	_ =	sdelay $0x1  }
0xd7: {  	v43 =	vld [tilespmem:$0x720];
	_ =	sdelay $0x2  }
0xd8: {  	v17 =	vmul.f32 v42, v41  }
0xd9: {  	v16 =	vpop (erf)  }
0xda: {  	v17 =	vadd.f32 v43, v17;
	v19 =	vpop (erf)  }
0xdb: {  	v44 =	vadd.f32 $1.000000000e+00, v19  }
0xdc: {  	v17 =	vmul.f32 $1.442695020e+00, v17  }
0xdd: {  	(erf) = vrcp.f32 v44  }
0xde: {  	(erf) = vpow2.f32 v17  }
0xdf: {  	v46 =	vld [tilespmem:$0x330]  }
0xe0: {  	v45 =	vld [tilespmem:$0x530];
	_ =	sdelay $0x1  }
0xe1: {  	v47 =	vld [tilespmem:$0x730];
	_ =	sdelay $0x2  }
0xe2: {  	v18 =	vmul.f32 v46, v45  }
0xe3: {  	v17 =	vpop (erf)  }
0xe4: {  	v18 =	vadd.f32 v47, v18;
	v20 =	vpop (erf)  }
0xe5: {  	v48 =	vadd.f32 $1.000000000e+00, v20  }
0xe6: {  	v18 =	vmul.f32 $1.442695020e+00, v18  }
0xe7: {  	(erf) = vrcp.f32 v48  }
0xe8: {  	(erf) = vpow2.f32 v18  }
0xe9: {  	v50 =	vld [tilespmem:$0x340]  }
0xea: {  	v49 =	vld [tilespmem:$0x540];
	_ =	sdelay $0x1  }
0xeb: {  	v51 =	vld [tilespmem:$0x740];
	_ =	sdelay $0x2  }
0xec: {  	v19 =	vmul.f32 v50, v49  }
0xed: {  	v18 =	vpop (erf)  }
0xee: {  	v19 =	vadd.f32 v51, v19;
	v21 =	vpop (erf)  }
0xef: {  	v52 =	vadd.f32 $1.000000000e+00, v21  }
0xf0: {  	v19 =	vmul.f32 $1.442695020e+00, v19  }
0xf1: {  	(erf) = vrcp.f32 v52  }
0xf2: {  	(erf) = vpow2.f32 v19  }
0xf3: {  	v54 =	vld [tilespmem:$0x350]  }
0xf4: {  	v53 =	vld [tilespmem:$0x550];
	_ =	sdelay $0x1  }
0xf5: {  	v55 =	vld [tilespmem:$0x750];
	_ =	sdelay $0x2  }
0xf6: {  	v20 =	vmul.f32 v54, v53  }
0xf7: {  	v19 =	vpop (erf)  }
0xf8: {  	v20 =	vadd.f32 v55, v20;
	v22 =	vpop (erf)  }
0xf9: {  	v56 =	vadd.f32 $1.000000000e+00, v22  }
0xfa: {  	v20 =	vmul.f32 $1.442695020e+00, v20  }
0xfb: {  	(erf) = vrcp.f32 v56  }
0xfc: {  	(erf) = vpow2.f32 v20  }
0xfd: {  	v57 =	vld [tilespmem:$0x560]  }
0xfe: {  	v58 =	vld [tilespmem:$0x360];
	_ =	sdelay $0x1  }
0xff: {  	v59 =	vld [tilespmem:$0x760];
	_ =	sdelay $0x2  }
0x100: {  	v21 =	vmul.f32 v58, v57  }
0x101: {  	v20 =	vpop (erf)  }
0x102: {  	v21 =	vadd.f32 v59, v21;
	v23 =	vpop (erf)  }
0x103: {  	v60 =	vadd.f32 $1.000000000e+00, v23  }
0x104: {  	v21 =	vmul.f32 $1.442695020e+00, v21  }
0x105: {  	(erf) = vrcp.f32 v60  }
0x106: {  	(erf) = vpow2.f32 v21  }
0x107: {  	v61 =	vld [tilespmem:$0x570]  }
0x108: {  	v62 =	vld [tilespmem:$0x370];
	_ =	sdelay $0x1  }
0x109: {  	v63 =	vld [tilespmem:$0x770];
	_ =	sdelay $0x2  }
0x10a: {  	v22 =	vmul.f32 v62, v61  }
0x10b: {  	v21 =	vpop (erf)  }
0x10c: {  	v22 =	vadd.f32 v63, v22;
	v24 =	vpop (erf)  }
0x10d: {  	v28 =	vadd.f32 $1.000000000e+00, v24  }
0x10e: {  	v22 =	vmul.f32 $1.442695020e+00, v22  }
0x10f: {  	(erf) = vrcp.f32 v28  }
0x110: {  	(erf) = vpow2.f32 v22  }
0x111: {  	v29 =	vld [tilespmem:$0x580]  }
0x112: {  	v30 =	vld [tilespmem:$0x380];
	_ =	sdelay $0x1  }
0x113: {  	v31 =	vld [tilespmem:$0x780];
	_ =	sdelay $0x2  }
0x114: {  	v23 =	vmul.f32 v30, v29  }
0x115: {  	v22 =	vpop (erf)  }
0x116: {  	v23 =	vadd.f32 v31, v23;
	v25 =	vpop (erf)  }
0x117: {  	v32 =	vadd.f32 $1.000000000e+00, v25  }
0x118: {  	v23 =	vmul.f32 $1.442695020e+00, v23  }
0x119: {  	(erf) = vrcp.f32 v32  }
0x11a: {  	(erf) = vpow2.f32 v23  }
0x11b: {  	v33 =	vld [tilespmem:$0x590]  }
0x11c: {  	v34 =	vld [tilespmem:$0x390];
	_ =	sdelay $0x1  }
0x11d: {  	v35 =	vld [tilespmem:$0x790];
	_ =	sdelay $0x2  }
0x11e: {  	v24 =	vmul.f32 v34, v33  }
0x11f: {  	v23 =	vpop (erf)  }
0x120: {  	v24 =	vadd.f32 v35, v24;
	v26 =	vpop (erf)  }
0x121: {  	v36 =	vadd.f32 $1.000000000e+00, v26  }
0x122: {  	v24 =	vmul.f32 $1.442695020e+00, v24  }
0x123: {  	(erf) = vrcp.f32 v36  }
0x124: {  	(erf) = vpow2.f32 v24  }
0x125: {  	v37 =	vld [tilespmem:$0x5A0]  }
0x126: {  	v38 =	vld [tilespmem:$0x3A0];
	_ =	sdelay $0x1  }
0x127: {  	v39 =	vld [tilespmem:$0x7A0];
	_ =	sdelay $0x2  }
0x128: {  	v25 =	vmul.f32 v38, v37  }
0x129: {  	v24 =	vpop (erf)  }
0x12a: {  	v25 =	vadd.f32 v39, v25;
	v27 =	vpop (erf)  }
0x12b: {  	v40 =	vadd.f32 $1.000000000e+00, v27  }
0x12c: {  	v25 =	vmul.f32 $1.442695020e+00, v25  }
0x12d: {  	(erf) = vrcp.f32 v40  }
0x12e: {  	(erf) = vpow2.f32 v25  }
0x12f: {  	v41 =	vld [tilespmem:$0x5B0]  }
0x130: {  	v42 =	vld [tilespmem:$0x3B0];
	_ =	sdelay $0x1  }
0x131: {  	v43 =	vld [tilespmem:$0x7B0];
	_ =	sdelay $0x2  }
0x132: {  	v26 =	vmul.f32 v42, v41  }
0x133: {  	v25 =	vpop (erf)  }
0x134: {  	v26 =	vadd.f32 v43, v26;
	v28 =	vpop (erf)  }
0x135: {  	v44 =	vadd.f32 $1.000000000e+00, v28  }
0x136: {  	v26 =	vmul.f32 $1.442695020e+00, v26  }
0x137: {  	(erf) = vrcp.f32 v44  }
0x138: {  	(erf) = vpow2.f32 v26  }
0x139: {  	v45 =	vld [tilespmem:$0x5C0]  }
0x13a: {  	v46 =	vld [tilespmem:$0x3C0];
	_ =	sdelay $0x1  }
0x13b: {  	v47 =	vld [tilespmem:$0x7C0];
	_ =	sdelay $0x2  }
0x13c: {  	v27 =	vmul.f32 v46, v45  }
0x13d: {  	v26 =	vpop (erf)  }
0x13e: {  	v27 =	vadd.f32 v47, v27;
	v29 =	vpop (erf)  }
0x13f: {  	v48 =	vadd.f32 $1.000000000e+00, v29  }
0x140: {  	v27 =	vmul.f32 $1.442695020e+00, v27  }
0x141: {  	(erf) = vrcp.f32 v48  }
0x142: {  	(erf) = vpow2.f32 v27  }
0x143: {  	v49 =	vld [tilespmem:$0x5D0]  }
0x144: {  	v50 =	vld [tilespmem:$0x3D0];
	_ =	sdelay $0x1  }
0x145: {  	v51 =	vld [tilespmem:$0x7D0];
	_ =	sdelay $0x2  }
0x146: {  	v28 =	vmul.f32 v50, v49  }
0x147: {  	v27 =	vpop (erf)  }
0x148: {  	v28 =	vadd.f32 v51, v28;
	v30 =	vpop (erf)  }
0x149: {  	v52 =	vadd.f32 $1.000000000e+00, v30  }
0x14a: {  	v28 =	vmul.f32 $1.442695020e+00, v28  }
0x14b: {  	v53 =	vld [tilespmem:$0x5E0];
	(erf) = vrcp.f32 v52  }
0x14c: {  	v54 =	vld [tilespmem:$0x3E0];
	(erf) = vpow2.f32 v28  }
0x14d: {  	v55 =	vld [tilespmem:$0x800]  }
0x14e: {  	v58 =	vld [tilespmem:$0x880]  }
0x14f: {  	v31 =	vld [tilespmem:$0x7E0]  }
0x150: {  	v33 =	vld [tilespmem:$0x820]  }
0x151: {  	v34 =	vld [tilespmem:$0x830]  }
0x152: {  	v37 =	vld [tilespmem:$0x850]  }
0x153: {  	v35 =	vld [tilespmem:$0x840];
	v29 =	vmul.f32 v54, v53  }
0x154: {  	v62 =	vld [tilespmem:$0x3F0];
	v28 =	vpop (erf)  }
0x155: {  	v57 =	vsub.f32 $1.000000000e+00, v33;
	v32 =	vld [tilespmem:$0x810];
	v29 =	vadd.f32 v31, v29;
	v38 =	vpop (erf)  }
0x156: {  	v59 =	vsub.f32 $1.000000000e+00, v34;
	v39 =	vld [tilespmem:$0x860];
	v38 =	vadd.f32 $1.000000000e+00, v38  }
0x157: {  	v2 =	vmul.f32 v2, v57;
	v63 =	vsub.f32 $1.000000000e+00, v37;
	v40 =	vld [tilespmem:$0x870];
	v29 =	vmul.f32 $1.442695020e+00, v29  }
0x158: {  	v60 =	vld [tilespmem:$0x5F0];
	v61 =	vsub.f32 $1.000000000e+00, v35;
	v3 =	vmul.f32 v3, v59;
	(erf) = vrcp.f32 v38  }
0x159: {  	v2 =	vadd.f32 v2, v33;
	v5 =	vmul.f32 v5, v63;
	v63 =	vld [tilespmem:$0x920];
	(erf) = vpow2.f32 v29  }
0x15a: {  	v4 =	vmul.f32 v4, v61;
	v3 =	vadd.f32 v3, v34;
	v56 =	vsub.f32 $1.000000000e+00, v32;
	v42 =	vld [tilespmem:$0x7F0]  }
0x15b: {  	v36 =	vsub.f32 $1.000000000e+00, v55;
	v45 =	vsub.f32 $1.000000000e+00, v39;
	v49 =	vld [tilespmem:$0x8B0]  }
0x15c: {  	v4 =	vadd.f32 v4, v35;
	v1 =	vmul.f32 v1, v56;
	v47 =	vsub.f32 $1.000000000e+00, v40;
	v50 =	vld [tilespmem:$0x8C0]  }
0x15d: {  	v5 =	vadd.f32 v5, v37;
	v0 =	vmul.f32 v0, v36;
	v46 =	vld [tilespmem:$0x890];
	v6 =	vmul.f32 v6, v45  }
0x15e: {  	v1 =	vadd.f32 v1, v32;
	v41 =	vsub.f32 $1.000000000e+00, v58;
	v7 =	vmul.f32 v7, v47  }
0x15f: {  	v0 =	vadd.f32 v0, v55;
	v6 =	vadd.f32 v6, v39;
	v48 =	vld [tilespmem:$0x8A0]  }
0x160: {  	v51 =	vadd.f32 v7, v40;
	v44 =	vsub.f32 $1.000000000e+00, v63;
	v30 =	vmul.f32 v62, v60  }
0x161: {  	[tilespmem:$0xA20] =	vst v2;
	v10 =	vmul.f32 v10, v41;
	v59 =	vsub.f32 $1.000000000e+00, v49;
	v61 =	vsub.f32 $1.000000000e+00, v50;
	v62 =	vld [tilespmem:$0x910];
	v31 =	vpop (erf)  }
0x162: {  	[tilespmem:$0xA30] =	vst v3;
	v54 =	vsub.f32 $1.000000000e+00, v46;
	v60 =	vld [tilespmem:$0x900];
	v30 =	vadd.f32 v42, v30;
	v56 =	vpop (erf)  }
0x163: {  	[tilespmem:$0xA40] =	vst v4;
	v4 =	vmul.f32 v12, v61;
	v52 =	vadd.f32 v10, v58;
	v58 =	vld [tilespmem:$0x8F0];
	v35 =	vadd.f32 $1.000000000e+00, v56  }
0x164: {  	[tilespmem:$0xA50] =	vst v5;
	v55 =	vld [tilespmem:$0x8E0];
	v3 =	vmul.f32 v11, v59;
	v57 =	vsub.f32 $1.000000000e+00, v48;
	v30 =	vmul.f32 $1.442695020e+00, v30  }
0x165: {  	[tilespmem:$0xA10] =	vst v1;
	v59 =	vld [tilespmem:$0x990];
	v4 =	vadd.f32 v4, v50;
	v1 =	vmul.f32 v8, v54;
	(erf) = vrcp.f32 v35  }
0x166: {  	[tilespmem:$0xA00] =	vst v0;
	v53 =	vld [tilespmem:$0x8D0];
	v2 =	vmul.f32 v9, v57;
	v40 =	vsub.f32 $1.000000000e+00, v62;
	(erf) = vpow2.f32 v30  }
0x167: {  	v41 =	vld [tilespmem:$0x940];
	[tilespmem:$0xA60] =	vst v6;
	v1 =	vadd.f32 v1, v46;
	v39 =	vsub.f32 $1.000000000e+00, v60  }
0x168: {  	v45 =	vld [tilespmem:$0x950];
	[tilespmem:$0xA70] =	vst v51;
	v2 =	vadd.f32 v2, v48;
	v37 =	vsub.f32 $1.000000000e+00, v58;
	v48 =	vmul.f32 v17, v40  }
0x169: {  	v32 =	vsub.f32 $1.000000000e+00, v55;
	v51 =	vmul.f32 v18, v44;
	[tilespmem:$0xAC0] =	vst v4;
	v47 =	vmul.f32 v16, v39  }
0x16a: {  	v36 =	vsub.f32 $1.000000000e+00, v59;
	[tilespmem:$0xA90] =	vst v1;
	v43 =	vmul.f32 v15, v37;
	v54 =	vadd.f32 v48, v62;
	v62 =	vld [tilespmem:$0x9A0]  }
0x16b: {  	v18 =	vld [tilespmem:$0x9B0];
	[tilespmem:$0xAA0] =	vst v2;
	v1 =	vadd.f32 v47, v60;
	v38 =	vmul.f32 v14, v32;
	v29 =	vsub.f32 $1.000000000e+00, v53  }
0x16c: {  	[tilespmem:$0xA80] =	vst v52;
	v50 =	vadd.f32 v43, v58;
	v58 =	vsub.f32 $1.000000000e+00, v41;
	v43 =	vmul.f32 v25, v36;
	v35 =	vld [tilespmem:$0x930]  }
0x16d: {  	v61 =	vsub.f32 $1.000000000e+00, v45;
	[tilespmem:$0xB00] =	vst v1;
	v46 =	vadd.f32 v38, v55;
	v55 =	vld [tilespmem:$0x980];
	v6 =	vmul.f32 v13, v29  }
0x16e: {  	[tilespmem:$0xB10] =	vst v54;
	v16 =	vmul.f32 v20, v58;
	v48 =	vadd.f32 v43, v59;
	v30 =	vadd.f32 v3, v49;
	v49 =	vld [tilespmem:$0x960];
	v15 =	vpop (erf)  }
0x16f: {  	[tilespmem:$0xAF0] =	vst v50;
	v40 =	vsub.f32 $1.000000000e+00, v62;
	v42 =	vadd.f32 v6, v53;
	v53 =	vld [tilespmem:$0x970];
	v60 =	vpop (erf)  }
0x170: {  	[tilespmem:$0xB90] =	vst v48;
	v29 =	vadd.f32 v16, v41;
	v8 =	vadd.f32 $1.000000000e+00, v60  }
0x171: {  	v33 =	vld [tilespmem:$0x9D0];
	v44 =	vsub.f32 $1.000000000e+00, v18;
	[tilespmem:$0xAE0] =	vst v46;
	v52 =	vsub.f32 $1.000000000e+00, v35  }
0x172: {  	v46 =	vmul.f32 v26, v40;
	[tilespmem:$0xB40] =	vst v29;
	v56 =	vadd.f32 v51, v63;
	(erf) = vrcp.f32 v8  }
0x173: {  	v37 =	vld [tilespmem:$0x9E0];
	[tilespmem:$0xAD0] =	vst v42;
	v32 =	vsub.f32 $1.000000000e+00, v55;
	v17 =	vsub.f32 $1.000000000e+00, v49;
	v57 =	vmul.f32 v19, v52  }
0x174: {  	v20 =	vsub.f32 $1.000000000e+00, v53;
	v51 =	vadd.f32 v46, v62;
	[tilespmem:$0xB20] =	vst v56;
	v19 =	vmul.f32 v21, v61;
	v21 =	vld [tilespmem:$0x9C0]  }
0x175: {  	v41 =	vld [tilespmem:$0x9F0];
	v39 =	vmul.f32 v24, v32;
	[tilespmem:$0xAB0] =	vst v30;
	v30 =	vmul.f32 v22, v17;
	v63 =	vadd.f32 v57, v35  }
0x176: {  	v50 =	vsub.f32 $1.000000000e+00, v33;
	[tilespmem:$0xBA0] =	vst v51;
	v34 =	vadd.f32 v19, v45;
	v35 =	vmul.f32 v23, v20  }
0x177: {  	v45 =	vadd.f32 v39, v55;
	v38 =	vadd.f32 v30, v49;
	[tilespmem:$0xB30] =	vst v63  }
0x178: {  	v55 =	vmul.f32 v31, v50;
	[tilespmem:$0xB50] =	vst v34;
	v42 =	vadd.f32 v35, v53;
	v53 =	vsub.f32 $1.000000000e+00, v37  }
0x179: {  	v49 =	vmul.f32 v27, v44;
	[tilespmem:$0xB80] =	vst v45;
	v47 =	vsub.f32 $1.000000000e+00, v21  }
0x17a: {  	v56 =	vsub.f32 $1.000000000e+00, v41;
	v60 =	vadd.f32 v55, v33;
	[tilespmem:$0xB60] =	vst v38;
	v58 =	vmul.f32 v15, v53  }
0x17b: {  	v54 =	vadd.f32 v49, v18;
	[tilespmem:$0xB70] =	vst v42;
	v52 =	vmul.f32 v28, v47;
	v59 =	vpop (erf)  }
0x17c: {  	[tilespmem:$0xBD0] =	vst v60;
	v62 =	vadd.f32 v58, v37;
	v61 =	vmul.f32 v59, v56  }
0x17d: {  	[tilespmem:$0xBB0] =	vst v54;
	v57 =	vadd.f32 v52, v21  }
0x17e: {  	[tilespmem:$0xBE0] =	vst v62;
	v63 =	vadd.f32 v61, v41  }
0x17f: {  	p0 =	sne.s32 s9, $0x1;
	[tilespmem:$0xBC0] =	vst v57  }
.Ltmp0:
0x180: {  	[tilespmem:$0xBF0] =	vst v63;
	(pc) =	sbr.rel @p0 .LBB2_1-.Ltmp0, $4  }
0x181: {  	[hbm4b:s8+s2] =	stream.linear.scatter [tilespmem:s15], [sflag:$0x2], $0x200, $0x38;
	[tilespmem:$0xC00] =	vst v63  }
0x182: {  	_ =	swait.ge [sflag:s16], $0x200  }
0x183: {  	[sflag:s16] =	ssyncset.done $0x0  }
0x184: {  	s9 =	sadd.s32 $0xFFFFFFFF, s9;
	[sflag:s16] =	ssyncadd.s32 $0xFFFFFE00  }
0x185: {  	_ =	sfence.sel $0x180000  }
0x186: {  	[bflag:$0x0] =	sbarrier.arrive $0xFFFF  }
0x187: {  	p0 =	sne.s32 s1, $0x0;
	_ =	strace $0x9000004A  }
0x188: {  	s0 =	sadd.s32 @!p0 $0x100000, s0;
	[bflag:$0x2] =	sbarrier.arrive $0xFFFF  }
0x189: {  	[sflag:s0] =	ssyncadd.tile.s32 @!p0 $0x1;
	_ =	shalt  }
.Lfunc_end2:
_tile_overlayer_lowered:
.L_overlay_start_2:
0x18a: {  	(tag) =	ssettag $0x2  }
0x18b: {  	s0 =	rddreg [dreg:$0x0];
	s2 =	stileid.u32  }
0x18c: {  	s1 =	rddreg [dreg:$0x1];
	p0 =	sne.s32 s2, $0x0  }
0x18d: {  	s3 =	rddreg [dreg:$0x2];
	[bflag:$0x3] =	sbarrier.arrive $0xFFFF;
	s2 =	simm.s32 @!p0 $0x1C02  }
0x18e: {  	[timem:s3], [sflag:s2] =	dma.local @!p0 [hbm:s0], s1  }
0x18f: {  	s0 =	simm.s32 @!p0 $0x2  }
0x190: {  	_ =	swait.ge @!p0 [sflag:s0], s1  }
0x191: {  	s1 =	ssub.s32 @!p0 $0x0, s1;
	[sflag:s0] =	ssyncset.done @!p0 $0x0  }
0x192: {  	[sflag:s0] =	ssyncadd.s32 @!p0 s1  }
0x193: {  	[bflag:$0x3] =	sbarrier.arrive $0xFFFF  }
0x194: {  	_ =	shalt  }

</sc_bundles>
